<compile_context>
chip_gen: v7x
topology: tpu7x:2x2x1
jax: 0.10.2.dev20260603
libtpu: 0.0.44.dev20260713+nightly
codegen_flags: <defaults>
</compile_context>

<pallas_src>
import functools

import jax
import jax.numpy as jnp
from jax import lax
from jax.experimental import pallas as pl
from jax.experimental.pallas import tpu as pltpu
from jax.experimental.pallas import tpu_sc as plsc

D = 64
PW = 128
N_TRIP = 16384
T = 2 * N_TRIP

NC, NS = 2, 16
NW = NC * NS
TRIP_PER_W = T // NW
CHUNK = 128
N_CHUNK = TRIP_PER_W // CHUNK
STREAMS = CHUNK // 128
NBUF = 2


def _sc_atom(table, pred2, heads2d, tails2d):
    mesh = plsc.VectorSubcoreMesh(core_axis_name="c", subcore_axis_name="s")
    idx_rows = TRIP_PER_W // 128

    @functools.partial(
        pl.kernel,
        out_type=jax.ShapeDtypeStruct((T, D), jnp.float32),
        mesh=mesh,
        scratch_types=[
            pltpu.VMEM((idx_rows, 128), jnp.int32),
            pltpu.VMEM((idx_rows, 128), jnp.int32),
            pltpu.VMEM((D,), jnp.float32),
            pltpu.VMEM((NBUF, CHUNK, PW), jnp.float32),
            pltpu.VMEM((NBUF, CHUNK, PW), jnp.float32),
            pltpu.VMEM((CHUNK, D), jnp.float32),
            pltpu.SemaphoreType.DMA,
            pltpu.SemaphoreType.DMA,
        ],
        compiler_params=pltpu.CompilerParams(use_tc_tiling_on_sc=False),
    )
    def k(table_hbm, pred_hbm, heads_hbm, tails_hbm, out_hbm,
          hidx_v, tidx_v, pred_v, hrows_v, trows_v, atom_v, hsem, tsem):
        wid = lax.axis_index("s") * NC + lax.axis_index("c")
        base = wid * TRIP_PER_W
        pltpu.sync_copy(heads_hbm.at[pl.ds(wid * idx_rows, idx_rows)], hidx_v)
        pltpu.sync_copy(tails_hbm.at[pl.ds(wid * idx_rows, idx_rows)], tidx_v)
        pltpu.sync_copy(pred_hbm.at[wid // NS], pred_v)
        pk = [pred_v[pl.ds(16 * q, 16)] for q in range(D // 16)]

        def fire(c, buf):
            for j in range(STREAMS):
                pltpu.async_copy(
                    table_hbm.at[hidx_v.at[c * STREAMS + j]],
                    hrows_v.at[buf].at[pl.ds(j * 128, 128)], hsem)
                pltpu.async_copy(
                    table_hbm.at[tidx_v.at[c * STREAMS + j]],
                    trows_v.at[buf].at[pl.ds(j * 128, 128)], tsem)

        def drain(c, buf):
            for j in range(STREAMS):
                pltpu.make_async_copy(
                    table_hbm.at[hidx_v.at[c * STREAMS + j]],
                    hrows_v.at[buf].at[pl.ds(j * 128, 128)], hsem).wait()
                pltpu.make_async_copy(
                    table_hbm.at[tidx_v.at[c * STREAMS + j]],
                    trows_v.at[buf].at[pl.ds(j * 128, 128)], tsem).wait()

        fire(0, 0)
        for c in range(N_CHUNK):
            buf = c % NBUF
            drain(c, buf)
            if c + 1 < N_CHUNK:
                fire(c + 1, (c + 1) % NBUF)

            def rbody(r, carry):
                for q in range(D // 16):
                    sl = pl.ds(16 * q, 16)
                    atom_v[r, sl] = (pk[q] * hrows_v[buf, r, sl]
                                     * trows_v[buf, r, sl])
                return carry

            lax.fori_loop(0, CHUNK, rbody, 0, unroll=4)
            pltpu.sync_copy(atom_v,
                            out_hbm.at[pl.ds(base + c * CHUNK, CHUNK)])

    return k(table, pred2, heads2d, tails2d)


def _tc_matmul(atom, W, b2):
    BLK = 4096
    n_blk = T // BLK

    def body(a_ref, w_ref, b_ref, o_ref):
        o_ref[...] = lax.dot_general(
            w_ref[...], a_ref[...], (((0,), (1,)), ((), ())),
            preferred_element_type=jnp.float32) + b_ref[...]

    return pl.pallas_call(
        body,
        grid=(n_blk,),
        in_specs=[
            pl.BlockSpec((BLK, D), lambda i: (i, 0)),
            pl.BlockSpec((D, D), lambda i: (0, 0)),
            pl.BlockSpec((D, 1), lambda i: (0, 0)),
        ],
        out_specs=pl.BlockSpec((D, BLK), lambda i: (0, i)),
        out_shape=jax.ShapeDtypeStruct((D, T), jnp.float32),
    )(atom, W, b2)


def kernel(constant_emb, predicate_emb, W, b, indices_p0, indices_p1):
    heads = jnp.concatenate([indices_p0[:, 0], indices_p1[:, 0]], axis=0)
    tails = jnp.concatenate([indices_p0[:, 1], indices_p1[:, 1]], axis=0)
    heads2d = heads.astype(jnp.int32).reshape(T // 128, 128)
    tails2d = tails.astype(jnp.int32).reshape(T // 128, 128)
    pred2 = predicate_emb[:2]
    tbl_pad = jnp.pad(constant_emb, ((0, 0), (0, PW - D)))
    atom = _sc_atom(tbl_pad, pred2, heads2d, tails2d)
    return _tc_matmul(atom, W, b.reshape(D, 1)).T

# --- scband reference (transcript-rebuilt; emitter-appended) ---
"""Pipeline reference for scband-kgemodel-4-ultra-49323404427887 (READ-ONLY COPY).

The authoritative reference and input builder live on the scoring server;
editing this copy changes nothing except your own understanding.
"""

import jax, jax.numpy as jnp
import numpy as np


def setup_inputs(seed: int = 0) -> dict:
    key = jax.random.key(seed)
    k1, k2, k3, k4, k5 = jax.random.split(key, 5)
    n_constants = 1000000
    n_predicates = 100
    d = 64
    n_trip = 16384
    constant_emb = jax.random.normal(k1, (n_constants, d), dtype=jnp.float32)
    predicate_emb = jax.random.normal(k2, (n_predicates, d), dtype=jnp.float32)
    W = jax.random.normal(k3, (d, d), dtype=jnp.float32) * 0.05
    b = jnp.zeros((d,), dtype=jnp.float32)
    indices_p0 = jax.random.randint(k4, (n_trip, 2), 0, n_constants)
    indices_p1 = jax.random.randint(k5, (n_trip, 2), 0, n_constants)
    return {
        'constant_emb': constant_emb,
        'predicate_emb': predicate_emb,
        'W': W,
        'b': b,
        'indices_p0': indices_p0,
        'indices_p1': indices_p1,
    }


def reference(constant_emb, predicate_emb, W, b, indices_p0, indices_p1):
    # create_triplets: per-predicate gather of predicate + constant embeddings
    pred_embs_per_triplet = []
    const_embs_for_triplets = []
    for p_idx, idx in ((0, indices_p0), (1, indices_p1)):
        # predicate embedding repeated over all triplets of this predicate
        p_emb = jnp.repeat(predicate_emb[p_idx][None, :], idx.shape[0], axis=0)
        pred_embs_per_triplet.append(p_emb)
        # gather constant embeddings for each domain position (binary predicate)
        head = jnp.take(constant_emb, idx[:, 0], axis=0)
        tail = jnp.take(constant_emb, idx[:, 1], axis=0)
        const_embs_for_triplets.append(jnp.stack([head, tail], axis=-2))
    preds = jnp.concatenate(pred_embs_per_triplet, axis=0)      # [T, d]
    consts = jnp.concatenate(const_embs_for_triplets, axis=0)   # [T, 2, d]
    # DistMult-style KGE embedder: elementwise rel * head * tail
    atom = preds * consts[:, 0, :] * consts[:, 1, :]
    # output layer (Dense)
    out = jnp.dot(atom, W) + b
    return out

if __name__ == "__main__":
    import jax
    _d = setup_inputs()
    print(jax.jit(kernel)(*tuple(_d.values())))

</pallas_src>

<mosaic_0001>
#map = affine_map<(d0, d1) -> (0, 0)>
module attributes {stable_mosaic.version = 14 : i64} {
  func.func @k(%arg0: i32, %arg1: i32, %arg2: memref<1000000x128xf32, #tpu.memory_space<hbm>>, %arg3: memref<2x64xf32, #tpu.memory_space<hbm>>, %arg4: memref<256x128xi32, #tpu.memory_space<hbm>>, %arg5: memref<256x128xi32, #tpu.memory_space<hbm>>, %arg6: memref<32768x64xf32, #tpu.memory_space<hbm>>, %arg7: memref<8x128xi32, #tpu.memory_space<vmem>>, %arg8: memref<8x128xi32, #tpu.memory_space<vmem>>, %arg9: memref<64xf32, #tpu.memory_space<vmem>>, %arg10: memref<2x128x128xf32, #tpu.memory_space<vmem>>, %arg11: memref<2x128x128xf32, #tpu.memory_space<vmem>>, %arg12: memref<128x64xf32, #tpu.memory_space<vmem>>, %arg13: memref<!tpu.dma_semaphore, #tpu.memory_space<semaphore_mem>>, %arg14: memref<!tpu.dma_semaphore, #tpu.memory_space<semaphore_mem>>) attributes {dimension_semantics = [#tpu.dimension_semantics<core_parallel>, #tpu.dimension_semantics<subcore_parallel>], iteration_bounds = array<i64: 2, 16>, scalar_prefetch = 0 : i64, scratch_operands = 8 : i64, tpu.core_type = #tpu.core_type<sc_vector_subcore>, window_params = [{transform_indices = #map}, {transform_indices = #map}, {transform_indices = #map}, {transform_indices = #map}, {transform_indices = #map}]} {
    %mul3A = arith.constant 2 : i32
    %mul3A_0 = arith.muli %arg1, %mul3A : i32
    %add3A = arith.addi %mul3A_0, %arg0 : i32
    %mul3A_1 = arith.constant 1024 : i32
    %mul3A_2 = arith.muli %add3A, %mul3A_1 : i32
    %mul3A_3 = arith.constant 8 : i32
    %mul3A_4 = arith.muli %add3A, %mul3A_3 : i32
    "tpu.region"() ({
      %run_scoped3A = tpu.sem_alloc : memref<!tpu.dma_semaphore, #tpu.memory_space<semaphore_mem>>
      %dma_start3A_575 = arith.constant 0 : i32
      %dma_start3A_576 = tpu.memref_slice %arg4[%mul3A_4, %dma_start3A_575] : memref<256x128xi32, #tpu.memory_space<hbm>> -> memref<8x128xi32, #tpu.memory_space<hbm>>
      %dma_start3A_577 = arith.constant 0 : i32
      %dma_start3A_578 = tpu.memref_slice %arg4[%mul3A_4, %dma_start3A_577] : memref<256x128xi32, #tpu.memory_space<hbm>> -> memref<8x128xi32, #tpu.memory_space<hbm>>
      tpu.enqueue_dma source(%dma_start3A_578 : memref<8x128xi32, #tpu.memory_space<hbm>>) target(%arg7 : memref<8x128xi32, #tpu.memory_space<vmem>>) target_semaphore(%run_scoped3A : memref<!tpu.dma_semaphore, #tpu.memory_space<semaphore_mem>>)
      %dma_wait3A_579 = arith.constant 0 : i32
      %dma_wait3A_580 = tpu.memref_slice %arg4[%mul3A_4, %dma_wait3A_579] : memref<256x128xi32, #tpu.memory_space<hbm>> -> memref<8x128xi32, #tpu.memory_space<hbm>>
      %dma_wait3A_581 = arith.constant 0 : i32
      %dma_wait3A_582 = tpu.memref_slice %arg4[%mul3A_4, %dma_wait3A_581] : memref<256x128xi32, #tpu.memory_space<hbm>> -> memref<8x128xi32, #tpu.memory_space<hbm>>
      tpu.wait_dma2 semaphore(%run_scoped3A : memref<!tpu.dma_semaphore, #tpu.memory_space<semaphore_mem>>) src(%dma_wait3A_582 : memref<8x128xi32, #tpu.memory_space<hbm>>) dst(%arg7 : memref<8x128xi32, #tpu.memory_space<vmem>>)
      tpu.yield
    }) : () -> ()
    %mul3A_5 = arith.constant 8 : i32
    %mul3A_6 = arith.muli %add3A, %mul3A_5 : i32
    "tpu.region"() ({
      %run_scoped3A = tpu.sem_alloc : memref<!tpu.dma_semaphore, #tpu.memory_space<semaphore_mem>>
      %dma_start3A_575 = arith.constant 0 : i32
      %dma_start3A_576 = tpu.memref_slice %arg5[%mul3A_6, %dma_start3A_575] : memref<256x128xi32, #tpu.memory_space<hbm>> -> memref<8x128xi32, #tpu.memory_space<hbm>>
      %dma_start3A_577 = arith.constant 0 : i32
      %dma_start3A_578 = tpu.memref_slice %arg5[%mul3A_6, %dma_start3A_577] : memref<256x128xi32, #tpu.memory_space<hbm>> -> memref<8x128xi32, #tpu.memory_space<hbm>>
      tpu.enqueue_dma source(%dma_start3A_578 : memref<8x128xi32, #tpu.memory_space<hbm>>) target(%arg8 : memref<8x128xi32, #tpu.memory_space<vmem>>) target_semaphore(%run_scoped3A : memref<!tpu.dma_semaphore, #tpu.memory_space<semaphore_mem>>)
      %dma_wait3A_579 = arith.constant 0 : i32
      %dma_wait3A_580 = tpu.memref_slice %arg5[%mul3A_6, %dma_wait3A_579] : memref<256x128xi32, #tpu.memory_space<hbm>> -> memref<8x128xi32, #tpu.memory_space<hbm>>
      %dma_wait3A_581 = arith.constant 0 : i32
      %dma_wait3A_582 = tpu.memref_slice %arg5[%mul3A_6, %dma_wait3A_581] : memref<256x128xi32, #tpu.memory_space<hbm>> -> memref<8x128xi32, #tpu.memory_space<hbm>>
      tpu.wait_dma2 semaphore(%run_scoped3A : memref<!tpu.dma_semaphore, #tpu.memory_space<semaphore_mem>>) src(%dma_wait3A_582 : memref<8x128xi32, #tpu.memory_space<hbm>>) dst(%arg8 : memref<8x128xi32, #tpu.memory_space<vmem>>)
      tpu.yield
    }) : () -> ()
    %jit3A = arith.constant 16 : i32
    %div3A = arith.divsi %add3A, %jit3A : i32
    %sign3A = arith.constant 0 : i32
    %sign3A_7 = arith.cmpi sgt, %add3A, %sign3A : i32
    %sign3A_8 = arith.extui %sign3A_7 : i1 to i32
    %sign3A_9 = arith.constant 0 : i32
    %sign3A_10 = arith.cmpi slt, %add3A, %sign3A_9 : i32
    %sign3A_11 = arith.extui %sign3A_10 : i1 to i32
    %sign3A_12 = arith.subi %sign3A_8, %sign3A_11 : i32
    %sign3A_13 = arith.constant 0 : i32
    %sign3A_14 = arith.cmpi sgt, %jit3A, %sign3A_13 : i32
    %sign3A_15 = arith.extui %sign3A_14 : i1 to i32
    %sign3A_16 = arith.constant 0 : i32
    %sign3A_17 = arith.cmpi slt, %jit3A, %sign3A_16 : i32
    %sign3A_18 = arith.extui %sign3A_17 : i1 to i32
    %sign3A_19 = arith.subi %sign3A_15, %sign3A_18 : i32
    %ne3A = arith.cmpi ne, %sign3A_12, %sign3A_19 : i32
    %rem3A = arith.remsi %add3A, %jit3A : i32
    %ne3A_20 = arith.constant 0 : i32
    %ne3A_21 = arith.cmpi ne, %rem3A, %ne3A_20 : i32
    %and3A = arith.andi %ne3A, %ne3A_21 : i1
    %sub3A = arith.constant 1 : i32
    %sub3A_22 = arith.subi %div3A, %sub3A : i32
    %select_n3A = arith.select %and3A, %sub3A_22, %div3A : i32
    "tpu.region"() ({
      %run_scoped3A = tpu.sem_alloc : memref<!tpu.dma_semaphore, #tpu.memory_space<semaphore_mem>>
      %dma_start3A_575 = arith.constant 0 : i32
      %dma_start3A_576 = tpu.memref_slice %arg3[%select_n3A, %dma_start3A_575] : memref<2x64xf32, #tpu.memory_space<hbm>> -> memref<1x64xf32, #tpu.memory_space<hbm>>
      %dma_start3A_577 = tpu.memref_squeeze %dma_start3A_576 : memref<1x64xf32, #tpu.memory_space<hbm>> -> memref<64xf32, #tpu.memory_space<hbm>>
      %dma_start3A_578 = arith.constant 0 : i32
      %dma_start3A_579 = tpu.memref_slice %arg3[%select_n3A, %dma_start3A_578] : memref<2x64xf32, #tpu.memory_space<hbm>> -> memref<1x64xf32, #tpu.memory_space<hbm>>
      %dma_start3A_580 = tpu.memref_squeeze %dma_start3A_579 : memref<1x64xf32, #tpu.memory_space<hbm>> -> memref<64xf32, #tpu.memory_space<hbm>>
      tpu.enqueue_dma source(%dma_start3A_580 : memref<64xf32, #tpu.memory_space<hbm>>) target(%arg9 : memref<64xf32, #tpu.memory_space<vmem>>) target_semaphore(%run_scoped3A : memref<!tpu.dma_semaphore, #tpu.memory_space<semaphore_mem>>)
      %dma_wait3A_581 = arith.constant 0 : i32
      %dma_wait3A_582 = tpu.memref_slice %arg3[%select_n3A, %dma_wait3A_581] : memref<2x64xf32, #tpu.memory_space<hbm>> -> memref<1x64xf32, #tpu.memory_space<hbm>>
      %dma_wait3A_583 = tpu.memref_squeeze %dma_wait3A_582 : memref<1x64xf32, #tpu.memory_space<hbm>> -> memref<64xf32, #tpu.memory_space<hbm>>
      %dma_wait3A_584 = arith.constant 0 : i32
      %dma_wait3A_585 = tpu.memref_slice %arg3[%select_n3A, %dma_wait3A_584] : memref<2x64xf32, #tpu.memory_space<hbm>> -> memref<1x64xf32, #tpu.memory_space<hbm>>
      %dma_wait3A_586 = tpu.memref_squeeze %dma_wait3A_585 : memref<1x64xf32, #tpu.memory_space<hbm>> -> memref<64xf32, #tpu.memory_space<hbm>>
      tpu.wait_dma2 semaphore(%run_scoped3A : memref<!tpu.dma_semaphore, #tpu.memory_space<semaphore_mem>>) src(%dma_wait3A_586 : memref<64xf32, #tpu.memory_space<hbm>>) dst(%arg9 : memref<64xf32, #tpu.memory_space<vmem>>)
      tpu.yield
    }) : () -> ()
    %get3A = arith.constant 0 : index
    %get3A_23 = tpu.vector_load %arg9[%get3A] {strides = array<i32>} : memref<64xf32, #tpu.memory_space<vmem>>, vector<16xf32>,
    %get3A_24 = vector.shape_cast %get3A_23 : vector<16xf32> to vector<16xf32>
    %get3A_25 = arith.constant 16 : index
    %get3A_26 = tpu.vector_load %arg9[%get3A_25] {strides = array<i32>} : memref<64xf32, #tpu.memory_space<vmem>>, vector<16xf32>,
    %get3A_27 = vector.shape_cast %get3A_26 : vector<16xf32> to vector<16xf32>
    %get3A_28 = arith.constant 32 : index
    %get3A_29 = tpu.vector_load %arg9[%get3A_28] {strides = array<i32>} : memref<64xf32, #tpu.memory_space<vmem>>, vector<16xf32>,
    %get3A_30 = vector.shape_cast %get3A_29 : vector<16xf32> to vector<16xf32>
    %get3A_31 = arith.constant 48 : index
    %get3A_32 = tpu.vector_load %arg9[%get3A_31] {strides = array<i32>} : memref<64xf32, #tpu.memory_space<vmem>>, vector<16xf32>,
    %get3A_33 = vector.shape_cast %get3A_32 : vector<16xf32> to vector<16xf32>
    %dma_start3A = arith.constant 0 : i32
    %dma_start3A_34 = arith.constant 0 : i32
    %dma_start3A_35 = arith.constant 0 : i32
    %dma_start3A_36 = arith.constant 0 : i32
    %dma_start3A_37 = tpu.memref_slice %arg10[%dma_start3A_34, %dma_start3A_35, %dma_start3A_36] : memref<2x128x128xf32, #tpu.memory_space<vmem>> -> memref<1x128x128xf32, #tpu.memory_space<vmem>>
    %dma_start3A_38 = tpu.memref_squeeze %dma_start3A_37 : memref<1x128x128xf32, #tpu.memory_space<vmem>> -> memref<128x128xf32, #tpu.memory_space<vmem>>
    %dma_start3A_39 = arith.constant 0 : i32
    %dma_start3A_40 = arith.constant 0 : i32
    %dma_start3A_41 = tpu.memref_slice %dma_start3A_38[%dma_start3A_39, %dma_start3A_40] : memref<128x128xf32, #tpu.memory_space<vmem>> -> memref<128x128xf32, #tpu.memory_space<vmem>>
    %dma_start3A_42 = arith.constant 0 : i32
    %dma_start3A_43 = tpu.memref_slice %arg7[%dma_start3A, %dma_start3A_42] : memref<8x128xi32, #tpu.memory_space<vmem>> -> memref<1x128xi32, #tpu.memory_space<vmem>>
    %dma_start3A_44 = tpu.memref_squeeze %dma_start3A_43 : memref<1x128xi32, #tpu.memory_space<vmem>> -> memref<128xi32, #tpu.memory_space<vmem>>
    %dma_start3A_45 = arith.constant 0 : i32
    %dma_start3A_46 = arith.constant 0 : i32
    %dma_start3A_47 = tpu.memref_slice %arg2[%dma_start3A_45, %dma_start3A_46] : memref<1000000x128xf32, #tpu.memory_space<hbm>> -> memref<1000000x128xf32, #tpu.memory_space<hbm>>
    tpu.enqueue_indirect_dma source(%dma_start3A_47 : memref<1000000x128xf32, #tpu.memory_space<hbm>>) target(%dma_start3A_41 : memref<128x128xf32, #tpu.memory_space<vmem>>) offsets(%dma_start3A_44 : memref<128xi32, #tpu.memory_space<vmem>>) semaphore(%arg13 : memref<!tpu.dma_semaphore, #tpu.memory_space<semaphore_mem>>)
    %dma_start3A_48 = arith.constant 0 : i32
    %dma_start3A_49 = arith.constant 0 : i32
    %dma_start3A_50 = arith.constant 0 : i32
    %dma_start3A_51 = arith.constant 0 : i32
    %dma_start3A_52 = tpu.memref_slice %arg11[%dma_start3A_49, %dma_start3A_50, %dma_start3A_51] : memref<2x128x128xf32, #tpu.memory_space<vmem>> -> memref<1x128x128xf32, #tpu.memory_space<vmem>>
    %dma_start3A_53 = tpu.memref_squeeze %dma_start3A_52 : memref<1x128x128xf32, #tpu.memory_space<vmem>> -> memref<128x128xf32, #tpu.memory_space<vmem>>
    %dma_start3A_54 = arith.constant 0 : i32
    %dma_start3A_55 = arith.constant 0 : i32
    %dma_start3A_56 = tpu.memref_slice %dma_start3A_53[%dma_start3A_54, %dma_start3A_55] : memref<128x128xf32, #tpu.memory_space<vmem>> -> memref<128x128xf32, #tpu.memory_space<vmem>>
    %dma_start3A_57 = arith.constant 0 : i32
    %dma_start3A_58 = tpu.memref_slice %arg8[%dma_start3A_48, %dma_start3A_57] : memref<8x128xi32, #tpu.memory_space<vmem>> -> memref<1x128xi32, #tpu.memory_space<vmem>>
    %dma_start3A_59 = tpu.memref_squeeze %dma_start3A_58 : memref<1x128xi32, #tpu.memory_space<vmem>> -> memref<128xi32, #tpu.memory_space<vmem>>
    %dma_start3A_60 = arith.constant 0 : i32
    %dma_start3A_61 = arith.constant 0 : i32
    %dma_start3A_62 = tpu.memref_slice %arg2[%dma_start3A_60, %dma_start3A_61] : memref<1000000x128xf32, #tpu.memory_space<hbm>> -> memref<1000000x128xf32, #tpu.memory_space<hbm>>
    tpu.enqueue_indirect_dma source(%dma_start3A_62 : memref<1000000x128xf32, #tpu.memory_space<hbm>>) target(%dma_start3A_56 : memref<128x128xf32, #tpu.memory_space<vmem>>) offsets(%dma_start3A_59 : memref<128xi32, #tpu.memory_space<vmem>>) semaphore(%arg14 : memref<!tpu.dma_semaphore, #tpu.memory_space<semaphore_mem>>)
    %dma_wait3A = arith.constant 0 : i32
    %dma_wait3A_63 = arith.constant 0 : i32
    %dma_wait3A_64 = arith.constant 0 : i32
    %dma_wait3A_65 = arith.constant 0 : i32
    %dma_wait3A_66 = tpu.memref_slice %arg10[%dma_wait3A_63, %dma_wait3A_64, %dma_wait3A_65] : memref<2x128x128xf32, #tpu.memory_space<vmem>> -> memref<1x128x128xf32, #tpu.memory_space<vmem>>
    %dma_wait3A_67 = tpu.memref_squeeze %dma_wait3A_66 : memref<1x128x128xf32, #tpu.memory_space<vmem>> -> memref<128x128xf32, #tpu.memory_space<vmem>>
    %dma_wait3A_68 = arith.constant 0 : i32
    %dma_wait3A_69 = arith.constant 0 : i32
    %dma_wait3A_70 = tpu.memref_slice %dma_wait3A_67[%dma_wait3A_68, %dma_wait3A_69] : memref<128x128xf32, #tpu.memory_space<vmem>> -> memref<128x128xf32, #tpu.memory_space<vmem>>
    %dma_wait3A_71 = arith.constant 0 : i32
    %dma_wait3A_72 = tpu.memref_slice %arg7[%dma_wait3A, %dma_wait3A_71] : memref<8x128xi32, #tpu.memory_space<vmem>> -> memref<1x128xi32, #tpu.memory_space<vmem>>
    %dma_wait3A_73 = tpu.memref_squeeze %dma_wait3A_72 : memref<1x128xi32, #tpu.memory_space<vmem>> -> memref<128xi32, #tpu.memory_space<vmem>>
    %dma_wait3A_74 = arith.constant 0 : i32
    %dma_wait3A_75 = arith.constant 0 : i32
    %dma_wait3A_76 = tpu.memref_slice %arg2[%dma_wait3A_74, %dma_wait3A_75] : memref<1000000x128xf32, #tpu.memory_space<hbm>> -> memref<1000000x128xf32, #tpu.memory_space<hbm>>
    tpu.wait_indirect_dma semaphore(%arg13 : memref<!tpu.dma_semaphore, #tpu.memory_space<semaphore_mem>>) src(%dma_wait3A_76 : memref<1000000x128xf32, #tpu.memory_space<hbm>>) dst(%dma_wait3A_70 : memref<128x128xf32, #tpu.memory_space<vmem>>)
    %dma_wait3A_77 = arith.constant 0 : i32
    %dma_wait3A_78 = arith.constant 0 : i32
    %dma_wait3A_79 = arith.constant 0 : i32
    %dma_wait3A_80 = arith.constant 0 : i32
    %dma_wait3A_81 = tpu.memref_slice %arg11[%dma_wait3A_78, %dma_wait3A_79, %dma_wait3A_80] : memref<2x128x128xf32, #tpu.memory_space<vmem>> -> memref<1x128x128xf32, #tpu.memory_space<vmem>>
    %dma_wait3A_82 = tpu.memref_squeeze %dma_wait3A_81 : memref<1x128x128xf32, #tpu.memory_space<vmem>> -> memref<128x128xf32, #tpu.memory_space<vmem>>
    %dma_wait3A_83 = arith.constant 0 : i32
    %dma_wait3A_84 = arith.constant 0 : i32
    %dma_wait3A_85 = tpu.memref_slice %dma_wait3A_82[%dma_wait3A_83, %dma_wait3A_84] : memref<128x128xf32, #tpu.memory_space<vmem>> -> memref<128x128xf32, #tpu.memory_space<vmem>>
    %dma_wait3A_86 = arith.constant 0 : i32
    %dma_wait3A_87 = tpu.memref_slice %arg8[%dma_wait3A_77, %dma_wait3A_86] : memref<8x128xi32, #tpu.memory_space<vmem>> -> memref<1x128xi32, #tpu.memory_space<vmem>>
    %dma_wait3A_88 = tpu.memref_squeeze %dma_wait3A_87 : memref<1x128xi32, #tpu.memory_space<vmem>> -> memref<128xi32, #tpu.memory_space<vmem>>
    %dma_wait3A_89 = arith.constant 0 : i32
    %dma_wait3A_90 = arith.constant 0 : i32
    %dma_wait3A_91 = tpu.memref_slice %arg2[%dma_wait3A_89, %dma_wait3A_90] : memref<1000000x128xf32, #tpu.memory_space<hbm>> -> memref<1000000x128xf32, #tpu.memory_space<hbm>>
    tpu.wait_indirect_dma semaphore(%arg14 : memref<!tpu.dma_semaphore, #tpu.memory_space<semaphore_mem>>) src(%dma_wait3A_91 : memref<1000000x128xf32, #tpu.memory_space<hbm>>) dst(%dma_wait3A_85 : memref<128x128xf32, #tpu.memory_space<vmem>>)
    %dma_start3A_92 = arith.constant 1 : i32
    %dma_start3A_93 = arith.constant 1 : i32
    %dma_start3A_94 = arith.constant 0 : i32
    %dma_start3A_95 = arith.constant 0 : i32
    %dma_start3A_96 = tpu.memref_slice %arg10[%dma_start3A_93, %dma_start3A_94, %dma_start3A_95] : memref<2x128x128xf32, #tpu.memory_space<vmem>> -> memref<1x128x128xf32, #tpu.memory_space<vmem>>
    %dma_start3A_97 = tpu.memref_squeeze %dma_start3A_96 : memref<1x128x128xf32, #tpu.memory_space<vmem>> -> memref<128x128xf32, #tpu.memory_space<vmem>>
    %dma_start3A_98 = arith.constant 0 : i32
    %dma_start3A_99 = arith.constant 0 : i32
    %dma_start3A_100 = tpu.memref_slice %dma_start3A_97[%dma_start3A_98, %dma_start3A_99] : memref<128x128xf32, #tpu.memory_space<vmem>> -> memref<128x128xf32, #tpu.memory_space<vmem>>
    %dma_start3A_101 = arith.constant 0 : i32
    %dma_start3A_102 = tpu.memref_slice %arg7[%dma_start3A_92, %dma_start3A_101] : memref<8x128xi32, #tpu.memory_space<vmem>> -> memref<1x128xi32, #tpu.memory_space<vmem>>
    %dma_start3A_103 = tpu.memref_squeeze %dma_start3A_102 : memref<1x128xi32, #tpu.memory_space<vmem>> -> memref<128xi32, #tpu.memory_space<vmem>>
    %dma_start3A_104 = arith.constant 0 : i32
    %dma_start3A_105 = arith.constant 0 : i32
    %dma_start3A_106 = tpu.memref_slice %arg2[%dma_start3A_104, %dma_start3A_105] : memref<1000000x128xf32, #tpu.memory_space<hbm>> -> memref<1000000x128xf32, #tpu.memory_space<hbm>>
    tpu.enqueue_indirect_dma source(%dma_start3A_106 : memref<1000000x128xf32, #tpu.memory_space<hbm>>) target(%dma_start3A_100 : memref<128x128xf32, #tpu.memory_space<vmem>>) offsets(%dma_start3A_103 : memref<128xi32, #tpu.memory_space<vmem>>) semaphore(%arg13 : memref<!tpu.dma_semaphore, #tpu.memory_space<semaphore_mem>>)
    %dma_start3A_107 = arith.constant 1 : i32
    %dma_start3A_108 = arith.constant 1 : i32
    %dma_start3A_109 = arith.constant 0 : i32
    %dma_start3A_110 = arith.constant 0 : i32
    %dma_start3A_111 = tpu.memref_slice %arg11[%dma_start3A_108, %dma_start3A_109, %dma_start3A_110] : memref<2x128x128xf32, #tpu.memory_space<vmem>> -> memref<1x128x128xf32, #tpu.memory_space<vmem>>
    %dma_start3A_112 = tpu.memref_squeeze %dma_start3A_111 : memref<1x128x128xf32, #tpu.memory_space<vmem>> -> memref<128x128xf32, #tpu.memory_space<vmem>>
    %dma_start3A_113 = arith.constant 0 : i32
    %dma_start3A_114 = arith.constant 0 : i32
    %dma_start3A_115 = tpu.memref_slice %dma_start3A_112[%dma_start3A_113, %dma_start3A_114] : memref<128x128xf32, #tpu.memory_space<vmem>> -> memref<128x128xf32, #tpu.memory_space<vmem>>
    %dma_start3A_116 = arith.constant 0 : i32
    %dma_start3A_117 = tpu.memref_slice %arg8[%dma_start3A_107, %dma_start3A_116] : memref<8x128xi32, #tpu.memory_space<vmem>> -> memref<1x128xi32, #tpu.memory_space<vmem>>
    %dma_start3A_118 = tpu.memref_squeeze %dma_start3A_117 : memref<1x128xi32, #tpu.memory_space<vmem>> -> memref<128xi32, #tpu.memory_space<vmem>>
    %dma_start3A_119 = arith.constant 0 : i32
    %dma_start3A_120 = arith.constant 0 : i32
    %dma_start3A_121 = tpu.memref_slice %arg2[%dma_start3A_119, %dma_start3A_120] : memref<1000000x128xf32, #tpu.memory_space<hbm>> -> memref<1000000x128xf32, #tpu.memory_space<hbm>>
    tpu.enqueue_indirect_dma source(%dma_start3A_121 : memref<1000000x128xf32, #tpu.memory_space<hbm>>) target(%dma_start3A_115 : memref<128x128xf32, #tpu.memory_space<vmem>>) offsets(%dma_start3A_118 : memref<128xi32, #tpu.memory_space<vmem>>) semaphore(%arg14 : memref<!tpu.dma_semaphore, #tpu.memory_space<semaphore_mem>>)
    %scan3A = arith.constant 0 : i32
    %scan3A_122 = arith.constant 0 : i32
    %scan3A_123 = arith.constant 128 : i32
    %scan3A_124 = arith.addi %scan3A_122, %scan3A_123 : i32
    %scan3A_125 = arith.constant 4 : i32
    scf.for %scan3A_575 = %scan3A_122 to %scan3A_124 step %scan3A_125  : i32 {
      %get3A_576 = arith.constant 0 : i32
      %get3A_577 = arith.index_cast %get3A_576 : i32 to index
      %get3A_578 = arith.index_cast %scan3A_575 : i32 to index
      %get3A_579 = arith.constant 0 : index
      %get3A_580 = tpu.vector_load %arg10[%get3A_577, %get3A_578, %get3A_579] {strides = array<i32>} : memref<2x128x128xf32, #tpu.memory_space<vmem>>, vector<1x1x16xf32>,
      %get3A_581 = vector.shape_cast %get3A_580 : vector<1x1x16xf32> to vector<16xf32>
      %mul3A_582 = arith.mulf %get3A_24, %get3A_581 : vector<16xf32>
      %get3A_583 = arith.constant 0 : i32
      %get3A_584 = arith.index_cast %get3A_583 : i32 to index
      %get3A_585 = arith.index_cast %scan3A_575 : i32 to index
      %get3A_586 = arith.constant 0 : index
      %get3A_587 = tpu.vector_load %arg11[%get3A_584, %get3A_585, %get3A_586] {strides = array<i32>} : memref<2x128x128xf32, #tpu.memory_space<vmem>>, vector<1x1x16xf32>,
      %get3A_588 = vector.shape_cast %get3A_587 : vector<1x1x16xf32> to vector<16xf32>
      %mul3A_589 = arith.mulf %mul3A_582, %get3A_588 : vector<16xf32>
      %swap3A = arith.index_cast %scan3A_575 : i32 to index
      %swap3A_590 = arith.constant 0 : index
      %swap3A_591 = tpu.vector_load %arg12[%swap3A, %swap3A_590] {strides = array<i32>} : memref<128x64xf32, #tpu.memory_space<vmem>>, vector<1x16xf32>,
      %swap3A_592 = vector.shape_cast %swap3A_591 : vector<1x16xf32> to vector<16xf32>
      %swap3A_593 = vector.shape_cast %mul3A_589 : vector<16xf32> to vector<1x16xf32>
      tpu.vector_store %arg12[%swap3A, %swap3A_590], %swap3A_593 {strides = array<i32>} : memref<128x64xf32, #tpu.memory_space<vmem>>, vector<1x16xf32>,
      %get3A_594 = arith.constant 0 : i32
      %get3A_595 = arith.index_cast %get3A_594 : i32 to index
      %get3A_596 = arith.index_cast %scan3A_575 : i32 to index
      %get3A_597 = arith.constant 16 : index
      %get3A_598 = tpu.vector_load %arg10[%get3A_595, %get3A_596, %get3A_597] {strides = array<i32>} : memref<2x128x128xf32, #tpu.memory_space<vmem>>, vector<1x1x16xf32>,
      %get3A_599 = vector.shape_cast %get3A_598 : vector<1x1x16xf32> to vector<16xf32>
      %mul3A_600 = arith.mulf %get3A_27, %get3A_599 : vector<16xf32>
      %get3A_601 = arith.constant 0 : i32
      %get3A_602 = arith.index_cast %get3A_601 : i32 to index
      %get3A_603 = arith.index_cast %scan3A_575 : i32 to index
      %get3A_604 = arith.constant 16 : index
      %get3A_605 = tpu.vector_load %arg11[%get3A_602, %get3A_603, %get3A_604] {strides = array<i32>} : memref<2x128x128xf32, #tpu.memory_space<vmem>>, vector<1x1x16xf32>,
      %get3A_606 = vector.shape_cast %get3A_605 : vector<1x1x16xf32> to vector<16xf32>
      %mul3A_607 = arith.mulf %mul3A_600, %get3A_606 : vector<16xf32>
      %swap3A_608 = arith.index_cast %scan3A_575 : i32 to index
      %swap3A_609 = arith.constant 16 : index
      %swap3A_610 = tpu.vector_load %arg12[%swap3A_608, %swap3A_609] {strides = array<i32>} : memref<128x64xf32, #tpu.memory_space<vmem>>, vector<1x16xf32>,
      %swap3A_611 = vector.shape_cast %swap3A_610 : vector<1x16xf32> to vector<16xf32>
      %swap3A_612 = vector.shape_cast %mul3A_607 : vector<16xf32> to vector<1x16xf32>
      tpu.vector_store %arg12[%swap3A_608, %swap3A_609], %swap3A_612 {strides = array<i32>} : memref<128x64xf32, #tpu.memory_space<vmem>>, vector<1x16xf32>,
      %get3A_613 = arith.constant 0 : i32
      %get3A_614 = arith.index_cast %get3A_613 : i32 to index
      %get3A_615 = arith.index_cast %scan3A_575 : i32 to index
      %get3A_616 = arith.constant 32 : index
      %get3A_617 = tpu.vector_load %arg10[%get3A_614, %get3A_615, %get3A_616] {strides = array<i32>} : memref<2x128x128xf32, #tpu.memory_space<vmem>>, vector<1x1x16xf32>,
      %get3A_618 = vector.shape_cast %get3A_617 : vector<1x1x16xf32> to vector<16xf32>
      %mul3A_619 = arith.mulf %get3A_30, %get3A_618 : vector<16xf32>
      %get3A_620 = arith.constant 0 : i32
      %get3A_621 = arith.index_cast %get3A_620 : i32 to index
      %get3A_622 = arith.index_cast %scan3A_575 : i32 to index
      %get3A_623 = arith.constant 32 : index
      %get3A_624 = tpu.vector_load %arg11[%get3A_621, %get3A_622, %get3A_623] {strides = array<i32>} : memref<2x128x128xf32, #tpu.memory_space<vmem>>, vector<1x1x16xf32>,
      %get3A_625 = vector.shape_cast %get3A_624 : vector<1x1x16xf32> to vector<16xf32>
      %mul3A_626 = arith.mulf %mul3A_619, %get3A_625 : vector<16xf32>
      %swap3A_627 = arith.index_cast %scan3A_575 : i32 to index
      %swap3A_628 = arith.constant 32 : index
      %swap3A_629 = tpu.vector_load %arg12[%swap3A_627, %swap3A_628] {strides = array<i32>} : memref<128x64xf32, #tpu.memory_space<vmem>>, vector<1x16xf32>,
      %swap3A_630 = vector.shape_cast %swap3A_629 : vector<1x16xf32> to vector<16xf32>
      %swap3A_631 = vector.shape_cast %mul3A_626 : vector<16xf32> to vector<1x16xf32>
      tpu.vector_store %arg12[%swap3A_627, %swap3A_628], %swap3A_631 {strides = array<i32>} : memref<128x64xf32, #tpu.memory_space<vmem>>, vector<1x16xf32>,
      %get3A_632 = arith.constant 0 : i32
      %get3A_633 = arith.index_cast %get3A_632 : i32 to index
      %get3A_634 = arith.index_cast %scan3A_575 : i32 to index
      %get3A_635 = arith.constant 48 : index
      %get3A_636 = tpu.vector_load %arg10[%get3A_633, %get3A_634, %get3A_635] {strides = array<i32>} : memref<2x128x128xf32, #tpu.memory_space<vmem>>, vector<1x1x16xf32>,
      %get3A_637 = vector.shape_cast %get3A_636 : vector<1x1x16xf32> to vector<16xf32>
      %mul3A_638 = arith.mulf %get3A_33, %get3A_637 : vector<16xf32>
      %get3A_639 = arith.constant 0 : i32
      %get3A_640 = arith.index_cast %get3A_639 : i32 to index
      %get3A_641 = arith.index_cast %scan3A_575 : i32 to index
      %get3A_642 = arith.constant 48 : index
      %get3A_643 = tpu.vector_load %arg11[%get3A_640, %get3A_641, %get3A_642] {strides = array<i32>} : memref<2x128x128xf32, #tpu.memory_space<vmem>>, vector<1x1x16xf32>,
      %get3A_644 = vector.shape_cast %get3A_643 : vector<1x1x16xf32> to vector<16xf32>
      %mul3A_645 = arith.mulf %mul3A_638, %get3A_644 : vector<16xf32>
      %swap3A_646 = arith.index_cast %scan3A_575 : i32 to index
      %swap3A_647 = arith.constant 48 : index
      %swap3A_648 = tpu.vector_load %arg12[%swap3A_646, %swap3A_647] {strides = array<i32>} : memref<128x64xf32, #tpu.memory_space<vmem>>, vector<1x16xf32>,
      %swap3A_649 = vector.shape_cast %swap3A_648 : vector<1x16xf32> to vector<16xf32>
      %swap3A_650 = vector.shape_cast %mul3A_645 : vector<16xf32> to vector<1x16xf32>
      tpu.vector_store %arg12[%swap3A_646, %swap3A_647], %swap3A_650 {strides = array<i32>} : memref<128x64xf32, #tpu.memory_space<vmem>>, vector<1x16xf32>,
      %scan3A_651 = arith.constant 1 : i32
      %scan3A_652 = arith.addi %scan3A_575, %scan3A_651 : i32
      %get3A_653 = arith.constant 0 : i32
      %get3A_654 = arith.index_cast %get3A_653 : i32 to index
      %get3A_655 = arith.index_cast %scan3A_652 : i32 to index
      %get3A_656 = arith.constant 0 : index
      %get3A_657 = tpu.vector_load %arg10[%get3A_654, %get3A_655, %get3A_656] {strides = array<i32>} : memref<2x128x128xf32, #tpu.memory_space<vmem>>, vector<1x1x16xf32>,
      %get3A_658 = vector.shape_cast %get3A_657 : vector<1x1x16xf32> to vector<16xf32>
      %mul3A_659 = arith.mulf %get3A_24, %get3A_658 : vector<16xf32>
      %get3A_660 = arith.constant 0 : i32
      %get3A_661 = arith.index_cast %get3A_660 : i32 to index
      %get3A_662 = arith.index_cast %scan3A_652 : i32 to index
      %get3A_663 = arith.constant 0 : index
      %get3A_664 = tpu.vector_load %arg11[%get3A_661, %get3A_662, %get3A_663] {strides = array<i32>} : memref<2x128x128xf32, #tpu.memory_space<vmem>>, vector<1x1x16xf32>,
      %get3A_665 = vector.shape_cast %get3A_664 : vector<1x1x16xf32> to vector<16xf32>
      %mul3A_666 = arith.mulf %mul3A_659, %get3A_665 : vector<16xf32>
      %swap3A_667 = arith.index_cast %scan3A_652 : i32 to index
      %swap3A_668 = arith.constant 0 : index
      %swap3A_669 = tpu.vector_load %arg12[%swap3A_667, %swap3A_668] {strides = array<i32>} : memref<128x64xf32, #tpu.memory_space<vmem>>, vector<1x16xf32>,
      %swap3A_670 = vector.shape_cast %swap3A_669 : vector<1x16xf32> to vector<16xf32>
      %swap3A_671 = vector.shape_cast %mul3A_666 : vector<16xf32> to vector<1x16xf32>
      tpu.vector_store %arg12[%swap3A_667, %swap3A_668], %swap3A_671 {strides = array<i32>} : memref<128x64xf32, #tpu.memory_space<vmem>>, vector<1x16xf32>,
      %get3A_672 = arith.constant 0 : i32
      %get3A_673 = arith.index_cast %get3A_672 : i32 to index
      %get3A_674 = arith.index_cast %scan3A_652 : i32 to index
      %get3A_675 = arith.constant 16 : index
      %get3A_676 = tpu.vector_load %arg10[%get3A_673, %get3A_674, %get3A_675] {strides = array<i32>} : memref<2x128x128xf32, #tpu.memory_space<vmem>>, vector<1x1x16xf32>,
      %get3A_677 = vector.shape_cast %get3A_676 : vector<1x1x16xf32> to vector<16xf32>
      %mul3A_678 = arith.mulf %get3A_27, %get3A_677 : vector<16xf32>
      %get3A_679 = arith.constant 0 : i32
      %get3A_680 = arith.index_cast %get3A_679 : i32 to index
      %get3A_681 = arith.index_cast %scan3A_652 : i32 to index
      %get3A_682 = arith.constant 16 : index
      %get3A_683 = tpu.vector_load %arg11[%get3A_680, %get3A_681, %get3A_682] {strides = array<i32>} : memref<2x128x128xf32, #tpu.memory_space<vmem>>, vector<1x1x16xf32>,
      %get3A_684 = vector.shape_cast %get3A_683 : vector<1x1x16xf32> to vector<16xf32>
      %mul3A_685 = arith.mulf %mul3A_678, %get3A_684 : vector<16xf32>
      %swap3A_686 = arith.index_cast %scan3A_652 : i32 to index
      %swap3A_687 = arith.constant 16 : index
      %swap3A_688 = tpu.vector_load %arg12[%swap3A_686, %swap3A_687] {strides = array<i32>} : memref<128x64xf32, #tpu.memory_space<vmem>>, vector<1x16xf32>,
      %swap3A_689 = vector.shape_cast %swap3A_688 : vector<1x16xf32> to vector<16xf32>
      %swap3A_690 = vector.shape_cast %mul3A_685 : vector<16xf32> to vector<1x16xf32>
      tpu.vector_store %arg12[%swap3A_686, %swap3A_687], %swap3A_690 {strides = array<i32>} : memref<128x64xf32, #tpu.memory_space<vmem>>, vector<1x16xf32>,
      %get3A_691 = arith.constant 0 : i32
      %get3A_692 = arith.index_cast %get3A_691 : i32 to index
      %get3A_693 = arith.index_cast %scan3A_652 : i32 to index
      %get3A_694 = arith.constant 32 : index
      %get3A_695 = tpu.vector_load %arg10[%get3A_692, %get3A_693, %get3A_694] {strides = array<i32>} : memref<2x128x128xf32, #tpu.memory_space<vmem>>, vector<1x1x16xf32>,
      %get3A_696 = vector.shape_cast %get3A_695 : vector<1x1x16xf32> to vector<16xf32>
      %mul3A_697 = arith.mulf %get3A_30, %get3A_696 : vector<16xf32>
      %get3A_698 = arith.constant 0 : i32
      %get3A_699 = arith.index_cast %get3A_698 : i32 to index
      %get3A_700 = arith.index_cast %scan3A_652 : i32 to index
      %get3A_701 = arith.constant 32 : index
      %get3A_702 = tpu.vector_load %arg11[%get3A_699, %get3A_700, %get3A_701] {strides = array<i32>} : memref<2x128x128xf32, #tpu.memory_space<vmem>>, vector<1x1x16xf32>,
      %get3A_703 = vector.shape_cast %get3A_702 : vector<1x1x16xf32> to vector<16xf32>
      %mul3A_704 = arith.mulf %mul3A_697, %get3A_703 : vector<16xf32>
      %swap3A_705 = arith.index_cast %scan3A_652 : i32 to index
      %swap3A_706 = arith.constant 32 : index
      %swap3A_707 = tpu.vector_load %arg12[%swap3A_705, %swap3A_706] {strides = array<i32>} : memref<128x64xf32, #tpu.memory_space<vmem>>, vector<1x16xf32>,
      %swap3A_708 = vector.shape_cast %swap3A_707 : vector<1x16xf32> to vector<16xf32>
      %swap3A_709 = vector.shape_cast %mul3A_704 : vector<16xf32> to vector<1x16xf32>
      tpu.vector_store %arg12[%swap3A_705, %swap3A_706], %swap3A_709 {strides = array<i32>} : memref<128x64xf32, #tpu.memory_space<vmem>>, vector<1x16xf32>,
      %get3A_710 = arith.constant 0 : i32
      %get3A_711 = arith.index_cast %get3A_710 : i32 to index
      %get3A_712 = arith.index_cast %scan3A_652 : i32 to index
      %get3A_713 = arith.constant 48 : index
      %get3A_714 = tpu.vector_load %arg10[%get3A_711, %get3A_712, %get3A_713] {strides = array<i32>} : memref<2x128x128xf32, #tpu.memory_space<vmem>>, vector<1x1x16xf32>,
      %get3A_715 = vector.shape_cast %get3A_714 : vector<1x1x16xf32> to vector<16xf32>
      %mul3A_716 = arith.mulf %get3A_33, %get3A_715 : vector<16xf32>
      %get3A_717 = arith.constant 0 : i32
      %get3A_718 = arith.index_cast %get3A_717 : i32 to index
      %get3A_719 = arith.index_cast %scan3A_652 : i32 to index
      %get3A_720 = arith.constant 48 : index
      %get3A_721 = tpu.vector_load %arg11[%get3A_718, %get3A_719, %get3A_720] {strides = array<i32>} : memref<2x128x128xf32, #tpu.memory_space<vmem>>, vector<1x1x16xf32>,
      %get3A_722 = vector.shape_cast %get3A_721 : vector<1x1x16xf32> to vector<16xf32>
      %mul3A_723 = arith.mulf %mul3A_716, %get3A_722 : vector<16xf32>
      %swap3A_724 = arith.index_cast %scan3A_652 : i32 to index
      %swap3A_725 = arith.constant 48 : index
      %swap3A_726 = tpu.vector_load %arg12[%swap3A_724, %swap3A_725] {strides = array<i32>} : memref<128x64xf32, #tpu.memory_space<vmem>>, vector<1x16xf32>,
      %swap3A_727 = vector.shape_cast %swap3A_726 : vector<1x16xf32> to vector<16xf32>
      %swap3A_728 = vector.shape_cast %mul3A_723 : vector<16xf32> to vector<1x16xf32>
      tpu.vector_store %arg12[%swap3A_724, %swap3A_725], %swap3A_728 {strides = array<i32>} : memref<128x64xf32, #tpu.memory_space<vmem>>, vector<1x16xf32>,
      %scan3A_729 = arith.constant 2 : i32
      %scan3A_730 = arith.addi %scan3A_575, %scan3A_729 : i32
      %get3A_731 = arith.constant 0 : i32
      %get3A_732 = arith.index_cast %get3A_731 : i32 to index
      %get3A_733 = arith.index_cast %scan3A_730 : i32 to index
      %get3A_734 = arith.constant 0 : index
      %get3A_735 = tpu.vector_load %arg10[%get3A_732, %get3A_733, %get3A_734] {strides = array<i32>} : memref<2x128x128xf32, #tpu.memory_space<vmem>>, vector<1x1x16xf32>,
      %get3A_736 = vector.shape_cast %get3A_735 : vector<1x1x16xf32> to vector<16xf32>
      %mul3A_737 = arith.mulf %get3A_24, %get3A_736 : vector<16xf32>
      %get3A_738 = arith.constant 0 : i32
      %get3A_739 = arith.index_cast %get3A_738 : i32 to index
      %get3A_740 = arith.index_cast %scan3A_730 : i32 to index
      %get3A_741 = arith.constant 0 : index
      %get3A_742 = tpu.vector_load %arg11[%get3A_739, %get3A_740, %get3A_741] {strides = array<i32>} : memref<2x128x128xf32, #tpu.memory_space<vmem>>, vector<1x1x16xf32>,
      %get3A_743 = vector.shape_cast %get3A_742 : vector<1x1x16xf32> to vector<16xf32>
      %mul3A_744 = arith.mulf %mul3A_737, %get3A_743 : vector<16xf32>
      %swap3A_745 = arith.index_cast %scan3A_730 : i32 to index
      %swap3A_746 = arith.constant 0 : index
      %swap3A_747 = tpu.vector_load %arg12[%swap3A_745, %swap3A_746] {strides = array<i32>} : memref<128x64xf32, #tpu.memory_space<vmem>>, vector<1x16xf32>,
      %swap3A_748 = vector.shape_cast %swap3A_747 : vector<1x16xf32> to vector<16xf32>
      %swap3A_749 = vector.shape_cast %mul3A_744 : vector<16xf32> to vector<1x16xf32>
      tpu.vector_store %arg12[%swap3A_745, %swap3A_746], %swap3A_749 {strides = array<i32>} : memref<128x64xf32, #tpu.memory_space<vmem>>, vector<1x16xf32>,
      %get3A_750 = arith.constant 0 : i32
      %get3A_751 = arith.index_cast %get3A_750 : i32 to index
      %get3A_752 = arith.index_cast %scan3A_730 : i32 to index
      %get3A_753 = arith.constant 16 : index
      %get3A_754 = tpu.vector_load %arg10[%get3A_751, %get3A_752, %get3A_753] {strides = array<i32>} : memref<2x128x128xf32, #tpu.memory_space<vmem>>, vector<1x1x16xf32>,
      %get3A_755 = vector.shape_cast %get3A_754 : vector<1x1x16xf32> to vector<16xf32>
      %mul3A_756 = arith.mulf %get3A_27, %get3A_755 : vector<16xf32>
      %get3A_757 = arith.constant 0 : i32
      %get3A_758 = arith.index_cast %get3A_757 : i32 to index
      %get3A_759 = arith.index_cast %scan3A_730 : i32 to index
      %get3A_760 = arith.constant 16 : index
      %get3A_761 = tpu.vector_load %arg11[%get3A_758, %get3A_759, %get3A_760] {strides = array<i32>} : memref<2x128x128xf32, #tpu.memory_space<vmem>>, vector<1x1x16xf32>,
      %get3A_762 = vector.shape_cast %get3A_761 : vector<1x1x16xf32> to vector<16xf32>
      %mul3A_763 = arith.mulf %mul3A_756, %get3A_762 : vector<16xf32>
      %swap3A_764 = arith.index_cast %scan3A_730 : i32 to index
      %swap3A_765 = arith.constant 16 : index
      %swap3A_766 = tpu.vector_load %arg12[%swap3A_764, %swap3A_765] {strides = array<i32>} : memref<128x64xf32, #tpu.memory_space<vmem>>, vector<1x16xf32>,
      %swap3A_767 = vector.shape_cast %swap3A_766 : vector<1x16xf32> to vector<16xf32>
      %swap3A_768 = vector.shape_cast %mul3A_763 : vector<16xf32> to vector<1x16xf32>
      tpu.vector_store %arg12[%swap3A_764, %swap3A_765], %swap3A_768 {strides = array<i32>} : memref<128x64xf32, #tpu.memory_space<vmem>>, vector<1x16xf32>,
      %get3A_769 = arith.constant 0 : i32
      %get3A_770 = arith.index_cast %get3A_769 : i32 to index
      %get3A_771 = arith.index_cast %scan3A_730 : i32 to index
      %get3A_772 = arith.constant 32 : index
      %get3A_773 = tpu.vector_load %arg10[%get3A_770, %get3A_771, %get3A_772] {strides = array<i32>} : memref<2x128x128xf32, #tpu.memory_space<vmem>>, vector<1x1x16xf32>,
      %get3A_774 = vector.shape_cast %get3A_773 : vector<1x1x16xf32> to vector<16xf32>
      %mul3A_775 = arith.mulf %get3A_30, %get3A_774 : vector<16xf32>
      %get3A_776 = arith.constant 0 : i32
      %get3A_777 = arith.index_cast %get3A_776 : i32 to index
      %get3A_778 = arith.index_cast %scan3A_730 : i32 to index
      %get3A_779 = arith.constant 32 : index
      %get3A_780 = tpu.vector_load %arg11[%get3A_777, %get3A_778, %get3A_779] {strides = array<i32>} : memref<2x128x128xf32, #tpu.memory_space<vmem>>, vector<1x1x16xf32>,
      %get3A_781 = vector.shape_cast %get3A_780 : vector<1x1x16xf32> to vector<16xf32>
      %mul3A_782 = arith.mulf %mul3A_775, %get3A_781 : vector<16xf32>
      %swap3A_783 = arith.index_cast %scan3A_730 : i32 to index
      %swap3A_784 = arith.constant 32 : index
      %swap3A_785 = tpu.vector_load %arg12[%swap3A_783, %swap3A_784] {strides = array<i32>} : memref<128x64xf32, #tpu.memory_space<vmem>>, vector<1x16xf32>,
      %swap3A_786 = vector.shape_cast %swap3A_785 : vector<1x16xf32> to vector<16xf32>
      %swap3A_787 = vector.shape_cast %mul3A_782 : vector<16xf32> to vector<1x16xf32>
      tpu.vector_store %arg12[%swap3A_783, %swap3A_784], %swap3A_787 {strides = array<i32>} : memref<128x64xf32, #tpu.memory_space<vmem>>, vector<1x16xf32>,
      %get3A_788 = arith.constant 0 : i32
      %get3A_789 = arith.index_cast %get3A_788 : i32 to index
      %get3A_790 = arith.index_cast %scan3A_730 : i32 to index
      %get3A_791 = arith.constant 48 : index
      %get3A_792 = tpu.vector_load %arg10[%get3A_789, %get3A_790, %get3A_791] {strides = array<i32>} : memref<2x128x128xf32, #tpu.memory_space<vmem>>, vector<1x1x16xf32>,
      %get3A_793 = vector.shape_cast %get3A_792 : vector<1x1x16xf32> to vector<16xf32>
      %mul3A_794 = arith.mulf %get3A_33, %get3A_793 : vector<16xf32>
      %get3A_795 = arith.constant 0 : i32
      %get3A_796 = arith.index_cast %get3A_795 : i32 to index
      %get3A_797 = arith.index_cast %scan3A_730 : i32 to index
      %get3A_798 = arith.constant 48 : index
      %get3A_799 = tpu.vector_load %arg11[%get3A_796, %get3A_797, %get3A_798] {strides = array<i32>} : memref<2x128x128xf32, #tpu.memory_space<vmem>>, vector<1x1x16xf32>,
      %get3A_800 = vector.shape_cast %get3A_799 : vector<1x1x16xf32> to vector<16xf32>
      %mul3A_801 = arith.mulf %mul3A_794, %get3A_800 : vector<16xf32>
      %swap3A_802 = arith.index_cast %scan3A_730 : i32 to index
      %swap3A_803 = arith.constant 48 : index
      %swap3A_804 = tpu.vector_load %arg12[%swap3A_802, %swap3A_803] {strides = array<i32>} : memref<128x64xf32, #tpu.memory_space<vmem>>, vector<1x16xf32>,
      %swap3A_805 = vector.shape_cast %swap3A_804 : vector<1x16xf32> to vector<16xf32>
      %swap3A_806 = vector.shape_cast %mul3A_801 : vector<16xf32> to vector<1x16xf32>
      tpu.vector_store %arg12[%swap3A_802, %swap3A_803], %swap3A_806 {strides = array<i32>} : memref<128x64xf32, #tpu.memory_space<vmem>>, vector<1x16xf32>,
      %scan3A_807 = arith.constant 3 : i32
      %scan3A_808 = arith.addi %scan3A_575, %scan3A_807 : i32
      %get3A_809 = arith.constant 0 : i32
      %get3A_810 = arith.index_cast %get3A_809 : i32 to index
      %get3A_811 = arith.index_cast %scan3A_808 : i32 to index
      %get3A_812 = arith.constant 0 : index
      %get3A_813 = tpu.vector_load %arg10[%get3A_810, %get3A_811, %get3A_812] {strides = array<i32>} : memref<2x128x128xf32, #tpu.memory_space<vmem>>, vector<1x1x16xf32>,
      %get3A_814 = vector.shape_cast %get3A_813 : vector<1x1x16xf32> to vector<16xf32>
      %mul3A_815 = arith.mulf %get3A_24, %get3A_814 : vector<16xf32>
      %get3A_816 = arith.constant 0 : i32
      %get3A_817 = arith.index_cast %get3A_816 : i32 to index
      %get3A_818 = arith.index_cast %scan3A_808 : i32 to index
      %get3A_819 = arith.constant 0 : index
      %get3A_820 = tpu.vector_load %arg11[%get3A_817, %get3A_818, %get3A_819] {strides = array<i32>} : memref<2x128x128xf32, #tpu.memory_space<vmem>>, vector<1x1x16xf32>,
      %get3A_821 = vector.shape_cast %get3A_820 : vector<1x1x16xf32> to vector<16xf32>
      %mul3A_822 = arith.mulf %mul3A_815, %get3A_821 : vector<16xf32>
      %swap3A_823 = arith.index_cast %scan3A_808 : i32 to index
      %swap3A_824 = arith.constant 0 : index
      %swap3A_825 = tpu.vector_load %arg12[%swap3A_823, %swap3A_824] {strides = array<i32>} : memref<128x64xf32, #tpu.memory_space<vmem>>, vector<1x16xf32>,
      %swap3A_826 = vector.shape_cast %swap3A_825 : vector<1x16xf32> to vector<16xf32>
      %swap3A_827 = vector.shape_cast %mul3A_822 : vector<16xf32> to vector<1x16xf32>
      tpu.vector_store %arg12[%swap3A_823, %swap3A_824], %swap3A_827 {strides = array<i32>} : memref<128x64xf32, #tpu.memory_space<vmem>>, vector<1x16xf32>,
      %get3A_828 = arith.constant 0 : i32
      %get3A_829 = arith.index_cast %get3A_828 : i32 to index
      %get3A_830 = arith.index_cast %scan3A_808 : i32 to index
      %get3A_831 = arith.constant 16 : index
      %get3A_832 = tpu.vector_load %arg10[%get3A_829, %get3A_830, %get3A_831] {strides = array<i32>} : memref<2x128x128xf32, #tpu.memory_space<vmem>>, vector<1x1x16xf32>,
      %get3A_833 = vector.shape_cast %get3A_832 : vector<1x1x16xf32> to vector<16xf32>
      %mul3A_834 = arith.mulf %get3A_27, %get3A_833 : vector<16xf32>
      %get3A_835 = arith.constant 0 : i32
      %get3A_836 = arith.index_cast %get3A_835 : i32 to index
      %get3A_837 = arith.index_cast %scan3A_808 : i32 to index
      %get3A_838 = arith.constant 16 : index
      %get3A_839 = tpu.vector_load %arg11[%get3A_836, %get3A_837, %get3A_838] {strides = array<i32>} : memref<2x128x128xf32, #tpu.memory_space<vmem>>, vector<1x1x16xf32>,
      %get3A_840 = vector.shape_cast %get3A_839 : vector<1x1x16xf32> to vector<16xf32>
      %mul3A_841 = arith.mulf %mul3A_834, %get3A_840 : vector<16xf32>
      %swap3A_842 = arith.index_cast %scan3A_808 : i32 to index
      %swap3A_843 = arith.constant 16 : index
      %swap3A_844 = tpu.vector_load %arg12[%swap3A_842, %swap3A_843] {strides = array<i32>} : memref<128x64xf32, #tpu.memory_space<vmem>>, vector<1x16xf32>,
      %swap3A_845 = vector.shape_cast %swap3A_844 : vector<1x16xf32> to vector<16xf32>
      %swap3A_846 = vector.shape_cast %mul3A_841 : vector<16xf32> to vector<1x16xf32>
      tpu.vector_store %arg12[%swap3A_842, %swap3A_843], %swap3A_846 {strides = array<i32>} : memref<128x64xf32, #tpu.memory_space<vmem>>, vector<1x16xf32>,
      %get3A_847 = arith.constant 0 : i32
      %get3A_848 = arith.index_cast %get3A_847 : i32 to index
      %get3A_849 = arith.index_cast %scan3A_808 : i32 to index
      %get3A_850 = arith.constant 32 : index
      %get3A_851 = tpu.vector_load %arg10[%get3A_848, %get3A_849, %get3A_850] {strides = array<i32>} : memref<2x128x128xf32, #tpu.memory_space<vmem>>, vector<1x1x16xf32>,
      %get3A_852 = vector.shape_cast %get3A_851 : vector<1x1x16xf32> to vector<16xf32>
      %mul3A_853 = arith.mulf %get3A_30, %get3A_852 : vector<16xf32>
      %get3A_854 = arith.constant 0 : i32
      %get3A_855 = arith.index_cast %get3A_854 : i32 to index
      %get3A_856 = arith.index_cast %scan3A_808 : i32 to index
      %get3A_857 = arith.constant 32 : index
      %get3A_858 = tpu.vector_load %arg11[%get3A_855, %get3A_856, %get3A_857] {strides = array<i32>} : memref<2x128x128xf32, #tpu.memory_space<vmem>>, vector<1x1x16xf32>,
      %get3A_859 = vector.shape_cast %get3A_858 : vector<1x1x16xf32> to vector<16xf32>
      %mul3A_860 = arith.mulf %mul3A_853, %get3A_859 : vector<16xf32>
      %swap3A_861 = arith.index_cast %scan3A_808 : i32 to index
      %swap3A_862 = arith.constant 32 : index
      %swap3A_863 = tpu.vector_load %arg12[%swap3A_861, %swap3A_862] {strides = array<i32>} : memref<128x64xf32, #tpu.memory_space<vmem>>, vector<1x16xf32>,
      %swap3A_864 = vector.shape_cast %swap3A_863 : vector<1x16xf32> to vector<16xf32>
      %swap3A_865 = vector.shape_cast %mul3A_860 : vector<16xf32> to vector<1x16xf32>
      tpu.vector_store %arg12[%swap3A_861, %swap3A_862], %swap3A_865 {strides = array<i32>} : memref<128x64xf32, #tpu.memory_space<vmem>>, vector<1x16xf32>,
      %get3A_866 = arith.constant 0 : i32
      %get3A_867 = arith.index_cast %get3A_866 : i32 to index
      %get3A_868 = arith.index_cast %scan3A_808 : i32 to index
      %get3A_869 = arith.constant 48 : index
      %get3A_870 = tpu.vector_load %arg10[%get3A_867, %get3A_868, %get3A_869] {strides = array<i32>} : memref<2x128x128xf32, #tpu.memory_space<vmem>>, vector<1x1x16xf32>,
      %get3A_871 = vector.shape_cast %get3A_870 : vector<1x1x16xf32> to vector<16xf32>
      %mul3A_872 = arith.mulf %get3A_33, %get3A_871 : vector<16xf32>
      %get3A_873 = arith.constant 0 : i32
      %get3A_874 = arith.index_cast %get3A_873 : i32 to index
      %get3A_875 = arith.index_cast %scan3A_808 : i32 to index
      %get3A_876 = arith.constant 48 : index
      %get3A_877 = tpu.vector_load %arg11[%get3A_874, %get3A_875, %get3A_876] {strides = array<i32>} : memref<2x128x128xf32, #tpu.memory_space<vmem>>, vector<1x1x16xf32>,
      %get3A_878 = vector.shape_cast %get3A_877 : vector<1x1x16xf32> to vector<16xf32>
      %mul3A_879 = arith.mulf %mul3A_872, %get3A_878 : vector<16xf32>
      %swap3A_880 = arith.index_cast %scan3A_808 : i32 to index
      %swap3A_881 = arith.constant 48 : index
      %swap3A_882 = tpu.vector_load %arg12[%swap3A_880, %swap3A_881] {strides = array<i32>} : memref<128x64xf32, #tpu.memory_space<vmem>>, vector<1x16xf32>,
      %swap3A_883 = vector.shape_cast %swap3A_882 : vector<1x16xf32> to vector<16xf32>
      %swap3A_884 = vector.shape_cast %mul3A_879 : vector<16xf32> to vector<1x16xf32>
      tpu.vector_store %arg12[%swap3A_880, %swap3A_881], %swap3A_884 {strides = array<i32>} : memref<128x64xf32, #tpu.memory_space<vmem>>, vector<1x16xf32>,
    }
    %scan3A_126 = arith.constant 128 : i32
    %add3A_127 = arith.constant 0 : i32
    %add3A_128 = arith.addi %mul3A_2, %add3A_127 : i32
    "tpu.region"() ({
      %run_scoped3A = tpu.sem_alloc : memref<!tpu.dma_semaphore, #tpu.memory_space<semaphore_mem>>
      %dma_start3A_575 = arith.constant 0 : i32
      %dma_start3A_576 = tpu.memref_slice %arg6[%add3A_128, %dma_start3A_575] : memref<32768x64xf32, #tpu.memory_space<hbm>> -> memref<128x64xf32, #tpu.memory_space<hbm>>
      %dma_start3A_577 = arith.constant 0 : i32
      %dma_start3A_578 = tpu.memref_slice %arg6[%add3A_128, %dma_start3A_577] : memref<32768x64xf32, #tpu.memory_space<hbm>> -> memref<128x64xf32, #tpu.memory_space<hbm>>
      tpu.enqueue_dma source(%arg12 : memref<128x64xf32, #tpu.memory_space<vmem>>) target(%dma_start3A_578 : memref<128x64xf32, #tpu.memory_space<hbm>>) target_semaphore(%run_scoped3A : memref<!tpu.dma_semaphore, #tpu.memory_space<semaphore_mem>>)
      %dma_wait3A_579 = arith.constant 0 : i32
      %dma_wait3A_580 = tpu.memref_slice %arg6[%add3A_128, %dma_wait3A_579] : memref<32768x64xf32, #tpu.memory_space<hbm>> -> memref<128x64xf32, #tpu.memory_space<hbm>>
      %dma_wait3A_581 = arith.constant 0 : i32
      %dma_wait3A_582 = tpu.memref_slice %arg6[%add3A_128, %dma_wait3A_581] : memref<32768x64xf32, #tpu.memory_space<hbm>> -> memref<128x64xf32, #tpu.memory_space<hbm>>
      tpu.wait_dma2 semaphore(%run_scoped3A : memref<!tpu.dma_semaphore, #tpu.memory_space<semaphore_mem>>) src(%arg12 : memref<128x64xf32, #tpu.memory_space<vmem>>) dst(%dma_wait3A_582 : memref<128x64xf32, #tpu.memory_space<hbm>>)
      tpu.yield
    }) : () -> ()
    %dma_wait3A_129 = arith.constant 1 : i32
    %dma_wait3A_130 = arith.constant 1 : i32
    %dma_wait3A_131 = arith.constant 0 : i32
    %dma_wait3A_132 = arith.constant 0 : i32
    %dma_wait3A_133 = tpu.memref_slice %arg10[%dma_wait3A_130, %dma_wait3A_131, %dma_wait3A_132] : memref<2x128x128xf32, #tpu.memory_space<vmem>> -> memref<1x128x128xf32, #tpu.memory_space<vmem>>
    %dma_wait3A_134 = tpu.memref_squeeze %dma_wait3A_133 : memref<1x128x128xf32, #tpu.memory_space<vmem>> -> memref<128x128xf32, #tpu.memory_space<vmem>>
    %dma_wait3A_135 = arith.constant 0 : i32
    %dma_wait3A_136 = arith.constant 0 : i32
    %dma_wait3A_137 = tpu.memref_slice %dma_wait3A_134[%dma_wait3A_135, %dma_wait3A_136] : memref<128x128xf32, #tpu.memory_space<vmem>> -> memref<128x128xf32, #tpu.memory_space<vmem>>
    %dma_wait3A_138 = arith.constant 0 : i32
    %dma_wait3A_139 = tpu.memref_slice %arg7[%dma_wait3A_129, %dma_wait3A_138] : memref<8x128xi32, #tpu.memory_space<vmem>> -> memref<1x128xi32, #tpu.memory_space<vmem>>
    %dma_wait3A_140 = tpu.memref_squeeze %dma_wait3A_139 : memref<1x128xi32, #tpu.memory_space<vmem>> -> memref<128xi32, #tpu.memory_space<vmem>>
    %dma_wait3A_141 = arith.constant 0 : i32
    %dma_wait3A_142 = arith.constant 0 : i32
    %dma_wait3A_143 = tpu.memref_slice %arg2[%dma_wait3A_141, %dma_wait3A_142] : memref<1000000x128xf32, #tpu.memory_space<hbm>> -> memref<1000000x128xf32, #tpu.memory_space<hbm>>
    tpu.wait_indirect_dma semaphore(%arg13 : memref<!tpu.dma_semaphore, #tpu.memory_space<semaphore_mem>>) src(%dma_wait3A_143 : memref<1000000x128xf32, #tpu.memory_space<hbm>>) dst(%dma_wait3A_137 : memref<128x128xf32, #tpu.memory_space<vmem>>)
    %dma_wait3A_144 = arith.constant 1 : i32
    %dma_wait3A_145 = arith.constant 1 : i32
    %dma_wait3A_146 = arith.constant 0 : i32
    %dma_wait3A_147 = arith.constant 0 : i32
    %dma_wait3A_148 = tpu.memref_slice %arg11[%dma_wait3A_145, %dma_wait3A_146, %dma_wait3A_147] : memref<2x128x128xf32, #tpu.memory_space<vmem>> -> memref<1x128x128xf32, #tpu.memory_space<vmem>>
    %dma_wait3A_149 = tpu.memref_squeeze %dma_wait3A_148 : memref<1x128x128xf32, #tpu.memory_space<vmem>> -> memref<128x128xf32, #tpu.memory_space<vmem>>
    %dma_wait3A_150 = arith.constant 0 : i32
    %dma_wait3A_151 = arith.constant 0 : i32
    %dma_wait3A_152 = tpu.memref_slice %dma_wait3A_149[%dma_wait3A_150, %dma_wait3A_151] : memref<128x128xf32, #tpu.memory_space<vmem>> -> memref<128x128xf32, #tpu.memory_space<vmem>>
    %dma_wait3A_153 = arith.constant 0 : i32
    %dma_wait3A_154 = tpu.memref_slice %arg8[%dma_wait3A_144, %dma_wait3A_153] : memref<8x128xi32, #tpu.memory_space<vmem>> -> memref<1x128xi32, #tpu.memory_space<vmem>>
    %dma_wait3A_155 = tpu.memref_squeeze %dma_wait3A_154 : memref<1x128xi32, #tpu.memory_space<vmem>> -> memref<128xi32, #tpu.memory_space<vmem>>
    %dma_wait3A_156 = arith.constant 0 : i32
    %dma_wait3A_157 = arith.constant 0 : i32
    %dma_wait3A_158 = tpu.memref_slice %arg2[%dma_wait3A_156, %dma_wait3A_157] : memref<1000000x128xf32, #tpu.memory_space<hbm>> -> memref<1000000x128xf32, #tpu.memory_space<hbm>>
    tpu.wait_indirect_dma semaphore(%arg14 : memref<!tpu.dma_semaphore, #tpu.memory_space<semaphore_mem>>) src(%dma_wait3A_158 : memref<1000000x128xf32, #tpu.memory_space<hbm>>) dst(%dma_wait3A_152 : memref<128x128xf32, #tpu.memory_space<vmem>>)
    %dma_start3A_159 = arith.constant 2 : i32
    %dma_start3A_160 = arith.constant 0 : i32
    %dma_start3A_161 = arith.constant 0 : i32
    %dma_start3A_162 = arith.constant 0 : i32
    %dma_start3A_163 = tpu.memref_slice %arg10[%dma_start3A_160, %dma_start3A_161, %dma_start3A_162] : memref<2x128x128xf32, #tpu.memory_space<vmem>> -> memref<1x128x128xf32, #tpu.memory_space<vmem>>
    %dma_start3A_164 = tpu.memref_squeeze %dma_start3A_163 : memref<1x128x128xf32, #tpu.memory_space<vmem>> -> memref<128x128xf32, #tpu.memory_space<vmem>>
    %dma_start3A_165 = arith.constant 0 : i32
    %dma_start3A_166 = arith.constant 0 : i32
    %dma_start3A_167 = tpu.memref_slice %dma_start3A_164[%dma_start3A_165, %dma_start3A_166] : memref<128x128xf32, #tpu.memory_space<vmem>> -> memref<128x128xf32, #tpu.memory_space<vmem>>
    %dma_start3A_168 = arith.constant 0 : i32
    %dma_start3A_169 = tpu.memref_slice %arg7[%dma_start3A_159, %dma_start3A_168] : memref<8x128xi32, #tpu.memory_space<vmem>> -> memref<1x128xi32, #tpu.memory_space<vmem>>
    %dma_start3A_170 = tpu.memref_squeeze %dma_start3A_169 : memref<1x128xi32, #tpu.memory_space<vmem>> -> memref<128xi32, #tpu.memory_space<vmem>>
    %dma_start3A_171 = arith.constant 0 : i32
    %dma_start3A_172 = arith.constant 0 : i32
    %dma_start3A_173 = tpu.memref_slice %arg2[%dma_start3A_171, %dma_start3A_172] : memref<1000000x128xf32, #tpu.memory_space<hbm>> -> memref<1000000x128xf32, #tpu.memory_space<hbm>>
    tpu.enqueue_indirect_dma source(%dma_start3A_173 : memref<1000000x128xf32, #tpu.memory_space<hbm>>) target(%dma_start3A_167 : memref<128x128xf32, #tpu.memory_space<vmem>>) offsets(%dma_start3A_170 : memref<128xi32, #tpu.memory_space<vmem>>) semaphore(%arg13 : memref<!tpu.dma_semaphore, #tpu.memory_space<semaphore_mem>>)
    %dma_start3A_174 = arith.constant 2 : i32
    %dma_start3A_175 = arith.constant 0 : i32
    %dma_start3A_176 = arith.constant 0 : i32
    %dma_start3A_177 = arith.constant 0 : i32
    %dma_start3A_178 = tpu.memref_slice %arg11[%dma_start3A_175, %dma_start3A_176, %dma_start3A_177] : memref<2x128x128xf32, #tpu.memory_space<vmem>> -> memref<1x128x128xf32, #tpu.memory_space<vmem>>
    %dma_start3A_179 = tpu.memref_squeeze %dma_start3A_178 : memref<1x128x128xf32, #tpu.memory_space<vmem>> -> memref<128x128xf32, #tpu.memory_space<vmem>>
    %dma_start3A_180 = arith.constant 0 : i32
    %dma_start3A_181 = arith.constant 0 : i32
    %dma_start3A_182 = tpu.memref_slice %dma_start3A_179[%dma_start3A_180, %dma_start3A_181] : memref<128x128xf32, #tpu.memory_space<vmem>> -> memref<128x128xf32, #tpu.memory_space<vmem>>
    %dma_start3A_183 = arith.constant 0 : i32
    %dma_start3A_184 = tpu.memref_slice %arg8[%dma_start3A_174, %dma_start3A_183] : memref<8x128xi32, #tpu.memory_space<vmem>> -> memref<1x128xi32, #tpu.memory_space<vmem>>
    %dma_start3A_185 = tpu.memref_squeeze %dma_start3A_184 : memref<1x128xi32, #tpu.memory_space<vmem>> -> memref<128xi32, #tpu.memory_space<vmem>>
    %dma_start3A_186 = arith.constant 0 : i32
    %dma_start3A_187 = arith.constant 0 : i32
    %dma_start3A_188 = tpu.memref_slice %arg2[%dma_start3A_186, %dma_start3A_187] : memref<1000000x128xf32, #tpu.memory_space<hbm>> -> memref<1000000x128xf32, #tpu.memory_space<hbm>>
    tpu.enqueue_indirect_dma source(%dma_start3A_188 : memref<1000000x128xf32, #tpu.memory_space<hbm>>) target(%dma_start3A_182 : memref<128x128xf32, #tpu.memory_space<vmem>>) offsets(%dma_start3A_185 : memref<128xi32, #tpu.memory_space<vmem>>) semaphore(%arg14 : memref<!tpu.dma_semaphore, #tpu.memory_space<semaphore_mem>>)
    %scan3A_189 = arith.constant 0 : i32
    %scan3A_190 = arith.constant 0 : i32
    %scan3A_191 = arith.constant 128 : i32
    %scan3A_192 = arith.addi %scan3A_190, %scan3A_191 : i32
    %scan3A_193 = arith.constant 4 : i32
    scf.for %scan3A_575 = %scan3A_190 to %scan3A_192 step %scan3A_193  : i32 {
      %get3A_576 = arith.constant 1 : i32
      %get3A_577 = arith.index_cast %get3A_576 : i32 to index
      %get3A_578 = arith.index_cast %scan3A_575 : i32 to index
      %get3A_579 = arith.constant 0 : index
      %get3A_580 = tpu.vector_load %arg10[%get3A_577, %get3A_578, %get3A_579] {strides = array<i32>} : memref<2x128x128xf32, #tpu.memory_space<vmem>>, vector<1x1x16xf32>,
      %get3A_581 = vector.shape_cast %get3A_580 : vector<1x1x16xf32> to vector<16xf32>
      %mul3A_582 = arith.mulf %get3A_24, %get3A_581 : vector<16xf32>
      %get3A_583 = arith.constant 1 : i32
      %get3A_584 = arith.index_cast %get3A_583 : i32 to index
      %get3A_585 = arith.index_cast %scan3A_575 : i32 to index
      %get3A_586 = arith.constant 0 : index
      %get3A_587 = tpu.vector_load %arg11[%get3A_584, %get3A_585, %get3A_586] {strides = array<i32>} : memref<2x128x128xf32, #tpu.memory_space<vmem>>, vector<1x1x16xf32>,
      %get3A_588 = vector.shape_cast %get3A_587 : vector<1x1x16xf32> to vector<16xf32>
      %mul3A_589 = arith.mulf %mul3A_582, %get3A_588 : vector<16xf32>
      %swap3A = arith.index_cast %scan3A_575 : i32 to index
      %swap3A_590 = arith.constant 0 : index
      %swap3A_591 = tpu.vector_load %arg12[%swap3A, %swap3A_590] {strides = array<i32>} : memref<128x64xf32, #tpu.memory_space<vmem>>, vector<1x16xf32>,
      %swap3A_592 = vector.shape_cast %swap3A_591 : vector<1x16xf32> to vector<16xf32>
      %swap3A_593 = vector.shape_cast %mul3A_589 : vector<16xf32> to vector<1x16xf32>
      tpu.vector_store %arg12[%swap3A, %swap3A_590], %swap3A_593 {strides = array<i32>} : memref<128x64xf32, #tpu.memory_space<vmem>>, vector<1x16xf32>,
      %get3A_594 = arith.constant 1 : i32
      %get3A_595 = arith.index_cast %get3A_594 : i32 to index
      %get3A_596 = arith.index_cast %scan3A_575 : i32 to index
      %get3A_597 = arith.constant 16 : index
      %get3A_598 = tpu.vector_load %arg10[%get3A_595, %get3A_596, %get3A_597] {strides = array<i32>} : memref<2x128x128xf32, #tpu.memory_space<vmem>>, vector<1x1x16xf32>,
      %get3A_599 = vector.shape_cast %get3A_598 : vector<1x1x16xf32> to vector<16xf32>
      %mul3A_600 = arith.mulf %get3A_27, %get3A_599 : vector<16xf32>
      %get3A_601 = arith.constant 1 : i32
      %get3A_602 = arith.index_cast %get3A_601 : i32 to index
      %get3A_603 = arith.index_cast %scan3A_575 : i32 to index
      %get3A_604 = arith.constant 16 : index
      %get3A_605 = tpu.vector_load %arg11[%get3A_602, %get3A_603, %get3A_604] {strides = array<i32>} : memref<2x128x128xf32, #tpu.memory_space<vmem>>, vector<1x1x16xf32>,
      %get3A_606 = vector.shape_cast %get3A_605 : vector<1x1x16xf32> to vector<16xf32>
      %mul3A_607 = arith.mulf %mul3A_600, %get3A_606 : vector<16xf32>
      %swap3A_608 = arith.index_cast %scan3A_575 : i32 to index
      %swap3A_609 = arith.constant 16 : index
      %swap3A_610 = tpu.vector_load %arg12[%swap3A_608, %swap3A_609] {strides = array<i32>} : memref<128x64xf32, #tpu.memory_space<vmem>>, vector<1x16xf32>,
      %swap3A_611 = vector.shape_cast %swap3A_610 : vector<1x16xf32> to vector<16xf32>
      %swap3A_612 = vector.shape_cast %mul3A_607 : vector<16xf32> to vector<1x16xf32>
      tpu.vector_store %arg12[%swap3A_608, %swap3A_609], %swap3A_612 {strides = array<i32>} : memref<128x64xf32, #tpu.memory_space<vmem>>, vector<1x16xf32>,
      %get3A_613 = arith.constant 1 : i32
      %get3A_614 = arith.index_cast %get3A_613 : i32 to index
      %get3A_615 = arith.index_cast %scan3A_575 : i32 to index
      %get3A_616 = arith.constant 32 : index
      %get3A_617 = tpu.vector_load %arg10[%get3A_614, %get3A_615, %get3A_616] {strides = array<i32>} : memref<2x128x128xf32, #tpu.memory_space<vmem>>, vector<1x1x16xf32>,
      %get3A_618 = vector.shape_cast %get3A_617 : vector<1x1x16xf32> to vector<16xf32>
      %mul3A_619 = arith.mulf %get3A_30, %get3A_618 : vector<16xf32>
      %get3A_620 = arith.constant 1 : i32
      %get3A_621 = arith.index_cast %get3A_620 : i32 to index
      %get3A_622 = arith.index_cast %scan3A_575 : i32 to index
      %get3A_623 = arith.constant 32 : index
      %get3A_624 = tpu.vector_load %arg11[%get3A_621, %get3A_622, %get3A_623] {strides = array<i32>} : memref<2x128x128xf32, #tpu.memory_space<vmem>>, vector<1x1x16xf32>,
      %get3A_625 = vector.shape_cast %get3A_624 : vector<1x1x16xf32> to vector<16xf32>
      %mul3A_626 = arith.mulf %mul3A_619, %get3A_625 : vector<16xf32>
      %swap3A_627 = arith.index_cast %scan3A_575 : i32 to index
      %swap3A_628 = arith.constant 32 : index
      %swap3A_629 = tpu.vector_load %arg12[%swap3A_627, %swap3A_628] {strides = array<i32>} : memref<128x64xf32, #tpu.memory_space<vmem>>, vector<1x16xf32>,
      %swap3A_630 = vector.shape_cast %swap3A_629 : vector<1x16xf32> to vector<16xf32>
      %swap3A_631 = vector.shape_cast %mul3A_626 : vector<16xf32> to vector<1x16xf32>
      tpu.vector_store %arg12[%swap3A_627, %swap3A_628], %swap3A_631 {strides = array<i32>} : memref<128x64xf32, #tpu.memory_space<vmem>>, vector<1x16xf32>,
      %get3A_632 = arith.constant 1 : i32
      %get3A_633 = arith.index_cast %get3A_632 : i32 to index
      %get3A_634 = arith.index_cast %scan3A_575 : i32 to index
      %get3A_635 = arith.constant 48 : index
      %get3A_636 = tpu.vector_load %arg10[%get3A_633, %get3A_634, %get3A_635] {strides = array<i32>} : memref<2x128x128xf32, #tpu.memory_space<vmem>>, vector<1x1x16xf32>,
      %get3A_637 = vector.shape_cast %get3A_636 : vector<1x1x16xf32> to vector<16xf32>
      %mul3A_638 = arith.mulf %get3A_33, %get3A_637 : vector<16xf32>
      %get3A_639 = arith.constant 1 : i32
      %get3A_640 = arith.index_cast %get3A_639 : i32 to index
      %get3A_641 = arith.index_cast %scan3A_575 : i32 to index
      %get3A_642 = arith.constant 48 : index
      %get3A_643 = tpu.vector_load %arg11[%get3A_640, %get3A_641, %get3A_642] {strides = array<i32>} : memref<2x128x128xf32, #tpu.memory_space<vmem>>, vector<1x1x16xf32>,
      %get3A_644 = vector.shape_cast %get3A_643 : vector<1x1x16xf32> to vector<16xf32>
      %mul3A_645 = arith.mulf %mul3A_638, %get3A_644 : vector<16xf32>
      %swap3A_646 = arith.index_cast %scan3A_575 : i32 to index
      %swap3A_647 = arith.constant 48 : index
      %swap3A_648 = tpu.vector_load %arg12[%swap3A_646, %swap3A_647] {strides = array<i32>} : memref<128x64xf32, #tpu.memory_space<vmem>>, vector<1x16xf32>,
      %swap3A_649 = vector.shape_cast %swap3A_648 : vector<1x16xf32> to vector<16xf32>
      %swap3A_650 = vector.shape_cast %mul3A_645 : vector<16xf32> to vector<1x16xf32>
      tpu.vector_store %arg12[%swap3A_646, %swap3A_647], %swap3A_650 {strides = array<i32>} : memref<128x64xf32, #tpu.memory_space<vmem>>, vector<1x16xf32>,
      %scan3A_651 = arith.constant 1 : i32
      %scan3A_652 = arith.addi %scan3A_575, %scan3A_651 : i32
      %get3A_653 = arith.constant 1 : i32
      %get3A_654 = arith.index_cast %get3A_653 : i32 to index
      %get3A_655 = arith.index_cast %scan3A_652 : i32 to index
      %get3A_656 = arith.constant 0 : index
      %get3A_657 = tpu.vector_load %arg10[%get3A_654, %get3A_655, %get3A_656] {strides = array<i32>} : memref<2x128x128xf32, #tpu.memory_space<vmem>>, vector<1x1x16xf32>,
      %get3A_658 = vector.shape_cast %get3A_657 : vector<1x1x16xf32> to vector<16xf32>
      %mul3A_659 = arith.mulf %get3A_24, %get3A_658 : vector<16xf32>
      %get3A_660 = arith.constant 1 : i32
      %get3A_661 = arith.index_cast %get3A_660 : i32 to index
      %get3A_662 = arith.index_cast %scan3A_652 : i32 to index
      %get3A_663 = arith.constant 0 : index
      %get3A_664 = tpu.vector_load %arg11[%get3A_661, %get3A_662, %get3A_663] {strides = array<i32>} : memref<2x128x128xf32, #tpu.memory_space<vmem>>, vector<1x1x16xf32>,
      %get3A_665 = vector.shape_cast %get3A_664 : vector<1x1x16xf32> to vector<16xf32>
      %mul3A_666 = arith.mulf %mul3A_659, %get3A_665 : vector<16xf32>
      %swap3A_667 = arith.index_cast %scan3A_652 : i32 to index
      %swap3A_668 = arith.constant 0 : index
      %swap3A_669 = tpu.vector_load %arg12[%swap3A_667, %swap3A_668] {strides = array<i32>} : memref<128x64xf32, #tpu.memory_space<vmem>>, vector<1x16xf32>,
      %swap3A_670 = vector.shape_cast %swap3A_669 : vector<1x16xf32> to vector<16xf32>
      %swap3A_671 = vector.shape_cast %mul3A_666 : vector<16xf32> to vector<1x16xf32>
      tpu.vector_store %arg12[%swap3A_667, %swap3A_668], %swap3A_671 {strides = array<i32>} : memref<128x64xf32, #tpu.memory_space<vmem>>, vector<1x16xf32>,
      %get3A_672 = arith.constant 1 : i32
      %get3A_673 = arith.index_cast %get3A_672 : i32 to index
      %get3A_674 = arith.index_cast %scan3A_652 : i32 to index
      %get3A_675 = arith.constant 16 : index
      %get3A_676 = tpu.vector_load %arg10[%get3A_673, %get3A_674, %get3A_675] {strides = array<i32>} : memref<2x128x128xf32, #tpu.memory_space<vmem>>, vector<1x1x16xf32>,
      %get3A_677 = vector.shape_cast %get3A_676 : vector<1x1x16xf32> to vector<16xf32>
      %mul3A_678 = arith.mulf %get3A_27, %get3A_677 : vector<16xf32>
      %get3A_679 = arith.constant 1 : i32
      %get3A_680 = arith.index_cast %get3A_679 : i32 to index
      %get3A_681 = arith.index_cast %scan3A_652 : i32 to index
      %get3A_682 = arith.constant 16 : index
      %get3A_683 = tpu.vector_load %arg11[%get3A_680, %get3A_681, %get3A_682] {strides = array<i32>} : memref<2x128x128xf32, #tpu.memory_space<vmem>>, vector<1x1x16xf32>,
      %get3A_684 = vector.shape_cast %get3A_683 : vector<1x1x16xf32> to vector<16xf32>
      %mul3A_685 = arith.mulf %mul3A_678, %get3A_684 : vector<16xf32>
      %swap3A_686 = arith.index_cast %scan3A_652 : i32 to index
      %swap3A_687 = arith.constant 16 : index
      %swap3A_688 = tpu.vector_load %arg12[%swap3A_686, %swap3A_687] {strides = array<i32>} : memref<128x64xf32, #tpu.memory_space<vmem>>, vector<1x16xf32>,
      %swap3A_689 = vector.shape_cast %swap3A_688 : vector<1x16xf32> to vector<16xf32>
      %swap3A_690 = vector.shape_cast %mul3A_685 : vector<16xf32> to vector<1x16xf32>
      tpu.vector_store %arg12[%swap3A_686, %swap3A_687], %swap3A_690 {strides = array<i32>} : memref<128x64xf32, #tpu.memory_space<vmem>>, vector<1x16xf32>,
      %get3A_691 = arith.constant 1 : i32
      %get3A_692 = arith.index_cast %get3A_691 : i32 to index
      %get3A_693 = arith.index_cast %scan3A_652 : i32 to index
      %get3A_694 = arith.constant 32 : index
      %get3A_695 = tpu.vector_load %arg10[%get3A_692, %get3A_693, %get3A_694] {strides = array<i32>} : memref<2x128x128xf32, #tpu.memory_space<vmem>>, vector<1x1x16xf32>,
      %get3A_696 = vector.shape_cast %get3A_695 : vector<1x1x16xf32> to vector<16xf32>
      %mul3A_697 = arith.mulf %get3A_30, %get3A_696 : vector<16xf32>
      %get3A_698 = arith.constant 1 : i32
      %get3A_699 = arith.index_cast %get3A_698 : i32 to index
      %get3A_700 = arith.index_cast %scan3A_652 : i32 to index
      %get3A_701 = arith.constant 32 : index
      %get3A_702 = tpu.vector_load %arg11[%get3A_699, %get3A_700, %get3A_701] {strides = array<i32>} : memref<2x128x128xf32, #tpu.memory_space<vmem>>, vector<1x1x16xf32>,
      %get3A_703 = vector.shape_cast %get3A_702 : vector<1x1x16xf32> to vector<16xf32>
      %mul3A_704 = arith.mulf %mul3A_697, %get3A_703 : vector<16xf32>
      %swap3A_705 = arith.index_cast %scan3A_652 : i32 to index
      %swap3A_706 = arith.constant 32 : index
      %swap3A_707 = tpu.vector_load %arg12[%swap3A_705, %swap3A_706] {strides = array<i32>} : memref<128x64xf32, #tpu.memory_space<vmem>>, vector<1x16xf32>,
      %swap3A_708 = vector.shape_cast %swap3A_707 : vector<1x16xf32> to vector<16xf32>
      %swap3A_709 = vector.shape_cast %mul3A_704 : vector<16xf32> to vector<1x16xf32>
      tpu.vector_store %arg12[%swap3A_705, %swap3A_706], %swap3A_709 {strides = array<i32>} : memref<128x64xf32, #tpu.memory_space<vmem>>, vector<1x16xf32>,
      %get3A_710 = arith.constant 1 : i32
      %get3A_711 = arith.index_cast %get3A_710 : i32 to index
      %get3A_712 = arith.index_cast %scan3A_652 : i32 to index
      %get3A_713 = arith.constant 48 : index
      %get3A_714 = tpu.vector_load %arg10[%get3A_711, %get3A_712, %get3A_713] {strides = array<i32>} : memref<2x128x128xf32, #tpu.memory_space<vmem>>, vector<1x1x16xf32>,
      %get3A_715 = vector.shape_cast %get3A_714 : vector<1x1x16xf32> to vector<16xf32>
      %mul3A_716 = arith.mulf %get3A_33, %get3A_715 : vector<16xf32>
      %get3A_717 = arith.constant 1 : i32
      %get3A_718 = arith.index_cast %get3A_717 : i32 to index
      %get3A_719 = arith.index_cast %scan3A_652 : i32 to index
      %get3A_720 = arith.constant 48 : index
      %get3A_721 = tpu.vector_load %arg11[%get3A_718, %get3A_719, %get3A_720] {strides = array<i32>} : memref<2x128x128xf32, #tpu.memory_space<vmem>>, vector<1x1x16xf32>,
      %get3A_722 = vector.shape_cast %get3A_721 : vector<1x1x16xf32> to vector<16xf32>
      %mul3A_723 = arith.mulf %mul3A_716, %get3A_722 : vector<16xf32>
      %swap3A_724 = arith.index_cast %scan3A_652 : i32 to index
      %swap3A_725 = arith.constant 48 : index
      %swap3A_726 = tpu.vector_load %arg12[%swap3A_724, %swap3A_725] {strides = array<i32>} : memref<128x64xf32, #tpu.memory_space<vmem>>, vector<1x16xf32>,
      %swap3A_727 = vector.shape_cast %swap3A_726 : vector<1x16xf32> to vector<16xf32>
      %swap3A_728 = vector.shape_cast %mul3A_723 : vector<16xf32> to vector<1x16xf32>
      tpu.vector_store %arg12[%swap3A_724, %swap3A_725], %swap3A_728 {strides = array<i32>} : memref<128x64xf32, #tpu.memory_space<vmem>>, vector<1x16xf32>,
      %scan3A_729 = arith.constant 2 : i32
      %scan3A_730 = arith.addi %scan3A_575, %scan3A_729 : i32
      %get3A_731 = arith.constant 1 : i32
      %get3A_732 = arith.index_cast %get3A_731 : i32 to index
      %get3A_733 = arith.index_cast %scan3A_730 : i32 to index
      %get3A_734 = arith.constant 0 : index
      %get3A_735 = tpu.vector_load %arg10[%get3A_732, %get3A_733, %get3A_734] {strides = array<i32>} : memref<2x128x128xf32, #tpu.memory_space<vmem>>, vector<1x1x16xf32>,
      %get3A_736 = vector.shape_cast %get3A_735 : vector<1x1x16xf32> to vector<16xf32>
      %mul3A_737 = arith.mulf %get3A_24, %get3A_736 : vector<16xf32>
      %get3A_738 = arith.constant 1 : i32
      %get3A_739 = arith.index_cast %get3A_738 : i32 to index
      %get3A_740 = arith.index_cast %scan3A_730 : i32 to index
      %get3A_741 = arith.constant 0 : index
      %get3A_742 = tpu.vector_load %arg11[%get3A_739, %get3A_740, %get3A_741] {strides = array<i32>} : memref<2x128x128xf32, #tpu.memory_space<vmem>>, vector<1x1x16xf32>,
      %get3A_743 = vector.shape_cast %get3A_742 : vector<1x1x16xf32> to vector<16xf32>
      %mul3A_744 = arith.mulf %mul3A_737, %get3A_743 : vector<16xf32>
      %swap3A_745 = arith.index_cast %scan3A_730 : i32 to index
      %swap3A_746 = arith.constant 0 : index
      %swap3A_747 = tpu.vector_load %arg12[%swap3A_745, %swap3A_746] {strides = array<i32>} : memref<128x64xf32, #tpu.memory_space<vmem>>, vector<1x16xf32>,
      %swap3A_748 = vector.shape_cast %swap3A_747 : vector<1x16xf32> to vector<16xf32>
      %swap3A_749 = vector.shape_cast %mul3A_744 : vector<16xf32> to vector<1x16xf32>
      tpu.vector_store %arg12[%swap3A_745, %swap3A_746], %swap3A_749 {strides = array<i32>} : memref<128x64xf32, #tpu.memory_space<vmem>>, vector<1x16xf32>,
      %get3A_750 = arith.constant 1 : i32
      %get3A_751 = arith.index_cast %get3A_750 : i32 to index
      %get3A_752 = arith.index_cast %scan3A_730 : i32 to index
      %get3A_753 = arith.constant 16 : index
      %get3A_754 = tpu.vector_load %arg10[%get3A_751, %get3A_752, %get3A_753] {strides = array<i32>} : memref<2x128x128xf32, #tpu.memory_space<vmem>>, vector<1x1x16xf32>,
      %get3A_755 = vector.shape_cast %get3A_754 : vector<1x1x16xf32> to vector<16xf32>
      %mul3A_756 = arith.mulf %get3A_27, %get3A_755 : vector<16xf32>
      %get3A_757 = arith.constant 1 : i32
      %get3A_758 = arith.index_cast %get3A_757 : i32 to index
      %get3A_759 = arith.index_cast %scan3A_730 : i32 to index
      %get3A_760 = arith.constant 16 : index
      %get3A_761 = tpu.vector_load %arg11[%get3A_758, %get3A_759, %get3A_760] {strides = array<i32>} : memref<2x128x128xf32, #tpu.memory_space<vmem>>, vector<1x1x16xf32>,
      %get3A_762 = vector.shape_cast %get3A_761 : vector<1x1x16xf32> to vector<16xf32>
      %mul3A_763 = arith.mulf %mul3A_756, %get3A_762 : vector<16xf32>
      %swap3A_764 = arith.index_cast %scan3A_730 : i32 to index
      %swap3A_765 = arith.constant 16 : index
      %swap3A_766 = tpu.vector_load %arg12[%swap3A_764, %swap3A_765] {strides = array<i32>} : memref<128x64xf32, #tpu.memory_space<vmem>>, vector<1x16xf32>,
      %swap3A_767 = vector.shape_cast %swap3A_766 : vector<1x16xf32> to vector<16xf32>
      %swap3A_768 = vector.shape_cast %mul3A_763 : vector<16xf32> to vector<1x16xf32>
      tpu.vector_store %arg12[%swap3A_764, %swap3A_765], %swap3A_768 {strides = array<i32>} : memref<128x64xf32, #tpu.memory_space<vmem>>, vector<1x16xf32>,
      %get3A_769 = arith.constant 1 : i32
      %get3A_770 = arith.index_cast %get3A_769 : i32 to index
      %get3A_771 = arith.index_cast %scan3A_730 : i32 to index
      %get3A_772 = arith.constant 32 : index
      %get3A_773 = tpu.vector_load %arg10[%get3A_770, %get3A_771, %get3A_772] {strides = array<i32>} : memref<2x128x128xf32, #tpu.memory_space<vmem>>, vector<1x1x16xf32>,
      %get3A_774 = vector.shape_cast %get3A_773 : vector<1x1x16xf32> to vector<16xf32>
      %mul3A_775 = arith.mulf %get3A_30, %get3A_774 : vector<16xf32>
      %get3A_776 = arith.constant 1 : i32
      %get3A_777 = arith.index_cast %get3A_776 : i32 to index
      %get3A_778 = arith.index_cast %scan3A_730 : i32 to index
      %get3A_779 = arith.constant 32 : index
      %get3A_780 = tpu.vector_load %arg11[%get3A_777, %get3A_778, %get3A_779] {strides = array<i32>} : memref<2x128x128xf32, #tpu.memory_space<vmem>>, vector<1x1x16xf32>,
      %get3A_781 = vector.shape_cast %get3A_780 : vector<1x1x16xf32> to vector<16xf32>
      %mul3A_782 = arith.mulf %mul3A_775, %get3A_781 : vector<16xf32>
      %swap3A_783 = arith.index_cast %scan3A_730 : i32 to index
      %swap3A_784 = arith.constant 32 : index
      %swap3A_785 = tpu.vector_load %arg12[%swap3A_783, %swap3A_784] {strides = array<i32>} : memref<128x64xf32, #tpu.memory_space<vmem>>, vector<1x16xf32>,
      %swap3A_786 = vector.shape_cast %swap3A_785 : vector<1x16xf32> to vector<16xf32>
      %swap3A_787 = vector.shape_cast %mul3A_782 : vector<16xf32> to vector<1x16xf32>
      tpu.vector_store %arg12[%swap3A_783, %swap3A_784], %swap3A_787 {strides = array<i32>} : memref<128x64xf32, #tpu.memory_space<vmem>>, vector<1x16xf32>,
      %get3A_788 = arith.constant 1 : i32
      %get3A_789 = arith.index_cast %get3A_788 : i32 to index
      %get3A_790 = arith.index_cast %scan3A_730 : i32 to index
      %get3A_791 = arith.constant 48 : index
      %get3A_792 = tpu.vector_load %arg10[%get3A_789, %get3A_790, %get3A_791] {strides = array<i32>} : memref<2x128x128xf32, #tpu.memory_space<vmem>>, vector<1x1x16xf32>,
      %get3A_793 = vector.shape_cast %get3A_792 : vector<1x1x16xf32> to vector<16xf32>
      %mul3A_794 = arith.mulf %get3A_33, %get3A_793 : vector<16xf32>
      %get3A_795 = arith.constant 1 : i32
      %get3A_796 = arith.index_cast %get3A_795 : i32 to index
      %get3A_797 = arith.index_cast %scan3A_730 : i32 to index
      %get3A_798 = arith.constant 48 : index
      %get3A_799 = tpu.vector_load %arg11[%get3A_796, %get3A_797, %get3A_798] {strides = array<i32>} : memref<2x128x128xf32, #tpu.memory_space<vmem>>, vector<1x1x16xf32>,
      %get3A_800 = vector.shape_cast %get3A_799 : vector<1x1x16xf32> to vector<16xf32>
      %mul3A_801 = arith.mulf %mul3A_794, %get3A_800 : vector<16xf32>
      %swap3A_802 = arith.index_cast %scan3A_730 : i32 to index
      %swap3A_803 = arith.constant 48 : index
      %swap3A_804 = tpu.vector_load %arg12[%swap3A_802, %swap3A_803] {strides = array<i32>} : memref<128x64xf32, #tpu.memory_space<vmem>>, vector<1x16xf32>,
      %swap3A_805 = vector.shape_cast %swap3A_804 : vector<1x16xf32> to vector<16xf32>
      %swap3A_806 = vector.shape_cast %mul3A_801 : vector<16xf32> to vector<1x16xf32>
      tpu.vector_store %arg12[%swap3A_802, %swap3A_803], %swap3A_806 {strides = array<i32>} : memref<128x64xf32, #tpu.memory_space<vmem>>, vector<1x16xf32>,
      %scan3A_807 = arith.constant 3 : i32
      %scan3A_808 = arith.addi %scan3A_575, %scan3A_807 : i32
      %get3A_809 = arith.constant 1 : i32
      %get3A_810 = arith.index_cast %get3A_809 : i32 to index
      %get3A_811 = arith.index_cast %scan3A_808 : i32 to index
      %get3A_812 = arith.constant 0 : index
      %get3A_813 = tpu.vector_load %arg10[%get3A_810, %get3A_811, %get3A_812] {strides = array<i32>} : memref<2x128x128xf32, #tpu.memory_space<vmem>>, vector<1x1x16xf32>,
      %get3A_814 = vector.shape_cast %get3A_813 : vector<1x1x16xf32> to vector<16xf32>
      %mul3A_815 = arith.mulf %get3A_24, %get3A_814 : vector<16xf32>
      %get3A_816 = arith.constant 1 : i32
      %get3A_817 = arith.index_cast %get3A_816 : i32 to index
      %get3A_818 = arith.index_cast %scan3A_808 : i32 to index
      %get3A_819 = arith.constant 0 : index
      %get3A_820 = tpu.vector_load %arg11[%get3A_817, %get3A_818, %get3A_819] {strides = array<i32>} : memref<2x128x128xf32, #tpu.memory_space<vmem>>, vector<1x1x16xf32>,
      %get3A_821 = vector.shape_cast %get3A_820 : vector<1x1x16xf32> to vector<16xf32>
      %mul3A_822 = arith.mulf %mul3A_815, %get3A_821 : vector<16xf32>
      %swap3A_823 = arith.index_cast %scan3A_808 : i32 to index
      %swap3A_824 = arith.constant 0 : index
      %swap3A_825 = tpu.vector_load %arg12[%swap3A_823, %swap3A_824] {strides = array<i32>} : memref<128x64xf32, #tpu.memory_space<vmem>>, vector<1x16xf32>,
      %swap3A_826 = vector.shape_cast %swap3A_825 : vector<1x16xf32> to vector<16xf32>
      %swap3A_827 = vector.shape_cast %mul3A_822 : vector<16xf32> to vector<1x16xf32>
      tpu.vector_store %arg12[%swap3A_823, %swap3A_824], %swap3A_827 {strides = array<i32>} : memref<128x64xf32, #tpu.memory_space<vmem>>, vector<1x16xf32>,
      %get3A_828 = arith.constant 1 : i32
      %get3A_829 = arith.index_cast %get3A_828 : i32 to index
      %get3A_830 = arith.index_cast %scan3A_808 : i32 to index
      %get3A_831 = arith.constant 16 : index
      %get3A_832 = tpu.vector_load %arg10[%get3A_829, %get3A_830, %get3A_831] {strides = array<i32>} : memref<2x128x128xf32, #tpu.memory_space<vmem>>, vector<1x1x16xf32>,
      %get3A_833 = vector.shape_cast %get3A_832 : vector<1x1x16xf32> to vector<16xf32>
      %mul3A_834 = arith.mulf %get3A_27, %get3A_833 : vector<16xf32>
      %get3A_835 = arith.constant 1 : i32
      %get3A_836 = arith.index_cast %get3A_835 : i32 to index
      %get3A_837 = arith.index_cast %scan3A_808 : i32 to index
      %get3A_838 = arith.constant 16 : index
      %get3A_839 = tpu.vector_load %arg11[%get3A_836, %get3A_837, %get3A_838] {strides = array<i32>} : memref<2x128x128xf32, #tpu.memory_space<vmem>>, vector<1x1x16xf32>,
      %get3A_840 = vector.shape_cast %get3A_839 : vector<1x1x16xf32> to vector<16xf32>
      %mul3A_841 = arith.mulf %mul3A_834, %get3A_840 : vector<16xf32>
      %swap3A_842 = arith.index_cast %scan3A_808 : i32 to index
      %swap3A_843 = arith.constant 16 : index
      %swap3A_844 = tpu.vector_load %arg12[%swap3A_842, %swap3A_843] {strides = array<i32>} : memref<128x64xf32, #tpu.memory_space<vmem>>, vector<1x16xf32>,
      %swap3A_845 = vector.shape_cast %swap3A_844 : vector<1x16xf32> to vector<16xf32>
      %swap3A_846 = vector.shape_cast %mul3A_841 : vector<16xf32> to vector<1x16xf32>
      tpu.vector_store %arg12[%swap3A_842, %swap3A_843], %swap3A_846 {strides = array<i32>} : memref<128x64xf32, #tpu.memory_space<vmem>>, vector<1x16xf32>,
      %get3A_847 = arith.constant 1 : i32
      %get3A_848 = arith.index_cast %get3A_847 : i32 to index
      %get3A_849 = arith.index_cast %scan3A_808 : i32 to index
      %get3A_850 = arith.constant 32 : index
      %get3A_851 = tpu.vector_load %arg10[%get3A_848, %get3A_849, %get3A_850] {strides = array<i32>} : memref<2x128x128xf32, #tpu.memory_space<vmem>>, vector<1x1x16xf32>,
      %get3A_852 = vector.shape_cast %get3A_851 : vector<1x1x16xf32> to vector<16xf32>
      %mul3A_853 = arith.mulf %get3A_30, %get3A_852 : vector<16xf32>
      %get3A_854 = arith.constant 1 : i32
      %get3A_855 = arith.index_cast %get3A_854 : i32 to index
      %get3A_856 = arith.index_cast %scan3A_808 : i32 to index
      %get3A_857 = arith.constant 32 : index
      %get3A_858 = tpu.vector_load %arg11[%get3A_855, %get3A_856, %get3A_857] {strides = array<i32>} : memref<2x128x128xf32, #tpu.memory_space<vmem>>, vector<1x1x16xf32>,
      %get3A_859 = vector.shape_cast %get3A_858 : vector<1x1x16xf32> to vector<16xf32>
      %mul3A_860 = arith.mulf %mul3A_853, %get3A_859 : vector<16xf32>
      %swap3A_861 = arith.index_cast %scan3A_808 : i32 to index
      %swap3A_862 = arith.constant 32 : index
      %swap3A_863 = tpu.vector_load %arg12[%swap3A_861, %swap3A_862] {strides = array<i32>} : memref<128x64xf32, #tpu.memory_space<vmem>>, vector<1x16xf32>,
      %swap3A_864 = vector.shape_cast %swap3A_863 : vector<1x16xf32> to vector<16xf32>
      %swap3A_865 = vector.shape_cast %mul3A_860 : vector<16xf32> to vector<1x16xf32>
      tpu.vector_store %arg12[%swap3A_861, %swap3A_862], %swap3A_865 {strides = array<i32>} : memref<128x64xf32, #tpu.memory_space<vmem>>, vector<1x16xf32>,
      %get3A_866 = arith.constant 1 : i32
      %get3A_867 = arith.index_cast %get3A_866 : i32 to index
      %get3A_868 = arith.index_cast %scan3A_808 : i32 to index
      %get3A_869 = arith.constant 48 : index
      %get3A_870 = tpu.vector_load %arg10[%get3A_867, %get3A_868, %get3A_869] {strides = array<i32>} : memref<2x128x128xf32, #tpu.memory_space<vmem>>, vector<1x1x16xf32>,
      %get3A_871 = vector.shape_cast %get3A_870 : vector<1x1x16xf32> to vector<16xf32>
      %mul3A_872 = arith.mulf %get3A_33, %get3A_871 : vector<16xf32>
      %get3A_873 = arith.constant 1 : i32
      %get3A_874 = arith.index_cast %get3A_873 : i32 to index
      %get3A_875 = arith.index_cast %scan3A_808 : i32 to index
      %get3A_876 = arith.constant 48 : index
      %get3A_877 = tpu.vector_load %arg11[%get3A_874, %get3A_875, %get3A_876] {strides = array<i32>} : memref<2x128x128xf32, #tpu.memory_space<vmem>>, vector<1x1x16xf32>,
      %get3A_878 = vector.shape_cast %get3A_877 : vector<1x1x16xf32> to vector<16xf32>
      %mul3A_879 = arith.mulf %mul3A_872, %get3A_878 : vector<16xf32>
      %swap3A_880 = arith.index_cast %scan3A_808 : i32 to index
      %swap3A_881 = arith.constant 48 : index
      %swap3A_882 = tpu.vector_load %arg12[%swap3A_880, %swap3A_881] {strides = array<i32>} : memref<128x64xf32, #tpu.memory_space<vmem>>, vector<1x16xf32>,
      %swap3A_883 = vector.shape_cast %swap3A_882 : vector<1x16xf32> to vector<16xf32>
      %swap3A_884 = vector.shape_cast %mul3A_879 : vector<16xf32> to vector<1x16xf32>
      tpu.vector_store %arg12[%swap3A_880, %swap3A_881], %swap3A_884 {strides = array<i32>} : memref<128x64xf32, #tpu.memory_space<vmem>>, vector<1x16xf32>,
    }
    %scan3A_194 = arith.constant 128 : i32
    %add3A_195 = arith.constant 128 : i32
    %add3A_196 = arith.addi %mul3A_2, %add3A_195 : i32
    "tpu.region"() ({
      %run_scoped3A = tpu.sem_alloc : memref<!tpu.dma_semaphore, #tpu.memory_space<semaphore_mem>>
      %dma_start3A_575 = arith.constant 0 : i32
      %dma_start3A_576 = tpu.memref_slice %arg6[%add3A_196, %dma_start3A_575] : memref<32768x64xf32, #tpu.memory_space<hbm>> -> memref<128x64xf32, #tpu.memory_space<hbm>>
      %dma_start3A_577 = arith.constant 0 : i32
      %dma_start3A_578 = tpu.memref_slice %arg6[%add3A_196, %dma_start3A_577] : memref<32768x64xf32, #tpu.memory_space<hbm>> -> memref<128x64xf32, #tpu.memory_space<hbm>>
      tpu.enqueue_dma source(%arg12 : memref<128x64xf32, #tpu.memory_space<vmem>>) target(%dma_start3A_578 : memref<128x64xf32, #tpu.memory_space<hbm>>) target_semaphore(%run_scoped3A : memref<!tpu.dma_semaphore, #tpu.memory_space<semaphore_mem>>)
      %dma_wait3A_579 = arith.constant 0 : i32
      %dma_wait3A_580 = tpu.memref_slice %arg6[%add3A_196, %dma_wait3A_579] : memref<32768x64xf32, #tpu.memory_space<hbm>> -> memref<128x64xf32, #tpu.memory_space<hbm>>
      %dma_wait3A_581 = arith.constant 0 : i32
      %dma_wait3A_582 = tpu.memref_slice %arg6[%add3A_196, %dma_wait3A_581] : memref<32768x64xf32, #tpu.memory_space<hbm>> -> memref<128x64xf32, #tpu.memory_space<hbm>>
      tpu.wait_dma2 semaphore(%run_scoped3A : memref<!tpu.dma_semaphore, #tpu.memory_space<semaphore_mem>>) src(%arg12 : memref<128x64xf32, #tpu.memory_space<vmem>>) dst(%dma_wait3A_582 : memref<128x64xf32, #tpu.memory_space<hbm>>)
      tpu.yield
    }) : () -> ()
    %dma_wait3A_197 = arith.constant 2 : i32
    %dma_wait3A_198 = arith.constant 0 : i32
    %dma_wait3A_199 = arith.constant 0 : i32
    %dma_wait3A_200 = arith.constant 0 : i32
    %dma_wait3A_201 = tpu.memref_slice %arg10[%dma_wait3A_198, %dma_wait3A_199, %dma_wait3A_200] : memref<2x128x128xf32, #tpu.memory_space<vmem>> -> memref<1x128x128xf32, #tpu.memory_space<vmem>>
    %dma_wait3A_202 = tpu.memref_squeeze %dma_wait3A_201 : memref<1x128x128xf32, #tpu.memory_space<vmem>> -> memref<128x128xf32, #tpu.memory_space<vmem>>
    %dma_wait3A_203 = arith.constant 0 : i32
    %dma_wait3A_204 = arith.constant 0 : i32
    %dma_wait3A_205 = tpu.memref_slice %dma_wait3A_202[%dma_wait3A_203, %dma_wait3A_204] : memref<128x128xf32, #tpu.memory_space<vmem>> -> memref<128x128xf32, #tpu.memory_space<vmem>>
    %dma_wait3A_206 = arith.constant 0 : i32
    %dma_wait3A_207 = tpu.memref_slice %arg7[%dma_wait3A_197, %dma_wait3A_206] : memref<8x128xi32, #tpu.memory_space<vmem>> -> memref<1x128xi32, #tpu.memory_space<vmem>>
    %dma_wait3A_208 = tpu.memref_squeeze %dma_wait3A_207 : memref<1x128xi32, #tpu.memory_space<vmem>> -> memref<128xi32, #tpu.memory_space<vmem>>
    %dma_wait3A_209 = arith.constant 0 : i32
    %dma_wait3A_210 = arith.constant 0 : i32
    %dma_wait3A_211 = tpu.memref_slice %arg2[%dma_wait3A_209, %dma_wait3A_210] : memref<1000000x128xf32, #tpu.memory_space<hbm>> -> memref<1000000x128xf32, #tpu.memory_space<hbm>>
    tpu.wait_indirect_dma semaphore(%arg13 : memref<!tpu.dma_semaphore, #tpu.memory_space<semaphore_mem>>) src(%dma_wait3A_211 : memref<1000000x128xf32, #tpu.memory_space<hbm>>) dst(%dma_wait3A_205 : memref<128x128xf32, #tpu.memory_space<vmem>>)
    %dma_wait3A_212 = arith.constant 2 : i32
    %dma_wait3A_213 = arith.constant 0 : i32
    %dma_wait3A_214 = arith.constant 0 : i32
    %dma_wait3A_215 = arith.constant 0 : i32
    %dma_wait3A_216 = tpu.memref_slice %arg11[%dma_wait3A_213, %dma_wait3A_214, %dma_wait3A_215] : memref<2x128x128xf32, #tpu.memory_space<vmem>> -> memref<1x128x128xf32, #tpu.memory_space<vmem>>
    %dma_wait3A_217 = tpu.memref_squeeze %dma_wait3A_216 : memref<1x128x128xf32, #tpu.memory_space<vmem>> -> memref<128x128xf32, #tpu.memory_space<vmem>>
    %dma_wait3A_218 = arith.constant 0 : i32
    %dma_wait3A_219 = arith.constant 0 : i32
    %dma_wait3A_220 = tpu.memref_slice %dma_wait3A_217[%dma_wait3A_218, %dma_wait3A_219] : memref<128x128xf32, #tpu.memory_space<vmem>> -> memref<128x128xf32, #tpu.memory_space<vmem>>
    %dma_wait3A_221 = arith.constant 0 : i32
    %dma_wait3A_222 = tpu.memref_slice %arg8[%dma_wait3A_212, %dma_wait3A_221] : memref<8x128xi32, #tpu.memory_space<vmem>> -> memref<1x128xi32, #tpu.memory_space<vmem>>
    %dma_wait3A_223 = tpu.memref_squeeze %dma_wait3A_222 : memref<1x128xi32, #tpu.memory_space<vmem>> -> memref<128xi32, #tpu.memory_space<vmem>>
    %dma_wait3A_224 = arith.constant 0 : i32
    %dma_wait3A_225 = arith.constant 0 : i32
    %dma_wait3A_226 = tpu.memref_slice %arg2[%dma_wait3A_224, %dma_wait3A_225] : memref<1000000x128xf32, #tpu.memory_space<hbm>> -> memref<1000000x128xf32, #tpu.memory_space<hbm>>
    tpu.wait_indirect_dma semaphore(%arg14 : memref<!tpu.dma_semaphore, #tpu.memory_space<semaphore_mem>>) src(%dma_wait3A_226 : memref<1000000x128xf32, #tpu.memory_space<hbm>>) dst(%dma_wait3A_220 : memref<128x128xf32, #tpu.memory_space<vmem>>)
    %dma_start3A_227 = arith.constant 3 : i32
    %dma_start3A_228 = arith.constant 1 : i32
    %dma_start3A_229 = arith.constant 0 : i32
    %dma_start3A_230 = arith.constant 0 : i32
    %dma_start3A_231 = tpu.memref_slice %arg10[%dma_start3A_228, %dma_start3A_229, %dma_start3A_230] : memref<2x128x128xf32, #tpu.memory_space<vmem>> -> memref<1x128x128xf32, #tpu.memory_space<vmem>>
    %dma_start3A_232 = tpu.memref_squeeze %dma_start3A_231 : memref<1x128x128xf32, #tpu.memory_space<vmem>> -> memref<128x128xf32, #tpu.memory_space<vmem>>
    %dma_start3A_233 = arith.constant 0 : i32
    %dma_start3A_234 = arith.constant 0 : i32
    %dma_start3A_235 = tpu.memref_slice %dma_start3A_232[%dma_start3A_233, %dma_start3A_234] : memref<128x128xf32, #tpu.memory_space<vmem>> -> memref<128x128xf32, #tpu.memory_space<vmem>>
    %dma_start3A_236 = arith.constant 0 : i32
    %dma_start3A_237 = tpu.memref_slice %arg7[%dma_start3A_227, %dma_start3A_236] : memref<8x128xi32, #tpu.memory_space<vmem>> -> memref<1x128xi32, #tpu.memory_space<vmem>>
    %dma_start3A_238 = tpu.memref_squeeze %dma_start3A_237 : memref<1x128xi32, #tpu.memory_space<vmem>> -> memref<128xi32, #tpu.memory_space<vmem>>
    %dma_start3A_239 = arith.constant 0 : i32
    %dma_start3A_240 = arith.constant 0 : i32
    %dma_start3A_241 = tpu.memref_slice %arg2[%dma_start3A_239, %dma_start3A_240] : memref<1000000x128xf32, #tpu.memory_space<hbm>> -> memref<1000000x128xf32, #tpu.memory_space<hbm>>
    tpu.enqueue_indirect_dma source(%dma_start3A_241 : memref<1000000x128xf32, #tpu.memory_space<hbm>>) target(%dma_start3A_235 : memref<128x128xf32, #tpu.memory_space<vmem>>) offsets(%dma_start3A_238 : memref<128xi32, #tpu.memory_space<vmem>>) semaphore(%arg13 : memref<!tpu.dma_semaphore, #tpu.memory_space<semaphore_mem>>)
    %dma_start3A_242 = arith.constant 3 : i32
    %dma_start3A_243 = arith.constant 1 : i32
    %dma_start3A_244 = arith.constant 0 : i32
    %dma_start3A_245 = arith.constant 0 : i32
    %dma_start3A_246 = tpu.memref_slice %arg11[%dma_start3A_243, %dma_start3A_244, %dma_start3A_245] : memref<2x128x128xf32, #tpu.memory_space<vmem>> -> memref<1x128x128xf32, #tpu.memory_space<vmem>>
    %dma_start3A_247 = tpu.memref_squeeze %dma_start3A_246 : memref<1x128x128xf32, #tpu.memory_space<vmem>> -> memref<128x128xf32, #tpu.memory_space<vmem>>
    %dma_start3A_248 = arith.constant 0 : i32
    %dma_start3A_249 = arith.constant 0 : i32
    %dma_start3A_250 = tpu.memref_slice %dma_start3A_247[%dma_start3A_248, %dma_start3A_249] : memref<128x128xf32, #tpu.memory_space<vmem>> -> memref<128x128xf32, #tpu.memory_space<vmem>>
    %dma_start3A_251 = arith.constant 0 : i32
    %dma_start3A_252 = tpu.memref_slice %arg8[%dma_start3A_242, %dma_start3A_251] : memref<8x128xi32, #tpu.memory_space<vmem>> -> memref<1x128xi32, #tpu.memory_space<vmem>>
    %dma_start3A_253 = tpu.memref_squeeze %dma_start3A_252 : memref<1x128xi32, #tpu.memory_space<vmem>> -> memref<128xi32, #tpu.memory_space<vmem>>
    %dma_start3A_254 = arith.constant 0 : i32
    %dma_start3A_255 = arith.constant 0 : i32
    %dma_start3A_256 = tpu.memref_slice %arg2[%dma_start3A_254, %dma_start3A_255] : memref<1000000x128xf32, #tpu.memory_space<hbm>> -> memref<1000000x128xf32, #tpu.memory_space<hbm>>
    tpu.enqueue_indirect_dma source(%dma_start3A_256 : memref<1000000x128xf32, #tpu.memory_space<hbm>>) target(%dma_start3A_250 : memref<128x128xf32, #tpu.memory_space<vmem>>) offsets(%dma_start3A_253 : memref<128xi32, #tpu.memory_space<vmem>>) semaphore(%arg14 : memref<!tpu.dma_semaphore, #tpu.memory_space<semaphore_mem>>)
    %scan3A_257 = arith.constant 0 : i32
    %scan3A_258 = arith.constant 0 : i32
    %scan3A_259 = arith.constant 128 : i32
    %scan3A_260 = arith.addi %scan3A_258, %scan3A_259 : i32
    %scan3A_261 = arith.constant 4 : i32
    scf.for %scan3A_575 = %scan3A_258 to %scan3A_260 step %scan3A_261  : i32 {
      %get3A_576 = arith.constant 0 : i32
      %get3A_577 = arith.index_cast %get3A_576 : i32 to index
      %get3A_578 = arith.index_cast %scan3A_575 : i32 to index
      %get3A_579 = arith.constant 0 : index
      %get3A_580 = tpu.vector_load %arg10[%get3A_577, %get3A_578, %get3A_579] {strides = array<i32>} : memref<2x128x128xf32, #tpu.memory_space<vmem>>, vector<1x1x16xf32>,
      %get3A_581 = vector.shape_cast %get3A_580 : vector<1x1x16xf32> to vector<16xf32>
      %mul3A_582 = arith.mulf %get3A_24, %get3A_581 : vector<16xf32>
      %get3A_583 = arith.constant 0 : i32
      %get3A_584 = arith.index_cast %get3A_583 : i32 to index
      %get3A_585 = arith.index_cast %scan3A_575 : i32 to index
      %get3A_586 = arith.constant 0 : index
      %get3A_587 = tpu.vector_load %arg11[%get3A_584, %get3A_585, %get3A_586] {strides = array<i32>} : memref<2x128x128xf32, #tpu.memory_space<vmem>>, vector<1x1x16xf32>,
      %get3A_588 = vector.shape_cast %get3A_587 : vector<1x1x16xf32> to vector<16xf32>
      %mul3A_589 = arith.mulf %mul3A_582, %get3A_588 : vector<16xf32>
      %swap3A = arith.index_cast %scan3A_575 : i32 to index
      %swap3A_590 = arith.constant 0 : index
      %swap3A_591 = tpu.vector_load %arg12[%swap3A, %swap3A_590] {strides = array<i32>} : memref<128x64xf32, #tpu.memory_space<vmem>>, vector<1x16xf32>,
      %swap3A_592 = vector.shape_cast %swap3A_591 : vector<1x16xf32> to vector<16xf32>
      %swap3A_593 = vector.shape_cast %mul3A_589 : vector<16xf32> to vector<1x16xf32>
      tpu.vector_store %arg12[%swap3A, %swap3A_590], %swap3A_593 {strides = array<i32>} : memref<128x64xf32, #tpu.memory_space<vmem>>, vector<1x16xf32>,
      %get3A_594 = arith.constant 0 : i32
      %get3A_595 = arith.index_cast %get3A_594 : i32 to index
      %get3A_596 = arith.index_cast %scan3A_575 : i32 to index
      %get3A_597 = arith.constant 16 : index
      %get3A_598 = tpu.vector_load %arg10[%get3A_595, %get3A_596, %get3A_597] {strides = array<i32>} : memref<2x128x128xf32, #tpu.memory_space<vmem>>, vector<1x1x16xf32>,
      %get3A_599 = vector.shape_cast %get3A_598 : vector<1x1x16xf32> to vector<16xf32>
      %mul3A_600 = arith.mulf %get3A_27, %get3A_599 : vector<16xf32>
      %get3A_601 = arith.constant 0 : i32
      %get3A_602 = arith.index_cast %get3A_601 : i32 to index
      %get3A_603 = arith.index_cast %scan3A_575 : i32 to index
      %get3A_604 = arith.constant 16 : index
      %get3A_605 = tpu.vector_load %arg11[%get3A_602, %get3A_603, %get3A_604] {strides = array<i32>} : memref<2x128x128xf32, #tpu.memory_space<vmem>>, vector<1x1x16xf32>,
      %get3A_606 = vector.shape_cast %get3A_605 : vector<1x1x16xf32> to vector<16xf32>
      %mul3A_607 = arith.mulf %mul3A_600, %get3A_606 : vector<16xf32>
      %swap3A_608 = arith.index_cast %scan3A_575 : i32 to index
      %swap3A_609 = arith.constant 16 : index
      %swap3A_610 = tpu.vector_load %arg12[%swap3A_608, %swap3A_609] {strides = array<i32>} : memref<128x64xf32, #tpu.memory_space<vmem>>, vector<1x16xf32>,
      %swap3A_611 = vector.shape_cast %swap3A_610 : vector<1x16xf32> to vector<16xf32>
      %swap3A_612 = vector.shape_cast %mul3A_607 : vector<16xf32> to vector<1x16xf32>
      tpu.vector_store %arg12[%swap3A_608, %swap3A_609], %swap3A_612 {strides = array<i32>} : memref<128x64xf32, #tpu.memory_space<vmem>>, vector<1x16xf32>,
      %get3A_613 = arith.constant 0 : i32
      %get3A_614 = arith.index_cast %get3A_613 : i32 to index
      %get3A_615 = arith.index_cast %scan3A_575 : i32 to index
      %get3A_616 = arith.constant 32 : index
      %get3A_617 = tpu.vector_load %arg10[%get3A_614, %get3A_615, %get3A_616] {strides = array<i32>} : memref<2x128x128xf32, #tpu.memory_space<vmem>>, vector<1x1x16xf32>,
      %get3A_618 = vector.shape_cast %get3A_617 : vector<1x1x16xf32> to vector<16xf32>
      %mul3A_619 = arith.mulf %get3A_30, %get3A_618 : vector<16xf32>
      %get3A_620 = arith.constant 0 : i32
      %get3A_621 = arith.index_cast %get3A_620 : i32 to index
      %get3A_622 = arith.index_cast %scan3A_575 : i32 to index
      %get3A_623 = arith.constant 32 : index
      %get3A_624 = tpu.vector_load %arg11[%get3A_621, %get3A_622, %get3A_623] {strides = array<i32>} : memref<2x128x128xf32, #tpu.memory_space<vmem>>, vector<1x1x16xf32>,
      %get3A_625 = vector.shape_cast %get3A_624 : vector<1x1x16xf32> to vector<16xf32>
      %mul3A_626 = arith.mulf %mul3A_619, %get3A_625 : vector<16xf32>
      %swap3A_627 = arith.index_cast %scan3A_575 : i32 to index
      %swap3A_628 = arith.constant 32 : index
      %swap3A_629 = tpu.vector_load %arg12[%swap3A_627, %swap3A_628] {strides = array<i32>} : memref<128x64xf32, #tpu.memory_space<vmem>>, vector<1x16xf32>,
      %swap3A_630 = vector.shape_cast %swap3A_629 : vector<1x16xf32> to vector<16xf32>
      %swap3A_631 = vector.shape_cast %mul3A_626 : vector<16xf32> to vector<1x16xf32>
      tpu.vector_store %arg12[%swap3A_627, %swap3A_628], %swap3A_631 {strides = array<i32>} : memref<128x64xf32, #tpu.memory_space<vmem>>, vector<1x16xf32>,
      %get3A_632 = arith.constant 0 : i32
      %get3A_633 = arith.index_cast %get3A_632 : i32 to index
      %get3A_634 = arith.index_cast %scan3A_575 : i32 to index
      %get3A_635 = arith.constant 48 : index
      %get3A_636 = tpu.vector_load %arg10[%get3A_633, %get3A_634, %get3A_635] {strides = array<i32>} : memref<2x128x128xf32, #tpu.memory_space<vmem>>, vector<1x1x16xf32>,
      %get3A_637 = vector.shape_cast %get3A_636 : vector<1x1x16xf32> to vector<16xf32>
      %mul3A_638 = arith.mulf %get3A_33, %get3A_637 : vector<16xf32>
      %get3A_639 = arith.constant 0 : i32
      %get3A_640 = arith.index_cast %get3A_639 : i32 to index
      %get3A_641 = arith.index_cast %scan3A_575 : i32 to index
      %get3A_642 = arith.constant 48 : index
      %get3A_643 = tpu.vector_load %arg11[%get3A_640, %get3A_641, %get3A_642] {strides = array<i32>} : memref<2x128x128xf32, #tpu.memory_space<vmem>>, vector<1x1x16xf32>,
      %get3A_644 = vector.shape_cast %get3A_643 : vector<1x1x16xf32> to vector<16xf32>
      %mul3A_645 = arith.mulf %mul3A_638, %get3A_644 : vector<16xf32>
      %swap3A_646 = arith.index_cast %scan3A_575 : i32 to index
      %swap3A_647 = arith.constant 48 : index
      %swap3A_648 = tpu.vector_load %arg12[%swap3A_646, %swap3A_647] {strides = array<i32>} : memref<128x64xf32, #tpu.memory_space<vmem>>, vector<1x16xf32>,
      %swap3A_649 = vector.shape_cast %swap3A_648 : vector<1x16xf32> to vector<16xf32>
      %swap3A_650 = vector.shape_cast %mul3A_645 : vector<16xf32> to vector<1x16xf32>
      tpu.vector_store %arg12[%swap3A_646, %swap3A_647], %swap3A_650 {strides = array<i32>} : memref<128x64xf32, #tpu.memory_space<vmem>>, vector<1x16xf32>,
      %scan3A_651 = arith.constant 1 : i32
      %scan3A_652 = arith.addi %scan3A_575, %scan3A_651 : i32
      %get3A_653 = arith.constant 0 : i32
      %get3A_654 = arith.index_cast %get3A_653 : i32 to index
      %get3A_655 = arith.index_cast %scan3A_652 : i32 to index
      %get3A_656 = arith.constant 0 : index
      %get3A_657 = tpu.vector_load %arg10[%get3A_654, %get3A_655, %get3A_656] {strides = array<i32>} : memref<2x128x128xf32, #tpu.memory_space<vmem>>, vector<1x1x16xf32>,
      %get3A_658 = vector.shape_cast %get3A_657 : vector<1x1x16xf32> to vector<16xf32>
      %mul3A_659 = arith.mulf %get3A_24, %get3A_658 : vector<16xf32>
      %get3A_660 = arith.constant 0 : i32
      %get3A_661 = arith.index_cast %get3A_660 : i32 to index
      %get3A_662 = arith.index_cast %scan3A_652 : i32 to index
      %get3A_663 = arith.constant 0 : index
      %get3A_664 = tpu.vector_load %arg11[%get3A_661, %get3A_662, %get3A_663] {strides = array<i32>} : memref<2x128x128xf32, #tpu.memory_space<vmem>>, vector<1x1x16xf32>,
      %get3A_665 = vector.shape_cast %get3A_664 : vector<1x1x16xf32> to vector<16xf32>
      %mul3A_666 = arith.mulf %mul3A_659, %get3A_665 : vector<16xf32>
      %swap3A_667 = arith.index_cast %scan3A_652 : i32 to index
      %swap3A_668 = arith.constant 0 : index
      %swap3A_669 = tpu.vector_load %arg12[%swap3A_667, %swap3A_668] {strides = array<i32>} : memref<128x64xf32, #tpu.memory_space<vmem>>, vector<1x16xf32>,
      %swap3A_670 = vector.shape_cast %swap3A_669 : vector<1x16xf32> to vector<16xf32>
      %swap3A_671 = vector.shape_cast %mul3A_666 : vector<16xf32> to vector<1x16xf32>
      tpu.vector_store %arg12[%swap3A_667, %swap3A_668], %swap3A_671 {strides = array<i32>} : memref<128x64xf32, #tpu.memory_space<vmem>>, vector<1x16xf32>,
      %get3A_672 = arith.constant 0 : i32
      %get3A_673 = arith.index_cast %get3A_672 : i32 to index
      %get3A_674 = arith.index_cast %scan3A_652 : i32 to index
      %get3A_675 = arith.constant 16 : index
      %get3A_676 = tpu.vector_load %arg10[%get3A_673, %get3A_674, %get3A_675] {strides = array<i32>} : memref<2x128x128xf32, #tpu.memory_space<vmem>>, vector<1x1x16xf32>,
      %get3A_677 = vector.shape_cast %get3A_676 : vector<1x1x16xf32> to vector<16xf32>
      %mul3A_678 = arith.mulf %get3A_27, %get3A_677 : vector<16xf32>
      %get3A_679 = arith.constant 0 : i32
      %get3A_680 = arith.index_cast %get3A_679 : i32 to index
      %get3A_681 = arith.index_cast %scan3A_652 : i32 to index
      %get3A_682 = arith.constant 16 : index
      %get3A_683 = tpu.vector_load %arg11[%get3A_680, %get3A_681, %get3A_682] {strides = array<i32>} : memref<2x128x128xf32, #tpu.memory_space<vmem>>, vector<1x1x16xf32>,
      %get3A_684 = vector.shape_cast %get3A_683 : vector<1x1x16xf32> to vector<16xf32>
      %mul3A_685 = arith.mulf %mul3A_678, %get3A_684 : vector<16xf32>
      %swap3A_686 = arith.index_cast %scan3A_652 : i32 to index
      %swap3A_687 = arith.constant 16 : index
      %swap3A_688 = tpu.vector_load %arg12[%swap3A_686, %swap3A_687] {strides = array<i32>} : memref<128x64xf32, #tpu.memory_space<vmem>>, vector<1x16xf32>,
      %swap3A_689 = vector.shape_cast %swap3A_688 : vector<1x16xf32> to vector<16xf32>
      %swap3A_690 = vector.shape_cast %mul3A_685 : vector<16xf32> to vector<1x16xf32>
      tpu.vector_store %arg12[%swap3A_686, %swap3A_687], %swap3A_690 {strides = array<i32>} : memref<128x64xf32, #tpu.memory_space<vmem>>, vector<1x16xf32>,
      %get3A_691 = arith.constant 0 : i32
      %get3A_692 = arith.index_cast %get3A_691 : i32 to index
      %get3A_693 = arith.index_cast %scan3A_652 : i32 to index
      %get3A_694 = arith.constant 32 : index
      %get3A_695 = tpu.vector_load %arg10[%get3A_692, %get3A_693, %get3A_694] {strides = array<i32>} : memref<2x128x128xf32, #tpu.memory_space<vmem>>, vector<1x1x16xf32>,
      %get3A_696 = vector.shape_cast %get3A_695 : vector<1x1x16xf32> to vector<16xf32>
      %mul3A_697 = arith.mulf %get3A_30, %get3A_696 : vector<16xf32>
      %get3A_698 = arith.constant 0 : i32
      %get3A_699 = arith.index_cast %get3A_698 : i32 to index
      %get3A_700 = arith.index_cast %scan3A_652 : i32 to index
      %get3A_701 = arith.constant 32 : index
      %get3A_702 = tpu.vector_load %arg11[%get3A_699, %get3A_700, %get3A_701] {strides = array<i32>} : memref<2x128x128xf32, #tpu.memory_space<vmem>>, vector<1x1x16xf32>,
      %get3A_703 = vector.shape_cast %get3A_702 : vector<1x1x16xf32> to vector<16xf32>
      %mul3A_704 = arith.mulf %mul3A_697, %get3A_703 : vector<16xf32>
      %swap3A_705 = arith.index_cast %scan3A_652 : i32 to index
      %swap3A_706 = arith.constant 32 : index
      %swap3A_707 = tpu.vector_load %arg12[%swap3A_705, %swap3A_706] {strides = array<i32>} : memref<128x64xf32, #tpu.memory_space<vmem>>, vector<1x16xf32>,
      %swap3A_708 = vector.shape_cast %swap3A_707 : vector<1x16xf32> to vector<16xf32>
      %swap3A_709 = vector.shape_cast %mul3A_704 : vector<16xf32> to vector<1x16xf32>
      tpu.vector_store %arg12[%swap3A_705, %swap3A_706], %swap3A_709 {strides = array<i32>} : memref<128x64xf32, #tpu.memory_space<vmem>>, vector<1x16xf32>,
      %get3A_710 = arith.constant 0 : i32
      %get3A_711 = arith.index_cast %get3A_710 : i32 to index
      %get3A_712 = arith.index_cast %scan3A_652 : i32 to index
      %get3A_713 = arith.constant 48 : index
      %get3A_714 = tpu.vector_load %arg10[%get3A_711, %get3A_712, %get3A_713] {strides = array<i32>} : memref<2x128x128xf32, #tpu.memory_space<vmem>>, vector<1x1x16xf32>,
      %get3A_715 = vector.shape_cast %get3A_714 : vector<1x1x16xf32> to vector<16xf32>
      %mul3A_716 = arith.mulf %get3A_33, %get3A_715 : vector<16xf32>
      %get3A_717 = arith.constant 0 : i32
      %get3A_718 = arith.index_cast %get3A_717 : i32 to index
      %get3A_719 = arith.index_cast %scan3A_652 : i32 to index
      %get3A_720 = arith.constant 48 : index
      %get3A_721 = tpu.vector_load %arg11[%get3A_718, %get3A_719, %get3A_720] {strides = array<i32>} : memref<2x128x128xf32, #tpu.memory_space<vmem>>, vector<1x1x16xf32>,
      %get3A_722 = vector.shape_cast %get3A_721 : vector<1x1x16xf32> to vector<16xf32>
      %mul3A_723 = arith.mulf %mul3A_716, %get3A_722 : vector<16xf32>
      %swap3A_724 = arith.index_cast %scan3A_652 : i32 to index
      %swap3A_725 = arith.constant 48 : index
      %swap3A_726 = tpu.vector_load %arg12[%swap3A_724, %swap3A_725] {strides = array<i32>} : memref<128x64xf32, #tpu.memory_space<vmem>>, vector<1x16xf32>,
      %swap3A_727 = vector.shape_cast %swap3A_726 : vector<1x16xf32> to vector<16xf32>
      %swap3A_728 = vector.shape_cast %mul3A_723 : vector<16xf32> to vector<1x16xf32>
      tpu.vector_store %arg12[%swap3A_724, %swap3A_725], %swap3A_728 {strides = array<i32>} : memref<128x64xf32, #tpu.memory_space<vmem>>, vector<1x16xf32>,
      %scan3A_729 = arith.constant 2 : i32
      %scan3A_730 = arith.addi %scan3A_575, %scan3A_729 : i32
      %get3A_731 = arith.constant 0 : i32
      %get3A_732 = arith.index_cast %get3A_731 : i32 to index
      %get3A_733 = arith.index_cast %scan3A_730 : i32 to index
      %get3A_734 = arith.constant 0 : index
      %get3A_735 = tpu.vector_load %arg10[%get3A_732, %get3A_733, %get3A_734] {strides = array<i32>} : memref<2x128x128xf32, #tpu.memory_space<vmem>>, vector<1x1x16xf32>,
      %get3A_736 = vector.shape_cast %get3A_735 : vector<1x1x16xf32> to vector<16xf32>
      %mul3A_737 = arith.mulf %get3A_24, %get3A_736 : vector<16xf32>
      %get3A_738 = arith.constant 0 : i32
      %get3A_739 = arith.index_cast %get3A_738 : i32 to index
      %get3A_740 = arith.index_cast %scan3A_730 : i32 to index
      %get3A_741 = arith.constant 0 : index
      %get3A_742 = tpu.vector_load %arg11[%get3A_739, %get3A_740, %get3A_741] {strides = array<i32>} : memref<2x128x128xf32, #tpu.memory_space<vmem>>, vector<1x1x16xf32>,
      %get3A_743 = vector.shape_cast %get3A_742 : vector<1x1x16xf32> to vector<16xf32>
      %mul3A_744 = arith.mulf %mul3A_737, %get3A_743 : vector<16xf32>
      %swap3A_745 = arith.index_cast %scan3A_730 : i32 to index
      %swap3A_746 = arith.constant 0 : index
      %swap3A_747 = tpu.vector_load %arg12[%swap3A_745, %swap3A_746] {strides = array<i32>} : memref<128x64xf32, #tpu.memory_space<vmem>>, vector<1x16xf32>,
      %swap3A_748 = vector.shape_cast %swap3A_747 : vector<1x16xf32> to vector<16xf32>
      %swap3A_749 = vector.shape_cast %mul3A_744 : vector<16xf32> to vector<1x16xf32>
      tpu.vector_store %arg12[%swap3A_745, %swap3A_746], %swap3A_749 {strides = array<i32>} : memref<128x64xf32, #tpu.memory_space<vmem>>, vector<1x16xf32>,
      %get3A_750 = arith.constant 0 : i32
      %get3A_751 = arith.index_cast %get3A_750 : i32 to index
      %get3A_752 = arith.index_cast %scan3A_730 : i32 to index
      %get3A_753 = arith.constant 16 : index
      %get3A_754 = tpu.vector_load %arg10[%get3A_751, %get3A_752, %get3A_753] {strides = array<i32>} : memref<2x128x128xf32, #tpu.memory_space<vmem>>, vector<1x1x16xf32>,
      %get3A_755 = vector.shape_cast %get3A_754 : vector<1x1x16xf32> to vector<16xf32>
      %mul3A_756 = arith.mulf %get3A_27, %get3A_755 : vector<16xf32>
      %get3A_757 = arith.constant 0 : i32
      %get3A_758 = arith.index_cast %get3A_757 : i32 to index
      %get3A_759 = arith.index_cast %scan3A_730 : i32 to index
      %get3A_760 = arith.constant 16 : index
      %get3A_761 = tpu.vector_load %arg11[%get3A_758, %get3A_759, %get3A_760] {strides = array<i32>} : memref<2x128x128xf32, #tpu.memory_space<vmem>>, vector<1x1x16xf32>,
      %get3A_762 = vector.shape_cast %get3A_761 : vector<1x1x16xf32> to vector<16xf32>
      %mul3A_763 = arith.mulf %mul3A_756, %get3A_762 : vector<16xf32>
      %swap3A_764 = arith.index_cast %scan3A_730 : i32 to index
      %swap3A_765 = arith.constant 16 : index
      %swap3A_766 = tpu.vector_load %arg12[%swap3A_764, %swap3A_765] {strides = array<i32>} : memref<128x64xf32, #tpu.memory_space<vmem>>, vector<1x16xf32>,
      %swap3A_767 = vector.shape_cast %swap3A_766 : vector<1x16xf32> to vector<16xf32>
      %swap3A_768 = vector.shape_cast %mul3A_763 : vector<16xf32> to vector<1x16xf32>
      tpu.vector_store %arg12[%swap3A_764, %swap3A_765], %swap3A_768 {strides = array<i32>} : memref<128x64xf32, #tpu.memory_space<vmem>>, vector<1x16xf32>,
      %get3A_769 = arith.constant 0 : i32
      %get3A_770 = arith.index_cast %get3A_769 : i32 to index
      %get3A_771 = arith.index_cast %scan3A_730 : i32 to index
      %get3A_772 = arith.constant 32 : index
      %get3A_773 = tpu.vector_load %arg10[%get3A_770, %get3A_771, %get3A_772] {strides = array<i32>} : memref<2x128x128xf32, #tpu.memory_space<vmem>>, vector<1x1x16xf32>,
      %get3A_774 = vector.shape_cast %get3A_773 : vector<1x1x16xf32> to vector<16xf32>
      %mul3A_775 = arith.mulf %get3A_30, %get3A_774 : vector<16xf32>
      %get3A_776 = arith.constant 0 : i32
      %get3A_777 = arith.index_cast %get3A_776 : i32 to index
      %get3A_778 = arith.index_cast %scan3A_730 : i32 to index
      %get3A_779 = arith.constant 32 : index
      %get3A_780 = tpu.vector_load %arg11[%get3A_777, %get3A_778, %get3A_779] {strides = array<i32>} : memref<2x128x128xf32, #tpu.memory_space<vmem>>, vector<1x1x16xf32>,
      %get3A_781 = vector.shape_cast %get3A_780 : vector<1x1x16xf32> to vector<16xf32>
      %mul3A_782 = arith.mulf %mul3A_775, %get3A_781 : vector<16xf32>
      %swap3A_783 = arith.index_cast %scan3A_730 : i32 to index
      %swap3A_784 = arith.constant 32 : index
      %swap3A_785 = tpu.vector_load %arg12[%swap3A_783, %swap3A_784] {strides = array<i32>} : memref<128x64xf32, #tpu.memory_space<vmem>>, vector<1x16xf32>,
      %swap3A_786 = vector.shape_cast %swap3A_785 : vector<1x16xf32> to vector<16xf32>
      %swap3A_787 = vector.shape_cast %mul3A_782 : vector<16xf32> to vector<1x16xf32>
      tpu.vector_store %arg12[%swap3A_783, %swap3A_784], %swap3A_787 {strides = array<i32>} : memref<128x64xf32, #tpu.memory_space<vmem>>, vector<1x16xf32>,
      %get3A_788 = arith.constant 0 : i32
      %get3A_789 = arith.index_cast %get3A_788 : i32 to index
      %get3A_790 = arith.index_cast %scan3A_730 : i32 to index
      %get3A_791 = arith.constant 48 : index
      %get3A_792 = tpu.vector_load %arg10[%get3A_789, %get3A_790, %get3A_791] {strides = array<i32>} : memref<2x128x128xf32, #tpu.memory_space<vmem>>, vector<1x1x16xf32>,
      %get3A_793 = vector.shape_cast %get3A_792 : vector<1x1x16xf32> to vector<16xf32>
      %mul3A_794 = arith.mulf %get3A_33, %get3A_793 : vector<16xf32>
      %get3A_795 = arith.constant 0 : i32
      %get3A_796 = arith.index_cast %get3A_795 : i32 to index
      %get3A_797 = arith.index_cast %scan3A_730 : i32 to index
      %get3A_798 = arith.constant 48 : index
      %get3A_799 = tpu.vector_load %arg11[%get3A_796, %get3A_797, %get3A_798] {strides = array<i32>} : memref<2x128x128xf32, #tpu.memory_space<vmem>>, vector<1x1x16xf32>,
      %get3A_800 = vector.shape_cast %get3A_799 : vector<1x1x16xf32> to vector<16xf32>
      %mul3A_801 = arith.mulf %mul3A_794, %get3A_800 : vector<16xf32>
      %swap3A_802 = arith.index_cast %scan3A_730 : i32 to index
      %swap3A_803 = arith.constant 48 : index
      %swap3A_804 = tpu.vector_load %arg12[%swap3A_802, %swap3A_803] {strides = array<i32>} : memref<128x64xf32, #tpu.memory_space<vmem>>, vector<1x16xf32>,
      %swap3A_805 = vector.shape_cast %swap3A_804 : vector<1x16xf32> to vector<16xf32>
      %swap3A_806 = vector.shape_cast %mul3A_801 : vector<16xf32> to vector<1x16xf32>
      tpu.vector_store %arg12[%swap3A_802, %swap3A_803], %swap3A_806 {strides = array<i32>} : memref<128x64xf32, #tpu.memory_space<vmem>>, vector<1x16xf32>,
      %scan3A_807 = arith.constant 3 : i32
      %scan3A_808 = arith.addi %scan3A_575, %scan3A_807 : i32
      %get3A_809 = arith.constant 0 : i32
      %get3A_810 = arith.index_cast %get3A_809 : i32 to index
      %get3A_811 = arith.index_cast %scan3A_808 : i32 to index
      %get3A_812 = arith.constant 0 : index
      %get3A_813 = tpu.vector_load %arg10[%get3A_810, %get3A_811, %get3A_812] {strides = array<i32>} : memref<2x128x128xf32, #tpu.memory_space<vmem>>, vector<1x1x16xf32>,
      %get3A_814 = vector.shape_cast %get3A_813 : vector<1x1x16xf32> to vector<16xf32>
      %mul3A_815 = arith.mulf %get3A_24, %get3A_814 : vector<16xf32>
      %get3A_816 = arith.constant 0 : i32
      %get3A_817 = arith.index_cast %get3A_816 : i32 to index
      %get3A_818 = arith.index_cast %scan3A_808 : i32 to index
      %get3A_819 = arith.constant 0 : index
      %get3A_820 = tpu.vector_load %arg11[%get3A_817, %get3A_818, %get3A_819] {strides = array<i32>} : memref<2x128x128xf32, #tpu.memory_space<vmem>>, vector<1x1x16xf32>,
      %get3A_821 = vector.shape_cast %get3A_820 : vector<1x1x16xf32> to vector<16xf32>
      %mul3A_822 = arith.mulf %mul3A_815, %get3A_821 : vector<16xf32>
      %swap3A_823 = arith.index_cast %scan3A_808 : i32 to index
      %swap3A_824 = arith.constant 0 : index
      %swap3A_825 = tpu.vector_load %arg12[%swap3A_823, %swap3A_824] {strides = array<i32>} : memref<128x64xf32, #tpu.memory_space<vmem>>, vector<1x16xf32>,
      %swap3A_826 = vector.shape_cast %swap3A_825 : vector<1x16xf32> to vector<16xf32>
      %swap3A_827 = vector.shape_cast %mul3A_822 : vector<16xf32> to vector<1x16xf32>
      tpu.vector_store %arg12[%swap3A_823, %swap3A_824], %swap3A_827 {strides = array<i32>} : memref<128x64xf32, #tpu.memory_space<vmem>>, vector<1x16xf32>,
      %get3A_828 = arith.constant 0 : i32
      %get3A_829 = arith.index_cast %get3A_828 : i32 to index
      %get3A_830 = arith.index_cast %scan3A_808 : i32 to index
      %get3A_831 = arith.constant 16 : index
      %get3A_832 = tpu.vector_load %arg10[%get3A_829, %get3A_830, %get3A_831] {strides = array<i32>} : memref<2x128x128xf32, #tpu.memory_space<vmem>>, vector<1x1x16xf32>,
      %get3A_833 = vector.shape_cast %get3A_832 : vector<1x1x16xf32> to vector<16xf32>
      %mul3A_834 = arith.mulf %get3A_27, %get3A_833 : vector<16xf32>
      %get3A_835 = arith.constant 0 : i32
      %get3A_836 = arith.index_cast %get3A_835 : i32 to index
      %get3A_837 = arith.index_cast %scan3A_808 : i32 to index
      %get3A_838 = arith.constant 16 : index
      %get3A_839 = tpu.vector_load %arg11[%get3A_836, %get3A_837, %get3A_838] {strides = array<i32>} : memref<2x128x128xf32, #tpu.memory_space<vmem>>, vector<1x1x16xf32>,
      %get3A_840 = vector.shape_cast %get3A_839 : vector<1x1x16xf32> to vector<16xf32>
      %mul3A_841 = arith.mulf %mul3A_834, %get3A_840 : vector<16xf32>
      %swap3A_842 = arith.index_cast %scan3A_808 : i32 to index
      %swap3A_843 = arith.constant 16 : index
      %swap3A_844 = tpu.vector_load %arg12[%swap3A_842, %swap3A_843] {strides = array<i32>} : memref<128x64xf32, #tpu.memory_space<vmem>>, vector<1x16xf32>,
      %swap3A_845 = vector.shape_cast %swap3A_844 : vector<1x16xf32> to vector<16xf32>
      %swap3A_846 = vector.shape_cast %mul3A_841 : vector<16xf32> to vector<1x16xf32>
      tpu.vector_store %arg12[%swap3A_842, %swap3A_843], %swap3A_846 {strides = array<i32>} : memref<128x64xf32, #tpu.memory_space<vmem>>, vector<1x16xf32>,
      %get3A_847 = arith.constant 0 : i32
      %get3A_848 = arith.index_cast %get3A_847 : i32 to index
      %get3A_849 = arith.index_cast %scan3A_808 : i32 to index
      %get3A_850 = arith.constant 32 : index
      %get3A_851 = tpu.vector_load %arg10[%get3A_848, %get3A_849, %get3A_850] {strides = array<i32>} : memref<2x128x128xf32, #tpu.memory_space<vmem>>, vector<1x1x16xf32>,
      %get3A_852 = vector.shape_cast %get3A_851 : vector<1x1x16xf32> to vector<16xf32>
      %mul3A_853 = arith.mulf %get3A_30, %get3A_852 : vector<16xf32>
      %get3A_854 = arith.constant 0 : i32
      %get3A_855 = arith.index_cast %get3A_854 : i32 to index
      %get3A_856 = arith.index_cast %scan3A_808 : i32 to index
      %get3A_857 = arith.constant 32 : index
      %get3A_858 = tpu.vector_load %arg11[%get3A_855, %get3A_856, %get3A_857] {strides = array<i32>} : memref<2x128x128xf32, #tpu.memory_space<vmem>>, vector<1x1x16xf32>,
      %get3A_859 = vector.shape_cast %get3A_858 : vector<1x1x16xf32> to vector<16xf32>
      %mul3A_860 = arith.mulf %mul3A_853, %get3A_859 : vector<16xf32>
      %swap3A_861 = arith.index_cast %scan3A_808 : i32 to index
      %swap3A_862 = arith.constant 32 : index
      %swap3A_863 = tpu.vector_load %arg12[%swap3A_861, %swap3A_862] {strides = array<i32>} : memref<128x64xf32, #tpu.memory_space<vmem>>, vector<1x16xf32>,
      %swap3A_864 = vector.shape_cast %swap3A_863 : vector<1x16xf32> to vector<16xf32>
      %swap3A_865 = vector.shape_cast %mul3A_860 : vector<16xf32> to vector<1x16xf32>
      tpu.vector_store %arg12[%swap3A_861, %swap3A_862], %swap3A_865 {strides = array<i32>} : memref<128x64xf32, #tpu.memory_space<vmem>>, vector<1x16xf32>,
      %get3A_866 = arith.constant 0 : i32
      %get3A_867 = arith.index_cast %get3A_866 : i32 to index
      %get3A_868 = arith.index_cast %scan3A_808 : i32 to index
      %get3A_869 = arith.constant 48 : index
      %get3A_870 = tpu.vector_load %arg10[%get3A_867, %get3A_868, %get3A_869] {strides = array<i32>} : memref<2x128x128xf32, #tpu.memory_space<vmem>>, vector<1x1x16xf32>,
      %get3A_871 = vector.shape_cast %get3A_870 : vector<1x1x16xf32> to vector<16xf32>
      %mul3A_872 = arith.mulf %get3A_33, %get3A_871 : vector<16xf32>
      %get3A_873 = arith.constant 0 : i32
      %get3A_874 = arith.index_cast %get3A_873 : i32 to index
      %get3A_875 = arith.index_cast %scan3A_808 : i32 to index
      %get3A_876 = arith.constant 48 : index
      %get3A_877 = tpu.vector_load %arg11[%get3A_874, %get3A_875, %get3A_876] {strides = array<i32>} : memref<2x128x128xf32, #tpu.memory_space<vmem>>, vector<1x1x16xf32>,
      %get3A_878 = vector.shape_cast %get3A_877 : vector<1x1x16xf32> to vector<16xf32>
      %mul3A_879 = arith.mulf %mul3A_872, %get3A_878 : vector<16xf32>
      %swap3A_880 = arith.index_cast %scan3A_808 : i32 to index
      %swap3A_881 = arith.constant 48 : index
      %swap3A_882 = tpu.vector_load %arg12[%swap3A_880, %swap3A_881] {strides = array<i32>} : memref<128x64xf32, #tpu.memory_space<vmem>>, vector<1x16xf32>,
      %swap3A_883 = vector.shape_cast %swap3A_882 : vector<1x16xf32> to vector<16xf32>
      %swap3A_884 = vector.shape_cast %mul3A_879 : vector<16xf32> to vector<1x16xf32>
      tpu.vector_store %arg12[%swap3A_880, %swap3A_881], %swap3A_884 {strides = array<i32>} : memref<128x64xf32, #tpu.memory_space<vmem>>, vector<1x16xf32>,
    }
    %scan3A_262 = arith.constant 128 : i32
    %add3A_263 = arith.constant 256 : i32
    %add3A_264 = arith.addi %mul3A_2, %add3A_263 : i32
    "tpu.region"() ({
      %run_scoped3A = tpu.sem_alloc : memref<!tpu.dma_semaphore, #tpu.memory_space<semaphore_mem>>
      %dma_start3A_575 = arith.constant 0 : i32
      %dma_start3A_576 = tpu.memref_slice %arg6[%add3A_264, %dma_start3A_575] : memref<32768x64xf32, #tpu.memory_space<hbm>> -> memref<128x64xf32, #tpu.memory_space<hbm>>
      %dma_start3A_577 = arith.constant 0 : i32
      %dma_start3A_578 = tpu.memref_slice %arg6[%add3A_264, %dma_start3A_577] : memref<32768x64xf32, #tpu.memory_space<hbm>> -> memref<128x64xf32, #tpu.memory_space<hbm>>
      tpu.enqueue_dma source(%arg12 : memref<128x64xf32, #tpu.memory_space<vmem>>) target(%dma_start3A_578 : memref<128x64xf32, #tpu.memory_space<hbm>>) target_semaphore(%run_scoped3A : memref<!tpu.dma_semaphore, #tpu.memory_space<semaphore_mem>>)
      %dma_wait3A_579 = arith.constant 0 : i32
      %dma_wait3A_580 = tpu.memref_slice %arg6[%add3A_264, %dma_wait3A_579] : memref<32768x64xf32, #tpu.memory_space<hbm>> -> memref<128x64xf32, #tpu.memory_space<hbm>>
      %dma_wait3A_581 = arith.constant 0 : i32
      %dma_wait3A_582 = tpu.memref_slice %arg6[%add3A_264, %dma_wait3A_581] : memref<32768x64xf32, #tpu.memory_space<hbm>> -> memref<128x64xf32, #tpu.memory_space<hbm>>
      tpu.wait_dma2 semaphore(%run_scoped3A : memref<!tpu.dma_semaphore, #tpu.memory_space<semaphore_mem>>) src(%arg12 : memref<128x64xf32, #tpu.memory_space<vmem>>) dst(%dma_wait3A_582 : memref<128x64xf32, #tpu.memory_space<hbm>>)
      tpu.yield
    }) : () -> ()
    %dma_wait3A_265 = arith.constant 3 : i32
    %dma_wait3A_266 = arith.constant 1 : i32
    %dma_wait3A_267 = arith.constant 0 : i32
    %dma_wait3A_268 = arith.constant 0 : i32
    %dma_wait3A_269 = tpu.memref_slice %arg10[%dma_wait3A_266, %dma_wait3A_267, %dma_wait3A_268] : memref<2x128x128xf32, #tpu.memory_space<vmem>> -> memref<1x128x128xf32, #tpu.memory_space<vmem>>
    %dma_wait3A_270 = tpu.memref_squeeze %dma_wait3A_269 : memref<1x128x128xf32, #tpu.memory_space<vmem>> -> memref<128x128xf32, #tpu.memory_space<vmem>>
    %dma_wait3A_271 = arith.constant 0 : i32
    %dma_wait3A_272 = arith.constant 0 : i32
    %dma_wait3A_273 = tpu.memref_slice %dma_wait3A_270[%dma_wait3A_271, %dma_wait3A_272] : memref<128x128xf32, #tpu.memory_space<vmem>> -> memref<128x128xf32, #tpu.memory_space<vmem>>
    %dma_wait3A_274 = arith.constant 0 : i32
    %dma_wait3A_275 = tpu.memref_slice %arg7[%dma_wait3A_265, %dma_wait3A_274] : memref<8x128xi32, #tpu.memory_space<vmem>> -> memref<1x128xi32, #tpu.memory_space<vmem>>
    %dma_wait3A_276 = tpu.memref_squeeze %dma_wait3A_275 : memref<1x128xi32, #tpu.memory_space<vmem>> -> memref<128xi32, #tpu.memory_space<vmem>>
    %dma_wait3A_277 = arith.constant 0 : i32
    %dma_wait3A_278 = arith.constant 0 : i32
    %dma_wait3A_279 = tpu.memref_slice %arg2[%dma_wait3A_277, %dma_wait3A_278] : memref<1000000x128xf32, #tpu.memory_space<hbm>> -> memref<1000000x128xf32, #tpu.memory_space<hbm>>
    tpu.wait_indirect_dma semaphore(%arg13 : memref<!tpu.dma_semaphore, #tpu.memory_space<semaphore_mem>>) src(%dma_wait3A_279 : memref<1000000x128xf32, #tpu.memory_space<hbm>>) dst(%dma_wait3A_273 : memref<128x128xf32, #tpu.memory_space<vmem>>)
    %dma_wait3A_280 = arith.constant 3 : i32
    %dma_wait3A_281 = arith.constant 1 : i32
    %dma_wait3A_282 = arith.constant 0 : i32
    %dma_wait3A_283 = arith.constant 0 : i32
    %dma_wait3A_284 = tpu.memref_slice %arg11[%dma_wait3A_281, %dma_wait3A_282, %dma_wait3A_283] : memref<2x128x128xf32, #tpu.memory_space<vmem>> -> memref<1x128x128xf32, #tpu.memory_space<vmem>>
    %dma_wait3A_285 = tpu.memref_squeeze %dma_wait3A_284 : memref<1x128x128xf32, #tpu.memory_space<vmem>> -> memref<128x128xf32, #tpu.memory_space<vmem>>
    %dma_wait3A_286 = arith.constant 0 : i32
    %dma_wait3A_287 = arith.constant 0 : i32
    %dma_wait3A_288 = tpu.memref_slice %dma_wait3A_285[%dma_wait3A_286, %dma_wait3A_287] : memref<128x128xf32, #tpu.memory_space<vmem>> -> memref<128x128xf32, #tpu.memory_space<vmem>>
    %dma_wait3A_289 = arith.constant 0 : i32
    %dma_wait3A_290 = tpu.memref_slice %arg8[%dma_wait3A_280, %dma_wait3A_289] : memref<8x128xi32, #tpu.memory_space<vmem>> -> memref<1x128xi32, #tpu.memory_space<vmem>>
    %dma_wait3A_291 = tpu.memref_squeeze %dma_wait3A_290 : memref<1x128xi32, #tpu.memory_space<vmem>> -> memref<128xi32, #tpu.memory_space<vmem>>
    %dma_wait3A_292 = arith.constant 0 : i32
    %dma_wait3A_293 = arith.constant 0 : i32
    %dma_wait3A_294 = tpu.memref_slice %arg2[%dma_wait3A_292, %dma_wait3A_293] : memref<1000000x128xf32, #tpu.memory_space<hbm>> -> memref<1000000x128xf32, #tpu.memory_space<hbm>>
    tpu.wait_indirect_dma semaphore(%arg14 : memref<!tpu.dma_semaphore, #tpu.memory_space<semaphore_mem>>) src(%dma_wait3A_294 : memref<1000000x128xf32, #tpu.memory_space<hbm>>) dst(%dma_wait3A_288 : memref<128x128xf32, #tpu.memory_space<vmem>>)
    %dma_start3A_295 = arith.constant 4 : i32
    %dma_start3A_296 = arith.constant 0 : i32
    %dma_start3A_297 = arith.constant 0 : i32
    %dma_start3A_298 = arith.constant 0 : i32
    %dma_start3A_299 = tpu.memref_slice %arg10[%dma_start3A_296, %dma_start3A_297, %dma_start3A_298] : memref<2x128x128xf32, #tpu.memory_space<vmem>> -> memref<1x128x128xf32, #tpu.memory_space<vmem>>
    %dma_start3A_300 = tpu.memref_squeeze %dma_start3A_299 : memref<1x128x128xf32, #tpu.memory_space<vmem>> -> memref<128x128xf32, #tpu.memory_space<vmem>>
    %dma_start3A_301 = arith.constant 0 : i32
    %dma_start3A_302 = arith.constant 0 : i32
    %dma_start3A_303 = tpu.memref_slice %dma_start3A_300[%dma_start3A_301, %dma_start3A_302] : memref<128x128xf32, #tpu.memory_space<vmem>> -> memref<128x128xf32, #tpu.memory_space<vmem>>
    %dma_start3A_304 = arith.constant 0 : i32
    %dma_start3A_305 = tpu.memref_slice %arg7[%dma_start3A_295, %dma_start3A_304] : memref<8x128xi32, #tpu.memory_space<vmem>> -> memref<1x128xi32, #tpu.memory_space<vmem>>
    %dma_start3A_306 = tpu.memref_squeeze %dma_start3A_305 : memref<1x128xi32, #tpu.memory_space<vmem>> -> memref<128xi32, #tpu.memory_space<vmem>>
    %dma_start3A_307 = arith.constant 0 : i32
    %dma_start3A_308 = arith.constant 0 : i32
    %dma_start3A_309 = tpu.memref_slice %arg2[%dma_start3A_307, %dma_start3A_308] : memref<1000000x128xf32, #tpu.memory_space<hbm>> -> memref<1000000x128xf32, #tpu.memory_space<hbm>>
    tpu.enqueue_indirect_dma source(%dma_start3A_309 : memref<1000000x128xf32, #tpu.memory_space<hbm>>) target(%dma_start3A_303 : memref<128x128xf32, #tpu.memory_space<vmem>>) offsets(%dma_start3A_306 : memref<128xi32, #tpu.memory_space<vmem>>) semaphore(%arg13 : memref<!tpu.dma_semaphore, #tpu.memory_space<semaphore_mem>>)
    %dma_start3A_310 = arith.constant 4 : i32
    %dma_start3A_311 = arith.constant 0 : i32
    %dma_start3A_312 = arith.constant 0 : i32
    %dma_start3A_313 = arith.constant 0 : i32
    %dma_start3A_314 = tpu.memref_slice %arg11[%dma_start3A_311, %dma_start3A_312, %dma_start3A_313] : memref<2x128x128xf32, #tpu.memory_space<vmem>> -> memref<1x128x128xf32, #tpu.memory_space<vmem>>
    %dma_start3A_315 = tpu.memref_squeeze %dma_start3A_314 : memref<1x128x128xf32, #tpu.memory_space<vmem>> -> memref<128x128xf32, #tpu.memory_space<vmem>>
    %dma_start3A_316 = arith.constant 0 : i32
    %dma_start3A_317 = arith.constant 0 : i32
    %dma_start3A_318 = tpu.memref_slice %dma_start3A_315[%dma_start3A_316, %dma_start3A_317] : memref<128x128xf32, #tpu.memory_space<vmem>> -> memref<128x128xf32, #tpu.memory_space<vmem>>
    %dma_start3A_319 = arith.constant 0 : i32
    %dma_start3A_320 = tpu.memref_slice %arg8[%dma_start3A_310, %dma_start3A_319] : memref<8x128xi32, #tpu.memory_space<vmem>> -> memref<1x128xi32, #tpu.memory_space<vmem>>
    %dma_start3A_321 = tpu.memref_squeeze %dma_start3A_320 : memref<1x128xi32, #tpu.memory_space<vmem>> -> memref<128xi32, #tpu.memory_space<vmem>>
    %dma_start3A_322 = arith.constant 0 : i32
    %dma_start3A_323 = arith.constant 0 : i32
    %dma_start3A_324 = tpu.memref_slice %arg2[%dma_start3A_322, %dma_start3A_323] : memref<1000000x128xf32, #tpu.memory_space<hbm>> -> memref<1000000x128xf32, #tpu.memory_space<hbm>>
    tpu.enqueue_indirect_dma source(%dma_start3A_324 : memref<1000000x128xf32, #tpu.memory_space<hbm>>) target(%dma_start3A_318 : memref<128x128xf32, #tpu.memory_space<vmem>>) offsets(%dma_start3A_321 : memref<128xi32, #tpu.memory_space<vmem>>) semaphore(%arg14 : memref<!tpu.dma_semaphore, #tpu.memory_space<semaphore_mem>>)
    %scan3A_325 = arith.constant 0 : i32
    %scan3A_326 = arith.constant 0 : i32
    %scan3A_327 = arith.constant 128 : i32
    %scan3A_328 = arith.addi %scan3A_326, %scan3A_327 : i32
    %scan3A_329 = arith.constant 4 : i32
    scf.for %scan3A_575 = %scan3A_326 to %scan3A_328 step %scan3A_329  : i32 {
      %get3A_576 = arith.constant 1 : i32
      %get3A_577 = arith.index_cast %get3A_576 : i32 to index
      %get3A_578 = arith.index_cast %scan3A_575 : i32 to index
      %get3A_579 = arith.constant 0 : index
      %get3A_580 = tpu.vector_load %arg10[%get3A_577, %get3A_578, %get3A_579] {strides = array<i32>} : memref<2x128x128xf32, #tpu.memory_space<vmem>>, vector<1x1x16xf32>,
      %get3A_581 = vector.shape_cast %get3A_580 : vector<1x1x16xf32> to vector<16xf32>
      %mul3A_582 = arith.mulf %get3A_24, %get3A_581 : vector<16xf32>
      %get3A_583 = arith.constant 1 : i32
      %get3A_584 = arith.index_cast %get3A_583 : i32 to index
      %get3A_585 = arith.index_cast %scan3A_575 : i32 to index
      %get3A_586 = arith.constant 0 : index
      %get3A_587 = tpu.vector_load %arg11[%get3A_584, %get3A_585, %get3A_586] {strides = array<i32>} : memref<2x128x128xf32, #tpu.memory_space<vmem>>, vector<1x1x16xf32>,
      %get3A_588 = vector.shape_cast %get3A_587 : vector<1x1x16xf32> to vector<16xf32>
      %mul3A_589 = arith.mulf %mul3A_582, %get3A_588 : vector<16xf32>
      %swap3A = arith.index_cast %scan3A_575 : i32 to index
      %swap3A_590 = arith.constant 0 : index
      %swap3A_591 = tpu.vector_load %arg12[%swap3A, %swap3A_590] {strides = array<i32>} : memref<128x64xf32, #tpu.memory_space<vmem>>, vector<1x16xf32>,
      %swap3A_592 = vector.shape_cast %swap3A_591 : vector<1x16xf32> to vector<16xf32>
      %swap3A_593 = vector.shape_cast %mul3A_589 : vector<16xf32> to vector<1x16xf32>
      tpu.vector_store %arg12[%swap3A, %swap3A_590], %swap3A_593 {strides = array<i32>} : memref<128x64xf32, #tpu.memory_space<vmem>>, vector<1x16xf32>,
      %get3A_594 = arith.constant 1 : i32
      %get3A_595 = arith.index_cast %get3A_594 : i32 to index
      %get3A_596 = arith.index_cast %scan3A_575 : i32 to index
      %get3A_597 = arith.constant 16 : index
      %get3A_598 = tpu.vector_load %arg10[%get3A_595, %get3A_596, %get3A_597] {strides = array<i32>} : memref<2x128x128xf32, #tpu.memory_space<vmem>>, vector<1x1x16xf32>,
      %get3A_599 = vector.shape_cast %get3A_598 : vector<1x1x16xf32> to vector<16xf32>
      %mul3A_600 = arith.mulf %get3A_27, %get3A_599 : vector<16xf32>
      %get3A_601 = arith.constant 1 : i32
      %get3A_602 = arith.index_cast %get3A_601 : i32 to index
      %get3A_603 = arith.index_cast %scan3A_575 : i32 to index
      %get3A_604 = arith.constant 16 : index
      %get3A_605 = tpu.vector_load %arg11[%get3A_602, %get3A_603, %get3A_604] {strides = array<i32>} : memref<2x128x128xf32, #tpu.memory_space<vmem>>, vector<1x1x16xf32>,
      %get3A_606 = vector.shape_cast %get3A_605 : vector<1x1x16xf32> to vector<16xf32>
      %mul3A_607 = arith.mulf %mul3A_600, %get3A_606 : vector<16xf32>
      %swap3A_608 = arith.index_cast %scan3A_575 : i32 to index
      %swap3A_609 = arith.constant 16 : index
      %swap3A_610 = tpu.vector_load %arg12[%swap3A_608, %swap3A_609] {strides = array<i32>} : memref<128x64xf32, #tpu.memory_space<vmem>>, vector<1x16xf32>,
      %swap3A_611 = vector.shape_cast %swap3A_610 : vector<1x16xf32> to vector<16xf32>
      %swap3A_612 = vector.shape_cast %mul3A_607 : vector<16xf32> to vector<1x16xf32>
      tpu.vector_store %arg12[%swap3A_608, %swap3A_609], %swap3A_612 {strides = array<i32>} : memref<128x64xf32, #tpu.memory_space<vmem>>, vector<1x16xf32>,
      %get3A_613 = arith.constant 1 : i32
      %get3A_614 = arith.index_cast %get3A_613 : i32 to index
      %get3A_615 = arith.index_cast %scan3A_575 : i32 to index
      %get3A_616 = arith.constant 32 : index
      %get3A_617 = tpu.vector_load %arg10[%get3A_614, %get3A_615, %get3A_616] {strides = array<i32>} : memref<2x128x128xf32, #tpu.memory_space<vmem>>, vector<1x1x16xf32>,
      %get3A_618 = vector.shape_cast %get3A_617 : vector<1x1x16xf32> to vector<16xf32>
      %mul3A_619 = arith.mulf %get3A_30, %get3A_618 : vector<16xf32>
      %get3A_620 = arith.constant 1 : i32
      %get3A_621 = arith.index_cast %get3A_620 : i32 to index
      %get3A_622 = arith.index_cast %scan3A_575 : i32 to index
      %get3A_623 = arith.constant 32 : index
      %get3A_624 = tpu.vector_load %arg11[%get3A_621, %get3A_622, %get3A_623] {strides = array<i32>} : memref<2x128x128xf32, #tpu.memory_space<vmem>>, vector<1x1x16xf32>,
      %get3A_625 = vector.shape_cast %get3A_624 : vector<1x1x16xf32> to vector<16xf32>
      %mul3A_626 = arith.mulf %mul3A_619, %get3A_625 : vector<16xf32>
      %swap3A_627 = arith.index_cast %scan3A_575 : i32 to index
      %swap3A_628 = arith.constant 32 : index
      %swap3A_629 = tpu.vector_load %arg12[%swap3A_627, %swap3A_628] {strides = array<i32>} : memref<128x64xf32, #tpu.memory_space<vmem>>, vector<1x16xf32>,
      %swap3A_630 = vector.shape_cast %swap3A_629 : vector<1x16xf32> to vector<16xf32>
      %swap3A_631 = vector.shape_cast %mul3A_626 : vector<16xf32> to vector<1x16xf32>
      tpu.vector_store %arg12[%swap3A_627, %swap3A_628], %swap3A_631 {strides = array<i32>} : memref<128x64xf32, #tpu.memory_space<vmem>>, vector<1x16xf32>,
      %get3A_632 = arith.constant 1 : i32
      %get3A_633 = arith.index_cast %get3A_632 : i32 to index
      %get3A_634 = arith.index_cast %scan3A_575 : i32 to index
      %get3A_635 = arith.constant 48 : index
      %get3A_636 = tpu.vector_load %arg10[%get3A_633, %get3A_634, %get3A_635] {strides = array<i32>} : memref<2x128x128xf32, #tpu.memory_space<vmem>>, vector<1x1x16xf32>,
      %get3A_637 = vector.shape_cast %get3A_636 : vector<1x1x16xf32> to vector<16xf32>
      %mul3A_638 = arith.mulf %get3A_33, %get3A_637 : vector<16xf32>
      %get3A_639 = arith.constant 1 : i32
      %get3A_640 = arith.index_cast %get3A_639 : i32 to index
      %get3A_641 = arith.index_cast %scan3A_575 : i32 to index
      %get3A_642 = arith.constant 48 : index
      %get3A_643 = tpu.vector_load %arg11[%get3A_640, %get3A_641, %get3A_642] {strides = array<i32>} : memref<2x128x128xf32, #tpu.memory_space<vmem>>, vector<1x1x16xf32>,
      %get3A_644 = vector.shape_cast %get3A_643 : vector<1x1x16xf32> to vector<16xf32>
      %mul3A_645 = arith.mulf %mul3A_638, %get3A_644 : vector<16xf32>
      %swap3A_646 = arith.index_cast %scan3A_575 : i32 to index
      %swap3A_647 = arith.constant 48 : index
      %swap3A_648 = tpu.vector_load %arg12[%swap3A_646, %swap3A_647] {strides = array<i32>} : memref<128x64xf32, #tpu.memory_space<vmem>>, vector<1x16xf32>,
      %swap3A_649 = vector.shape_cast %swap3A_648 : vector<1x16xf32> to vector<16xf32>
      %swap3A_650 = vector.shape_cast %mul3A_645 : vector<16xf32> to vector<1x16xf32>
      tpu.vector_store %arg12[%swap3A_646, %swap3A_647], %swap3A_650 {strides = array<i32>} : memref<128x64xf32, #tpu.memory_space<vmem>>, vector<1x16xf32>,
      %scan3A_651 = arith.constant 1 : i32
      %scan3A_652 = arith.addi %scan3A_575, %scan3A_651 : i32
      %get3A_653 = arith.constant 1 : i32
      %get3A_654 = arith.index_cast %get3A_653 : i32 to index
      %get3A_655 = arith.index_cast %scan3A_652 : i32 to index
      %get3A_656 = arith.constant 0 : index
      %get3A_657 = tpu.vector_load %arg10[%get3A_654, %get3A_655, %get3A_656] {strides = array<i32>} : memref<2x128x128xf32, #tpu.memory_space<vmem>>, vector<1x1x16xf32>,
      %get3A_658 = vector.shape_cast %get3A_657 : vector<1x1x16xf32> to vector<16xf32>
      %mul3A_659 = arith.mulf %get3A_24, %get3A_658 : vector<16xf32>
      %get3A_660 = arith.constant 1 : i32
      %get3A_661 = arith.index_cast %get3A_660 : i32 to index
      %get3A_662 = arith.index_cast %scan3A_652 : i32 to index
      %get3A_663 = arith.constant 0 : index
      %get3A_664 = tpu.vector_load %arg11[%get3A_661, %get3A_662, %get3A_663] {strides = array<i32>} : memref<2x128x128xf32, #tpu.memory_space<vmem>>, vector<1x1x16xf32>,
      %get3A_665 = vector.shape_cast %get3A_664 : vector<1x1x16xf32> to vector<16xf32>
      %mul3A_666 = arith.mulf %mul3A_659, %get3A_665 : vector<16xf32>
      %swap3A_667 = arith.index_cast %scan3A_652 : i32 to index
      %swap3A_668 = arith.constant 0 : index
      %swap3A_669 = tpu.vector_load %arg12[%swap3A_667, %swap3A_668] {strides = array<i32>} : memref<128x64xf32, #tpu.memory_space<vmem>>, vector<1x16xf32>,
      %swap3A_670 = vector.shape_cast %swap3A_669 : vector<1x16xf32> to vector<16xf32>
      %swap3A_671 = vector.shape_cast %mul3A_666 : vector<16xf32> to vector<1x16xf32>
      tpu.vector_store %arg12[%swap3A_667, %swap3A_668], %swap3A_671 {strides = array<i32>} : memref<128x64xf32, #tpu.memory_space<vmem>>, vector<1x16xf32>,
      %get3A_672 = arith.constant 1 : i32
      %get3A_673 = arith.index_cast %get3A_672 : i32 to index
      %get3A_674 = arith.index_cast %scan3A_652 : i32 to index
      %get3A_675 = arith.constant 16 : index
      %get3A_676 = tpu.vector_load %arg10[%get3A_673, %get3A_674, %get3A_675] {strides = array<i32>} : memref<2x128x128xf32, #tpu.memory_space<vmem>>, vector<1x1x16xf32>,
      %get3A_677 = vector.shape_cast %get3A_676 : vector<1x1x16xf32> to vector<16xf32>
      %mul3A_678 = arith.mulf %get3A_27, %get3A_677 : vector<16xf32>
      %get3A_679 = arith.constant 1 : i32
      %get3A_680 = arith.index_cast %get3A_679 : i32 to index
      %get3A_681 = arith.index_cast %scan3A_652 : i32 to index
      %get3A_682 = arith.constant 16 : index
      %get3A_683 = tpu.vector_load %arg11[%get3A_680, %get3A_681, %get3A_682] {strides = array<i32>} : memref<2x128x128xf32, #tpu.memory_space<vmem>>, vector<1x1x16xf32>,
      %get3A_684 = vector.shape_cast %get3A_683 : vector<1x1x16xf32> to vector<16xf32>
      %mul3A_685 = arith.mulf %mul3A_678, %get3A_684 : vector<16xf32>
      %swap3A_686 = arith.index_cast %scan3A_652 : i32 to index
      %swap3A_687 = arith.constant 16 : index
      %swap3A_688 = tpu.vector_load %arg12[%swap3A_686, %swap3A_687] {strides = array<i32>} : memref<128x64xf32, #tpu.memory_space<vmem>>, vector<1x16xf32>,
      %swap3A_689 = vector.shape_cast %swap3A_688 : vector<1x16xf32> to vector<16xf32>
      %swap3A_690 = vector.shape_cast %mul3A_685 : vector<16xf32> to vector<1x16xf32>
      tpu.vector_store %arg12[%swap3A_686, %swap3A_687], %swap3A_690 {strides = array<i32>} : memref<128x64xf32, #tpu.memory_space<vmem>>, vector<1x16xf32>,
      %get3A_691 = arith.constant 1 : i32
      %get3A_692 = arith.index_cast %get3A_691 : i32 to index
      %get3A_693 = arith.index_cast %scan3A_652 : i32 to index
      %get3A_694 = arith.constant 32 : index
      %get3A_695 = tpu.vector_load %arg10[%get3A_692, %get3A_693, %get3A_694] {strides = array<i32>} : memref<2x128x128xf32, #tpu.memory_space<vmem>>, vector<1x1x16xf32>,
      %get3A_696 = vector.shape_cast %get3A_695 : vector<1x1x16xf32> to vector<16xf32>
      %mul3A_697 = arith.mulf %get3A_30, %get3A_696 : vector<16xf32>
      %get3A_698 = arith.constant 1 : i32
      %get3A_699 = arith.index_cast %get3A_698 : i32 to index
      %get3A_700 = arith.index_cast %scan3A_652 : i32 to index
      %get3A_701 = arith.constant 32 : index
      %get3A_702 = tpu.vector_load %arg11[%get3A_699, %get3A_700, %get3A_701] {strides = array<i32>} : memref<2x128x128xf32, #tpu.memory_space<vmem>>, vector<1x1x16xf32>,
      %get3A_703 = vector.shape_cast %get3A_702 : vector<1x1x16xf32> to vector<16xf32>
      %mul3A_704 = arith.mulf %mul3A_697, %get3A_703 : vector<16xf32>
      %swap3A_705 = arith.index_cast %scan3A_652 : i32 to index
      %swap3A_706 = arith.constant 32 : index
      %swap3A_707 = tpu.vector_load %arg12[%swap3A_705, %swap3A_706] {strides = array<i32>} : memref<128x64xf32, #tpu.memory_space<vmem>>, vector<1x16xf32>,
      %swap3A_708 = vector.shape_cast %swap3A_707 : vector<1x16xf32> to vector<16xf32>
      %swap3A_709 = vector.shape_cast %mul3A_704 : vector<16xf32> to vector<1x16xf32>
      tpu.vector_store %arg12[%swap3A_705, %swap3A_706], %swap3A_709 {strides = array<i32>} : memref<128x64xf32, #tpu.memory_space<vmem>>, vector<1x16xf32>,
      %get3A_710 = arith.constant 1 : i32
      %get3A_711 = arith.index_cast %get3A_710 : i32 to index
      %get3A_712 = arith.index_cast %scan3A_652 : i32 to index
      %get3A_713 = arith.constant 48 : index
      %get3A_714 = tpu.vector_load %arg10[%get3A_711, %get3A_712, %get3A_713] {strides = array<i32>} : memref<2x128x128xf32, #tpu.memory_space<vmem>>, vector<1x1x16xf32>,
      %get3A_715 = vector.shape_cast %get3A_714 : vector<1x1x16xf32> to vector<16xf32>
      %mul3A_716 = arith.mulf %get3A_33, %get3A_715 : vector<16xf32>
      %get3A_717 = arith.constant 1 : i32
      %get3A_718 = arith.index_cast %get3A_717 : i32 to index
      %get3A_719 = arith.index_cast %scan3A_652 : i32 to index
      %get3A_720 = arith.constant 48 : index
      %get3A_721 = tpu.vector_load %arg11[%get3A_718, %get3A_719, %get3A_720] {strides = array<i32>} : memref<2x128x128xf32, #tpu.memory_space<vmem>>, vector<1x1x16xf32>,
      %get3A_722 = vector.shape_cast %get3A_721 : vector<1x1x16xf32> to vector<16xf32>
      %mul3A_723 = arith.mulf %mul3A_716, %get3A_722 : vector<16xf32>
      %swap3A_724 = arith.index_cast %scan3A_652 : i32 to index
      %swap3A_725 = arith.constant 48 : index
      %swap3A_726 = tpu.vector_load %arg12[%swap3A_724, %swap3A_725] {strides = array<i32>} : memref<128x64xf32, #tpu.memory_space<vmem>>, vector<1x16xf32>,
      %swap3A_727 = vector.shape_cast %swap3A_726 : vector<1x16xf32> to vector<16xf32>
      %swap3A_728 = vector.shape_cast %mul3A_723 : vector<16xf32> to vector<1x16xf32>
      tpu.vector_store %arg12[%swap3A_724, %swap3A_725], %swap3A_728 {strides = array<i32>} : memref<128x64xf32, #tpu.memory_space<vmem>>, vector<1x16xf32>,
      %scan3A_729 = arith.constant 2 : i32
      %scan3A_730 = arith.addi %scan3A_575, %scan3A_729 : i32
      %get3A_731 = arith.constant 1 : i32
      %get3A_732 = arith.index_cast %get3A_731 : i32 to index
      %get3A_733 = arith.index_cast %scan3A_730 : i32 to index
      %get3A_734 = arith.constant 0 : index
      %get3A_735 = tpu.vector_load %arg10[%get3A_732, %get3A_733, %get3A_734] {strides = array<i32>} : memref<2x128x128xf32, #tpu.memory_space<vmem>>, vector<1x1x16xf32>,
      %get3A_736 = vector.shape_cast %get3A_735 : vector<1x1x16xf32> to vector<16xf32>
      %mul3A_737 = arith.mulf %get3A_24, %get3A_736 : vector<16xf32>
      %get3A_738 = arith.constant 1 : i32
      %get3A_739 = arith.index_cast %get3A_738 : i32 to index
      %get3A_740 = arith.index_cast %scan3A_730 : i32 to index
      %get3A_741 = arith.constant 0 : index
      %get3A_742 = tpu.vector_load %arg11[%get3A_739, %get3A_740, %get3A_741] {strides = array<i32>} : memref<2x128x128xf32, #tpu.memory_space<vmem>>, vector<1x1x16xf32>,
      %get3A_743 = vector.shape_cast %get3A_742 : vector<1x1x16xf32> to vector<16xf32>
      %mul3A_744 = arith.mulf %mul3A_737, %get3A_743 : vector<16xf32>
      %swap3A_745 = arith.index_cast %scan3A_730 : i32 to index
      %swap3A_746 = arith.constant 0 : index
      %swap3A_747 = tpu.vector_load %arg12[%swap3A_745, %swap3A_746] {strides = array<i32>} : memref<128x64xf32, #tpu.memory_space<vmem>>, vector<1x16xf32>,
      %swap3A_748 = vector.shape_cast %swap3A_747 : vector<1x16xf32> to vector<16xf32>
      %swap3A_749 = vector.shape_cast %mul3A_744 : vector<16xf32> to vector<1x16xf32>
      tpu.vector_store %arg12[%swap3A_745, %swap3A_746], %swap3A_749 {strides = array<i32>} : memref<128x64xf32, #tpu.memory_space<vmem>>, vector<1x16xf32>,
      %get3A_750 = arith.constant 1 : i32
      %get3A_751 = arith.index_cast %get3A_750 : i32 to index
      %get3A_752 = arith.index_cast %scan3A_730 : i32 to index
      %get3A_753 = arith.constant 16 : index
      %get3A_754 = tpu.vector_load %arg10[%get3A_751, %get3A_752, %get3A_753] {strides = array<i32>} : memref<2x128x128xf32, #tpu.memory_space<vmem>>, vector<1x1x16xf32>,
      %get3A_755 = vector.shape_cast %get3A_754 : vector<1x1x16xf32> to vector<16xf32>
      %mul3A_756 = arith.mulf %get3A_27, %get3A_755 : vector<16xf32>
      %get3A_757 = arith.constant 1 : i32
      %get3A_758 = arith.index_cast %get3A_757 : i32 to index
      %get3A_759 = arith.index_cast %scan3A_730 : i32 to index
      %get3A_760 = arith.constant 16 : index
      %get3A_761 = tpu.vector_load %arg11[%get3A_758, %get3A_759, %get3A_760] {strides = array<i32>} : memref<2x128x128xf32, #tpu.memory_space<vmem>>, vector<1x1x16xf32>,
      %get3A_762 = vector.shape_cast %get3A_761 : vector<1x1x16xf32> to vector<16xf32>
      %mul3A_763 = arith.mulf %mul3A_756, %get3A_762 : vector<16xf32>
      %swap3A_764 = arith.index_cast %scan3A_730 : i32 to index
      %swap3A_765 = arith.constant 16 : index
      %swap3A_766 = tpu.vector_load %arg12[%swap3A_764, %swap3A_765] {strides = array<i32>} : memref<128x64xf32, #tpu.memory_space<vmem>>, vector<1x16xf32>,
      %swap3A_767 = vector.shape_cast %swap3A_766 : vector<1x16xf32> to vector<16xf32>
      %swap3A_768 = vector.shape_cast %mul3A_763 : vector<16xf32> to vector<1x16xf32>
      tpu.vector_store %arg12[%swap3A_764, %swap3A_765], %swap3A_768 {strides = array<i32>} : memref<128x64xf32, #tpu.memory_space<vmem>>, vector<1x16xf32>,
      %get3A_769 = arith.constant 1 : i32
      %get3A_770 = arith.index_cast %get3A_769 : i32 to index
      %get3A_771 = arith.index_cast %scan3A_730 : i32 to index
      %get3A_772 = arith.constant 32 : index
      %get3A_773 = tpu.vector_load %arg10[%get3A_770, %get3A_771, %get3A_772] {strides = array<i32>} : memref<2x128x128xf32, #tpu.memory_space<vmem>>, vector<1x1x16xf32>,
      %get3A_774 = vector.shape_cast %get3A_773 : vector<1x1x16xf32> to vector<16xf32>
      %mul3A_775 = arith.mulf %get3A_30, %get3A_774 : vector<16xf32>
      %get3A_776 = arith.constant 1 : i32
      %get3A_777 = arith.index_cast %get3A_776 : i32 to index
      %get3A_778 = arith.index_cast %scan3A_730 : i32 to index
      %get3A_779 = arith.constant 32 : index
      %get3A_780 = tpu.vector_load %arg11[%get3A_777, %get3A_778, %get3A_779] {strides = array<i32>} : memref<2x128x128xf32, #tpu.memory_space<vmem>>, vector<1x1x16xf32>,
      %get3A_781 = vector.shape_cast %get3A_780 : vector<1x1x16xf32> to vector<16xf32>
      %mul3A_782 = arith.mulf %mul3A_775, %get3A_781 : vector<16xf32>
      %swap3A_783 = arith.index_cast %scan3A_730 : i32 to index
      %swap3A_784 = arith.constant 32 : index
      %swap3A_785 = tpu.vector_load %arg12[%swap3A_783, %swap3A_784] {strides = array<i32>} : memref<128x64xf32, #tpu.memory_space<vmem>>, vector<1x16xf32>,
      %swap3A_786 = vector.shape_cast %swap3A_785 : vector<1x16xf32> to vector<16xf32>
      %swap3A_787 = vector.shape_cast %mul3A_782 : vector<16xf32> to vector<1x16xf32>
      tpu.vector_store %arg12[%swap3A_783, %swap3A_784], %swap3A_787 {strides = array<i32>} : memref<128x64xf32, #tpu.memory_space<vmem>>, vector<1x16xf32>,
      %get3A_788 = arith.constant 1 : i32
      %get3A_789 = arith.index_cast %get3A_788 : i32 to index
      %get3A_790 = arith.index_cast %scan3A_730 : i32 to index
      %get3A_791 = arith.constant 48 : index
      %get3A_792 = tpu.vector_load %arg10[%get3A_789, %get3A_790, %get3A_791] {strides = array<i32>} : memref<2x128x128xf32, #tpu.memory_space<vmem>>, vector<1x1x16xf32>,
      %get3A_793 = vector.shape_cast %get3A_792 : vector<1x1x16xf32> to vector<16xf32>
      %mul3A_794 = arith.mulf %get3A_33, %get3A_793 : vector<16xf32>
      %get3A_795 = arith.constant 1 : i32
      %get3A_796 = arith.index_cast %get3A_795 : i32 to index
      %get3A_797 = arith.index_cast %scan3A_730 : i32 to index
      %get3A_798 = arith.constant 48 : index
      %get3A_799 = tpu.vector_load %arg11[%get3A_796, %get3A_797, %get3A_798] {strides = array<i32>} : memref<2x128x128xf32, #tpu.memory_space<vmem>>, vector<1x1x16xf32>,
      %get3A_800 = vector.shape_cast %get3A_799 : vector<1x1x16xf32> to vector<16xf32>
      %mul3A_801 = arith.mulf %mul3A_794, %get3A_800 : vector<16xf32>
      %swap3A_802 = arith.index_cast %scan3A_730 : i32 to index
      %swap3A_803 = arith.constant 48 : index
      %swap3A_804 = tpu.vector_load %arg12[%swap3A_802, %swap3A_803] {strides = array<i32>} : memref<128x64xf32, #tpu.memory_space<vmem>>, vector<1x16xf32>,
      %swap3A_805 = vector.shape_cast %swap3A_804 : vector<1x16xf32> to vector<16xf32>
      %swap3A_806 = vector.shape_cast %mul3A_801 : vector<16xf32> to vector<1x16xf32>
      tpu.vector_store %arg12[%swap3A_802, %swap3A_803], %swap3A_806 {strides = array<i32>} : memref<128x64xf32, #tpu.memory_space<vmem>>, vector<1x16xf32>,
      %scan3A_807 = arith.constant 3 : i32
      %scan3A_808 = arith.addi %scan3A_575, %scan3A_807 : i32
      %get3A_809 = arith.constant 1 : i32
      %get3A_810 = arith.index_cast %get3A_809 : i32 to index
      %get3A_811 = arith.index_cast %scan3A_808 : i32 to index
      %get3A_812 = arith.constant 0 : index
      %get3A_813 = tpu.vector_load %arg10[%get3A_810, %get3A_811, %get3A_812] {strides = array<i32>} : memref<2x128x128xf32, #tpu.memory_space<vmem>>, vector<1x1x16xf32>,
      %get3A_814 = vector.shape_cast %get3A_813 : vector<1x1x16xf32> to vector<16xf32>
      %mul3A_815 = arith.mulf %get3A_24, %get3A_814 : vector<16xf32>
      %get3A_816 = arith.constant 1 : i32
      %get3A_817 = arith.index_cast %get3A_816 : i32 to index
      %get3A_818 = arith.index_cast %scan3A_808 : i32 to index
      %get3A_819 = arith.constant 0 : index
      %get3A_820 = tpu.vector_load %arg11[%get3A_817, %get3A_818, %get3A_819] {strides = array<i32>} : memref<2x128x128xf32, #tpu.memory_space<vmem>>, vector<1x1x16xf32>,
      %get3A_821 = vector.shape_cast %get3A_820 : vector<1x1x16xf32> to vector<16xf32>
      %mul3A_822 = arith.mulf %mul3A_815, %get3A_821 : vector<16xf32>
      %swap3A_823 = arith.index_cast %scan3A_808 : i32 to index
      %swap3A_824 = arith.constant 0 : index
      %swap3A_825 = tpu.vector_load %arg12[%swap3A_823, %swap3A_824] {strides = array<i32>} : memref<128x64xf32, #tpu.memory_space<vmem>>, vector<1x16xf32>,
      %swap3A_826 = vector.shape_cast %swap3A_825 : vector<1x16xf32> to vector<16xf32>
      %swap3A_827 = vector.shape_cast %mul3A_822 : vector<16xf32> to vector<1x16xf32>
      tpu.vector_store %arg12[%swap3A_823, %swap3A_824], %swap3A_827 {strides = array<i32>} : memref<128x64xf32, #tpu.memory_space<vmem>>, vector<1x16xf32>,
      %get3A_828 = arith.constant 1 : i32
      %get3A_829 = arith.index_cast %get3A_828 : i32 to index
      %get3A_830 = arith.index_cast %scan3A_808 : i32 to index
      %get3A_831 = arith.constant 16 : index
      %get3A_832 = tpu.vector_load %arg10[%get3A_829, %get3A_830, %get3A_831] {strides = array<i32>} : memref<2x128x128xf32, #tpu.memory_space<vmem>>, vector<1x1x16xf32>,
      %get3A_833 = vector.shape_cast %get3A_832 : vector<1x1x16xf32> to vector<16xf32>
      %mul3A_834 = arith.mulf %get3A_27, %get3A_833 : vector<16xf32>
      %get3A_835 = arith.constant 1 : i32
      %get3A_836 = arith.index_cast %get3A_835 : i32 to index
      %get3A_837 = arith.index_cast %scan3A_808 : i32 to index
      %get3A_838 = arith.constant 16 : index
      %get3A_839 = tpu.vector_load %arg11[%get3A_836, %get3A_837, %get3A_838] {strides = array<i32>} : memref<2x128x128xf32, #tpu.memory_space<vmem>>, vector<1x1x16xf32>,
      %get3A_840 = vector.shape_cast %get3A_839 : vector<1x1x16xf32> to vector<16xf32>
      %mul3A_841 = arith.mulf %mul3A_834, %get3A_840 : vector<16xf32>
      %swap3A_842 = arith.index_cast %scan3A_808 : i32 to index
      %swap3A_843 = arith.constant 16 : index
      %swap3A_844 = tpu.vector_load %arg12[%swap3A_842, %swap3A_843] {strides = array<i32>} : memref<128x64xf32, #tpu.memory_space<vmem>>, vector<1x16xf32>,
      %swap3A_845 = vector.shape_cast %swap3A_844 : vector<1x16xf32> to vector<16xf32>
      %swap3A_846 = vector.shape_cast %mul3A_841 : vector<16xf32> to vector<1x16xf32>
      tpu.vector_store %arg12[%swap3A_842, %swap3A_843], %swap3A_846 {strides = array<i32>} : memref<128x64xf32, #tpu.memory_space<vmem>>, vector<1x16xf32>,
      %get3A_847 = arith.constant 1 : i32
      %get3A_848 = arith.index_cast %get3A_847 : i32 to index
      %get3A_849 = arith.index_cast %scan3A_808 : i32 to index
      %get3A_850 = arith.constant 32 : index
      %get3A_851 = tpu.vector_load %arg10[%get3A_848, %get3A_849, %get3A_850] {strides = array<i32>} : memref<2x128x128xf32, #tpu.memory_space<vmem>>, vector<1x1x16xf32>,
      %get3A_852 = vector.shape_cast %get3A_851 : vector<1x1x16xf32> to vector<16xf32>
      %mul3A_853 = arith.mulf %get3A_30, %get3A_852 : vector<16xf32>
      %get3A_854 = arith.constant 1 : i32
      %get3A_855 = arith.index_cast %get3A_854 : i32 to index
      %get3A_856 = arith.index_cast %scan3A_808 : i32 to index
      %get3A_857 = arith.constant 32 : index
      %get3A_858 = tpu.vector_load %arg11[%get3A_855, %get3A_856, %get3A_857] {strides = array<i32>} : memref<2x128x128xf32, #tpu.memory_space<vmem>>, vector<1x1x16xf32>,
      %get3A_859 = vector.shape_cast %get3A_858 : vector<1x1x16xf32> to vector<16xf32>
      %mul3A_860 = arith.mulf %mul3A_853, %get3A_859 : vector<16xf32>
      %swap3A_861 = arith.index_cast %scan3A_808 : i32 to index
      %swap3A_862 = arith.constant 32 : index
      %swap3A_863 = tpu.vector_load %arg12[%swap3A_861, %swap3A_862] {strides = array<i32>} : memref<128x64xf32, #tpu.memory_space<vmem>>, vector<1x16xf32>,
      %swap3A_864 = vector.shape_cast %swap3A_863 : vector<1x16xf32> to vector<16xf32>
      %swap3A_865 = vector.shape_cast %mul3A_860 : vector<16xf32> to vector<1x16xf32>
      tpu.vector_store %arg12[%swap3A_861, %swap3A_862], %swap3A_865 {strides = array<i32>} : memref<128x64xf32, #tpu.memory_space<vmem>>, vector<1x16xf32>,
      %get3A_866 = arith.constant 1 : i32
      %get3A_867 = arith.index_cast %get3A_866 : i32 to index
      %get3A_868 = arith.index_cast %scan3A_808 : i32 to index
      %get3A_869 = arith.constant 48 : index
      %get3A_870 = tpu.vector_load %arg10[%get3A_867, %get3A_868, %get3A_869] {strides = array<i32>} : memref<2x128x128xf32, #tpu.memory_space<vmem>>, vector<1x1x16xf32>,
      %get3A_871 = vector.shape_cast %get3A_870 : vector<1x1x16xf32> to vector<16xf32>
      %mul3A_872 = arith.mulf %get3A_33, %get3A_871 : vector<16xf32>
      %get3A_873 = arith.constant 1 : i32
      %get3A_874 = arith.index_cast %get3A_873 : i32 to index
      %get3A_875 = arith.index_cast %scan3A_808 : i32 to index
      %get3A_876 = arith.constant 48 : index
      %get3A_877 = tpu.vector_load %arg11[%get3A_874, %get3A_875, %get3A_876] {strides = array<i32>} : memref<2x128x128xf32, #tpu.memory_space<vmem>>, vector<1x1x16xf32>,
      %get3A_878 = vector.shape_cast %get3A_877 : vector<1x1x16xf32> to vector<16xf32>
      %mul3A_879 = arith.mulf %mul3A_872, %get3A_878 : vector<16xf32>
      %swap3A_880 = arith.index_cast %scan3A_808 : i32 to index
      %swap3A_881 = arith.constant 48 : index
      %swap3A_882 = tpu.vector_load %arg12[%swap3A_880, %swap3A_881] {strides = array<i32>} : memref<128x64xf32, #tpu.memory_space<vmem>>, vector<1x16xf32>,
      %swap3A_883 = vector.shape_cast %swap3A_882 : vector<1x16xf32> to vector<16xf32>
      %swap3A_884 = vector.shape_cast %mul3A_879 : vector<16xf32> to vector<1x16xf32>
      tpu.vector_store %arg12[%swap3A_880, %swap3A_881], %swap3A_884 {strides = array<i32>} : memref<128x64xf32, #tpu.memory_space<vmem>>, vector<1x16xf32>,
    }
    %scan3A_330 = arith.constant 128 : i32
    %add3A_331 = arith.constant 384 : i32
    %add3A_332 = arith.addi %mul3A_2, %add3A_331 : i32
    "tpu.region"() ({
      %run_scoped3A = tpu.sem_alloc : memref<!tpu.dma_semaphore, #tpu.memory_space<semaphore_mem>>
      %dma_start3A_575 = arith.constant 0 : i32
      %dma_start3A_576 = tpu.memref_slice %arg6[%add3A_332, %dma_start3A_575] : memref<32768x64xf32, #tpu.memory_space<hbm>> -> memref<128x64xf32, #tpu.memory_space<hbm>>
      %dma_start3A_577 = arith.constant 0 : i32
      %dma_start3A_578 = tpu.memref_slice %arg6[%add3A_332, %dma_start3A_577] : memref<32768x64xf32, #tpu.memory_space<hbm>> -> memref<128x64xf32, #tpu.memory_space<hbm>>
      tpu.enqueue_dma source(%arg12 : memref<128x64xf32, #tpu.memory_space<vmem>>) target(%dma_start3A_578 : memref<128x64xf32, #tpu.memory_space<hbm>>) target_semaphore(%run_scoped3A : memref<!tpu.dma_semaphore, #tpu.memory_space<semaphore_mem>>)
      %dma_wait3A_579 = arith.constant 0 : i32
      %dma_wait3A_580 = tpu.memref_slice %arg6[%add3A_332, %dma_wait3A_579] : memref<32768x64xf32, #tpu.memory_space<hbm>> -> memref<128x64xf32, #tpu.memory_space<hbm>>
      %dma_wait3A_581 = arith.constant 0 : i32
      %dma_wait3A_582 = tpu.memref_slice %arg6[%add3A_332, %dma_wait3A_581] : memref<32768x64xf32, #tpu.memory_space<hbm>> -> memref<128x64xf32, #tpu.memory_space<hbm>>
      tpu.wait_dma2 semaphore(%run_scoped3A : memref<!tpu.dma_semaphore, #tpu.memory_space<semaphore_mem>>) src(%arg12 : memref<128x64xf32, #tpu.memory_space<vmem>>) dst(%dma_wait3A_582 : memref<128x64xf32, #tpu.memory_space<hbm>>)
      tpu.yield
    }) : () -> ()
    %dma_wait3A_333 = arith.constant 4 : i32
    %dma_wait3A_334 = arith.constant 0 : i32
    %dma_wait3A_335 = arith.constant 0 : i32
    %dma_wait3A_336 = arith.constant 0 : i32
    %dma_wait3A_337 = tpu.memref_slice %arg10[%dma_wait3A_334, %dma_wait3A_335, %dma_wait3A_336] : memref<2x128x128xf32, #tpu.memory_space<vmem>> -> memref<1x128x128xf32, #tpu.memory_space<vmem>>
    %dma_wait3A_338 = tpu.memref_squeeze %dma_wait3A_337 : memref<1x128x128xf32, #tpu.memory_space<vmem>> -> memref<128x128xf32, #tpu.memory_space<vmem>>
    %dma_wait3A_339 = arith.constant 0 : i32
    %dma_wait3A_340 = arith.constant 0 : i32
    %dma_wait3A_341 = tpu.memref_slice %dma_wait3A_338[%dma_wait3A_339, %dma_wait3A_340] : memref<128x128xf32, #tpu.memory_space<vmem>> -> memref<128x128xf32, #tpu.memory_space<vmem>>
    %dma_wait3A_342 = arith.constant 0 : i32
    %dma_wait3A_343 = tpu.memref_slice %arg7[%dma_wait3A_333, %dma_wait3A_342] : memref<8x128xi32, #tpu.memory_space<vmem>> -> memref<1x128xi32, #tpu.memory_space<vmem>>
    %dma_wait3A_344 = tpu.memref_squeeze %dma_wait3A_343 : memref<1x128xi32, #tpu.memory_space<vmem>> -> memref<128xi32, #tpu.memory_space<vmem>>
    %dma_wait3A_345 = arith.constant 0 : i32
    %dma_wait3A_346 = arith.constant 0 : i32
    %dma_wait3A_347 = tpu.memref_slice %arg2[%dma_wait3A_345, %dma_wait3A_346] : memref<1000000x128xf32, #tpu.memory_space<hbm>> -> memref<1000000x128xf32, #tpu.memory_space<hbm>>
    tpu.wait_indirect_dma semaphore(%arg13 : memref<!tpu.dma_semaphore, #tpu.memory_space<semaphore_mem>>) src(%dma_wait3A_347 : memref<1000000x128xf32, #tpu.memory_space<hbm>>) dst(%dma_wait3A_341 : memref<128x128xf32, #tpu.memory_space<vmem>>)
    %dma_wait3A_348 = arith.constant 4 : i32
    %dma_wait3A_349 = arith.constant 0 : i32
    %dma_wait3A_350 = arith.constant 0 : i32
    %dma_wait3A_351 = arith.constant 0 : i32
    %dma_wait3A_352 = tpu.memref_slice %arg11[%dma_wait3A_349, %dma_wait3A_350, %dma_wait3A_351] : memref<2x128x128xf32, #tpu.memory_space<vmem>> -> memref<1x128x128xf32, #tpu.memory_space<vmem>>
    %dma_wait3A_353 = tpu.memref_squeeze %dma_wait3A_352 : memref<1x128x128xf32, #tpu.memory_space<vmem>> -> memref<128x128xf32, #tpu.memory_space<vmem>>
    %dma_wait3A_354 = arith.constant 0 : i32
    %dma_wait3A_355 = arith.constant 0 : i32
    %dma_wait3A_356 = tpu.memref_slice %dma_wait3A_353[%dma_wait3A_354, %dma_wait3A_355] : memref<128x128xf32, #tpu.memory_space<vmem>> -> memref<128x128xf32, #tpu.memory_space<vmem>>
    %dma_wait3A_357 = arith.constant 0 : i32
    %dma_wait3A_358 = tpu.memref_slice %arg8[%dma_wait3A_348, %dma_wait3A_357] : memref<8x128xi32, #tpu.memory_space<vmem>> -> memref<1x128xi32, #tpu.memory_space<vmem>>
    %dma_wait3A_359 = tpu.memref_squeeze %dma_wait3A_358 : memref<1x128xi32, #tpu.memory_space<vmem>> -> memref<128xi32, #tpu.memory_space<vmem>>
    %dma_wait3A_360 = arith.constant 0 : i32
    %dma_wait3A_361 = arith.constant 0 : i32
    %dma_wait3A_362 = tpu.memref_slice %arg2[%dma_wait3A_360, %dma_wait3A_361] : memref<1000000x128xf32, #tpu.memory_space<hbm>> -> memref<1000000x128xf32, #tpu.memory_space<hbm>>
    tpu.wait_indirect_dma semaphore(%arg14 : memref<!tpu.dma_semaphore, #tpu.memory_space<semaphore_mem>>) src(%dma_wait3A_362 : memref<1000000x128xf32, #tpu.memory_space<hbm>>) dst(%dma_wait3A_356 : memref<128x128xf32, #tpu.memory_space<vmem>>)
    %dma_start3A_363 = arith.constant 5 : i32
    %dma_start3A_364 = arith.constant 1 : i32
    %dma_start3A_365 = arith.constant 0 : i32
    %dma_start3A_366 = arith.constant 0 : i32
    %dma_start3A_367 = tpu.memref_slice %arg10[%dma_start3A_364, %dma_start3A_365, %dma_start3A_366] : memref<2x128x128xf32, #tpu.memory_space<vmem>> -> memref<1x128x128xf32, #tpu.memory_space<vmem>>
    %dma_start3A_368 = tpu.memref_squeeze %dma_start3A_367 : memref<1x128x128xf32, #tpu.memory_space<vmem>> -> memref<128x128xf32, #tpu.memory_space<vmem>>
    %dma_start3A_369 = arith.constant 0 : i32
    %dma_start3A_370 = arith.constant 0 : i32
    %dma_start3A_371 = tpu.memref_slice %dma_start3A_368[%dma_start3A_369, %dma_start3A_370] : memref<128x128xf32, #tpu.memory_space<vmem>> -> memref<128x128xf32, #tpu.memory_space<vmem>>
    %dma_start3A_372 = arith.constant 0 : i32
    %dma_start3A_373 = tpu.memref_slice %arg7[%dma_start3A_363, %dma_start3A_372] : memref<8x128xi32, #tpu.memory_space<vmem>> -> memref<1x128xi32, #tpu.memory_space<vmem>>
    %dma_start3A_374 = tpu.memref_squeeze %dma_start3A_373 : memref<1x128xi32, #tpu.memory_space<vmem>> -> memref<128xi32, #tpu.memory_space<vmem>>
    %dma_start3A_375 = arith.constant 0 : i32
    %dma_start3A_376 = arith.constant 0 : i32
    %dma_start3A_377 = tpu.memref_slice %arg2[%dma_start3A_375, %dma_start3A_376] : memref<1000000x128xf32, #tpu.memory_space<hbm>> -> memref<1000000x128xf32, #tpu.memory_space<hbm>>
    tpu.enqueue_indirect_dma source(%dma_start3A_377 : memref<1000000x128xf32, #tpu.memory_space<hbm>>) target(%dma_start3A_371 : memref<128x128xf32, #tpu.memory_space<vmem>>) offsets(%dma_start3A_374 : memref<128xi32, #tpu.memory_space<vmem>>) semaphore(%arg13 : memref<!tpu.dma_semaphore, #tpu.memory_space<semaphore_mem>>)
    %dma_start3A_378 = arith.constant 5 : i32
    %dma_start3A_379 = arith.constant 1 : i32
    %dma_start3A_380 = arith.constant 0 : i32
    %dma_start3A_381 = arith.constant 0 : i32
    %dma_start3A_382 = tpu.memref_slice %arg11[%dma_start3A_379, %dma_start3A_380, %dma_start3A_381] : memref<2x128x128xf32, #tpu.memory_space<vmem>> -> memref<1x128x128xf32, #tpu.memory_space<vmem>>
    %dma_start3A_383 = tpu.memref_squeeze %dma_start3A_382 : memref<1x128x128xf32, #tpu.memory_space<vmem>> -> memref<128x128xf32, #tpu.memory_space<vmem>>
    %dma_start3A_384 = arith.constant 0 : i32
    %dma_start3A_385 = arith.constant 0 : i32
    %dma_start3A_386 = tpu.memref_slice %dma_start3A_383[%dma_start3A_384, %dma_start3A_385] : memref<128x128xf32, #tpu.memory_space<vmem>> -> memref<128x128xf32, #tpu.memory_space<vmem>>
    %dma_start3A_387 = arith.constant 0 : i32
    %dma_start3A_388 = tpu.memref_slice %arg8[%dma_start3A_378, %dma_start3A_387] : memref<8x128xi32, #tpu.memory_space<vmem>> -> memref<1x128xi32, #tpu.memory_space<vmem>>
    %dma_start3A_389 = tpu.memref_squeeze %dma_start3A_388 : memref<1x128xi32, #tpu.memory_space<vmem>> -> memref<128xi32, #tpu.memory_space<vmem>>
    %dma_start3A_390 = arith.constant 0 : i32
    %dma_start3A_391 = arith.constant 0 : i32
    %dma_start3A_392 = tpu.memref_slice %arg2[%dma_start3A_390, %dma_start3A_391] : memref<1000000x128xf32, #tpu.memory_space<hbm>> -> memref<1000000x128xf32, #tpu.memory_space<hbm>>
    tpu.enqueue_indirect_dma source(%dma_start3A_392 : memref<1000000x128xf32, #tpu.memory_space<hbm>>) target(%dma_start3A_386 : memref<128x128xf32, #tpu.memory_space<vmem>>) offsets(%dma_start3A_389 : memref<128xi32, #tpu.memory_space<vmem>>) semaphore(%arg14 : memref<!tpu.dma_semaphore, #tpu.memory_space<semaphore_mem>>)
    %scan3A_393 = arith.constant 0 : i32
    %scan3A_394 = arith.constant 0 : i32
    %scan3A_395 = arith.constant 128 : i32
    %scan3A_396 = arith.addi %scan3A_394, %scan3A_395 : i32
    %scan3A_397 = arith.constant 4 : i32
    scf.for %scan3A_575 = %scan3A_394 to %scan3A_396 step %scan3A_397  : i32 {
      %get3A_576 = arith.constant 0 : i32
      %get3A_577 = arith.index_cast %get3A_576 : i32 to index
      %get3A_578 = arith.index_cast %scan3A_575 : i32 to index
      %get3A_579 = arith.constant 0 : index
      %get3A_580 = tpu.vector_load %arg10[%get3A_577, %get3A_578, %get3A_579] {strides = array<i32>} : memref<2x128x128xf32, #tpu.memory_space<vmem>>, vector<1x1x16xf32>,
      %get3A_581 = vector.shape_cast %get3A_580 : vector<1x1x16xf32> to vector<16xf32>
      %mul3A_582 = arith.mulf %get3A_24, %get3A_581 : vector<16xf32>
      %get3A_583 = arith.constant 0 : i32
      %get3A_584 = arith.index_cast %get3A_583 : i32 to index
      %get3A_585 = arith.index_cast %scan3A_575 : i32 to index
      %get3A_586 = arith.constant 0 : index
      %get3A_587 = tpu.vector_load %arg11[%get3A_584, %get3A_585, %get3A_586] {strides = array<i32>} : memref<2x128x128xf32, #tpu.memory_space<vmem>>, vector<1x1x16xf32>,
      %get3A_588 = vector.shape_cast %get3A_587 : vector<1x1x16xf32> to vector<16xf32>
      %mul3A_589 = arith.mulf %mul3A_582, %get3A_588 : vector<16xf32>
      %swap3A = arith.index_cast %scan3A_575 : i32 to index
      %swap3A_590 = arith.constant 0 : index
      %swap3A_591 = tpu.vector_load %arg12[%swap3A, %swap3A_590] {strides = array<i32>} : memref<128x64xf32, #tpu.memory_space<vmem>>, vector<1x16xf32>,
      %swap3A_592 = vector.shape_cast %swap3A_591 : vector<1x16xf32> to vector<16xf32>
      %swap3A_593 = vector.shape_cast %mul3A_589 : vector<16xf32> to vector<1x16xf32>
      tpu.vector_store %arg12[%swap3A, %swap3A_590], %swap3A_593 {strides = array<i32>} : memref<128x64xf32, #tpu.memory_space<vmem>>, vector<1x16xf32>,
      %get3A_594 = arith.constant 0 : i32
      %get3A_595 = arith.index_cast %get3A_594 : i32 to index
      %get3A_596 = arith.index_cast %scan3A_575 : i32 to index
      %get3A_597 = arith.constant 16 : index
      %get3A_598 = tpu.vector_load %arg10[%get3A_595, %get3A_596, %get3A_597] {strides = array<i32>} : memref<2x128x128xf32, #tpu.memory_space<vmem>>, vector<1x1x16xf32>,
      %get3A_599 = vector.shape_cast %get3A_598 : vector<1x1x16xf32> to vector<16xf32>
      %mul3A_600 = arith.mulf %get3A_27, %get3A_599 : vector<16xf32>
      %get3A_601 = arith.constant 0 : i32
      %get3A_602 = arith.index_cast %get3A_601 : i32 to index
      %get3A_603 = arith.index_cast %scan3A_575 : i32 to index
      %get3A_604 = arith.constant 16 : index
      %get3A_605 = tpu.vector_load %arg11[%get3A_602, %get3A_603, %get3A_604] {strides = array<i32>} : memref<2x128x128xf32, #tpu.memory_space<vmem>>, vector<1x1x16xf32>,
      %get3A_606 = vector.shape_cast %get3A_605 : vector<1x1x16xf32> to vector<16xf32>
      %mul3A_607 = arith.mulf %mul3A_600, %get3A_606 : vector<16xf32>
      %swap3A_608 = arith.index_cast %scan3A_575 : i32 to index
      %swap3A_609 = arith.constant 16 : index
      %swap3A_610 = tpu.vector_load %arg12[%swap3A_608, %swap3A_609] {strides = array<i32>} : memref<128x64xf32, #tpu.memory_space<vmem>>, vector<1x16xf32>,
      %swap3A_611 = vector.shape_cast %swap3A_610 : vector<1x16xf32> to vector<16xf32>
      %swap3A_612 = vector.shape_cast %mul3A_607 : vector<16xf32> to vector<1x16xf32>
      tpu.vector_store %arg12[%swap3A_608, %swap3A_609], %swap3A_612 {strides = array<i32>} : memref<128x64xf32, #tpu.memory_space<vmem>>, vector<1x16xf32>,
      %get3A_613 = arith.constant 0 : i32
      %get3A_614 = arith.index_cast %get3A_613 : i32 to index
      %get3A_615 = arith.index_cast %scan3A_575 : i32 to index
      %get3A_616 = arith.constant 32 : index
      %get3A_617 = tpu.vector_load %arg10[%get3A_614, %get3A_615, %get3A_616] {strides = array<i32>} : memref<2x128x128xf32, #tpu.memory_space<vmem>>, vector<1x1x16xf32>,
      %get3A_618 = vector.shape_cast %get3A_617 : vector<1x1x16xf32> to vector<16xf32>
      %mul3A_619 = arith.mulf %get3A_30, %get3A_618 : vector<16xf32>
      %get3A_620 = arith.constant 0 : i32
      %get3A_621 = arith.index_cast %get3A_620 : i32 to index
      %get3A_622 = arith.index_cast %scan3A_575 : i32 to index
      %get3A_623 = arith.constant 32 : index
      %get3A_624 = tpu.vector_load %arg11[%get3A_621, %get3A_622, %get3A_623] {strides = array<i32>} : memref<2x128x128xf32, #tpu.memory_space<vmem>>, vector<1x1x16xf32>,
      %get3A_625 = vector.shape_cast %get3A_624 : vector<1x1x16xf32> to vector<16xf32>
      %mul3A_626 = arith.mulf %mul3A_619, %get3A_625 : vector<16xf32>
      %swap3A_627 = arith.index_cast %scan3A_575 : i32 to index
      %swap3A_628 = arith.constant 32 : index
      %swap3A_629 = tpu.vector_load %arg12[%swap3A_627, %swap3A_628] {strides = array<i32>} : memref<128x64xf32, #tpu.memory_space<vmem>>, vector<1x16xf32>,
      %swap3A_630 = vector.shape_cast %swap3A_629 : vector<1x16xf32> to vector<16xf32>
      %swap3A_631 = vector.shape_cast %mul3A_626 : vector<16xf32> to vector<1x16xf32>
      tpu.vector_store %arg12[%swap3A_627, %swap3A_628], %swap3A_631 {strides = array<i32>} : memref<128x64xf32, #tpu.memory_space<vmem>>, vector<1x16xf32>,
      %get3A_632 = arith.constant 0 : i32
      %get3A_633 = arith.index_cast %get3A_632 : i32 to index
      %get3A_634 = arith.index_cast %scan3A_575 : i32 to index
      %get3A_635 = arith.constant 48 : index
      %get3A_636 = tpu.vector_load %arg10[%get3A_633, %get3A_634, %get3A_635] {strides = array<i32>} : memref<2x128x128xf32, #tpu.memory_space<vmem>>, vector<1x1x16xf32>,
      %get3A_637 = vector.shape_cast %get3A_636 : vector<1x1x16xf32> to vector<16xf32>
      %mul3A_638 = arith.mulf %get3A_33, %get3A_637 : vector<16xf32>
      %get3A_639 = arith.constant 0 : i32
      %get3A_640 = arith.index_cast %get3A_639 : i32 to index
      %get3A_641 = arith.index_cast %scan3A_575 : i32 to index
      %get3A_642 = arith.constant 48 : index
      %get3A_643 = tpu.vector_load %arg11[%get3A_640, %get3A_641, %get3A_642] {strides = array<i32>} : memref<2x128x128xf32, #tpu.memory_space<vmem>>, vector<1x1x16xf32>,
      %get3A_644 = vector.shape_cast %get3A_643 : vector<1x1x16xf32> to vector<16xf32>
      %mul3A_645 = arith.mulf %mul3A_638, %get3A_644 : vector<16xf32>
      %swap3A_646 = arith.index_cast %scan3A_575 : i32 to index
      %swap3A_647 = arith.constant 48 : index
      %swap3A_648 = tpu.vector_load %arg12[%swap3A_646, %swap3A_647] {strides = array<i32>} : memref<128x64xf32, #tpu.memory_space<vmem>>, vector<1x16xf32>,
      %swap3A_649 = vector.shape_cast %swap3A_648 : vector<1x16xf32> to vector<16xf32>
      %swap3A_650 = vector.shape_cast %mul3A_645 : vector<16xf32> to vector<1x16xf32>
      tpu.vector_store %arg12[%swap3A_646, %swap3A_647], %swap3A_650 {strides = array<i32>} : memref<128x64xf32, #tpu.memory_space<vmem>>, vector<1x16xf32>,
      %scan3A_651 = arith.constant 1 : i32
      %scan3A_652 = arith.addi %scan3A_575, %scan3A_651 : i32
      %get3A_653 = arith.constant 0 : i32
      %get3A_654 = arith.index_cast %get3A_653 : i32 to index
      %get3A_655 = arith.index_cast %scan3A_652 : i32 to index
      %get3A_656 = arith.constant 0 : index
      %get3A_657 = tpu.vector_load %arg10[%get3A_654, %get3A_655, %get3A_656] {strides = array<i32>} : memref<2x128x128xf32, #tpu.memory_space<vmem>>, vector<1x1x16xf32>,
      %get3A_658 = vector.shape_cast %get3A_657 : vector<1x1x16xf32> to vector<16xf32>
      %mul3A_659 = arith.mulf %get3A_24, %get3A_658 : vector<16xf32>
      %get3A_660 = arith.constant 0 : i32
      %get3A_661 = arith.index_cast %get3A_660 : i32 to index
      %get3A_662 = arith.index_cast %scan3A_652 : i32 to index
      %get3A_663 = arith.constant 0 : index
      %get3A_664 = tpu.vector_load %arg11[%get3A_661, %get3A_662, %get3A_663] {strides = array<i32>} : memref<2x128x128xf32, #tpu.memory_space<vmem>>, vector<1x1x16xf32>,
      %get3A_665 = vector.shape_cast %get3A_664 : vector<1x1x16xf32> to vector<16xf32>
      %mul3A_666 = arith.mulf %mul3A_659, %get3A_665 : vector<16xf32>
      %swap3A_667 = arith.index_cast %scan3A_652 : i32 to index
      %swap3A_668 = arith.constant 0 : index
      %swap3A_669 = tpu.vector_load %arg12[%swap3A_667, %swap3A_668] {strides = array<i32>} : memref<128x64xf32, #tpu.memory_space<vmem>>, vector<1x16xf32>,
      %swap3A_670 = vector.shape_cast %swap3A_669 : vector<1x16xf32> to vector<16xf32>
      %swap3A_671 = vector.shape_cast %mul3A_666 : vector<16xf32> to vector<1x16xf32>
      tpu.vector_store %arg12[%swap3A_667, %swap3A_668], %swap3A_671 {strides = array<i32>} : memref<128x64xf32, #tpu.memory_space<vmem>>, vector<1x16xf32>,
      %get3A_672 = arith.constant 0 : i32
      %get3A_673 = arith.index_cast %get3A_672 : i32 to index
      %get3A_674 = arith.index_cast %scan3A_652 : i32 to index
      %get3A_675 = arith.constant 16 : index
      %get3A_676 = tpu.vector_load %arg10[%get3A_673, %get3A_674, %get3A_675] {strides = array<i32>} : memref<2x128x128xf32, #tpu.memory_space<vmem>>, vector<1x1x16xf32>,
      %get3A_677 = vector.shape_cast %get3A_676 : vector<1x1x16xf32> to vector<16xf32>
      %mul3A_678 = arith.mulf %get3A_27, %get3A_677 : vector<16xf32>
      %get3A_679 = arith.constant 0 : i32
      %get3A_680 = arith.index_cast %get3A_679 : i32 to index
      %get3A_681 = arith.index_cast %scan3A_652 : i32 to index
      %get3A_682 = arith.constant 16 : index
      %get3A_683 = tpu.vector_load %arg11[%get3A_680, %get3A_681, %get3A_682] {strides = array<i32>} : memref<2x128x128xf32, #tpu.memory_space<vmem>>, vector<1x1x16xf32>,
      %get3A_684 = vector.shape_cast %get3A_683 : vector<1x1x16xf32> to vector<16xf32>
      %mul3A_685 = arith.mulf %mul3A_678, %get3A_684 : vector<16xf32>
      %swap3A_686 = arith.index_cast %scan3A_652 : i32 to index
      %swap3A_687 = arith.constant 16 : index
      %swap3A_688 = tpu.vector_load %arg12[%swap3A_686, %swap3A_687] {strides = array<i32>} : memref<128x64xf32, #tpu.memory_space<vmem>>, vector<1x16xf32>,
      %swap3A_689 = vector.shape_cast %swap3A_688 : vector<1x16xf32> to vector<16xf32>
      %swap3A_690 = vector.shape_cast %mul3A_685 : vector<16xf32> to vector<1x16xf32>
      tpu.vector_store %arg12[%swap3A_686, %swap3A_687], %swap3A_690 {strides = array<i32>} : memref<128x64xf32, #tpu.memory_space<vmem>>, vector<1x16xf32>,
      %get3A_691 = arith.constant 0 : i32
      %get3A_692 = arith.index_cast %get3A_691 : i32 to index
      %get3A_693 = arith.index_cast %scan3A_652 : i32 to index
      %get3A_694 = arith.constant 32 : index
      %get3A_695 = tpu.vector_load %arg10[%get3A_692, %get3A_693, %get3A_694] {strides = array<i32>} : memref<2x128x128xf32, #tpu.memory_space<vmem>>, vector<1x1x16xf32>,
      %get3A_696 = vector.shape_cast %get3A_695 : vector<1x1x16xf32> to vector<16xf32>
      %mul3A_697 = arith.mulf %get3A_30, %get3A_696 : vector<16xf32>
      %get3A_698 = arith.constant 0 : i32
      %get3A_699 = arith.index_cast %get3A_698 : i32 to index
      %get3A_700 = arith.index_cast %scan3A_652 : i32 to index
      %get3A_701 = arith.constant 32 : index
      %get3A_702 = tpu.vector_load %arg11[%get3A_699, %get3A_700, %get3A_701] {strides = array<i32>} : memref<2x128x128xf32, #tpu.memory_space<vmem>>, vector<1x1x16xf32>,
      %get3A_703 = vector.shape_cast %get3A_702 : vector<1x1x16xf32> to vector<16xf32>
      %mul3A_704 = arith.mulf %mul3A_697, %get3A_703 : vector<16xf32>
      %swap3A_705 = arith.index_cast %scan3A_652 : i32 to index
      %swap3A_706 = arith.constant 32 : index
      %swap3A_707 = tpu.vector_load %arg12[%swap3A_705, %swap3A_706] {strides = array<i32>} : memref<128x64xf32, #tpu.memory_space<vmem>>, vector<1x16xf32>,
      %swap3A_708 = vector.shape_cast %swap3A_707 : vector<1x16xf32> to vector<16xf32>
      %swap3A_709 = vector.shape_cast %mul3A_704 : vector<16xf32> to vector<1x16xf32>
      tpu.vector_store %arg12[%swap3A_705, %swap3A_706], %swap3A_709 {strides = array<i32>} : memref<128x64xf32, #tpu.memory_space<vmem>>, vector<1x16xf32>,
      %get3A_710 = arith.constant 0 : i32
      %get3A_711 = arith.index_cast %get3A_710 : i32 to index
      %get3A_712 = arith.index_cast %scan3A_652 : i32 to index
      %get3A_713 = arith.constant 48 : index
      %get3A_714 = tpu.vector_load %arg10[%get3A_711, %get3A_712, %get3A_713] {strides = array<i32>} : memref<2x128x128xf32, #tpu.memory_space<vmem>>, vector<1x1x16xf32>,
      %get3A_715 = vector.shape_cast %get3A_714 : vector<1x1x16xf32> to vector<16xf32>
      %mul3A_716 = arith.mulf %get3A_33, %get3A_715 : vector<16xf32>
      %get3A_717 = arith.constant 0 : i32
      %get3A_718 = arith.index_cast %get3A_717 : i32 to index
      %get3A_719 = arith.index_cast %scan3A_652 : i32 to index
      %get3A_720 = arith.constant 48 : index
      %get3A_721 = tpu.vector_load %arg11[%get3A_718, %get3A_719, %get3A_720] {strides = array<i32>} : memref<2x128x128xf32, #tpu.memory_space<vmem>>, vector<1x1x16xf32>,
      %get3A_722 = vector.shape_cast %get3A_721 : vector<1x1x16xf32> to vector<16xf32>
      %mul3A_723 = arith.mulf %mul3A_716, %get3A_722 : vector<16xf32>
      %swap3A_724 = arith.index_cast %scan3A_652 : i32 to index
      %swap3A_725 = arith.constant 48 : index
      %swap3A_726 = tpu.vector_load %arg12[%swap3A_724, %swap3A_725] {strides = array<i32>} : memref<128x64xf32, #tpu.memory_space<vmem>>, vector<1x16xf32>,
      %swap3A_727 = vector.shape_cast %swap3A_726 : vector<1x16xf32> to vector<16xf32>
      %swap3A_728 = vector.shape_cast %mul3A_723 : vector<16xf32> to vector<1x16xf32>
      tpu.vector_store %arg12[%swap3A_724, %swap3A_725], %swap3A_728 {strides = array<i32>} : memref<128x64xf32, #tpu.memory_space<vmem>>, vector<1x16xf32>,
      %scan3A_729 = arith.constant 2 : i32
      %scan3A_730 = arith.addi %scan3A_575, %scan3A_729 : i32
      %get3A_731 = arith.constant 0 : i32
      %get3A_732 = arith.index_cast %get3A_731 : i32 to index
      %get3A_733 = arith.index_cast %scan3A_730 : i32 to index
      %get3A_734 = arith.constant 0 : index
      %get3A_735 = tpu.vector_load %arg10[%get3A_732, %get3A_733, %get3A_734] {strides = array<i32>} : memref<2x128x128xf32, #tpu.memory_space<vmem>>, vector<1x1x16xf32>,
      %get3A_736 = vector.shape_cast %get3A_735 : vector<1x1x16xf32> to vector<16xf32>
      %mul3A_737 = arith.mulf %get3A_24, %get3A_736 : vector<16xf32>
      %get3A_738 = arith.constant 0 : i32
      %get3A_739 = arith.index_cast %get3A_738 : i32 to index
      %get3A_740 = arith.index_cast %scan3A_730 : i32 to index
      %get3A_741 = arith.constant 0 : index
      %get3A_742 = tpu.vector_load %arg11[%get3A_739, %get3A_740, %get3A_741] {strides = array<i32>} : memref<2x128x128xf32, #tpu.memory_space<vmem>>, vector<1x1x16xf32>,
      %get3A_743 = vector.shape_cast %get3A_742 : vector<1x1x16xf32> to vector<16xf32>
      %mul3A_744 = arith.mulf %mul3A_737, %get3A_743 : vector<16xf32>
      %swap3A_745 = arith.index_cast %scan3A_730 : i32 to index
      %swap3A_746 = arith.constant 0 : index
      %swap3A_747 = tpu.vector_load %arg12[%swap3A_745, %swap3A_746] {strides = array<i32>} : memref<128x64xf32, #tpu.memory_space<vmem>>, vector<1x16xf32>,
      %swap3A_748 = vector.shape_cast %swap3A_747 : vector<1x16xf32> to vector<16xf32>
      %swap3A_749 = vector.shape_cast %mul3A_744 : vector<16xf32> to vector<1x16xf32>
      tpu.vector_store %arg12[%swap3A_745, %swap3A_746], %swap3A_749 {strides = array<i32>} : memref<128x64xf32, #tpu.memory_space<vmem>>, vector<1x16xf32>,
      %get3A_750 = arith.constant 0 : i32
      %get3A_751 = arith.index_cast %get3A_750 : i32 to index
      %get3A_752 = arith.index_cast %scan3A_730 : i32 to index
      %get3A_753 = arith.constant 16 : index
      %get3A_754 = tpu.vector_load %arg10[%get3A_751, %get3A_752, %get3A_753] {strides = array<i32>} : memref<2x128x128xf32, #tpu.memory_space<vmem>>, vector<1x1x16xf32>,
      %get3A_755 = vector.shape_cast %get3A_754 : vector<1x1x16xf32> to vector<16xf32>
      %mul3A_756 = arith.mulf %get3A_27, %get3A_755 : vector<16xf32>
      %get3A_757 = arith.constant 0 : i32
      %get3A_758 = arith.index_cast %get3A_757 : i32 to index
      %get3A_759 = arith.index_cast %scan3A_730 : i32 to index
      %get3A_760 = arith.constant 16 : index
      %get3A_761 = tpu.vector_load %arg11[%get3A_758, %get3A_759, %get3A_760] {strides = array<i32>} : memref<2x128x128xf32, #tpu.memory_space<vmem>>, vector<1x1x16xf32>,
      %get3A_762 = vector.shape_cast %get3A_761 : vector<1x1x16xf32> to vector<16xf32>
      %mul3A_763 = arith.mulf %mul3A_756, %get3A_762 : vector<16xf32>
      %swap3A_764 = arith.index_cast %scan3A_730 : i32 to index
      %swap3A_765 = arith.constant 16 : index
      %swap3A_766 = tpu.vector_load %arg12[%swap3A_764, %swap3A_765] {strides = array<i32>} : memref<128x64xf32, #tpu.memory_space<vmem>>, vector<1x16xf32>,
      %swap3A_767 = vector.shape_cast %swap3A_766 : vector<1x16xf32> to vector<16xf32>
      %swap3A_768 = vector.shape_cast %mul3A_763 : vector<16xf32> to vector<1x16xf32>
      tpu.vector_store %arg12[%swap3A_764, %swap3A_765], %swap3A_768 {strides = array<i32>} : memref<128x64xf32, #tpu.memory_space<vmem>>, vector<1x16xf32>,
      %get3A_769 = arith.constant 0 : i32
      %get3A_770 = arith.index_cast %get3A_769 : i32 to index
      %get3A_771 = arith.index_cast %scan3A_730 : i32 to index
      %get3A_772 = arith.constant 32 : index
      %get3A_773 = tpu.vector_load %arg10[%get3A_770, %get3A_771, %get3A_772] {strides = array<i32>} : memref<2x128x128xf32, #tpu.memory_space<vmem>>, vector<1x1x16xf32>,
      %get3A_774 = vector.shape_cast %get3A_773 : vector<1x1x16xf32> to vector<16xf32>
      %mul3A_775 = arith.mulf %get3A_30, %get3A_774 : vector<16xf32>
      %get3A_776 = arith.constant 0 : i32
      %get3A_777 = arith.index_cast %get3A_776 : i32 to index
      %get3A_778 = arith.index_cast %scan3A_730 : i32 to index
      %get3A_779 = arith.constant 32 : index
      %get3A_780 = tpu.vector_load %arg11[%get3A_777, %get3A_778, %get3A_779] {strides = array<i32>} : memref<2x128x128xf32, #tpu.memory_space<vmem>>, vector<1x1x16xf32>,
      %get3A_781 = vector.shape_cast %get3A_780 : vector<1x1x16xf32> to vector<16xf32>
      %mul3A_782 = arith.mulf %mul3A_775, %get3A_781 : vector<16xf32>
      %swap3A_783 = arith.index_cast %scan3A_730 : i32 to index
      %swap3A_784 = arith.constant 32 : index
      %swap3A_785 = tpu.vector_load %arg12[%swap3A_783, %swap3A_784] {strides = array<i32>} : memref<128x64xf32, #tpu.memory_space<vmem>>, vector<1x16xf32>,
      %swap3A_786 = vector.shape_cast %swap3A_785 : vector<1x16xf32> to vector<16xf32>
      %swap3A_787 = vector.shape_cast %mul3A_782 : vector<16xf32> to vector<1x16xf32>
      tpu.vector_store %arg12[%swap3A_783, %swap3A_784], %swap3A_787 {strides = array<i32>} : memref<128x64xf32, #tpu.memory_space<vmem>>, vector<1x16xf32>,
      %get3A_788 = arith.constant 0 : i32
      %get3A_789 = arith.index_cast %get3A_788 : i32 to index
      %get3A_790 = arith.index_cast %scan3A_730 : i32 to index
      %get3A_791 = arith.constant 48 : index
      %get3A_792 = tpu.vector_load %arg10[%get3A_789, %get3A_790, %get3A_791] {strides = array<i32>} : memref<2x128x128xf32, #tpu.memory_space<vmem>>, vector<1x1x16xf32>,
      %get3A_793 = vector.shape_cast %get3A_792 : vector<1x1x16xf32> to vector<16xf32>
      %mul3A_794 = arith.mulf %get3A_33, %get3A_793 : vector<16xf32>
      %get3A_795 = arith.constant 0 : i32
      %get3A_796 = arith.index_cast %get3A_795 : i32 to index
      %get3A_797 = arith.index_cast %scan3A_730 : i32 to index
      %get3A_798 = arith.constant 48 : index
      %get3A_799 = tpu.vector_load %arg11[%get3A_796, %get3A_797, %get3A_798] {strides = array<i32>} : memref<2x128x128xf32, #tpu.memory_space<vmem>>, vector<1x1x16xf32>,
      %get3A_800 = vector.shape_cast %get3A_799 : vector<1x1x16xf32> to vector<16xf32>
      %mul3A_801 = arith.mulf %mul3A_794, %get3A_800 : vector<16xf32>
      %swap3A_802 = arith.index_cast %scan3A_730 : i32 to index
      %swap3A_803 = arith.constant 48 : index
      %swap3A_804 = tpu.vector_load %arg12[%swap3A_802, %swap3A_803] {strides = array<i32>} : memref<128x64xf32, #tpu.memory_space<vmem>>, vector<1x16xf32>,
      %swap3A_805 = vector.shape_cast %swap3A_804 : vector<1x16xf32> to vector<16xf32>
      %swap3A_806 = vector.shape_cast %mul3A_801 : vector<16xf32> to vector<1x16xf32>
      tpu.vector_store %arg12[%swap3A_802, %swap3A_803], %swap3A_806 {strides = array<i32>} : memref<128x64xf32, #tpu.memory_space<vmem>>, vector<1x16xf32>,
      %scan3A_807 = arith.constant 3 : i32
      %scan3A_808 = arith.addi %scan3A_575, %scan3A_807 : i32
      %get3A_809 = arith.constant 0 : i32
      %get3A_810 = arith.index_cast %get3A_809 : i32 to index
      %get3A_811 = arith.index_cast %scan3A_808 : i32 to index
      %get3A_812 = arith.constant 0 : index
      %get3A_813 = tpu.vector_load %arg10[%get3A_810, %get3A_811, %get3A_812] {strides = array<i32>} : memref<2x128x128xf32, #tpu.memory_space<vmem>>, vector<1x1x16xf32>,
      %get3A_814 = vector.shape_cast %get3A_813 : vector<1x1x16xf32> to vector<16xf32>
      %mul3A_815 = arith.mulf %get3A_24, %get3A_814 : vector<16xf32>
      %get3A_816 = arith.constant 0 : i32
      %get3A_817 = arith.index_cast %get3A_816 : i32 to index
      %get3A_818 = arith.index_cast %scan3A_808 : i32 to index
      %get3A_819 = arith.constant 0 : index
      %get3A_820 = tpu.vector_load %arg11[%get3A_817, %get3A_818, %get3A_819] {strides = array<i32>} : memref<2x128x128xf32, #tpu.memory_space<vmem>>, vector<1x1x16xf32>,
      %get3A_821 = vector.shape_cast %get3A_820 : vector<1x1x16xf32> to vector<16xf32>
      %mul3A_822 = arith.mulf %mul3A_815, %get3A_821 : vector<16xf32>
      %swap3A_823 = arith.index_cast %scan3A_808 : i32 to index
      %swap3A_824 = arith.constant 0 : index
      %swap3A_825 = tpu.vector_load %arg12[%swap3A_823, %swap3A_824] {strides = array<i32>} : memref<128x64xf32, #tpu.memory_space<vmem>>, vector<1x16xf32>,
      %swap3A_826 = vector.shape_cast %swap3A_825 : vector<1x16xf32> to vector<16xf32>
      %swap3A_827 = vector.shape_cast %mul3A_822 : vector<16xf32> to vector<1x16xf32>
      tpu.vector_store %arg12[%swap3A_823, %swap3A_824], %swap3A_827 {strides = array<i32>} : memref<128x64xf32, #tpu.memory_space<vmem>>, vector<1x16xf32>,
      %get3A_828 = arith.constant 0 : i32
      %get3A_829 = arith.index_cast %get3A_828 : i32 to index
      %get3A_830 = arith.index_cast %scan3A_808 : i32 to index
      %get3A_831 = arith.constant 16 : index
      %get3A_832 = tpu.vector_load %arg10[%get3A_829, %get3A_830, %get3A_831] {strides = array<i32>} : memref<2x128x128xf32, #tpu.memory_space<vmem>>, vector<1x1x16xf32>,
      %get3A_833 = vector.shape_cast %get3A_832 : vector<1x1x16xf32> to vector<16xf32>
      %mul3A_834 = arith.mulf %get3A_27, %get3A_833 : vector<16xf32>
      %get3A_835 = arith.constant 0 : i32
      %get3A_836 = arith.index_cast %get3A_835 : i32 to index
      %get3A_837 = arith.index_cast %scan3A_808 : i32 to index
      %get3A_838 = arith.constant 16 : index
      %get3A_839 = tpu.vector_load %arg11[%get3A_836, %get3A_837, %get3A_838] {strides = array<i32>} : memref<2x128x128xf32, #tpu.memory_space<vmem>>, vector<1x1x16xf32>,
      %get3A_840 = vector.shape_cast %get3A_839 : vector<1x1x16xf32> to vector<16xf32>
      %mul3A_841 = arith.mulf %mul3A_834, %get3A_840 : vector<16xf32>
      %swap3A_842 = arith.index_cast %scan3A_808 : i32 to index
      %swap3A_843 = arith.constant 16 : index
      %swap3A_844 = tpu.vector_load %arg12[%swap3A_842, %swap3A_843] {strides = array<i32>} : memref<128x64xf32, #tpu.memory_space<vmem>>, vector<1x16xf32>,
      %swap3A_845 = vector.shape_cast %swap3A_844 : vector<1x16xf32> to vector<16xf32>
      %swap3A_846 = vector.shape_cast %mul3A_841 : vector<16xf32> to vector<1x16xf32>
      tpu.vector_store %arg12[%swap3A_842, %swap3A_843], %swap3A_846 {strides = array<i32>} : memref<128x64xf32, #tpu.memory_space<vmem>>, vector<1x16xf32>,
      %get3A_847 = arith.constant 0 : i32
      %get3A_848 = arith.index_cast %get3A_847 : i32 to index
      %get3A_849 = arith.index_cast %scan3A_808 : i32 to index
      %get3A_850 = arith.constant 32 : index
      %get3A_851 = tpu.vector_load %arg10[%get3A_848, %get3A_849, %get3A_850] {strides = array<i32>} : memref<2x128x128xf32, #tpu.memory_space<vmem>>, vector<1x1x16xf32>,
      %get3A_852 = vector.shape_cast %get3A_851 : vector<1x1x16xf32> to vector<16xf32>
      %mul3A_853 = arith.mulf %get3A_30, %get3A_852 : vector<16xf32>
      %get3A_854 = arith.constant 0 : i32
      %get3A_855 = arith.index_cast %get3A_854 : i32 to index
      %get3A_856 = arith.index_cast %scan3A_808 : i32 to index
      %get3A_857 = arith.constant 32 : index
      %get3A_858 = tpu.vector_load %arg11[%get3A_855, %get3A_856, %get3A_857] {strides = array<i32>} : memref<2x128x128xf32, #tpu.memory_space<vmem>>, vector<1x1x16xf32>,
      %get3A_859 = vector.shape_cast %get3A_858 : vector<1x1x16xf32> to vector<16xf32>
      %mul3A_860 = arith.mulf %mul3A_853, %get3A_859 : vector<16xf32>
      %swap3A_861 = arith.index_cast %scan3A_808 : i32 to index
      %swap3A_862 = arith.constant 32 : index
      %swap3A_863 = tpu.vector_load %arg12[%swap3A_861, %swap3A_862] {strides = array<i32>} : memref<128x64xf32, #tpu.memory_space<vmem>>, vector<1x16xf32>,
      %swap3A_864 = vector.shape_cast %swap3A_863 : vector<1x16xf32> to vector<16xf32>
      %swap3A_865 = vector.shape_cast %mul3A_860 : vector<16xf32> to vector<1x16xf32>
      tpu.vector_store %arg12[%swap3A_861, %swap3A_862], %swap3A_865 {strides = array<i32>} : memref<128x64xf32, #tpu.memory_space<vmem>>, vector<1x16xf32>,
      %get3A_866 = arith.constant 0 : i32
      %get3A_867 = arith.index_cast %get3A_866 : i32 to index
      %get3A_868 = arith.index_cast %scan3A_808 : i32 to index
      %get3A_869 = arith.constant 48 : index
      %get3A_870 = tpu.vector_load %arg10[%get3A_867, %get3A_868, %get3A_869] {strides = array<i32>} : memref<2x128x128xf32, #tpu.memory_space<vmem>>, vector<1x1x16xf32>,
      %get3A_871 = vector.shape_cast %get3A_870 : vector<1x1x16xf32> to vector<16xf32>
      %mul3A_872 = arith.mulf %get3A_33, %get3A_871 : vector<16xf32>
      %get3A_873 = arith.constant 0 : i32
      %get3A_874 = arith.index_cast %get3A_873 : i32 to index
      %get3A_875 = arith.index_cast %scan3A_808 : i32 to index
      %get3A_876 = arith.constant 48 : index
      %get3A_877 = tpu.vector_load %arg11[%get3A_874, %get3A_875, %get3A_876] {strides = array<i32>} : memref<2x128x128xf32, #tpu.memory_space<vmem>>, vector<1x1x16xf32>,
      %get3A_878 = vector.shape_cast %get3A_877 : vector<1x1x16xf32> to vector<16xf32>
      %mul3A_879 = arith.mulf %mul3A_872, %get3A_878 : vector<16xf32>
      %swap3A_880 = arith.index_cast %scan3A_808 : i32 to index
      %swap3A_881 = arith.constant 48 : index
      %swap3A_882 = tpu.vector_load %arg12[%swap3A_880, %swap3A_881] {strides = array<i32>} : memref<128x64xf32, #tpu.memory_space<vmem>>, vector<1x16xf32>,
      %swap3A_883 = vector.shape_cast %swap3A_882 : vector<1x16xf32> to vector<16xf32>
      %swap3A_884 = vector.shape_cast %mul3A_879 : vector<16xf32> to vector<1x16xf32>
      tpu.vector_store %arg12[%swap3A_880, %swap3A_881], %swap3A_884 {strides = array<i32>} : memref<128x64xf32, #tpu.memory_space<vmem>>, vector<1x16xf32>,
    }
    %scan3A_398 = arith.constant 128 : i32
    %add3A_399 = arith.constant 512 : i32
    %add3A_400 = arith.addi %mul3A_2, %add3A_399 : i32
    "tpu.region"() ({
      %run_scoped3A = tpu.sem_alloc : memref<!tpu.dma_semaphore, #tpu.memory_space<semaphore_mem>>
      %dma_start3A_575 = arith.constant 0 : i32
      %dma_start3A_576 = tpu.memref_slice %arg6[%add3A_400, %dma_start3A_575] : memref<32768x64xf32, #tpu.memory_space<hbm>> -> memref<128x64xf32, #tpu.memory_space<hbm>>
      %dma_start3A_577 = arith.constant 0 : i32
      %dma_start3A_578 = tpu.memref_slice %arg6[%add3A_400, %dma_start3A_577] : memref<32768x64xf32, #tpu.memory_space<hbm>> -> memref<128x64xf32, #tpu.memory_space<hbm>>
      tpu.enqueue_dma source(%arg12 : memref<128x64xf32, #tpu.memory_space<vmem>>) target(%dma_start3A_578 : memref<128x64xf32, #tpu.memory_space<hbm>>) target_semaphore(%run_scoped3A : memref<!tpu.dma_semaphore, #tpu.memory_space<semaphore_mem>>)
      %dma_wait3A_579 = arith.constant 0 : i32
      %dma_wait3A_580 = tpu.memref_slice %arg6[%add3A_400, %dma_wait3A_579] : memref<32768x64xf32, #tpu.memory_space<hbm>> -> memref<128x64xf32, #tpu.memory_space<hbm>>
      %dma_wait3A_581 = arith.constant 0 : i32
      %dma_wait3A_582 = tpu.memref_slice %arg6[%add3A_400, %dma_wait3A_581] : memref<32768x64xf32, #tpu.memory_space<hbm>> -> memref<128x64xf32, #tpu.memory_space<hbm>>
      tpu.wait_dma2 semaphore(%run_scoped3A : memref<!tpu.dma_semaphore, #tpu.memory_space<semaphore_mem>>) src(%arg12 : memref<128x64xf32, #tpu.memory_space<vmem>>) dst(%dma_wait3A_582 : memref<128x64xf32, #tpu.memory_space<hbm>>)
      tpu.yield
    }) : () -> ()
    %dma_wait3A_401 = arith.constant 5 : i32
    %dma_wait3A_402 = arith.constant 1 : i32
    %dma_wait3A_403 = arith.constant 0 : i32
    %dma_wait3A_404 = arith.constant 0 : i32
    %dma_wait3A_405 = tpu.memref_slice %arg10[%dma_wait3A_402, %dma_wait3A_403, %dma_wait3A_404] : memref<2x128x128xf32, #tpu.memory_space<vmem>> -> memref<1x128x128xf32, #tpu.memory_space<vmem>>
    %dma_wait3A_406 = tpu.memref_squeeze %dma_wait3A_405 : memref<1x128x128xf32, #tpu.memory_space<vmem>> -> memref<128x128xf32, #tpu.memory_space<vmem>>
    %dma_wait3A_407 = arith.constant 0 : i32
    %dma_wait3A_408 = arith.constant 0 : i32
    %dma_wait3A_409 = tpu.memref_slice %dma_wait3A_406[%dma_wait3A_407, %dma_wait3A_408] : memref<128x128xf32, #tpu.memory_space<vmem>> -> memref<128x128xf32, #tpu.memory_space<vmem>>
    %dma_wait3A_410 = arith.constant 0 : i32
    %dma_wait3A_411 = tpu.memref_slice %arg7[%dma_wait3A_401, %dma_wait3A_410] : memref<8x128xi32, #tpu.memory_space<vmem>> -> memref<1x128xi32, #tpu.memory_space<vmem>>
    %dma_wait3A_412 = tpu.memref_squeeze %dma_wait3A_411 : memref<1x128xi32, #tpu.memory_space<vmem>> -> memref<128xi32, #tpu.memory_space<vmem>>
    %dma_wait3A_413 = arith.constant 0 : i32
    %dma_wait3A_414 = arith.constant 0 : i32
    %dma_wait3A_415 = tpu.memref_slice %arg2[%dma_wait3A_413, %dma_wait3A_414] : memref<1000000x128xf32, #tpu.memory_space<hbm>> -> memref<1000000x128xf32, #tpu.memory_space<hbm>>
    tpu.wait_indirect_dma semaphore(%arg13 : memref<!tpu.dma_semaphore, #tpu.memory_space<semaphore_mem>>) src(%dma_wait3A_415 : memref<1000000x128xf32, #tpu.memory_space<hbm>>) dst(%dma_wait3A_409 : memref<128x128xf32, #tpu.memory_space<vmem>>)
    %dma_wait3A_416 = arith.constant 5 : i32
    %dma_wait3A_417 = arith.constant 1 : i32
    %dma_wait3A_418 = arith.constant 0 : i32
    %dma_wait3A_419 = arith.constant 0 : i32
    %dma_wait3A_420 = tpu.memref_slice %arg11[%dma_wait3A_417, %dma_wait3A_418, %dma_wait3A_419] : memref<2x128x128xf32, #tpu.memory_space<vmem>> -> memref<1x128x128xf32, #tpu.memory_space<vmem>>
    %dma_wait3A_421 = tpu.memref_squeeze %dma_wait3A_420 : memref<1x128x128xf32, #tpu.memory_space<vmem>> -> memref<128x128xf32, #tpu.memory_space<vmem>>
    %dma_wait3A_422 = arith.constant 0 : i32
    %dma_wait3A_423 = arith.constant 0 : i32
    %dma_wait3A_424 = tpu.memref_slice %dma_wait3A_421[%dma_wait3A_422, %dma_wait3A_423] : memref<128x128xf32, #tpu.memory_space<vmem>> -> memref<128x128xf32, #tpu.memory_space<vmem>>
    %dma_wait3A_425 = arith.constant 0 : i32
    %dma_wait3A_426 = tpu.memref_slice %arg8[%dma_wait3A_416, %dma_wait3A_425] : memref<8x128xi32, #tpu.memory_space<vmem>> -> memref<1x128xi32, #tpu.memory_space<vmem>>
    %dma_wait3A_427 = tpu.memref_squeeze %dma_wait3A_426 : memref<1x128xi32, #tpu.memory_space<vmem>> -> memref<128xi32, #tpu.memory_space<vmem>>
    %dma_wait3A_428 = arith.constant 0 : i32
    %dma_wait3A_429 = arith.constant 0 : i32
    %dma_wait3A_430 = tpu.memref_slice %arg2[%dma_wait3A_428, %dma_wait3A_429] : memref<1000000x128xf32, #tpu.memory_space<hbm>> -> memref<1000000x128xf32, #tpu.memory_space<hbm>>
    tpu.wait_indirect_dma semaphore(%arg14 : memref<!tpu.dma_semaphore, #tpu.memory_space<semaphore_mem>>) src(%dma_wait3A_430 : memref<1000000x128xf32, #tpu.memory_space<hbm>>) dst(%dma_wait3A_424 : memref<128x128xf32, #tpu.memory_space<vmem>>)
    %dma_start3A_431 = arith.constant 6 : i32
    %dma_start3A_432 = arith.constant 0 : i32
    %dma_start3A_433 = arith.constant 0 : i32
    %dma_start3A_434 = arith.constant 0 : i32
    %dma_start3A_435 = tpu.memref_slice %arg10[%dma_start3A_432, %dma_start3A_433, %dma_start3A_434] : memref<2x128x128xf32, #tpu.memory_space<vmem>> -> memref<1x128x128xf32, #tpu.memory_space<vmem>>
    %dma_start3A_436 = tpu.memref_squeeze %dma_start3A_435 : memref<1x128x128xf32, #tpu.memory_space<vmem>> -> memref<128x128xf32, #tpu.memory_space<vmem>>
    %dma_start3A_437 = arith.constant 0 : i32
    %dma_start3A_438 = arith.constant 0 : i32
    %dma_start3A_439 = tpu.memref_slice %dma_start3A_436[%dma_start3A_437, %dma_start3A_438] : memref<128x128xf32, #tpu.memory_space<vmem>> -> memref<128x128xf32, #tpu.memory_space<vmem>>
    %dma_start3A_440 = arith.constant 0 : i32
    %dma_start3A_441 = tpu.memref_slice %arg7[%dma_start3A_431, %dma_start3A_440] : memref<8x128xi32, #tpu.memory_space<vmem>> -> memref<1x128xi32, #tpu.memory_space<vmem>>
    %dma_start3A_442 = tpu.memref_squeeze %dma_start3A_441 : memref<1x128xi32, #tpu.memory_space<vmem>> -> memref<128xi32, #tpu.memory_space<vmem>>
    %dma_start3A_443 = arith.constant 0 : i32
    %dma_start3A_444 = arith.constant 0 : i32
    %dma_start3A_445 = tpu.memref_slice %arg2[%dma_start3A_443, %dma_start3A_444] : memref<1000000x128xf32, #tpu.memory_space<hbm>> -> memref<1000000x128xf32, #tpu.memory_space<hbm>>
    tpu.enqueue_indirect_dma source(%dma_start3A_445 : memref<1000000x128xf32, #tpu.memory_space<hbm>>) target(%dma_start3A_439 : memref<128x128xf32, #tpu.memory_space<vmem>>) offsets(%dma_start3A_442 : memref<128xi32, #tpu.memory_space<vmem>>) semaphore(%arg13 : memref<!tpu.dma_semaphore, #tpu.memory_space<semaphore_mem>>)
    %dma_start3A_446 = arith.constant 6 : i32
    %dma_start3A_447 = arith.constant 0 : i32
    %dma_start3A_448 = arith.constant 0 : i32
    %dma_start3A_449 = arith.constant 0 : i32
    %dma_start3A_450 = tpu.memref_slice %arg11[%dma_start3A_447, %dma_start3A_448, %dma_start3A_449] : memref<2x128x128xf32, #tpu.memory_space<vmem>> -> memref<1x128x128xf32, #tpu.memory_space<vmem>>
    %dma_start3A_451 = tpu.memref_squeeze %dma_start3A_450 : memref<1x128x128xf32, #tpu.memory_space<vmem>> -> memref<128x128xf32, #tpu.memory_space<vmem>>
    %dma_start3A_452 = arith.constant 0 : i32
    %dma_start3A_453 = arith.constant 0 : i32
    %dma_start3A_454 = tpu.memref_slice %dma_start3A_451[%dma_start3A_452, %dma_start3A_453] : memref<128x128xf32, #tpu.memory_space<vmem>> -> memref<128x128xf32, #tpu.memory_space<vmem>>
    %dma_start3A_455 = arith.constant 0 : i32
    %dma_start3A_456 = tpu.memref_slice %arg8[%dma_start3A_446, %dma_start3A_455] : memref<8x128xi32, #tpu.memory_space<vmem>> -> memref<1x128xi32, #tpu.memory_space<vmem>>
    %dma_start3A_457 = tpu.memref_squeeze %dma_start3A_456 : memref<1x128xi32, #tpu.memory_space<vmem>> -> memref<128xi32, #tpu.memory_space<vmem>>
    %dma_start3A_458 = arith.constant 0 : i32
    %dma_start3A_459 = arith.constant 0 : i32
    %dma_start3A_460 = tpu.memref_slice %arg2[%dma_start3A_458, %dma_start3A_459] : memref<1000000x128xf32, #tpu.memory_space<hbm>> -> memref<1000000x128xf32, #tpu.memory_space<hbm>>
    tpu.enqueue_indirect_dma source(%dma_start3A_460 : memref<1000000x128xf32, #tpu.memory_space<hbm>>) target(%dma_start3A_454 : memref<128x128xf32, #tpu.memory_space<vmem>>) offsets(%dma_start3A_457 : memref<128xi32, #tpu.memory_space<vmem>>) semaphore(%arg14 : memref<!tpu.dma_semaphore, #tpu.memory_space<semaphore_mem>>)
    %scan3A_461 = arith.constant 0 : i32
    %scan3A_462 = arith.constant 0 : i32
    %scan3A_463 = arith.constant 128 : i32
    %scan3A_464 = arith.addi %scan3A_462, %scan3A_463 : i32
    %scan3A_465 = arith.constant 4 : i32
    scf.for %scan3A_575 = %scan3A_462 to %scan3A_464 step %scan3A_465  : i32 {
      %get3A_576 = arith.constant 1 : i32
      %get3A_577 = arith.index_cast %get3A_576 : i32 to index
      %get3A_578 = arith.index_cast %scan3A_575 : i32 to index
      %get3A_579 = arith.constant 0 : index
      %get3A_580 = tpu.vector_load %arg10[%get3A_577, %get3A_578, %get3A_579] {strides = array<i32>} : memref<2x128x128xf32, #tpu.memory_space<vmem>>, vector<1x1x16xf32>,
      %get3A_581 = vector.shape_cast %get3A_580 : vector<1x1x16xf32> to vector<16xf32>
      %mul3A_582 = arith.mulf %get3A_24, %get3A_581 : vector<16xf32>
      %get3A_583 = arith.constant 1 : i32
      %get3A_584 = arith.index_cast %get3A_583 : i32 to index
      %get3A_585 = arith.index_cast %scan3A_575 : i32 to index
      %get3A_586 = arith.constant 0 : index
      %get3A_587 = tpu.vector_load %arg11[%get3A_584, %get3A_585, %get3A_586] {strides = array<i32>} : memref<2x128x128xf32, #tpu.memory_space<vmem>>, vector<1x1x16xf32>,
      %get3A_588 = vector.shape_cast %get3A_587 : vector<1x1x16xf32> to vector<16xf32>
      %mul3A_589 = arith.mulf %mul3A_582, %get3A_588 : vector<16xf32>
      %swap3A = arith.index_cast %scan3A_575 : i32 to index
      %swap3A_590 = arith.constant 0 : index
      %swap3A_591 = tpu.vector_load %arg12[%swap3A, %swap3A_590] {strides = array<i32>} : memref<128x64xf32, #tpu.memory_space<vmem>>, vector<1x16xf32>,
      %swap3A_592 = vector.shape_cast %swap3A_591 : vector<1x16xf32> to vector<16xf32>
      %swap3A_593 = vector.shape_cast %mul3A_589 : vector<16xf32> to vector<1x16xf32>
      tpu.vector_store %arg12[%swap3A, %swap3A_590], %swap3A_593 {strides = array<i32>} : memref<128x64xf32, #tpu.memory_space<vmem>>, vector<1x16xf32>,
      %get3A_594 = arith.constant 1 : i32
      %get3A_595 = arith.index_cast %get3A_594 : i32 to index
      %get3A_596 = arith.index_cast %scan3A_575 : i32 to index
      %get3A_597 = arith.constant 16 : index
      %get3A_598 = tpu.vector_load %arg10[%get3A_595, %get3A_596, %get3A_597] {strides = array<i32>} : memref<2x128x128xf32, #tpu.memory_space<vmem>>, vector<1x1x16xf32>,
      %get3A_599 = vector.shape_cast %get3A_598 : vector<1x1x16xf32> to vector<16xf32>
      %mul3A_600 = arith.mulf %get3A_27, %get3A_599 : vector<16xf32>
      %get3A_601 = arith.constant 1 : i32
      %get3A_602 = arith.index_cast %get3A_601 : i32 to index
      %get3A_603 = arith.index_cast %scan3A_575 : i32 to index
      %get3A_604 = arith.constant 16 : index
      %get3A_605 = tpu.vector_load %arg11[%get3A_602, %get3A_603, %get3A_604] {strides = array<i32>} : memref<2x128x128xf32, #tpu.memory_space<vmem>>, vector<1x1x16xf32>,
      %get3A_606 = vector.shape_cast %get3A_605 : vector<1x1x16xf32> to vector<16xf32>
      %mul3A_607 = arith.mulf %mul3A_600, %get3A_606 : vector<16xf32>
      %swap3A_608 = arith.index_cast %scan3A_575 : i32 to index
      %swap3A_609 = arith.constant 16 : index
      %swap3A_610 = tpu.vector_load %arg12[%swap3A_608, %swap3A_609] {strides = array<i32>} : memref<128x64xf32, #tpu.memory_space<vmem>>, vector<1x16xf32>,
      %swap3A_611 = vector.shape_cast %swap3A_610 : vector<1x16xf32> to vector<16xf32>
      %swap3A_612 = vector.shape_cast %mul3A_607 : vector<16xf32> to vector<1x16xf32>
      tpu.vector_store %arg12[%swap3A_608, %swap3A_609], %swap3A_612 {strides = array<i32>} : memref<128x64xf32, #tpu.memory_space<vmem>>, vector<1x16xf32>,
      %get3A_613 = arith.constant 1 : i32
      %get3A_614 = arith.index_cast %get3A_613 : i32 to index
      %get3A_615 = arith.index_cast %scan3A_575 : i32 to index
      %get3A_616 = arith.constant 32 : index
      %get3A_617 = tpu.vector_load %arg10[%get3A_614, %get3A_615, %get3A_616] {strides = array<i32>} : memref<2x128x128xf32, #tpu.memory_space<vmem>>, vector<1x1x16xf32>,
      %get3A_618 = vector.shape_cast %get3A_617 : vector<1x1x16xf32> to vector<16xf32>
      %mul3A_619 = arith.mulf %get3A_30, %get3A_618 : vector<16xf32>
      %get3A_620 = arith.constant 1 : i32
      %get3A_621 = arith.index_cast %get3A_620 : i32 to index
      %get3A_622 = arith.index_cast %scan3A_575 : i32 to index
      %get3A_623 = arith.constant 32 : index
      %get3A_624 = tpu.vector_load %arg11[%get3A_621, %get3A_622, %get3A_623] {strides = array<i32>} : memref<2x128x128xf32, #tpu.memory_space<vmem>>, vector<1x1x16xf32>,
      %get3A_625 = vector.shape_cast %get3A_624 : vector<1x1x16xf32> to vector<16xf32>
      %mul3A_626 = arith.mulf %mul3A_619, %get3A_625 : vector<16xf32>
      %swap3A_627 = arith.index_cast %scan3A_575 : i32 to index
      %swap3A_628 = arith.constant 32 : index
      %swap3A_629 = tpu.vector_load %arg12[%swap3A_627, %swap3A_628] {strides = array<i32>} : memref<128x64xf32, #tpu.memory_space<vmem>>, vector<1x16xf32>,
      %swap3A_630 = vector.shape_cast %swap3A_629 : vector<1x16xf32> to vector<16xf32>
      %swap3A_631 = vector.shape_cast %mul3A_626 : vector<16xf32> to vector<1x16xf32>
      tpu.vector_store %arg12[%swap3A_627, %swap3A_628], %swap3A_631 {strides = array<i32>} : memref<128x64xf32, #tpu.memory_space<vmem>>, vector<1x16xf32>,
      %get3A_632 = arith.constant 1 : i32
      %get3A_633 = arith.index_cast %get3A_632 : i32 to index
      %get3A_634 = arith.index_cast %scan3A_575 : i32 to index
      %get3A_635 = arith.constant 48 : index
      %get3A_636 = tpu.vector_load %arg10[%get3A_633, %get3A_634, %get3A_635] {strides = array<i32>} : memref<2x128x128xf32, #tpu.memory_space<vmem>>, vector<1x1x16xf32>,
      %get3A_637 = vector.shape_cast %get3A_636 : vector<1x1x16xf32> to vector<16xf32>
      %mul3A_638 = arith.mulf %get3A_33, %get3A_637 : vector<16xf32>
      %get3A_639 = arith.constant 1 : i32
      %get3A_640 = arith.index_cast %get3A_639 : i32 to index
      %get3A_641 = arith.index_cast %scan3A_575 : i32 to index
      %get3A_642 = arith.constant 48 : index
      %get3A_643 = tpu.vector_load %arg11[%get3A_640, %get3A_641, %get3A_642] {strides = array<i32>} : memref<2x128x128xf32, #tpu.memory_space<vmem>>, vector<1x1x16xf32>,
      %get3A_644 = vector.shape_cast %get3A_643 : vector<1x1x16xf32> to vector<16xf32>
      %mul3A_645 = arith.mulf %mul3A_638, %get3A_644 : vector<16xf32>
      %swap3A_646 = arith.index_cast %scan3A_575 : i32 to index
      %swap3A_647 = arith.constant 48 : index
      %swap3A_648 = tpu.vector_load %arg12[%swap3A_646, %swap3A_647] {strides = array<i32>} : memref<128x64xf32, #tpu.memory_space<vmem>>, vector<1x16xf32>,
      %swap3A_649 = vector.shape_cast %swap3A_648 : vector<1x16xf32> to vector<16xf32>
      %swap3A_650 = vector.shape_cast %mul3A_645 : vector<16xf32> to vector<1x16xf32>
      tpu.vector_store %arg12[%swap3A_646, %swap3A_647], %swap3A_650 {strides = array<i32>} : memref<128x64xf32, #tpu.memory_space<vmem>>, vector<1x16xf32>,
      %scan3A_651 = arith.constant 1 : i32
      %scan3A_652 = arith.addi %scan3A_575, %scan3A_651 : i32
      %get3A_653 = arith.constant 1 : i32
      %get3A_654 = arith.index_cast %get3A_653 : i32 to index
      %get3A_655 = arith.index_cast %scan3A_652 : i32 to index
      %get3A_656 = arith.constant 0 : index
      %get3A_657 = tpu.vector_load %arg10[%get3A_654, %get3A_655, %get3A_656] {strides = array<i32>} : memref<2x128x128xf32, #tpu.memory_space<vmem>>, vector<1x1x16xf32>,
      %get3A_658 = vector.shape_cast %get3A_657 : vector<1x1x16xf32> to vector<16xf32>
      %mul3A_659 = arith.mulf %get3A_24, %get3A_658 : vector<16xf32>
      %get3A_660 = arith.constant 1 : i32
      %get3A_661 = arith.index_cast %get3A_660 : i32 to index
      %get3A_662 = arith.index_cast %scan3A_652 : i32 to index
      %get3A_663 = arith.constant 0 : index
      %get3A_664 = tpu.vector_load %arg11[%get3A_661, %get3A_662, %get3A_663] {strides = array<i32>} : memref<2x128x128xf32, #tpu.memory_space<vmem>>, vector<1x1x16xf32>,
      %get3A_665 = vector.shape_cast %get3A_664 : vector<1x1x16xf32> to vector<16xf32>
      %mul3A_666 = arith.mulf %mul3A_659, %get3A_665 : vector<16xf32>
      %swap3A_667 = arith.index_cast %scan3A_652 : i32 to index
      %swap3A_668 = arith.constant 0 : index
      %swap3A_669 = tpu.vector_load %arg12[%swap3A_667, %swap3A_668] {strides = array<i32>} : memref<128x64xf32, #tpu.memory_space<vmem>>, vector<1x16xf32>,
      %swap3A_670 = vector.shape_cast %swap3A_669 : vector<1x16xf32> to vector<16xf32>
      %swap3A_671 = vector.shape_cast %mul3A_666 : vector<16xf32> to vector<1x16xf32>
      tpu.vector_store %arg12[%swap3A_667, %swap3A_668], %swap3A_671 {strides = array<i32>} : memref<128x64xf32, #tpu.memory_space<vmem>>, vector<1x16xf32>,
      %get3A_672 = arith.constant 1 : i32
      %get3A_673 = arith.index_cast %get3A_672 : i32 to index
      %get3A_674 = arith.index_cast %scan3A_652 : i32 to index
      %get3A_675 = arith.constant 16 : index
      %get3A_676 = tpu.vector_load %arg10[%get3A_673, %get3A_674, %get3A_675] {strides = array<i32>} : memref<2x128x128xf32, #tpu.memory_space<vmem>>, vector<1x1x16xf32>,
      %get3A_677 = vector.shape_cast %get3A_676 : vector<1x1x16xf32> to vector<16xf32>
      %mul3A_678 = arith.mulf %get3A_27, %get3A_677 : vector<16xf32>
      %get3A_679 = arith.constant 1 : i32
      %get3A_680 = arith.index_cast %get3A_679 : i32 to index
      %get3A_681 = arith.index_cast %scan3A_652 : i32 to index
      %get3A_682 = arith.constant 16 : index
      %get3A_683 = tpu.vector_load %arg11[%get3A_680, %get3A_681, %get3A_682] {strides = array<i32>} : memref<2x128x128xf32, #tpu.memory_space<vmem>>, vector<1x1x16xf32>,
      %get3A_684 = vector.shape_cast %get3A_683 : vector<1x1x16xf32> to vector<16xf32>
      %mul3A_685 = arith.mulf %mul3A_678, %get3A_684 : vector<16xf32>
      %swap3A_686 = arith.index_cast %scan3A_652 : i32 to index
      %swap3A_687 = arith.constant 16 : index
      %swap3A_688 = tpu.vector_load %arg12[%swap3A_686, %swap3A_687] {strides = array<i32>} : memref<128x64xf32, #tpu.memory_space<vmem>>, vector<1x16xf32>,
      %swap3A_689 = vector.shape_cast %swap3A_688 : vector<1x16xf32> to vector<16xf32>
      %swap3A_690 = vector.shape_cast %mul3A_685 : vector<16xf32> to vector<1x16xf32>
      tpu.vector_store %arg12[%swap3A_686, %swap3A_687], %swap3A_690 {strides = array<i32>} : memref<128x64xf32, #tpu.memory_space<vmem>>, vector<1x16xf32>,
      %get3A_691 = arith.constant 1 : i32
      %get3A_692 = arith.index_cast %get3A_691 : i32 to index
      %get3A_693 = arith.index_cast %scan3A_652 : i32 to index
      %get3A_694 = arith.constant 32 : index
      %get3A_695 = tpu.vector_load %arg10[%get3A_692, %get3A_693, %get3A_694] {strides = array<i32>} : memref<2x128x128xf32, #tpu.memory_space<vmem>>, vector<1x1x16xf32>,
      %get3A_696 = vector.shape_cast %get3A_695 : vector<1x1x16xf32> to vector<16xf32>
      %mul3A_697 = arith.mulf %get3A_30, %get3A_696 : vector<16xf32>
      %get3A_698 = arith.constant 1 : i32
      %get3A_699 = arith.index_cast %get3A_698 : i32 to index
      %get3A_700 = arith.index_cast %scan3A_652 : i32 to index
      %get3A_701 = arith.constant 32 : index
      %get3A_702 = tpu.vector_load %arg11[%get3A_699, %get3A_700, %get3A_701] {strides = array<i32>} : memref<2x128x128xf32, #tpu.memory_space<vmem>>, vector<1x1x16xf32>,
      %get3A_703 = vector.shape_cast %get3A_702 : vector<1x1x16xf32> to vector<16xf32>
      %mul3A_704 = arith.mulf %mul3A_697, %get3A_703 : vector<16xf32>
      %swap3A_705 = arith.index_cast %scan3A_652 : i32 to index
      %swap3A_706 = arith.constant 32 : index
      %swap3A_707 = tpu.vector_load %arg12[%swap3A_705, %swap3A_706] {strides = array<i32>} : memref<128x64xf32, #tpu.memory_space<vmem>>, vector<1x16xf32>,
      %swap3A_708 = vector.shape_cast %swap3A_707 : vector<1x16xf32> to vector<16xf32>
      %swap3A_709 = vector.shape_cast %mul3A_704 : vector<16xf32> to vector<1x16xf32>
      tpu.vector_store %arg12[%swap3A_705, %swap3A_706], %swap3A_709 {strides = array<i32>} : memref<128x64xf32, #tpu.memory_space<vmem>>, vector<1x16xf32>,
      %get3A_710 = arith.constant 1 : i32
      %get3A_711 = arith.index_cast %get3A_710 : i32 to index
      %get3A_712 = arith.index_cast %scan3A_652 : i32 to index
      %get3A_713 = arith.constant 48 : index
      %get3A_714 = tpu.vector_load %arg10[%get3A_711, %get3A_712, %get3A_713] {strides = array<i32>} : memref<2x128x128xf32, #tpu.memory_space<vmem>>, vector<1x1x16xf32>,
      %get3A_715 = vector.shape_cast %get3A_714 : vector<1x1x16xf32> to vector<16xf32>
      %mul3A_716 = arith.mulf %get3A_33, %get3A_715 : vector<16xf32>
      %get3A_717 = arith.constant 1 : i32
      %get3A_718 = arith.index_cast %get3A_717 : i32 to index
      %get3A_719 = arith.index_cast %scan3A_652 : i32 to index
      %get3A_720 = arith.constant 48 : index
      %get3A_721 = tpu.vector_load %arg11[%get3A_718, %get3A_719, %get3A_720] {strides = array<i32>} : memref<2x128x128xf32, #tpu.memory_space<vmem>>, vector<1x1x16xf32>,
      %get3A_722 = vector.shape_cast %get3A_721 : vector<1x1x16xf32> to vector<16xf32>
      %mul3A_723 = arith.mulf %mul3A_716, %get3A_722 : vector<16xf32>
      %swap3A_724 = arith.index_cast %scan3A_652 : i32 to index
      %swap3A_725 = arith.constant 48 : index
      %swap3A_726 = tpu.vector_load %arg12[%swap3A_724, %swap3A_725] {strides = array<i32>} : memref<128x64xf32, #tpu.memory_space<vmem>>, vector<1x16xf32>,
      %swap3A_727 = vector.shape_cast %swap3A_726 : vector<1x16xf32> to vector<16xf32>
      %swap3A_728 = vector.shape_cast %mul3A_723 : vector<16xf32> to vector<1x16xf32>
      tpu.vector_store %arg12[%swap3A_724, %swap3A_725], %swap3A_728 {strides = array<i32>} : memref<128x64xf32, #tpu.memory_space<vmem>>, vector<1x16xf32>,
      %scan3A_729 = arith.constant 2 : i32
      %scan3A_730 = arith.addi %scan3A_575, %scan3A_729 : i32
      %get3A_731 = arith.constant 1 : i32
      %get3A_732 = arith.index_cast %get3A_731 : i32 to index
      %get3A_733 = arith.index_cast %scan3A_730 : i32 to index
      %get3A_734 = arith.constant 0 : index
      %get3A_735 = tpu.vector_load %arg10[%get3A_732, %get3A_733, %get3A_734] {strides = array<i32>} : memref<2x128x128xf32, #tpu.memory_space<vmem>>, vector<1x1x16xf32>,
      %get3A_736 = vector.shape_cast %get3A_735 : vector<1x1x16xf32> to vector<16xf32>
      %mul3A_737 = arith.mulf %get3A_24, %get3A_736 : vector<16xf32>
      %get3A_738 = arith.constant 1 : i32
      %get3A_739 = arith.index_cast %get3A_738 : i32 to index
      %get3A_740 = arith.index_cast %scan3A_730 : i32 to index
      %get3A_741 = arith.constant 0 : index
      %get3A_742 = tpu.vector_load %arg11[%get3A_739, %get3A_740, %get3A_741] {strides = array<i32>} : memref<2x128x128xf32, #tpu.memory_space<vmem>>, vector<1x1x16xf32>,
      %get3A_743 = vector.shape_cast %get3A_742 : vector<1x1x16xf32> to vector<16xf32>
      %mul3A_744 = arith.mulf %mul3A_737, %get3A_743 : vector<16xf32>
      %swap3A_745 = arith.index_cast %scan3A_730 : i32 to index
      %swap3A_746 = arith.constant 0 : index
      %swap3A_747 = tpu.vector_load %arg12[%swap3A_745, %swap3A_746] {strides = array<i32>} : memref<128x64xf32, #tpu.memory_space<vmem>>, vector<1x16xf32>,
      %swap3A_748 = vector.shape_cast %swap3A_747 : vector<1x16xf32> to vector<16xf32>
      %swap3A_749 = vector.shape_cast %mul3A_744 : vector<16xf32> to vector<1x16xf32>
      tpu.vector_store %arg12[%swap3A_745, %swap3A_746], %swap3A_749 {strides = array<i32>} : memref<128x64xf32, #tpu.memory_space<vmem>>, vector<1x16xf32>,
      %get3A_750 = arith.constant 1 : i32
      %get3A_751 = arith.index_cast %get3A_750 : i32 to index
      %get3A_752 = arith.index_cast %scan3A_730 : i32 to index
      %get3A_753 = arith.constant 16 : index
      %get3A_754 = tpu.vector_load %arg10[%get3A_751, %get3A_752, %get3A_753] {strides = array<i32>} : memref<2x128x128xf32, #tpu.memory_space<vmem>>, vector<1x1x16xf32>,
      %get3A_755 = vector.shape_cast %get3A_754 : vector<1x1x16xf32> to vector<16xf32>
      %mul3A_756 = arith.mulf %get3A_27, %get3A_755 : vector<16xf32>
      %get3A_757 = arith.constant 1 : i32
      %get3A_758 = arith.index_cast %get3A_757 : i32 to index
      %get3A_759 = arith.index_cast %scan3A_730 : i32 to index
      %get3A_760 = arith.constant 16 : index
      %get3A_761 = tpu.vector_load %arg11[%get3A_758, %get3A_759, %get3A_760] {strides = array<i32>} : memref<2x128x128xf32, #tpu.memory_space<vmem>>, vector<1x1x16xf32>,
      %get3A_762 = vector.shape_cast %get3A_761 : vector<1x1x16xf32> to vector<16xf32>
      %mul3A_763 = arith.mulf %mul3A_756, %get3A_762 : vector<16xf32>
      %swap3A_764 = arith.index_cast %scan3A_730 : i32 to index
      %swap3A_765 = arith.constant 16 : index
      %swap3A_766 = tpu.vector_load %arg12[%swap3A_764, %swap3A_765] {strides = array<i32>} : memref<128x64xf32, #tpu.memory_space<vmem>>, vector<1x16xf32>,
      %swap3A_767 = vector.shape_cast %swap3A_766 : vector<1x16xf32> to vector<16xf32>
      %swap3A_768 = vector.shape_cast %mul3A_763 : vector<16xf32> to vector<1x16xf32>
      tpu.vector_store %arg12[%swap3A_764, %swap3A_765], %swap3A_768 {strides = array<i32>} : memref<128x64xf32, #tpu.memory_space<vmem>>, vector<1x16xf32>,
      %get3A_769 = arith.constant 1 : i32
      %get3A_770 = arith.index_cast %get3A_769 : i32 to index
      %get3A_771 = arith.index_cast %scan3A_730 : i32 to index
      %get3A_772 = arith.constant 32 : index
      %get3A_773 = tpu.vector_load %arg10[%get3A_770, %get3A_771, %get3A_772] {strides = array<i32>} : memref<2x128x128xf32, #tpu.memory_space<vmem>>, vector<1x1x16xf32>,
      %get3A_774 = vector.shape_cast %get3A_773 : vector<1x1x16xf32> to vector<16xf32>
      %mul3A_775 = arith.mulf %get3A_30, %get3A_774 : vector<16xf32>
      %get3A_776 = arith.constant 1 : i32
      %get3A_777 = arith.index_cast %get3A_776 : i32 to index
      %get3A_778 = arith.index_cast %scan3A_730 : i32 to index
      %get3A_779 = arith.constant 32 : index
      %get3A_780 = tpu.vector_load %arg11[%get3A_777, %get3A_778, %get3A_779] {strides = array<i32>} : memref<2x128x128xf32, #tpu.memory_space<vmem>>, vector<1x1x16xf32>,
      %get3A_781 = vector.shape_cast %get3A_780 : vector<1x1x16xf32> to vector<16xf32>
      %mul3A_782 = arith.mulf %mul3A_775, %get3A_781 : vector<16xf32>
      %swap3A_783 = arith.index_cast %scan3A_730 : i32 to index
      %swap3A_784 = arith.constant 32 : index
      %swap3A_785 = tpu.vector_load %arg12[%swap3A_783, %swap3A_784] {strides = array<i32>} : memref<128x64xf32, #tpu.memory_space<vmem>>, vector<1x16xf32>,
      %swap3A_786 = vector.shape_cast %swap3A_785 : vector<1x16xf32> to vector<16xf32>
      %swap3A_787 = vector.shape_cast %mul3A_782 : vector<16xf32> to vector<1x16xf32>
      tpu.vector_store %arg12[%swap3A_783, %swap3A_784], %swap3A_787 {strides = array<i32>} : memref<128x64xf32, #tpu.memory_space<vmem>>, vector<1x16xf32>,
      %get3A_788 = arith.constant 1 : i32
      %get3A_789 = arith.index_cast %get3A_788 : i32 to index
      %get3A_790 = arith.index_cast %scan3A_730 : i32 to index
      %get3A_791 = arith.constant 48 : index
      %get3A_792 = tpu.vector_load %arg10[%get3A_789, %get3A_790, %get3A_791] {strides = array<i32>} : memref<2x128x128xf32, #tpu.memory_space<vmem>>, vector<1x1x16xf32>,
      %get3A_793 = vector.shape_cast %get3A_792 : vector<1x1x16xf32> to vector<16xf32>
      %mul3A_794 = arith.mulf %get3A_33, %get3A_793 : vector<16xf32>
      %get3A_795 = arith.constant 1 : i32
      %get3A_796 = arith.index_cast %get3A_795 : i32 to index
      %get3A_797 = arith.index_cast %scan3A_730 : i32 to index
      %get3A_798 = arith.constant 48 : index
      %get3A_799 = tpu.vector_load %arg11[%get3A_796, %get3A_797, %get3A_798] {strides = array<i32>} : memref<2x128x128xf32, #tpu.memory_space<vmem>>, vector<1x1x16xf32>,
      %get3A_800 = vector.shape_cast %get3A_799 : vector<1x1x16xf32> to vector<16xf32>
      %mul3A_801 = arith.mulf %mul3A_794, %get3A_800 : vector<16xf32>
      %swap3A_802 = arith.index_cast %scan3A_730 : i32 to index
      %swap3A_803 = arith.constant 48 : index
      %swap3A_804 = tpu.vector_load %arg12[%swap3A_802, %swap3A_803] {strides = array<i32>} : memref<128x64xf32, #tpu.memory_space<vmem>>, vector<1x16xf32>,
      %swap3A_805 = vector.shape_cast %swap3A_804 : vector<1x16xf32> to vector<16xf32>
      %swap3A_806 = vector.shape_cast %mul3A_801 : vector<16xf32> to vector<1x16xf32>
      tpu.vector_store %arg12[%swap3A_802, %swap3A_803], %swap3A_806 {strides = array<i32>} : memref<128x64xf32, #tpu.memory_space<vmem>>, vector<1x16xf32>,
      %scan3A_807 = arith.constant 3 : i32
      %scan3A_808 = arith.addi %scan3A_575, %scan3A_807 : i32
      %get3A_809 = arith.constant 1 : i32
      %get3A_810 = arith.index_cast %get3A_809 : i32 to index
      %get3A_811 = arith.index_cast %scan3A_808 : i32 to index
      %get3A_812 = arith.constant 0 : index
      %get3A_813 = tpu.vector_load %arg10[%get3A_810, %get3A_811, %get3A_812] {strides = array<i32>} : memref<2x128x128xf32, #tpu.memory_space<vmem>>, vector<1x1x16xf32>,
      %get3A_814 = vector.shape_cast %get3A_813 : vector<1x1x16xf32> to vector<16xf32>
      %mul3A_815 = arith.mulf %get3A_24, %get3A_814 : vector<16xf32>
      %get3A_816 = arith.constant 1 : i32
      %get3A_817 = arith.index_cast %get3A_816 : i32 to index
      %get3A_818 = arith.index_cast %scan3A_808 : i32 to index
      %get3A_819 = arith.constant 0 : index
      %get3A_820 = tpu.vector_load %arg11[%get3A_817, %get3A_818, %get3A_819] {strides = array<i32>} : memref<2x128x128xf32, #tpu.memory_space<vmem>>, vector<1x1x16xf32>,
      %get3A_821 = vector.shape_cast %get3A_820 : vector<1x1x16xf32> to vector<16xf32>
      %mul3A_822 = arith.mulf %mul3A_815, %get3A_821 : vector<16xf32>
      %swap3A_823 = arith.index_cast %scan3A_808 : i32 to index
      %swap3A_824 = arith.constant 0 : index
      %swap3A_825 = tpu.vector_load %arg12[%swap3A_823, %swap3A_824] {strides = array<i32>} : memref<128x64xf32, #tpu.memory_space<vmem>>, vector<1x16xf32>,
      %swap3A_826 = vector.shape_cast %swap3A_825 : vector<1x16xf32> to vector<16xf32>
      %swap3A_827 = vector.shape_cast %mul3A_822 : vector<16xf32> to vector<1x16xf32>
      tpu.vector_store %arg12[%swap3A_823, %swap3A_824], %swap3A_827 {strides = array<i32>} : memref<128x64xf32, #tpu.memory_space<vmem>>, vector<1x16xf32>,
      %get3A_828 = arith.constant 1 : i32
      %get3A_829 = arith.index_cast %get3A_828 : i32 to index
      %get3A_830 = arith.index_cast %scan3A_808 : i32 to index
      %get3A_831 = arith.constant 16 : index
      %get3A_832 = tpu.vector_load %arg10[%get3A_829, %get3A_830, %get3A_831] {strides = array<i32>} : memref<2x128x128xf32, #tpu.memory_space<vmem>>, vector<1x1x16xf32>,
      %get3A_833 = vector.shape_cast %get3A_832 : vector<1x1x16xf32> to vector<16xf32>
      %mul3A_834 = arith.mulf %get3A_27, %get3A_833 : vector<16xf32>
      %get3A_835 = arith.constant 1 : i32
      %get3A_836 = arith.index_cast %get3A_835 : i32 to index
      %get3A_837 = arith.index_cast %scan3A_808 : i32 to index
      %get3A_838 = arith.constant 16 : index
      %get3A_839 = tpu.vector_load %arg11[%get3A_836, %get3A_837, %get3A_838] {strides = array<i32>} : memref<2x128x128xf32, #tpu.memory_space<vmem>>, vector<1x1x16xf32>,
      %get3A_840 = vector.shape_cast %get3A_839 : vector<1x1x16xf32> to vector<16xf32>
      %mul3A_841 = arith.mulf %mul3A_834, %get3A_840 : vector<16xf32>
      %swap3A_842 = arith.index_cast %scan3A_808 : i32 to index
      %swap3A_843 = arith.constant 16 : index
      %swap3A_844 = tpu.vector_load %arg12[%swap3A_842, %swap3A_843] {strides = array<i32>} : memref<128x64xf32, #tpu.memory_space<vmem>>, vector<1x16xf32>,
      %swap3A_845 = vector.shape_cast %swap3A_844 : vector<1x16xf32> to vector<16xf32>
      %swap3A_846 = vector.shape_cast %mul3A_841 : vector<16xf32> to vector<1x16xf32>
      tpu.vector_store %arg12[%swap3A_842, %swap3A_843], %swap3A_846 {strides = array<i32>} : memref<128x64xf32, #tpu.memory_space<vmem>>, vector<1x16xf32>,
      %get3A_847 = arith.constant 1 : i32
      %get3A_848 = arith.index_cast %get3A_847 : i32 to index
      %get3A_849 = arith.index_cast %scan3A_808 : i32 to index
      %get3A_850 = arith.constant 32 : index
      %get3A_851 = tpu.vector_load %arg10[%get3A_848, %get3A_849, %get3A_850] {strides = array<i32>} : memref<2x128x128xf32, #tpu.memory_space<vmem>>, vector<1x1x16xf32>,
      %get3A_852 = vector.shape_cast %get3A_851 : vector<1x1x16xf32> to vector<16xf32>
      %mul3A_853 = arith.mulf %get3A_30, %get3A_852 : vector<16xf32>
      %get3A_854 = arith.constant 1 : i32
      %get3A_855 = arith.index_cast %get3A_854 : i32 to index
      %get3A_856 = arith.index_cast %scan3A_808 : i32 to index
      %get3A_857 = arith.constant 32 : index
      %get3A_858 = tpu.vector_load %arg11[%get3A_855, %get3A_856, %get3A_857] {strides = array<i32>} : memref<2x128x128xf32, #tpu.memory_space<vmem>>, vector<1x1x16xf32>,
      %get3A_859 = vector.shape_cast %get3A_858 : vector<1x1x16xf32> to vector<16xf32>
      %mul3A_860 = arith.mulf %mul3A_853, %get3A_859 : vector<16xf32>
      %swap3A_861 = arith.index_cast %scan3A_808 : i32 to index
      %swap3A_862 = arith.constant 32 : index
      %swap3A_863 = tpu.vector_load %arg12[%swap3A_861, %swap3A_862] {strides = array<i32>} : memref<128x64xf32, #tpu.memory_space<vmem>>, vector<1x16xf32>,
      %swap3A_864 = vector.shape_cast %swap3A_863 : vector<1x16xf32> to vector<16xf32>
      %swap3A_865 = vector.shape_cast %mul3A_860 : vector<16xf32> to vector<1x16xf32>
      tpu.vector_store %arg12[%swap3A_861, %swap3A_862], %swap3A_865 {strides = array<i32>} : memref<128x64xf32, #tpu.memory_space<vmem>>, vector<1x16xf32>,
      %get3A_866 = arith.constant 1 : i32
      %get3A_867 = arith.index_cast %get3A_866 : i32 to index
      %get3A_868 = arith.index_cast %scan3A_808 : i32 to index
      %get3A_869 = arith.constant 48 : index
      %get3A_870 = tpu.vector_load %arg10[%get3A_867, %get3A_868, %get3A_869] {strides = array<i32>} : memref<2x128x128xf32, #tpu.memory_space<vmem>>, vector<1x1x16xf32>,
      %get3A_871 = vector.shape_cast %get3A_870 : vector<1x1x16xf32> to vector<16xf32>
      %mul3A_872 = arith.mulf %get3A_33, %get3A_871 : vector<16xf32>
      %get3A_873 = arith.constant 1 : i32
      %get3A_874 = arith.index_cast %get3A_873 : i32 to index
      %get3A_875 = arith.index_cast %scan3A_808 : i32 to index
      %get3A_876 = arith.constant 48 : index
      %get3A_877 = tpu.vector_load %arg11[%get3A_874, %get3A_875, %get3A_876] {strides = array<i32>} : memref<2x128x128xf32, #tpu.memory_space<vmem>>, vector<1x1x16xf32>,
      %get3A_878 = vector.shape_cast %get3A_877 : vector<1x1x16xf32> to vector<16xf32>
      %mul3A_879 = arith.mulf %mul3A_872, %get3A_878 : vector<16xf32>
      %swap3A_880 = arith.index_cast %scan3A_808 : i32 to index
      %swap3A_881 = arith.constant 48 : index
      %swap3A_882 = tpu.vector_load %arg12[%swap3A_880, %swap3A_881] {strides = array<i32>} : memref<128x64xf32, #tpu.memory_space<vmem>>, vector<1x16xf32>,
      %swap3A_883 = vector.shape_cast %swap3A_882 : vector<1x16xf32> to vector<16xf32>
      %swap3A_884 = vector.shape_cast %mul3A_879 : vector<16xf32> to vector<1x16xf32>
      tpu.vector_store %arg12[%swap3A_880, %swap3A_881], %swap3A_884 {strides = array<i32>} : memref<128x64xf32, #tpu.memory_space<vmem>>, vector<1x16xf32>,
    }
    %scan3A_466 = arith.constant 128 : i32
    %add3A_467 = arith.constant 640 : i32
    %add3A_468 = arith.addi %mul3A_2, %add3A_467 : i32
    "tpu.region"() ({
      %run_scoped3A = tpu.sem_alloc : memref<!tpu.dma_semaphore, #tpu.memory_space<semaphore_mem>>
      %dma_start3A_575 = arith.constant 0 : i32
      %dma_start3A_576 = tpu.memref_slice %arg6[%add3A_468, %dma_start3A_575] : memref<32768x64xf32, #tpu.memory_space<hbm>> -> memref<128x64xf32, #tpu.memory_space<hbm>>
      %dma_start3A_577 = arith.constant 0 : i32
      %dma_start3A_578 = tpu.memref_slice %arg6[%add3A_468, %dma_start3A_577] : memref<32768x64xf32, #tpu.memory_space<hbm>> -> memref<128x64xf32, #tpu.memory_space<hbm>>
      tpu.enqueue_dma source(%arg12 : memref<128x64xf32, #tpu.memory_space<vmem>>) target(%dma_start3A_578 : memref<128x64xf32, #tpu.memory_space<hbm>>) target_semaphore(%run_scoped3A : memref<!tpu.dma_semaphore, #tpu.memory_space<semaphore_mem>>)
      %dma_wait3A_579 = arith.constant 0 : i32
      %dma_wait3A_580 = tpu.memref_slice %arg6[%add3A_468, %dma_wait3A_579] : memref<32768x64xf32, #tpu.memory_space<hbm>> -> memref<128x64xf32, #tpu.memory_space<hbm>>
      %dma_wait3A_581 = arith.constant 0 : i32
      %dma_wait3A_582 = tpu.memref_slice %arg6[%add3A_468, %dma_wait3A_581] : memref<32768x64xf32, #tpu.memory_space<hbm>> -> memref<128x64xf32, #tpu.memory_space<hbm>>
      tpu.wait_dma2 semaphore(%run_scoped3A : memref<!tpu.dma_semaphore, #tpu.memory_space<semaphore_mem>>) src(%arg12 : memref<128x64xf32, #tpu.memory_space<vmem>>) dst(%dma_wait3A_582 : memref<128x64xf32, #tpu.memory_space<hbm>>)
      tpu.yield
    }) : () -> ()
    %dma_wait3A_469 = arith.constant 6 : i32
    %dma_wait3A_470 = arith.constant 0 : i32
    %dma_wait3A_471 = arith.constant 0 : i32
    %dma_wait3A_472 = arith.constant 0 : i32
    %dma_wait3A_473 = tpu.memref_slice %arg10[%dma_wait3A_470, %dma_wait3A_471, %dma_wait3A_472] : memref<2x128x128xf32, #tpu.memory_space<vmem>> -> memref<1x128x128xf32, #tpu.memory_space<vmem>>
    %dma_wait3A_474 = tpu.memref_squeeze %dma_wait3A_473 : memref<1x128x128xf32, #tpu.memory_space<vmem>> -> memref<128x128xf32, #tpu.memory_space<vmem>>
    %dma_wait3A_475 = arith.constant 0 : i32
    %dma_wait3A_476 = arith.constant 0 : i32
    %dma_wait3A_477 = tpu.memref_slice %dma_wait3A_474[%dma_wait3A_475, %dma_wait3A_476] : memref<128x128xf32, #tpu.memory_space<vmem>> -> memref<128x128xf32, #tpu.memory_space<vmem>>
    %dma_wait3A_478 = arith.constant 0 : i32
    %dma_wait3A_479 = tpu.memref_slice %arg7[%dma_wait3A_469, %dma_wait3A_478] : memref<8x128xi32, #tpu.memory_space<vmem>> -> memref<1x128xi32, #tpu.memory_space<vmem>>
    %dma_wait3A_480 = tpu.memref_squeeze %dma_wait3A_479 : memref<1x128xi32, #tpu.memory_space<vmem>> -> memref<128xi32, #tpu.memory_space<vmem>>
    %dma_wait3A_481 = arith.constant 0 : i32
    %dma_wait3A_482 = arith.constant 0 : i32
    %dma_wait3A_483 = tpu.memref_slice %arg2[%dma_wait3A_481, %dma_wait3A_482] : memref<1000000x128xf32, #tpu.memory_space<hbm>> -> memref<1000000x128xf32, #tpu.memory_space<hbm>>
    tpu.wait_indirect_dma semaphore(%arg13 : memref<!tpu.dma_semaphore, #tpu.memory_space<semaphore_mem>>) src(%dma_wait3A_483 : memref<1000000x128xf32, #tpu.memory_space<hbm>>) dst(%dma_wait3A_477 : memref<128x128xf32, #tpu.memory_space<vmem>>)
    %dma_wait3A_484 = arith.constant 6 : i32
    %dma_wait3A_485 = arith.constant 0 : i32
    %dma_wait3A_486 = arith.constant 0 : i32
    %dma_wait3A_487 = arith.constant 0 : i32
    %dma_wait3A_488 = tpu.memref_slice %arg11[%dma_wait3A_485, %dma_wait3A_486, %dma_wait3A_487] : memref<2x128x128xf32, #tpu.memory_space<vmem>> -> memref<1x128x128xf32, #tpu.memory_space<vmem>>
    %dma_wait3A_489 = tpu.memref_squeeze %dma_wait3A_488 : memref<1x128x128xf32, #tpu.memory_space<vmem>> -> memref<128x128xf32, #tpu.memory_space<vmem>>
    %dma_wait3A_490 = arith.constant 0 : i32
    %dma_wait3A_491 = arith.constant 0 : i32
    %dma_wait3A_492 = tpu.memref_slice %dma_wait3A_489[%dma_wait3A_490, %dma_wait3A_491] : memref<128x128xf32, #tpu.memory_space<vmem>> -> memref<128x128xf32, #tpu.memory_space<vmem>>
    %dma_wait3A_493 = arith.constant 0 : i32
    %dma_wait3A_494 = tpu.memref_slice %arg8[%dma_wait3A_484, %dma_wait3A_493] : memref<8x128xi32, #tpu.memory_space<vmem>> -> memref<1x128xi32, #tpu.memory_space<vmem>>
    %dma_wait3A_495 = tpu.memref_squeeze %dma_wait3A_494 : memref<1x128xi32, #tpu.memory_space<vmem>> -> memref<128xi32, #tpu.memory_space<vmem>>
    %dma_wait3A_496 = arith.constant 0 : i32
    %dma_wait3A_497 = arith.constant 0 : i32
    %dma_wait3A_498 = tpu.memref_slice %arg2[%dma_wait3A_496, %dma_wait3A_497] : memref<1000000x128xf32, #tpu.memory_space<hbm>> -> memref<1000000x128xf32, #tpu.memory_space<hbm>>
    tpu.wait_indirect_dma semaphore(%arg14 : memref<!tpu.dma_semaphore, #tpu.memory_space<semaphore_mem>>) src(%dma_wait3A_498 : memref<1000000x128xf32, #tpu.memory_space<hbm>>) dst(%dma_wait3A_492 : memref<128x128xf32, #tpu.memory_space<vmem>>)
    %dma_start3A_499 = arith.constant 7 : i32
    %dma_start3A_500 = arith.constant 1 : i32
    %dma_start3A_501 = arith.constant 0 : i32
    %dma_start3A_502 = arith.constant 0 : i32
    %dma_start3A_503 = tpu.memref_slice %arg10[%dma_start3A_500, %dma_start3A_501, %dma_start3A_502] : memref<2x128x128xf32, #tpu.memory_space<vmem>> -> memref<1x128x128xf32, #tpu.memory_space<vmem>>
    %dma_start3A_504 = tpu.memref_squeeze %dma_start3A_503 : memref<1x128x128xf32, #tpu.memory_space<vmem>> -> memref<128x128xf32, #tpu.memory_space<vmem>>
    %dma_start3A_505 = arith.constant 0 : i32
    %dma_start3A_506 = arith.constant 0 : i32
    %dma_start3A_507 = tpu.memref_slice %dma_start3A_504[%dma_start3A_505, %dma_start3A_506] : memref<128x128xf32, #tpu.memory_space<vmem>> -> memref<128x128xf32, #tpu.memory_space<vmem>>
    %dma_start3A_508 = arith.constant 0 : i32
    %dma_start3A_509 = tpu.memref_slice %arg7[%dma_start3A_499, %dma_start3A_508] : memref<8x128xi32, #tpu.memory_space<vmem>> -> memref<1x128xi32, #tpu.memory_space<vmem>>
    %dma_start3A_510 = tpu.memref_squeeze %dma_start3A_509 : memref<1x128xi32, #tpu.memory_space<vmem>> -> memref<128xi32, #tpu.memory_space<vmem>>
    %dma_start3A_511 = arith.constant 0 : i32
    %dma_start3A_512 = arith.constant 0 : i32
    %dma_start3A_513 = tpu.memref_slice %arg2[%dma_start3A_511, %dma_start3A_512] : memref<1000000x128xf32, #tpu.memory_space<hbm>> -> memref<1000000x128xf32, #tpu.memory_space<hbm>>
    tpu.enqueue_indirect_dma source(%dma_start3A_513 : memref<1000000x128xf32, #tpu.memory_space<hbm>>) target(%dma_start3A_507 : memref<128x128xf32, #tpu.memory_space<vmem>>) offsets(%dma_start3A_510 : memref<128xi32, #tpu.memory_space<vmem>>) semaphore(%arg13 : memref<!tpu.dma_semaphore, #tpu.memory_space<semaphore_mem>>)
    %dma_start3A_514 = arith.constant 7 : i32
    %dma_start3A_515 = arith.constant 1 : i32
    %dma_start3A_516 = arith.constant 0 : i32
    %dma_start3A_517 = arith.constant 0 : i32
    %dma_start3A_518 = tpu.memref_slice %arg11[%dma_start3A_515, %dma_start3A_516, %dma_start3A_517] : memref<2x128x128xf32, #tpu.memory_space<vmem>> -> memref<1x128x128xf32, #tpu.memory_space<vmem>>
    %dma_start3A_519 = tpu.memref_squeeze %dma_start3A_518 : memref<1x128x128xf32, #tpu.memory_space<vmem>> -> memref<128x128xf32, #tpu.memory_space<vmem>>
    %dma_start3A_520 = arith.constant 0 : i32
    %dma_start3A_521 = arith.constant 0 : i32
    %dma_start3A_522 = tpu.memref_slice %dma_start3A_519[%dma_start3A_520, %dma_start3A_521] : memref<128x128xf32, #tpu.memory_space<vmem>> -> memref<128x128xf32, #tpu.memory_space<vmem>>
    %dma_start3A_523 = arith.constant 0 : i32
    %dma_start3A_524 = tpu.memref_slice %arg8[%dma_start3A_514, %dma_start3A_523] : memref<8x128xi32, #tpu.memory_space<vmem>> -> memref<1x128xi32, #tpu.memory_space<vmem>>
    %dma_start3A_525 = tpu.memref_squeeze %dma_start3A_524 : memref<1x128xi32, #tpu.memory_space<vmem>> -> memref<128xi32, #tpu.memory_space<vmem>>
    %dma_start3A_526 = arith.constant 0 : i32
    %dma_start3A_527 = arith.constant 0 : i32
    %dma_start3A_528 = tpu.memref_slice %arg2[%dma_start3A_526, %dma_start3A_527] : memref<1000000x128xf32, #tpu.memory_space<hbm>> -> memref<1000000x128xf32, #tpu.memory_space<hbm>>
    tpu.enqueue_indirect_dma source(%dma_start3A_528 : memref<1000000x128xf32, #tpu.memory_space<hbm>>) target(%dma_start3A_522 : memref<128x128xf32, #tpu.memory_space<vmem>>) offsets(%dma_start3A_525 : memref<128xi32, #tpu.memory_space<vmem>>) semaphore(%arg14 : memref<!tpu.dma_semaphore, #tpu.memory_space<semaphore_mem>>)
    %scan3A_529 = arith.constant 0 : i32
    %scan3A_530 = arith.constant 0 : i32
    %scan3A_531 = arith.constant 128 : i32
    %scan3A_532 = arith.addi %scan3A_530, %scan3A_531 : i32
    %scan3A_533 = arith.constant 4 : i32
    scf.for %scan3A_575 = %scan3A_530 to %scan3A_532 step %scan3A_533  : i32 {
      %get3A_576 = arith.constant 0 : i32
      %get3A_577 = arith.index_cast %get3A_576 : i32 to index
      %get3A_578 = arith.index_cast %scan3A_575 : i32 to index
      %get3A_579 = arith.constant 0 : index
      %get3A_580 = tpu.vector_load %arg10[%get3A_577, %get3A_578, %get3A_579] {strides = array<i32>} : memref<2x128x128xf32, #tpu.memory_space<vmem>>, vector<1x1x16xf32>,
      %get3A_581 = vector.shape_cast %get3A_580 : vector<1x1x16xf32> to vector<16xf32>
      %mul3A_582 = arith.mulf %get3A_24, %get3A_581 : vector<16xf32>
      %get3A_583 = arith.constant 0 : i32
      %get3A_584 = arith.index_cast %get3A_583 : i32 to index
      %get3A_585 = arith.index_cast %scan3A_575 : i32 to index
      %get3A_586 = arith.constant 0 : index
      %get3A_587 = tpu.vector_load %arg11[%get3A_584, %get3A_585, %get3A_586] {strides = array<i32>} : memref<2x128x128xf32, #tpu.memory_space<vmem>>, vector<1x1x16xf32>,
      %get3A_588 = vector.shape_cast %get3A_587 : vector<1x1x16xf32> to vector<16xf32>
      %mul3A_589 = arith.mulf %mul3A_582, %get3A_588 : vector<16xf32>
      %swap3A = arith.index_cast %scan3A_575 : i32 to index
      %swap3A_590 = arith.constant 0 : index
      %swap3A_591 = tpu.vector_load %arg12[%swap3A, %swap3A_590] {strides = array<i32>} : memref<128x64xf32, #tpu.memory_space<vmem>>, vector<1x16xf32>,
      %swap3A_592 = vector.shape_cast %swap3A_591 : vector<1x16xf32> to vector<16xf32>
      %swap3A_593 = vector.shape_cast %mul3A_589 : vector<16xf32> to vector<1x16xf32>
      tpu.vector_store %arg12[%swap3A, %swap3A_590], %swap3A_593 {strides = array<i32>} : memref<128x64xf32, #tpu.memory_space<vmem>>, vector<1x16xf32>,
      %get3A_594 = arith.constant 0 : i32
      %get3A_595 = arith.index_cast %get3A_594 : i32 to index
      %get3A_596 = arith.index_cast %scan3A_575 : i32 to index
      %get3A_597 = arith.constant 16 : index
      %get3A_598 = tpu.vector_load %arg10[%get3A_595, %get3A_596, %get3A_597] {strides = array<i32>} : memref<2x128x128xf32, #tpu.memory_space<vmem>>, vector<1x1x16xf32>,
      %get3A_599 = vector.shape_cast %get3A_598 : vector<1x1x16xf32> to vector<16xf32>
      %mul3A_600 = arith.mulf %get3A_27, %get3A_599 : vector<16xf32>
      %get3A_601 = arith.constant 0 : i32
      %get3A_602 = arith.index_cast %get3A_601 : i32 to index
      %get3A_603 = arith.index_cast %scan3A_575 : i32 to index
      %get3A_604 = arith.constant 16 : index
      %get3A_605 = tpu.vector_load %arg11[%get3A_602, %get3A_603, %get3A_604] {strides = array<i32>} : memref<2x128x128xf32, #tpu.memory_space<vmem>>, vector<1x1x16xf32>,
      %get3A_606 = vector.shape_cast %get3A_605 : vector<1x1x16xf32> to vector<16xf32>
      %mul3A_607 = arith.mulf %mul3A_600, %get3A_606 : vector<16xf32>
      %swap3A_608 = arith.index_cast %scan3A_575 : i32 to index
      %swap3A_609 = arith.constant 16 : index
      %swap3A_610 = tpu.vector_load %arg12[%swap3A_608, %swap3A_609] {strides = array<i32>} : memref<128x64xf32, #tpu.memory_space<vmem>>, vector<1x16xf32>,
      %swap3A_611 = vector.shape_cast %swap3A_610 : vector<1x16xf32> to vector<16xf32>
      %swap3A_612 = vector.shape_cast %mul3A_607 : vector<16xf32> to vector<1x16xf32>
      tpu.vector_store %arg12[%swap3A_608, %swap3A_609], %swap3A_612 {strides = array<i32>} : memref<128x64xf32, #tpu.memory_space<vmem>>, vector<1x16xf32>,
      %get3A_613 = arith.constant 0 : i32
      %get3A_614 = arith.index_cast %get3A_613 : i32 to index
      %get3A_615 = arith.index_cast %scan3A_575 : i32 to index
      %get3A_616 = arith.constant 32 : index
      %get3A_617 = tpu.vector_load %arg10[%get3A_614, %get3A_615, %get3A_616] {strides = array<i32>} : memref<2x128x128xf32, #tpu.memory_space<vmem>>, vector<1x1x16xf32>,
      %get3A_618 = vector.shape_cast %get3A_617 : vector<1x1x16xf32> to vector<16xf32>
      %mul3A_619 = arith.mulf %get3A_30, %get3A_618 : vector<16xf32>
      %get3A_620 = arith.constant 0 : i32
      %get3A_621 = arith.index_cast %get3A_620 : i32 to index
      %get3A_622 = arith.index_cast %scan3A_575 : i32 to index
      %get3A_623 = arith.constant 32 : index
      %get3A_624 = tpu.vector_load %arg11[%get3A_621, %get3A_622, %get3A_623] {strides = array<i32>} : memref<2x128x128xf32, #tpu.memory_space<vmem>>, vector<1x1x16xf32>,
      %get3A_625 = vector.shape_cast %get3A_624 : vector<1x1x16xf32> to vector<16xf32>
      %mul3A_626 = arith.mulf %mul3A_619, %get3A_625 : vector<16xf32>
      %swap3A_627 = arith.index_cast %scan3A_575 : i32 to index
      %swap3A_628 = arith.constant 32 : index
      %swap3A_629 = tpu.vector_load %arg12[%swap3A_627, %swap3A_628] {strides = array<i32>} : memref<128x64xf32, #tpu.memory_space<vmem>>, vector<1x16xf32>,
      %swap3A_630 = vector.shape_cast %swap3A_629 : vector<1x16xf32> to vector<16xf32>
      %swap3A_631 = vector.shape_cast %mul3A_626 : vector<16xf32> to vector<1x16xf32>
      tpu.vector_store %arg12[%swap3A_627, %swap3A_628], %swap3A_631 {strides = array<i32>} : memref<128x64xf32, #tpu.memory_space<vmem>>, vector<1x16xf32>,
      %get3A_632 = arith.constant 0 : i32
      %get3A_633 = arith.index_cast %get3A_632 : i32 to index
      %get3A_634 = arith.index_cast %scan3A_575 : i32 to index
      %get3A_635 = arith.constant 48 : index
      %get3A_636 = tpu.vector_load %arg10[%get3A_633, %get3A_634, %get3A_635] {strides = array<i32>} : memref<2x128x128xf32, #tpu.memory_space<vmem>>, vector<1x1x16xf32>,
      %get3A_637 = vector.shape_cast %get3A_636 : vector<1x1x16xf32> to vector<16xf32>
      %mul3A_638 = arith.mulf %get3A_33, %get3A_637 : vector<16xf32>
      %get3A_639 = arith.constant 0 : i32
      %get3A_640 = arith.index_cast %get3A_639 : i32 to index
      %get3A_641 = arith.index_cast %scan3A_575 : i32 to index
      %get3A_642 = arith.constant 48 : index
      %get3A_643 = tpu.vector_load %arg11[%get3A_640, %get3A_641, %get3A_642] {strides = array<i32>} : memref<2x128x128xf32, #tpu.memory_space<vmem>>, vector<1x1x16xf32>,
      %get3A_644 = vector.shape_cast %get3A_643 : vector<1x1x16xf32> to vector<16xf32>
      %mul3A_645 = arith.mulf %mul3A_638, %get3A_644 : vector<16xf32>
      %swap3A_646 = arith.index_cast %scan3A_575 : i32 to index
      %swap3A_647 = arith.constant 48 : index
      %swap3A_648 = tpu.vector_load %arg12[%swap3A_646, %swap3A_647] {strides = array<i32>} : memref<128x64xf32, #tpu.memory_space<vmem>>, vector<1x16xf32>,
      %swap3A_649 = vector.shape_cast %swap3A_648 : vector<1x16xf32> to vector<16xf32>
      %swap3A_650 = vector.shape_cast %mul3A_645 : vector<16xf32> to vector<1x16xf32>
      tpu.vector_store %arg12[%swap3A_646, %swap3A_647], %swap3A_650 {strides = array<i32>} : memref<128x64xf32, #tpu.memory_space<vmem>>, vector<1x16xf32>,
      %scan3A_651 = arith.constant 1 : i32
      %scan3A_652 = arith.addi %scan3A_575, %scan3A_651 : i32
      %get3A_653 = arith.constant 0 : i32
      %get3A_654 = arith.index_cast %get3A_653 : i32 to index
      %get3A_655 = arith.index_cast %scan3A_652 : i32 to index
      %get3A_656 = arith.constant 0 : index
      %get3A_657 = tpu.vector_load %arg10[%get3A_654, %get3A_655, %get3A_656] {strides = array<i32>} : memref<2x128x128xf32, #tpu.memory_space<vmem>>, vector<1x1x16xf32>,
      %get3A_658 = vector.shape_cast %get3A_657 : vector<1x1x16xf32> to vector<16xf32>
      %mul3A_659 = arith.mulf %get3A_24, %get3A_658 : vector<16xf32>
      %get3A_660 = arith.constant 0 : i32
      %get3A_661 = arith.index_cast %get3A_660 : i32 to index
      %get3A_662 = arith.index_cast %scan3A_652 : i32 to index
      %get3A_663 = arith.constant 0 : index
      %get3A_664 = tpu.vector_load %arg11[%get3A_661, %get3A_662, %get3A_663] {strides = array<i32>} : memref<2x128x128xf32, #tpu.memory_space<vmem>>, vector<1x1x16xf32>,
      %get3A_665 = vector.shape_cast %get3A_664 : vector<1x1x16xf32> to vector<16xf32>
      %mul3A_666 = arith.mulf %mul3A_659, %get3A_665 : vector<16xf32>
      %swap3A_667 = arith.index_cast %scan3A_652 : i32 to index
      %swap3A_668 = arith.constant 0 : index
      %swap3A_669 = tpu.vector_load %arg12[%swap3A_667, %swap3A_668] {strides = array<i32>} : memref<128x64xf32, #tpu.memory_space<vmem>>, vector<1x16xf32>,
      %swap3A_670 = vector.shape_cast %swap3A_669 : vector<1x16xf32> to vector<16xf32>
      %swap3A_671 = vector.shape_cast %mul3A_666 : vector<16xf32> to vector<1x16xf32>
      tpu.vector_store %arg12[%swap3A_667, %swap3A_668], %swap3A_671 {strides = array<i32>} : memref<128x64xf32, #tpu.memory_space<vmem>>, vector<1x16xf32>,
      %get3A_672 = arith.constant 0 : i32
      %get3A_673 = arith.index_cast %get3A_672 : i32 to index
      %get3A_674 = arith.index_cast %scan3A_652 : i32 to index
      %get3A_675 = arith.constant 16 : index
      %get3A_676 = tpu.vector_load %arg10[%get3A_673, %get3A_674, %get3A_675] {strides = array<i32>} : memref<2x128x128xf32, #tpu.memory_space<vmem>>, vector<1x1x16xf32>,
      %get3A_677 = vector.shape_cast %get3A_676 : vector<1x1x16xf32> to vector<16xf32>
      %mul3A_678 = arith.mulf %get3A_27, %get3A_677 : vector<16xf32>
      %get3A_679 = arith.constant 0 : i32
      %get3A_680 = arith.index_cast %get3A_679 : i32 to index
      %get3A_681 = arith.index_cast %scan3A_652 : i32 to index
      %get3A_682 = arith.constant 16 : index
      %get3A_683 = tpu.vector_load %arg11[%get3A_680, %get3A_681, %get3A_682] {strides = array<i32>} : memref<2x128x128xf32, #tpu.memory_space<vmem>>, vector<1x1x16xf32>,
      %get3A_684 = vector.shape_cast %get3A_683 : vector<1x1x16xf32> to vector<16xf32>
      %mul3A_685 = arith.mulf %mul3A_678, %get3A_684 : vector<16xf32>
      %swap3A_686 = arith.index_cast %scan3A_652 : i32 to index
      %swap3A_687 = arith.constant 16 : index
      %swap3A_688 = tpu.vector_load %arg12[%swap3A_686, %swap3A_687] {strides = array<i32>} : memref<128x64xf32, #tpu.memory_space<vmem>>, vector<1x16xf32>,
      %swap3A_689 = vector.shape_cast %swap3A_688 : vector<1x16xf32> to vector<16xf32>
      %swap3A_690 = vector.shape_cast %mul3A_685 : vector<16xf32> to vector<1x16xf32>
      tpu.vector_store %arg12[%swap3A_686, %swap3A_687], %swap3A_690 {strides = array<i32>} : memref<128x64xf32, #tpu.memory_space<vmem>>, vector<1x16xf32>,
      %get3A_691 = arith.constant 0 : i32
      %get3A_692 = arith.index_cast %get3A_691 : i32 to index
      %get3A_693 = arith.index_cast %scan3A_652 : i32 to index
      %get3A_694 = arith.constant 32 : index
      %get3A_695 = tpu.vector_load %arg10[%get3A_692, %get3A_693, %get3A_694] {strides = array<i32>} : memref<2x128x128xf32, #tpu.memory_space<vmem>>, vector<1x1x16xf32>,
      %get3A_696 = vector.shape_cast %get3A_695 : vector<1x1x16xf32> to vector<16xf32>
      %mul3A_697 = arith.mulf %get3A_30, %get3A_696 : vector<16xf32>
      %get3A_698 = arith.constant 0 : i32
      %get3A_699 = arith.index_cast %get3A_698 : i32 to index
      %get3A_700 = arith.index_cast %scan3A_652 : i32 to index
      %get3A_701 = arith.constant 32 : index
      %get3A_702 = tpu.vector_load %arg11[%get3A_699, %get3A_700, %get3A_701] {strides = array<i32>} : memref<2x128x128xf32, #tpu.memory_space<vmem>>, vector<1x1x16xf32>,
      %get3A_703 = vector.shape_cast %get3A_702 : vector<1x1x16xf32> to vector<16xf32>
      %mul3A_704 = arith.mulf %mul3A_697, %get3A_703 : vector<16xf32>
      %swap3A_705 = arith.index_cast %scan3A_652 : i32 to index
      %swap3A_706 = arith.constant 32 : index
      %swap3A_707 = tpu.vector_load %arg12[%swap3A_705, %swap3A_706] {strides = array<i32>} : memref<128x64xf32, #tpu.memory_space<vmem>>, vector<1x16xf32>,
      %swap3A_708 = vector.shape_cast %swap3A_707 : vector<1x16xf32> to vector<16xf32>
      %swap3A_709 = vector.shape_cast %mul3A_704 : vector<16xf32> to vector<1x16xf32>
      tpu.vector_store %arg12[%swap3A_705, %swap3A_706], %swap3A_709 {strides = array<i32>} : memref<128x64xf32, #tpu.memory_space<vmem>>, vector<1x16xf32>,
      %get3A_710 = arith.constant 0 : i32
      %get3A_711 = arith.index_cast %get3A_710 : i32 to index
      %get3A_712 = arith.index_cast %scan3A_652 : i32 to index
      %get3A_713 = arith.constant 48 : index
      %get3A_714 = tpu.vector_load %arg10[%get3A_711, %get3A_712, %get3A_713] {strides = array<i32>} : memref<2x128x128xf32, #tpu.memory_space<vmem>>, vector<1x1x16xf32>,
      %get3A_715 = vector.shape_cast %get3A_714 : vector<1x1x16xf32> to vector<16xf32>
      %mul3A_716 = arith.mulf %get3A_33, %get3A_715 : vector<16xf32>
      %get3A_717 = arith.constant 0 : i32
      %get3A_718 = arith.index_cast %get3A_717 : i32 to index
      %get3A_719 = arith.index_cast %scan3A_652 : i32 to index
      %get3A_720 = arith.constant 48 : index
      %get3A_721 = tpu.vector_load %arg11[%get3A_718, %get3A_719, %get3A_720] {strides = array<i32>} : memref<2x128x128xf32, #tpu.memory_space<vmem>>, vector<1x1x16xf32>,
      %get3A_722 = vector.shape_cast %get3A_721 : vector<1x1x16xf32> to vector<16xf32>
      %mul3A_723 = arith.mulf %mul3A_716, %get3A_722 : vector<16xf32>
      %swap3A_724 = arith.index_cast %scan3A_652 : i32 to index
      %swap3A_725 = arith.constant 48 : index
      %swap3A_726 = tpu.vector_load %arg12[%swap3A_724, %swap3A_725] {strides = array<i32>} : memref<128x64xf32, #tpu.memory_space<vmem>>, vector<1x16xf32>,
      %swap3A_727 = vector.shape_cast %swap3A_726 : vector<1x16xf32> to vector<16xf32>
      %swap3A_728 = vector.shape_cast %mul3A_723 : vector<16xf32> to vector<1x16xf32>
      tpu.vector_store %arg12[%swap3A_724, %swap3A_725], %swap3A_728 {strides = array<i32>} : memref<128x64xf32, #tpu.memory_space<vmem>>, vector<1x16xf32>,
      %scan3A_729 = arith.constant 2 : i32
      %scan3A_730 = arith.addi %scan3A_575, %scan3A_729 : i32
      %get3A_731 = arith.constant 0 : i32
      %get3A_732 = arith.index_cast %get3A_731 : i32 to index
      %get3A_733 = arith.index_cast %scan3A_730 : i32 to index
      %get3A_734 = arith.constant 0 : index
      %get3A_735 = tpu.vector_load %arg10[%get3A_732, %get3A_733, %get3A_734] {strides = array<i32>} : memref<2x128x128xf32, #tpu.memory_space<vmem>>, vector<1x1x16xf32>,
      %get3A_736 = vector.shape_cast %get3A_735 : vector<1x1x16xf32> to vector<16xf32>
      %mul3A_737 = arith.mulf %get3A_24, %get3A_736 : vector<16xf32>
      %get3A_738 = arith.constant 0 : i32
      %get3A_739 = arith.index_cast %get3A_738 : i32 to index
      %get3A_740 = arith.index_cast %scan3A_730 : i32 to index
      %get3A_741 = arith.constant 0 : index
      %get3A_742 = tpu.vector_load %arg11[%get3A_739, %get3A_740, %get3A_741] {strides = array<i32>} : memref<2x128x128xf32, #tpu.memory_space<vmem>>, vector<1x1x16xf32>,
      %get3A_743 = vector.shape_cast %get3A_742 : vector<1x1x16xf32> to vector<16xf32>
      %mul3A_744 = arith.mulf %mul3A_737, %get3A_743 : vector<16xf32>
      %swap3A_745 = arith.index_cast %scan3A_730 : i32 to index
      %swap3A_746 = arith.constant 0 : index
      %swap3A_747 = tpu.vector_load %arg12[%swap3A_745, %swap3A_746] {strides = array<i32>} : memref<128x64xf32, #tpu.memory_space<vmem>>, vector<1x16xf32>,
      %swap3A_748 = vector.shape_cast %swap3A_747 : vector<1x16xf32> to vector<16xf32>
      %swap3A_749 = vector.shape_cast %mul3A_744 : vector<16xf32> to vector<1x16xf32>
      tpu.vector_store %arg12[%swap3A_745, %swap3A_746], %swap3A_749 {strides = array<i32>} : memref<128x64xf32, #tpu.memory_space<vmem>>, vector<1x16xf32>,
      %get3A_750 = arith.constant 0 : i32
      %get3A_751 = arith.index_cast %get3A_750 : i32 to index
      %get3A_752 = arith.index_cast %scan3A_730 : i32 to index
      %get3A_753 = arith.constant 16 : index
      %get3A_754 = tpu.vector_load %arg10[%get3A_751, %get3A_752, %get3A_753] {strides = array<i32>} : memref<2x128x128xf32, #tpu.memory_space<vmem>>, vector<1x1x16xf32>,
      %get3A_755 = vector.shape_cast %get3A_754 : vector<1x1x16xf32> to vector<16xf32>
      %mul3A_756 = arith.mulf %get3A_27, %get3A_755 : vector<16xf32>
      %get3A_757 = arith.constant 0 : i32
      %get3A_758 = arith.index_cast %get3A_757 : i32 to index
      %get3A_759 = arith.index_cast %scan3A_730 : i32 to index
      %get3A_760 = arith.constant 16 : index
      %get3A_761 = tpu.vector_load %arg11[%get3A_758, %get3A_759, %get3A_760] {strides = array<i32>} : memref<2x128x128xf32, #tpu.memory_space<vmem>>, vector<1x1x16xf32>,
      %get3A_762 = vector.shape_cast %get3A_761 : vector<1x1x16xf32> to vector<16xf32>
      %mul3A_763 = arith.mulf %mul3A_756, %get3A_762 : vector<16xf32>
      %swap3A_764 = arith.index_cast %scan3A_730 : i32 to index
      %swap3A_765 = arith.constant 16 : index
      %swap3A_766 = tpu.vector_load %arg12[%swap3A_764, %swap3A_765] {strides = array<i32>} : memref<128x64xf32, #tpu.memory_space<vmem>>, vector<1x16xf32>,
      %swap3A_767 = vector.shape_cast %swap3A_766 : vector<1x16xf32> to vector<16xf32>
      %swap3A_768 = vector.shape_cast %mul3A_763 : vector<16xf32> to vector<1x16xf32>
      tpu.vector_store %arg12[%swap3A_764, %swap3A_765], %swap3A_768 {strides = array<i32>} : memref<128x64xf32, #tpu.memory_space<vmem>>, vector<1x16xf32>,
      %get3A_769 = arith.constant 0 : i32
      %get3A_770 = arith.index_cast %get3A_769 : i32 to index
      %get3A_771 = arith.index_cast %scan3A_730 : i32 to index
      %get3A_772 = arith.constant 32 : index
      %get3A_773 = tpu.vector_load %arg10[%get3A_770, %get3A_771, %get3A_772] {strides = array<i32>} : memref<2x128x128xf32, #tpu.memory_space<vmem>>, vector<1x1x16xf32>,
      %get3A_774 = vector.shape_cast %get3A_773 : vector<1x1x16xf32> to vector<16xf32>
      %mul3A_775 = arith.mulf %get3A_30, %get3A_774 : vector<16xf32>
      %get3A_776 = arith.constant 0 : i32
      %get3A_777 = arith.index_cast %get3A_776 : i32 to index
      %get3A_778 = arith.index_cast %scan3A_730 : i32 to index
      %get3A_779 = arith.constant 32 : index
      %get3A_780 = tpu.vector_load %arg11[%get3A_777, %get3A_778, %get3A_779] {strides = array<i32>} : memref<2x128x128xf32, #tpu.memory_space<vmem>>, vector<1x1x16xf32>,
      %get3A_781 = vector.shape_cast %get3A_780 : vector<1x1x16xf32> to vector<16xf32>
      %mul3A_782 = arith.mulf %mul3A_775, %get3A_781 : vector<16xf32>
      %swap3A_783 = arith.index_cast %scan3A_730 : i32 to index
      %swap3A_784 = arith.constant 32 : index
      %swap3A_785 = tpu.vector_load %arg12[%swap3A_783, %swap3A_784] {strides = array<i32>} : memref<128x64xf32, #tpu.memory_space<vmem>>, vector<1x16xf32>,
      %swap3A_786 = vector.shape_cast %swap3A_785 : vector<1x16xf32> to vector<16xf32>
      %swap3A_787 = vector.shape_cast %mul3A_782 : vector<16xf32> to vector<1x16xf32>
      tpu.vector_store %arg12[%swap3A_783, %swap3A_784], %swap3A_787 {strides = array<i32>} : memref<128x64xf32, #tpu.memory_space<vmem>>, vector<1x16xf32>,
      %get3A_788 = arith.constant 0 : i32
      %get3A_789 = arith.index_cast %get3A_788 : i32 to index
      %get3A_790 = arith.index_cast %scan3A_730 : i32 to index
      %get3A_791 = arith.constant 48 : index
      %get3A_792 = tpu.vector_load %arg10[%get3A_789, %get3A_790, %get3A_791] {strides = array<i32>} : memref<2x128x128xf32, #tpu.memory_space<vmem>>, vector<1x1x16xf32>,
      %get3A_793 = vector.shape_cast %get3A_792 : vector<1x1x16xf32> to vector<16xf32>
      %mul3A_794 = arith.mulf %get3A_33, %get3A_793 : vector<16xf32>
      %get3A_795 = arith.constant 0 : i32
      %get3A_796 = arith.index_cast %get3A_795 : i32 to index
      %get3A_797 = arith.index_cast %scan3A_730 : i32 to index
      %get3A_798 = arith.constant 48 : index
      %get3A_799 = tpu.vector_load %arg11[%get3A_796, %get3A_797, %get3A_798] {strides = array<i32>} : memref<2x128x128xf32, #tpu.memory_space<vmem>>, vector<1x1x16xf32>,
      %get3A_800 = vector.shape_cast %get3A_799 : vector<1x1x16xf32> to vector<16xf32>
      %mul3A_801 = arith.mulf %mul3A_794, %get3A_800 : vector<16xf32>
      %swap3A_802 = arith.index_cast %scan3A_730 : i32 to index
      %swap3A_803 = arith.constant 48 : index
      %swap3A_804 = tpu.vector_load %arg12[%swap3A_802, %swap3A_803] {strides = array<i32>} : memref<128x64xf32, #tpu.memory_space<vmem>>, vector<1x16xf32>,
      %swap3A_805 = vector.shape_cast %swap3A_804 : vector<1x16xf32> to vector<16xf32>
      %swap3A_806 = vector.shape_cast %mul3A_801 : vector<16xf32> to vector<1x16xf32>
      tpu.vector_store %arg12[%swap3A_802, %swap3A_803], %swap3A_806 {strides = array<i32>} : memref<128x64xf32, #tpu.memory_space<vmem>>, vector<1x16xf32>,
      %scan3A_807 = arith.constant 3 : i32
      %scan3A_808 = arith.addi %scan3A_575, %scan3A_807 : i32
      %get3A_809 = arith.constant 0 : i32
      %get3A_810 = arith.index_cast %get3A_809 : i32 to index
      %get3A_811 = arith.index_cast %scan3A_808 : i32 to index
      %get3A_812 = arith.constant 0 : index
      %get3A_813 = tpu.vector_load %arg10[%get3A_810, %get3A_811, %get3A_812] {strides = array<i32>} : memref<2x128x128xf32, #tpu.memory_space<vmem>>, vector<1x1x16xf32>,
      %get3A_814 = vector.shape_cast %get3A_813 : vector<1x1x16xf32> to vector<16xf32>
      %mul3A_815 = arith.mulf %get3A_24, %get3A_814 : vector<16xf32>
      %get3A_816 = arith.constant 0 : i32
      %get3A_817 = arith.index_cast %get3A_816 : i32 to index
      %get3A_818 = arith.index_cast %scan3A_808 : i32 to index
      %get3A_819 = arith.constant 0 : index
      %get3A_820 = tpu.vector_load %arg11[%get3A_817, %get3A_818, %get3A_819] {strides = array<i32>} : memref<2x128x128xf32, #tpu.memory_space<vmem>>, vector<1x1x16xf32>,
      %get3A_821 = vector.shape_cast %get3A_820 : vector<1x1x16xf32> to vector<16xf32>
      %mul3A_822 = arith.mulf %mul3A_815, %get3A_821 : vector<16xf32>
      %swap3A_823 = arith.index_cast %scan3A_808 : i32 to index
      %swap3A_824 = arith.constant 0 : index
      %swap3A_825 = tpu.vector_load %arg12[%swap3A_823, %swap3A_824] {strides = array<i32>} : memref<128x64xf32, #tpu.memory_space<vmem>>, vector<1x16xf32>,
      %swap3A_826 = vector.shape_cast %swap3A_825 : vector<1x16xf32> to vector<16xf32>
      %swap3A_827 = vector.shape_cast %mul3A_822 : vector<16xf32> to vector<1x16xf32>
      tpu.vector_store %arg12[%swap3A_823, %swap3A_824], %swap3A_827 {strides = array<i32>} : memref<128x64xf32, #tpu.memory_space<vmem>>, vector<1x16xf32>,
      %get3A_828 = arith.constant 0 : i32
      %get3A_829 = arith.index_cast %get3A_828 : i32 to index
      %get3A_830 = arith.index_cast %scan3A_808 : i32 to index
      %get3A_831 = arith.constant 16 : index
      %get3A_832 = tpu.vector_load %arg10[%get3A_829, %get3A_830, %get3A_831] {strides = array<i32>} : memref<2x128x128xf32, #tpu.memory_space<vmem>>, vector<1x1x16xf32>,
      %get3A_833 = vector.shape_cast %get3A_832 : vector<1x1x16xf32> to vector<16xf32>
      %mul3A_834 = arith.mulf %get3A_27, %get3A_833 : vector<16xf32>
      %get3A_835 = arith.constant 0 : i32
      %get3A_836 = arith.index_cast %get3A_835 : i32 to index
      %get3A_837 = arith.index_cast %scan3A_808 : i32 to index
      %get3A_838 = arith.constant 16 : index
      %get3A_839 = tpu.vector_load %arg11[%get3A_836, %get3A_837, %get3A_838] {strides = array<i32>} : memref<2x128x128xf32, #tpu.memory_space<vmem>>, vector<1x1x16xf32>,
      %get3A_840 = vector.shape_cast %get3A_839 : vector<1x1x16xf32> to vector<16xf32>
      %mul3A_841 = arith.mulf %mul3A_834, %get3A_840 : vector<16xf32>
      %swap3A_842 = arith.index_cast %scan3A_808 : i32 to index
      %swap3A_843 = arith.constant 16 : index
      %swap3A_844 = tpu.vector_load %arg12[%swap3A_842, %swap3A_843] {strides = array<i32>} : memref<128x64xf32, #tpu.memory_space<vmem>>, vector<1x16xf32>,
      %swap3A_845 = vector.shape_cast %swap3A_844 : vector<1x16xf32> to vector<16xf32>
      %swap3A_846 = vector.shape_cast %mul3A_841 : vector<16xf32> to vector<1x16xf32>
      tpu.vector_store %arg12[%swap3A_842, %swap3A_843], %swap3A_846 {strides = array<i32>} : memref<128x64xf32, #tpu.memory_space<vmem>>, vector<1x16xf32>,
      %get3A_847 = arith.constant 0 : i32
      %get3A_848 = arith.index_cast %get3A_847 : i32 to index
      %get3A_849 = arith.index_cast %scan3A_808 : i32 to index
      %get3A_850 = arith.constant 32 : index
      %get3A_851 = tpu.vector_load %arg10[%get3A_848, %get3A_849, %get3A_850] {strides = array<i32>} : memref<2x128x128xf32, #tpu.memory_space<vmem>>, vector<1x1x16xf32>,
      %get3A_852 = vector.shape_cast %get3A_851 : vector<1x1x16xf32> to vector<16xf32>
      %mul3A_853 = arith.mulf %get3A_30, %get3A_852 : vector<16xf32>
      %get3A_854 = arith.constant 0 : i32
      %get3A_855 = arith.index_cast %get3A_854 : i32 to index
      %get3A_856 = arith.index_cast %scan3A_808 : i32 to index
      %get3A_857 = arith.constant 32 : index
      %get3A_858 = tpu.vector_load %arg11[%get3A_855, %get3A_856, %get3A_857] {strides = array<i32>} : memref<2x128x128xf32, #tpu.memory_space<vmem>>, vector<1x1x16xf32>,
      %get3A_859 = vector.shape_cast %get3A_858 : vector<1x1x16xf32> to vector<16xf32>
      %mul3A_860 = arith.mulf %mul3A_853, %get3A_859 : vector<16xf32>
      %swap3A_861 = arith.index_cast %scan3A_808 : i32 to index
      %swap3A_862 = arith.constant 32 : index
      %swap3A_863 = tpu.vector_load %arg12[%swap3A_861, %swap3A_862] {strides = array<i32>} : memref<128x64xf32, #tpu.memory_space<vmem>>, vector<1x16xf32>,
      %swap3A_864 = vector.shape_cast %swap3A_863 : vector<1x16xf32> to vector<16xf32>
      %swap3A_865 = vector.shape_cast %mul3A_860 : vector<16xf32> to vector<1x16xf32>
      tpu.vector_store %arg12[%swap3A_861, %swap3A_862], %swap3A_865 {strides = array<i32>} : memref<128x64xf32, #tpu.memory_space<vmem>>, vector<1x16xf32>,
      %get3A_866 = arith.constant 0 : i32
      %get3A_867 = arith.index_cast %get3A_866 : i32 to index
      %get3A_868 = arith.index_cast %scan3A_808 : i32 to index
      %get3A_869 = arith.constant 48 : index
      %get3A_870 = tpu.vector_load %arg10[%get3A_867, %get3A_868, %get3A_869] {strides = array<i32>} : memref<2x128x128xf32, #tpu.memory_space<vmem>>, vector<1x1x16xf32>,
      %get3A_871 = vector.shape_cast %get3A_870 : vector<1x1x16xf32> to vector<16xf32>
      %mul3A_872 = arith.mulf %get3A_33, %get3A_871 : vector<16xf32>
      %get3A_873 = arith.constant 0 : i32
      %get3A_874 = arith.index_cast %get3A_873 : i32 to index
      %get3A_875 = arith.index_cast %scan3A_808 : i32 to index
      %get3A_876 = arith.constant 48 : index
      %get3A_877 = tpu.vector_load %arg11[%get3A_874, %get3A_875, %get3A_876] {strides = array<i32>} : memref<2x128x128xf32, #tpu.memory_space<vmem>>, vector<1x1x16xf32>,
      %get3A_878 = vector.shape_cast %get3A_877 : vector<1x1x16xf32> to vector<16xf32>
      %mul3A_879 = arith.mulf %mul3A_872, %get3A_878 : vector<16xf32>
      %swap3A_880 = arith.index_cast %scan3A_808 : i32 to index
      %swap3A_881 = arith.constant 48 : index
      %swap3A_882 = tpu.vector_load %arg12[%swap3A_880, %swap3A_881] {strides = array<i32>} : memref<128x64xf32, #tpu.memory_space<vmem>>, vector<1x16xf32>,
      %swap3A_883 = vector.shape_cast %swap3A_882 : vector<1x16xf32> to vector<16xf32>
      %swap3A_884 = vector.shape_cast %mul3A_879 : vector<16xf32> to vector<1x16xf32>
      tpu.vector_store %arg12[%swap3A_880, %swap3A_881], %swap3A_884 {strides = array<i32>} : memref<128x64xf32, #tpu.memory_space<vmem>>, vector<1x16xf32>,
    }
    %scan3A_534 = arith.constant 128 : i32
    %add3A_535 = arith.constant 768 : i32
    %add3A_536 = arith.addi %mul3A_2, %add3A_535 : i32
    "tpu.region"() ({
      %run_scoped3A = tpu.sem_alloc : memref<!tpu.dma_semaphore, #tpu.memory_space<semaphore_mem>>
      %dma_start3A_575 = arith.constant 0 : i32
      %dma_start3A_576 = tpu.memref_slice %arg6[%add3A_536, %dma_start3A_575] : memref<32768x64xf32, #tpu.memory_space<hbm>> -> memref<128x64xf32, #tpu.memory_space<hbm>>
      %dma_start3A_577 = arith.constant 0 : i32
      %dma_start3A_578 = tpu.memref_slice %arg6[%add3A_536, %dma_start3A_577] : memref<32768x64xf32, #tpu.memory_space<hbm>> -> memref<128x64xf32, #tpu.memory_space<hbm>>
      tpu.enqueue_dma source(%arg12 : memref<128x64xf32, #tpu.memory_space<vmem>>) target(%dma_start3A_578 : memref<128x64xf32, #tpu.memory_space<hbm>>) target_semaphore(%run_scoped3A : memref<!tpu.dma_semaphore, #tpu.memory_space<semaphore_mem>>)
      %dma_wait3A_579 = arith.constant 0 : i32
      %dma_wait3A_580 = tpu.memref_slice %arg6[%add3A_536, %dma_wait3A_579] : memref<32768x64xf32, #tpu.memory_space<hbm>> -> memref<128x64xf32, #tpu.memory_space<hbm>>
      %dma_wait3A_581 = arith.constant 0 : i32
      %dma_wait3A_582 = tpu.memref_slice %arg6[%add3A_536, %dma_wait3A_581] : memref<32768x64xf32, #tpu.memory_space<hbm>> -> memref<128x64xf32, #tpu.memory_space<hbm>>
      tpu.wait_dma2 semaphore(%run_scoped3A : memref<!tpu.dma_semaphore, #tpu.memory_space<semaphore_mem>>) src(%arg12 : memref<128x64xf32, #tpu.memory_space<vmem>>) dst(%dma_wait3A_582 : memref<128x64xf32, #tpu.memory_space<hbm>>)
      tpu.yield
    }) : () -> ()
    %dma_wait3A_537 = arith.constant 7 : i32
    %dma_wait3A_538 = arith.constant 1 : i32
    %dma_wait3A_539 = arith.constant 0 : i32
    %dma_wait3A_540 = arith.constant 0 : i32
    %dma_wait3A_541 = tpu.memref_slice %arg10[%dma_wait3A_538, %dma_wait3A_539, %dma_wait3A_540] : memref<2x128x128xf32, #tpu.memory_space<vmem>> -> memref<1x128x128xf32, #tpu.memory_space<vmem>>
    %dma_wait3A_542 = tpu.memref_squeeze %dma_wait3A_541 : memref<1x128x128xf32, #tpu.memory_space<vmem>> -> memref<128x128xf32, #tpu.memory_space<vmem>>
    %dma_wait3A_543 = arith.constant 0 : i32
    %dma_wait3A_544 = arith.constant 0 : i32
    %dma_wait3A_545 = tpu.memref_slice %dma_wait3A_542[%dma_wait3A_543, %dma_wait3A_544] : memref<128x128xf32, #tpu.memory_space<vmem>> -> memref<128x128xf32, #tpu.memory_space<vmem>>
    %dma_wait3A_546 = arith.constant 0 : i32
    %dma_wait3A_547 = tpu.memref_slice %arg7[%dma_wait3A_537, %dma_wait3A_546] : memref<8x128xi32, #tpu.memory_space<vmem>> -> memref<1x128xi32, #tpu.memory_space<vmem>>
    %dma_wait3A_548 = tpu.memref_squeeze %dma_wait3A_547 : memref<1x128xi32, #tpu.memory_space<vmem>> -> memref<128xi32, #tpu.memory_space<vmem>>
    %dma_wait3A_549 = arith.constant 0 : i32
    %dma_wait3A_550 = arith.constant 0 : i32
    %dma_wait3A_551 = tpu.memref_slice %arg2[%dma_wait3A_549, %dma_wait3A_550] : memref<1000000x128xf32, #tpu.memory_space<hbm>> -> memref<1000000x128xf32, #tpu.memory_space<hbm>>
    tpu.wait_indirect_dma semaphore(%arg13 : memref<!tpu.dma_semaphore, #tpu.memory_space<semaphore_mem>>) src(%dma_wait3A_551 : memref<1000000x128xf32, #tpu.memory_space<hbm>>) dst(%dma_wait3A_545 : memref<128x128xf32, #tpu.memory_space<vmem>>)
    %dma_wait3A_552 = arith.constant 7 : i32
    %dma_wait3A_553 = arith.constant 1 : i32
    %dma_wait3A_554 = arith.constant 0 : i32
    %dma_wait3A_555 = arith.constant 0 : i32
    %dma_wait3A_556 = tpu.memref_slice %arg11[%dma_wait3A_553, %dma_wait3A_554, %dma_wait3A_555] : memref<2x128x128xf32, #tpu.memory_space<vmem>> -> memref<1x128x128xf32, #tpu.memory_space<vmem>>
    %dma_wait3A_557 = tpu.memref_squeeze %dma_wait3A_556 : memref<1x128x128xf32, #tpu.memory_space<vmem>> -> memref<128x128xf32, #tpu.memory_space<vmem>>
    %dma_wait3A_558 = arith.constant 0 : i32
    %dma_wait3A_559 = arith.constant 0 : i32
    %dma_wait3A_560 = tpu.memref_slice %dma_wait3A_557[%dma_wait3A_558, %dma_wait3A_559] : memref<128x128xf32, #tpu.memory_space<vmem>> -> memref<128x128xf32, #tpu.memory_space<vmem>>
    %dma_wait3A_561 = arith.constant 0 : i32
    %dma_wait3A_562 = tpu.memref_slice %arg8[%dma_wait3A_552, %dma_wait3A_561] : memref<8x128xi32, #tpu.memory_space<vmem>> -> memref<1x128xi32, #tpu.memory_space<vmem>>
    %dma_wait3A_563 = tpu.memref_squeeze %dma_wait3A_562 : memref<1x128xi32, #tpu.memory_space<vmem>> -> memref<128xi32, #tpu.memory_space<vmem>>
    %dma_wait3A_564 = arith.constant 0 : i32
    %dma_wait3A_565 = arith.constant 0 : i32
    %dma_wait3A_566 = tpu.memref_slice %arg2[%dma_wait3A_564, %dma_wait3A_565] : memref<1000000x128xf32, #tpu.memory_space<hbm>> -> memref<1000000x128xf32, #tpu.memory_space<hbm>>
    tpu.wait_indirect_dma semaphore(%arg14 : memref<!tpu.dma_semaphore, #tpu.memory_space<semaphore_mem>>) src(%dma_wait3A_566 : memref<1000000x128xf32, #tpu.memory_space<hbm>>) dst(%dma_wait3A_560 : memref<128x128xf32, #tpu.memory_space<vmem>>)
    %scan3A_567 = arith.constant 0 : i32
    %scan3A_568 = arith.constant 0 : i32
    %scan3A_569 = arith.constant 128 : i32
    %scan3A_570 = arith.addi %scan3A_568, %scan3A_569 : i32
    %scan3A_571 = arith.constant 4 : i32
    scf.for %scan3A_575 = %scan3A_568 to %scan3A_570 step %scan3A_571  : i32 {
      %get3A_576 = arith.constant 1 : i32
      %get3A_577 = arith.index_cast %get3A_576 : i32 to index
      %get3A_578 = arith.index_cast %scan3A_575 : i32 to index
      %get3A_579 = arith.constant 0 : index
      %get3A_580 = tpu.vector_load %arg10[%get3A_577, %get3A_578, %get3A_579] {strides = array<i32>} : memref<2x128x128xf32, #tpu.memory_space<vmem>>, vector<1x1x16xf32>,
      %get3A_581 = vector.shape_cast %get3A_580 : vector<1x1x16xf32> to vector<16xf32>
      %mul3A_582 = arith.mulf %get3A_24, %get3A_581 : vector<16xf32>
      %get3A_583 = arith.constant 1 : i32
      %get3A_584 = arith.index_cast %get3A_583 : i32 to index
      %get3A_585 = arith.index_cast %scan3A_575 : i32 to index
      %get3A_586 = arith.constant 0 : index
      %get3A_587 = tpu.vector_load %arg11[%get3A_584, %get3A_585, %get3A_586] {strides = array<i32>} : memref<2x128x128xf32, #tpu.memory_space<vmem>>, vector<1x1x16xf32>,
      %get3A_588 = vector.shape_cast %get3A_587 : vector<1x1x16xf32> to vector<16xf32>
      %mul3A_589 = arith.mulf %mul3A_582, %get3A_588 : vector<16xf32>
      %swap3A = arith.index_cast %scan3A_575 : i32 to index
      %swap3A_590 = arith.constant 0 : index
      %swap3A_591 = tpu.vector_load %arg12[%swap3A, %swap3A_590] {strides = array<i32>} : memref<128x64xf32, #tpu.memory_space<vmem>>, vector<1x16xf32>,
      %swap3A_592 = vector.shape_cast %swap3A_591 : vector<1x16xf32> to vector<16xf32>
      %swap3A_593 = vector.shape_cast %mul3A_589 : vector<16xf32> to vector<1x16xf32>
      tpu.vector_store %arg12[%swap3A, %swap3A_590], %swap3A_593 {strides = array<i32>} : memref<128x64xf32, #tpu.memory_space<vmem>>, vector<1x16xf32>,
      %get3A_594 = arith.constant 1 : i32
      %get3A_595 = arith.index_cast %get3A_594 : i32 to index
      %get3A_596 = arith.index_cast %scan3A_575 : i32 to index
      %get3A_597 = arith.constant 16 : index
      %get3A_598 = tpu.vector_load %arg10[%get3A_595, %get3A_596, %get3A_597] {strides = array<i32>} : memref<2x128x128xf32, #tpu.memory_space<vmem>>, vector<1x1x16xf32>,
      %get3A_599 = vector.shape_cast %get3A_598 : vector<1x1x16xf32> to vector<16xf32>
      %mul3A_600 = arith.mulf %get3A_27, %get3A_599 : vector<16xf32>
      %get3A_601 = arith.constant 1 : i32
      %get3A_602 = arith.index_cast %get3A_601 : i32 to index
      %get3A_603 = arith.index_cast %scan3A_575 : i32 to index
      %get3A_604 = arith.constant 16 : index
      %get3A_605 = tpu.vector_load %arg11[%get3A_602, %get3A_603, %get3A_604] {strides = array<i32>} : memref<2x128x128xf32, #tpu.memory_space<vmem>>, vector<1x1x16xf32>,
      %get3A_606 = vector.shape_cast %get3A_605 : vector<1x1x16xf32> to vector<16xf32>
      %mul3A_607 = arith.mulf %mul3A_600, %get3A_606 : vector<16xf32>
      %swap3A_608 = arith.index_cast %scan3A_575 : i32 to index
      %swap3A_609 = arith.constant 16 : index
      %swap3A_610 = tpu.vector_load %arg12[%swap3A_608, %swap3A_609] {strides = array<i32>} : memref<128x64xf32, #tpu.memory_space<vmem>>, vector<1x16xf32>,
      %swap3A_611 = vector.shape_cast %swap3A_610 : vector<1x16xf32> to vector<16xf32>
      %swap3A_612 = vector.shape_cast %mul3A_607 : vector<16xf32> to vector<1x16xf32>
      tpu.vector_store %arg12[%swap3A_608, %swap3A_609], %swap3A_612 {strides = array<i32>} : memref<128x64xf32, #tpu.memory_space<vmem>>, vector<1x16xf32>,
      %get3A_613 = arith.constant 1 : i32
      %get3A_614 = arith.index_cast %get3A_613 : i32 to index
      %get3A_615 = arith.index_cast %scan3A_575 : i32 to index
      %get3A_616 = arith.constant 32 : index
      %get3A_617 = tpu.vector_load %arg10[%get3A_614, %get3A_615, %get3A_616] {strides = array<i32>} : memref<2x128x128xf32, #tpu.memory_space<vmem>>, vector<1x1x16xf32>,
      %get3A_618 = vector.shape_cast %get3A_617 : vector<1x1x16xf32> to vector<16xf32>
      %mul3A_619 = arith.mulf %get3A_30, %get3A_618 : vector<16xf32>
      %get3A_620 = arith.constant 1 : i32
      %get3A_621 = arith.index_cast %get3A_620 : i32 to index
      %get3A_622 = arith.index_cast %scan3A_575 : i32 to index
      %get3A_623 = arith.constant 32 : index
      %get3A_624 = tpu.vector_load %arg11[%get3A_621, %get3A_622, %get3A_623] {strides = array<i32>} : memref<2x128x128xf32, #tpu.memory_space<vmem>>, vector<1x1x16xf32>,
      %get3A_625 = vector.shape_cast %get3A_624 : vector<1x1x16xf32> to vector<16xf32>
      %mul3A_626 = arith.mulf %mul3A_619, %get3A_625 : vector<16xf32>
      %swap3A_627 = arith.index_cast %scan3A_575 : i32 to index
      %swap3A_628 = arith.constant 32 : index
      %swap3A_629 = tpu.vector_load %arg12[%swap3A_627, %swap3A_628] {strides = array<i32>} : memref<128x64xf32, #tpu.memory_space<vmem>>, vector<1x16xf32>,
      %swap3A_630 = vector.shape_cast %swap3A_629 : vector<1x16xf32> to vector<16xf32>
      %swap3A_631 = vector.shape_cast %mul3A_626 : vector<16xf32> to vector<1x16xf32>
      tpu.vector_store %arg12[%swap3A_627, %swap3A_628], %swap3A_631 {strides = array<i32>} : memref<128x64xf32, #tpu.memory_space<vmem>>, vector<1x16xf32>,
      %get3A_632 = arith.constant 1 : i32
      %get3A_633 = arith.index_cast %get3A_632 : i32 to index
      %get3A_634 = arith.index_cast %scan3A_575 : i32 to index
      %get3A_635 = arith.constant 48 : index
      %get3A_636 = tpu.vector_load %arg10[%get3A_633, %get3A_634, %get3A_635] {strides = array<i32>} : memref<2x128x128xf32, #tpu.memory_space<vmem>>, vector<1x1x16xf32>,
      %get3A_637 = vector.shape_cast %get3A_636 : vector<1x1x16xf32> to vector<16xf32>
      %mul3A_638 = arith.mulf %get3A_33, %get3A_637 : vector<16xf32>
      %get3A_639 = arith.constant 1 : i32
      %get3A_640 = arith.index_cast %get3A_639 : i32 to index
      %get3A_641 = arith.index_cast %scan3A_575 : i32 to index
      %get3A_642 = arith.constant 48 : index
      %get3A_643 = tpu.vector_load %arg11[%get3A_640, %get3A_641, %get3A_642] {strides = array<i32>} : memref<2x128x128xf32, #tpu.memory_space<vmem>>, vector<1x1x16xf32>,
      %get3A_644 = vector.shape_cast %get3A_643 : vector<1x1x16xf32> to vector<16xf32>
      %mul3A_645 = arith.mulf %mul3A_638, %get3A_644 : vector<16xf32>
      %swap3A_646 = arith.index_cast %scan3A_575 : i32 to index
      %swap3A_647 = arith.constant 48 : index
      %swap3A_648 = tpu.vector_load %arg12[%swap3A_646, %swap3A_647] {strides = array<i32>} : memref<128x64xf32, #tpu.memory_space<vmem>>, vector<1x16xf32>,
      %swap3A_649 = vector.shape_cast %swap3A_648 : vector<1x16xf32> to vector<16xf32>
      %swap3A_650 = vector.shape_cast %mul3A_645 : vector<16xf32> to vector<1x16xf32>
      tpu.vector_store %arg12[%swap3A_646, %swap3A_647], %swap3A_650 {strides = array<i32>} : memref<128x64xf32, #tpu.memory_space<vmem>>, vector<1x16xf32>,
      %scan3A_651 = arith.constant 1 : i32
      %scan3A_652 = arith.addi %scan3A_575, %scan3A_651 : i32
      %get3A_653 = arith.constant 1 : i32
      %get3A_654 = arith.index_cast %get3A_653 : i32 to index
      %get3A_655 = arith.index_cast %scan3A_652 : i32 to index
      %get3A_656 = arith.constant 0 : index
      %get3A_657 = tpu.vector_load %arg10[%get3A_654, %get3A_655, %get3A_656] {strides = array<i32>} : memref<2x128x128xf32, #tpu.memory_space<vmem>>, vector<1x1x16xf32>,
      %get3A_658 = vector.shape_cast %get3A_657 : vector<1x1x16xf32> to vector<16xf32>
      %mul3A_659 = arith.mulf %get3A_24, %get3A_658 : vector<16xf32>
      %get3A_660 = arith.constant 1 : i32
      %get3A_661 = arith.index_cast %get3A_660 : i32 to index
      %get3A_662 = arith.index_cast %scan3A_652 : i32 to index
      %get3A_663 = arith.constant 0 : index
      %get3A_664 = tpu.vector_load %arg11[%get3A_661, %get3A_662, %get3A_663] {strides = array<i32>} : memref<2x128x128xf32, #tpu.memory_space<vmem>>, vector<1x1x16xf32>,
      %get3A_665 = vector.shape_cast %get3A_664 : vector<1x1x16xf32> to vector<16xf32>
      %mul3A_666 = arith.mulf %mul3A_659, %get3A_665 : vector<16xf32>
      %swap3A_667 = arith.index_cast %scan3A_652 : i32 to index
      %swap3A_668 = arith.constant 0 : index
      %swap3A_669 = tpu.vector_load %arg12[%swap3A_667, %swap3A_668] {strides = array<i32>} : memref<128x64xf32, #tpu.memory_space<vmem>>, vector<1x16xf32>,
      %swap3A_670 = vector.shape_cast %swap3A_669 : vector<1x16xf32> to vector<16xf32>
      %swap3A_671 = vector.shape_cast %mul3A_666 : vector<16xf32> to vector<1x16xf32>
      tpu.vector_store %arg12[%swap3A_667, %swap3A_668], %swap3A_671 {strides = array<i32>} : memref<128x64xf32, #tpu.memory_space<vmem>>, vector<1x16xf32>,
      %get3A_672 = arith.constant 1 : i32
      %get3A_673 = arith.index_cast %get3A_672 : i32 to index
      %get3A_674 = arith.index_cast %scan3A_652 : i32 to index
      %get3A_675 = arith.constant 16 : index
      %get3A_676 = tpu.vector_load %arg10[%get3A_673, %get3A_674, %get3A_675] {strides = array<i32>} : memref<2x128x128xf32, #tpu.memory_space<vmem>>, vector<1x1x16xf32>,
      %get3A_677 = vector.shape_cast %get3A_676 : vector<1x1x16xf32> to vector<16xf32>
      %mul3A_678 = arith.mulf %get3A_27, %get3A_677 : vector<16xf32>
      %get3A_679 = arith.constant 1 : i32
      %get3A_680 = arith.index_cast %get3A_679 : i32 to index
      %get3A_681 = arith.index_cast %scan3A_652 : i32 to index
      %get3A_682 = arith.constant 16 : index
      %get3A_683 = tpu.vector_load %arg11[%get3A_680, %get3A_681, %get3A_682] {strides = array<i32>} : memref<2x128x128xf32, #tpu.memory_space<vmem>>, vector<1x1x16xf32>,
      %get3A_684 = vector.shape_cast %get3A_683 : vector<1x1x16xf32> to vector<16xf32>
      %mul3A_685 = arith.mulf %mul3A_678, %get3A_684 : vector<16xf32>
      %swap3A_686 = arith.index_cast %scan3A_652 : i32 to index
      %swap3A_687 = arith.constant 16 : index
      %swap3A_688 = tpu.vector_load %arg12[%swap3A_686, %swap3A_687] {strides = array<i32>} : memref<128x64xf32, #tpu.memory_space<vmem>>, vector<1x16xf32>,
      %swap3A_689 = vector.shape_cast %swap3A_688 : vector<1x16xf32> to vector<16xf32>
      %swap3A_690 = vector.shape_cast %mul3A_685 : vector<16xf32> to vector<1x16xf32>
      tpu.vector_store %arg12[%swap3A_686, %swap3A_687], %swap3A_690 {strides = array<i32>} : memref<128x64xf32, #tpu.memory_space<vmem>>, vector<1x16xf32>,
      %get3A_691 = arith.constant 1 : i32
      %get3A_692 = arith.index_cast %get3A_691 : i32 to index
      %get3A_693 = arith.index_cast %scan3A_652 : i32 to index
      %get3A_694 = arith.constant 32 : index
      %get3A_695 = tpu.vector_load %arg10[%get3A_692, %get3A_693, %get3A_694] {strides = array<i32>} : memref<2x128x128xf32, #tpu.memory_space<vmem>>, vector<1x1x16xf32>,
      %get3A_696 = vector.shape_cast %get3A_695 : vector<1x1x16xf32> to vector<16xf32>
      %mul3A_697 = arith.mulf %get3A_30, %get3A_696 : vector<16xf32>
      %get3A_698 = arith.constant 1 : i32
      %get3A_699 = arith.index_cast %get3A_698 : i32 to index
      %get3A_700 = arith.index_cast %scan3A_652 : i32 to index
      %get3A_701 = arith.constant 32 : index
      %get3A_702 = tpu.vector_load %arg11[%get3A_699, %get3A_700, %get3A_701] {strides = array<i32>} : memref<2x128x128xf32, #tpu.memory_space<vmem>>, vector<1x1x16xf32>,
      %get3A_703 = vector.shape_cast %get3A_702 : vector<1x1x16xf32> to vector<16xf32>
      %mul3A_704 = arith.mulf %mul3A_697, %get3A_703 : vector<16xf32>
      %swap3A_705 = arith.index_cast %scan3A_652 : i32 to index
      %swap3A_706 = arith.constant 32 : index
      %swap3A_707 = tpu.vector_load %arg12[%swap3A_705, %swap3A_706] {strides = array<i32>} : memref<128x64xf32, #tpu.memory_space<vmem>>, vector<1x16xf32>,
      %swap3A_708 = vector.shape_cast %swap3A_707 : vector<1x16xf32> to vector<16xf32>
      %swap3A_709 = vector.shape_cast %mul3A_704 : vector<16xf32> to vector<1x16xf32>
      tpu.vector_store %arg12[%swap3A_705, %swap3A_706], %swap3A_709 {strides = array<i32>} : memref<128x64xf32, #tpu.memory_space<vmem>>, vector<1x16xf32>,
      %get3A_710 = arith.constant 1 : i32
      %get3A_711 = arith.index_cast %get3A_710 : i32 to index
      %get3A_712 = arith.index_cast %scan3A_652 : i32 to index
      %get3A_713 = arith.constant 48 : index
      %get3A_714 = tpu.vector_load %arg10[%get3A_711, %get3A_712, %get3A_713] {strides = array<i32>} : memref<2x128x128xf32, #tpu.memory_space<vmem>>, vector<1x1x16xf32>,
      %get3A_715 = vector.shape_cast %get3A_714 : vector<1x1x16xf32> to vector<16xf32>
      %mul3A_716 = arith.mulf %get3A_33, %get3A_715 : vector<16xf32>
      %get3A_717 = arith.constant 1 : i32
      %get3A_718 = arith.index_cast %get3A_717 : i32 to index
      %get3A_719 = arith.index_cast %scan3A_652 : i32 to index
      %get3A_720 = arith.constant 48 : index
      %get3A_721 = tpu.vector_load %arg11[%get3A_718, %get3A_719, %get3A_720] {strides = array<i32>} : memref<2x128x128xf32, #tpu.memory_space<vmem>>, vector<1x1x16xf32>,
      %get3A_722 = vector.shape_cast %get3A_721 : vector<1x1x16xf32> to vector<16xf32>
      %mul3A_723 = arith.mulf %mul3A_716, %get3A_722 : vector<16xf32>
      %swap3A_724 = arith.index_cast %scan3A_652 : i32 to index
      %swap3A_725 = arith.constant 48 : index
      %swap3A_726 = tpu.vector_load %arg12[%swap3A_724, %swap3A_725] {strides = array<i32>} : memref<128x64xf32, #tpu.memory_space<vmem>>, vector<1x16xf32>,
      %swap3A_727 = vector.shape_cast %swap3A_726 : vector<1x16xf32> to vector<16xf32>
      %swap3A_728 = vector.shape_cast %mul3A_723 : vector<16xf32> to vector<1x16xf32>
      tpu.vector_store %arg12[%swap3A_724, %swap3A_725], %swap3A_728 {strides = array<i32>} : memref<128x64xf32, #tpu.memory_space<vmem>>, vector<1x16xf32>,
      %scan3A_729 = arith.constant 2 : i32
      %scan3A_730 = arith.addi %scan3A_575, %scan3A_729 : i32
      %get3A_731 = arith.constant 1 : i32
      %get3A_732 = arith.index_cast %get3A_731 : i32 to index
      %get3A_733 = arith.index_cast %scan3A_730 : i32 to index
      %get3A_734 = arith.constant 0 : index
      %get3A_735 = tpu.vector_load %arg10[%get3A_732, %get3A_733, %get3A_734] {strides = array<i32>} : memref<2x128x128xf32, #tpu.memory_space<vmem>>, vector<1x1x16xf32>,
      %get3A_736 = vector.shape_cast %get3A_735 : vector<1x1x16xf32> to vector<16xf32>
      %mul3A_737 = arith.mulf %get3A_24, %get3A_736 : vector<16xf32>
      %get3A_738 = arith.constant 1 : i32
      %get3A_739 = arith.index_cast %get3A_738 : i32 to index
      %get3A_740 = arith.index_cast %scan3A_730 : i32 to index
      %get3A_741 = arith.constant 0 : index
      %get3A_742 = tpu.vector_load %arg11[%get3A_739, %get3A_740, %get3A_741] {strides = array<i32>} : memref<2x128x128xf32, #tpu.memory_space<vmem>>, vector<1x1x16xf32>,
      %get3A_743 = vector.shape_cast %get3A_742 : vector<1x1x16xf32> to vector<16xf32>
      %mul3A_744 = arith.mulf %mul3A_737, %get3A_743 : vector<16xf32>
      %swap3A_745 = arith.index_cast %scan3A_730 : i32 to index
      %swap3A_746 = arith.constant 0 : index
      %swap3A_747 = tpu.vector_load %arg12[%swap3A_745, %swap3A_746] {strides = array<i32>} : memref<128x64xf32, #tpu.memory_space<vmem>>, vector<1x16xf32>,
      %swap3A_748 = vector.shape_cast %swap3A_747 : vector<1x16xf32> to vector<16xf32>
      %swap3A_749 = vector.shape_cast %mul3A_744 : vector<16xf32> to vector<1x16xf32>
      tpu.vector_store %arg12[%swap3A_745, %swap3A_746], %swap3A_749 {strides = array<i32>} : memref<128x64xf32, #tpu.memory_space<vmem>>, vector<1x16xf32>,
      %get3A_750 = arith.constant 1 : i32
      %get3A_751 = arith.index_cast %get3A_750 : i32 to index
      %get3A_752 = arith.index_cast %scan3A_730 : i32 to index
      %get3A_753 = arith.constant 16 : index
      %get3A_754 = tpu.vector_load %arg10[%get3A_751, %get3A_752, %get3A_753] {strides = array<i32>} : memref<2x128x128xf32, #tpu.memory_space<vmem>>, vector<1x1x16xf32>,
      %get3A_755 = vector.shape_cast %get3A_754 : vector<1x1x16xf32> to vector<16xf32>
      %mul3A_756 = arith.mulf %get3A_27, %get3A_755 : vector<16xf32>
      %get3A_757 = arith.constant 1 : i32
      %get3A_758 = arith.index_cast %get3A_757 : i32 to index
      %get3A_759 = arith.index_cast %scan3A_730 : i32 to index
      %get3A_760 = arith.constant 16 : index
      %get3A_761 = tpu.vector_load %arg11[%get3A_758, %get3A_759, %get3A_760] {strides = array<i32>} : memref<2x128x128xf32, #tpu.memory_space<vmem>>, vector<1x1x16xf32>,
      %get3A_762 = vector.shape_cast %get3A_761 : vector<1x1x16xf32> to vector<16xf32>
      %mul3A_763 = arith.mulf %mul3A_756, %get3A_762 : vector<16xf32>
      %swap3A_764 = arith.index_cast %scan3A_730 : i32 to index
      %swap3A_765 = arith.constant 16 : index
      %swap3A_766 = tpu.vector_load %arg12[%swap3A_764, %swap3A_765] {strides = array<i32>} : memref<128x64xf32, #tpu.memory_space<vmem>>, vector<1x16xf32>,
      %swap3A_767 = vector.shape_cast %swap3A_766 : vector<1x16xf32> to vector<16xf32>
      %swap3A_768 = vector.shape_cast %mul3A_763 : vector<16xf32> to vector<1x16xf32>
      tpu.vector_store %arg12[%swap3A_764, %swap3A_765], %swap3A_768 {strides = array<i32>} : memref<128x64xf32, #tpu.memory_space<vmem>>, vector<1x16xf32>,
      %get3A_769 = arith.constant 1 : i32
      %get3A_770 = arith.index_cast %get3A_769 : i32 to index
      %get3A_771 = arith.index_cast %scan3A_730 : i32 to index
      %get3A_772 = arith.constant 32 : index
      %get3A_773 = tpu.vector_load %arg10[%get3A_770, %get3A_771, %get3A_772] {strides = array<i32>} : memref<2x128x128xf32, #tpu.memory_space<vmem>>, vector<1x1x16xf32>,
      %get3A_774 = vector.shape_cast %get3A_773 : vector<1x1x16xf32> to vector<16xf32>
      %mul3A_775 = arith.mulf %get3A_30, %get3A_774 : vector<16xf32>
      %get3A_776 = arith.constant 1 : i32
      %get3A_777 = arith.index_cast %get3A_776 : i32 to index
      %get3A_778 = arith.index_cast %scan3A_730 : i32 to index
      %get3A_779 = arith.constant 32 : index
      %get3A_780 = tpu.vector_load %arg11[%get3A_777, %get3A_778, %get3A_779] {strides = array<i32>} : memref<2x128x128xf32, #tpu.memory_space<vmem>>, vector<1x1x16xf32>,
      %get3A_781 = vector.shape_cast %get3A_780 : vector<1x1x16xf32> to vector<16xf32>
      %mul3A_782 = arith.mulf %mul3A_775, %get3A_781 : vector<16xf32>
      %swap3A_783 = arith.index_cast %scan3A_730 : i32 to index
      %swap3A_784 = arith.constant 32 : index
      %swap3A_785 = tpu.vector_load %arg12[%swap3A_783, %swap3A_784] {strides = array<i32>} : memref<128x64xf32, #tpu.memory_space<vmem>>, vector<1x16xf32>,
      %swap3A_786 = vector.shape_cast %swap3A_785 : vector<1x16xf32> to vector<16xf32>
      %swap3A_787 = vector.shape_cast %mul3A_782 : vector<16xf32> to vector<1x16xf32>
      tpu.vector_store %arg12[%swap3A_783, %swap3A_784], %swap3A_787 {strides = array<i32>} : memref<128x64xf32, #tpu.memory_space<vmem>>, vector<1x16xf32>,
      %get3A_788 = arith.constant 1 : i32
      %get3A_789 = arith.index_cast %get3A_788 : i32 to index
      %get3A_790 = arith.index_cast %scan3A_730 : i32 to index
      %get3A_791 = arith.constant 48 : index
      %get3A_792 = tpu.vector_load %arg10[%get3A_789, %get3A_790, %get3A_791] {strides = array<i32>} : memref<2x128x128xf32, #tpu.memory_space<vmem>>, vector<1x1x16xf32>,
      %get3A_793 = vector.shape_cast %get3A_792 : vector<1x1x16xf32> to vector<16xf32>
      %mul3A_794 = arith.mulf %get3A_33, %get3A_793 : vector<16xf32>
      %get3A_795 = arith.constant 1 : i32
      %get3A_796 = arith.index_cast %get3A_795 : i32 to index
      %get3A_797 = arith.index_cast %scan3A_730 : i32 to index
      %get3A_798 = arith.constant 48 : index
      %get3A_799 = tpu.vector_load %arg11[%get3A_796, %get3A_797, %get3A_798] {strides = array<i32>} : memref<2x128x128xf32, #tpu.memory_space<vmem>>, vector<1x1x16xf32>,
      %get3A_800 = vector.shape_cast %get3A_799 : vector<1x1x16xf32> to vector<16xf32>
      %mul3A_801 = arith.mulf %mul3A_794, %get3A_800 : vector<16xf32>
      %swap3A_802 = arith.index_cast %scan3A_730 : i32 to index
      %swap3A_803 = arith.constant 48 : index
      %swap3A_804 = tpu.vector_load %arg12[%swap3A_802, %swap3A_803] {strides = array<i32>} : memref<128x64xf32, #tpu.memory_space<vmem>>, vector<1x16xf32>,
      %swap3A_805 = vector.shape_cast %swap3A_804 : vector<1x16xf32> to vector<16xf32>
      %swap3A_806 = vector.shape_cast %mul3A_801 : vector<16xf32> to vector<1x16xf32>
      tpu.vector_store %arg12[%swap3A_802, %swap3A_803], %swap3A_806 {strides = array<i32>} : memref<128x64xf32, #tpu.memory_space<vmem>>, vector<1x16xf32>,
      %scan3A_807 = arith.constant 3 : i32
      %scan3A_808 = arith.addi %scan3A_575, %scan3A_807 : i32
      %get3A_809 = arith.constant 1 : i32
      %get3A_810 = arith.index_cast %get3A_809 : i32 to index
      %get3A_811 = arith.index_cast %scan3A_808 : i32 to index
      %get3A_812 = arith.constant 0 : index
      %get3A_813 = tpu.vector_load %arg10[%get3A_810, %get3A_811, %get3A_812] {strides = array<i32>} : memref<2x128x128xf32, #tpu.memory_space<vmem>>, vector<1x1x16xf32>,
      %get3A_814 = vector.shape_cast %get3A_813 : vector<1x1x16xf32> to vector<16xf32>
      %mul3A_815 = arith.mulf %get3A_24, %get3A_814 : vector<16xf32>
      %get3A_816 = arith.constant 1 : i32
      %get3A_817 = arith.index_cast %get3A_816 : i32 to index
      %get3A_818 = arith.index_cast %scan3A_808 : i32 to index
      %get3A_819 = arith.constant 0 : index
      %get3A_820 = tpu.vector_load %arg11[%get3A_817, %get3A_818, %get3A_819] {strides = array<i32>} : memref<2x128x128xf32, #tpu.memory_space<vmem>>, vector<1x1x16xf32>,
      %get3A_821 = vector.shape_cast %get3A_820 : vector<1x1x16xf32> to vector<16xf32>
      %mul3A_822 = arith.mulf %mul3A_815, %get3A_821 : vector<16xf32>
      %swap3A_823 = arith.index_cast %scan3A_808 : i32 to index
      %swap3A_824 = arith.constant 0 : index
      %swap3A_825 = tpu.vector_load %arg12[%swap3A_823, %swap3A_824] {strides = array<i32>} : memref<128x64xf32, #tpu.memory_space<vmem>>, vector<1x16xf32>,
      %swap3A_826 = vector.shape_cast %swap3A_825 : vector<1x16xf32> to vector<16xf32>
      %swap3A_827 = vector.shape_cast %mul3A_822 : vector<16xf32> to vector<1x16xf32>
      tpu.vector_store %arg12[%swap3A_823, %swap3A_824], %swap3A_827 {strides = array<i32>} : memref<128x64xf32, #tpu.memory_space<vmem>>, vector<1x16xf32>,
      %get3A_828 = arith.constant 1 : i32
      %get3A_829 = arith.index_cast %get3A_828 : i32 to index
      %get3A_830 = arith.index_cast %scan3A_808 : i32 to index
      %get3A_831 = arith.constant 16 : index
      %get3A_832 = tpu.vector_load %arg10[%get3A_829, %get3A_830, %get3A_831] {strides = array<i32>} : memref<2x128x128xf32, #tpu.memory_space<vmem>>, vector<1x1x16xf32>,
      %get3A_833 = vector.shape_cast %get3A_832 : vector<1x1x16xf32> to vector<16xf32>
      %mul3A_834 = arith.mulf %get3A_27, %get3A_833 : vector<16xf32>
      %get3A_835 = arith.constant 1 : i32
      %get3A_836 = arith.index_cast %get3A_835 : i32 to index
      %get3A_837 = arith.index_cast %scan3A_808 : i32 to index
      %get3A_838 = arith.constant 16 : index
      %get3A_839 = tpu.vector_load %arg11[%get3A_836, %get3A_837, %get3A_838] {strides = array<i32>} : memref<2x128x128xf32, #tpu.memory_space<vmem>>, vector<1x1x16xf32>,
      %get3A_840 = vector.shape_cast %get3A_839 : vector<1x1x16xf32> to vector<16xf32>
      %mul3A_841 = arith.mulf %mul3A_834, %get3A_840 : vector<16xf32>
      %swap3A_842 = arith.index_cast %scan3A_808 : i32 to index
      %swap3A_843 = arith.constant 16 : index
      %swap3A_844 = tpu.vector_load %arg12[%swap3A_842, %swap3A_843] {strides = array<i32>} : memref<128x64xf32, #tpu.memory_space<vmem>>, vector<1x16xf32>,
      %swap3A_845 = vector.shape_cast %swap3A_844 : vector<1x16xf32> to vector<16xf32>
      %swap3A_846 = vector.shape_cast %mul3A_841 : vector<16xf32> to vector<1x16xf32>
      tpu.vector_store %arg12[%swap3A_842, %swap3A_843], %swap3A_846 {strides = array<i32>} : memref<128x64xf32, #tpu.memory_space<vmem>>, vector<1x16xf32>,
      %get3A_847 = arith.constant 1 : i32
      %get3A_848 = arith.index_cast %get3A_847 : i32 to index
      %get3A_849 = arith.index_cast %scan3A_808 : i32 to index
      %get3A_850 = arith.constant 32 : index
      %get3A_851 = tpu.vector_load %arg10[%get3A_848, %get3A_849, %get3A_850] {strides = array<i32>} : memref<2x128x128xf32, #tpu.memory_space<vmem>>, vector<1x1x16xf32>,
      %get3A_852 = vector.shape_cast %get3A_851 : vector<1x1x16xf32> to vector<16xf32>
      %mul3A_853 = arith.mulf %get3A_30, %get3A_852 : vector<16xf32>
      %get3A_854 = arith.constant 1 : i32
      %get3A_855 = arith.index_cast %get3A_854 : i32 to index
      %get3A_856 = arith.index_cast %scan3A_808 : i32 to index
      %get3A_857 = arith.constant 32 : index
      %get3A_858 = tpu.vector_load %arg11[%get3A_855, %get3A_856, %get3A_857] {strides = array<i32>} : memref<2x128x128xf32, #tpu.memory_space<vmem>>, vector<1x1x16xf32>,
      %get3A_859 = vector.shape_cast %get3A_858 : vector<1x1x16xf32> to vector<16xf32>
      %mul3A_860 = arith.mulf %mul3A_853, %get3A_859 : vector<16xf32>
      %swap3A_861 = arith.index_cast %scan3A_808 : i32 to index
      %swap3A_862 = arith.constant 32 : index
      %swap3A_863 = tpu.vector_load %arg12[%swap3A_861, %swap3A_862] {strides = array<i32>} : memref<128x64xf32, #tpu.memory_space<vmem>>, vector<1x16xf32>,
      %swap3A_864 = vector.shape_cast %swap3A_863 : vector<1x16xf32> to vector<16xf32>
      %swap3A_865 = vector.shape_cast %mul3A_860 : vector<16xf32> to vector<1x16xf32>
      tpu.vector_store %arg12[%swap3A_861, %swap3A_862], %swap3A_865 {strides = array<i32>} : memref<128x64xf32, #tpu.memory_space<vmem>>, vector<1x16xf32>,
      %get3A_866 = arith.constant 1 : i32
      %get3A_867 = arith.index_cast %get3A_866 : i32 to index
      %get3A_868 = arith.index_cast %scan3A_808 : i32 to index
      %get3A_869 = arith.constant 48 : index
      %get3A_870 = tpu.vector_load %arg10[%get3A_867, %get3A_868, %get3A_869] {strides = array<i32>} : memref<2x128x128xf32, #tpu.memory_space<vmem>>, vector<1x1x16xf32>,
      %get3A_871 = vector.shape_cast %get3A_870 : vector<1x1x16xf32> to vector<16xf32>
      %mul3A_872 = arith.mulf %get3A_33, %get3A_871 : vector<16xf32>
      %get3A_873 = arith.constant 1 : i32
      %get3A_874 = arith.index_cast %get3A_873 : i32 to index
      %get3A_875 = arith.index_cast %scan3A_808 : i32 to index
      %get3A_876 = arith.constant 48 : index
      %get3A_877 = tpu.vector_load %arg11[%get3A_874, %get3A_875, %get3A_876] {strides = array<i32>} : memref<2x128x128xf32, #tpu.memory_space<vmem>>, vector<1x1x16xf32>,
      %get3A_878 = vector.shape_cast %get3A_877 : vector<1x1x16xf32> to vector<16xf32>
      %mul3A_879 = arith.mulf %mul3A_872, %get3A_878 : vector<16xf32>
      %swap3A_880 = arith.index_cast %scan3A_808 : i32 to index
      %swap3A_881 = arith.constant 48 : index
      %swap3A_882 = tpu.vector_load %arg12[%swap3A_880, %swap3A_881] {strides = array<i32>} : memref<128x64xf32, #tpu.memory_space<vmem>>, vector<1x16xf32>,
      %swap3A_883 = vector.shape_cast %swap3A_882 : vector<1x16xf32> to vector<16xf32>
      %swap3A_884 = vector.shape_cast %mul3A_879 : vector<16xf32> to vector<1x16xf32>
      tpu.vector_store %arg12[%swap3A_880, %swap3A_881], %swap3A_884 {strides = array<i32>} : memref<128x64xf32, #tpu.memory_space<vmem>>, vector<1x16xf32>,
    }
    %scan3A_572 = arith.constant 128 : i32
    %add3A_573 = arith.constant 896 : i32
    %add3A_574 = arith.addi %mul3A_2, %add3A_573 : i32
    "tpu.region"() ({
      %run_scoped3A = tpu.sem_alloc : memref<!tpu.dma_semaphore, #tpu.memory_space<semaphore_mem>>
      %dma_start3A_575 = arith.constant 0 : i32
      %dma_start3A_576 = tpu.memref_slice %arg6[%add3A_574, %dma_start3A_575] : memref<32768x64xf32, #tpu.memory_space<hbm>> -> memref<128x64xf32, #tpu.memory_space<hbm>>
      %dma_start3A_577 = arith.constant 0 : i32
      %dma_start3A_578 = tpu.memref_slice %arg6[%add3A_574, %dma_start3A_577] : memref<32768x64xf32, #tpu.memory_space<hbm>> -> memref<128x64xf32, #tpu.memory_space<hbm>>
      tpu.enqueue_dma source(%arg12 : memref<128x64xf32, #tpu.memory_space<vmem>>) target(%dma_start3A_578 : memref<128x64xf32, #tpu.memory_space<hbm>>) target_semaphore(%run_scoped3A : memref<!tpu.dma_semaphore, #tpu.memory_space<semaphore_mem>>)
      %dma_wait3A_579 = arith.constant 0 : i32
      %dma_wait3A_580 = tpu.memref_slice %arg6[%add3A_574, %dma_wait3A_579] : memref<32768x64xf32, #tpu.memory_space<hbm>> -> memref<128x64xf32, #tpu.memory_space<hbm>>
      %dma_wait3A_581 = arith.constant 0 : i32
      %dma_wait3A_582 = tpu.memref_slice %arg6[%add3A_574, %dma_wait3A_581] : memref<32768x64xf32, #tpu.memory_space<hbm>> -> memref<128x64xf32, #tpu.memory_space<hbm>>
      tpu.wait_dma2 semaphore(%run_scoped3A : memref<!tpu.dma_semaphore, #tpu.memory_space<semaphore_mem>>) src(%arg12 : memref<128x64xf32, #tpu.memory_space<vmem>>) dst(%dma_wait3A_582 : memref<128x64xf32, #tpu.memory_space<hbm>>)
      tpu.yield
    }) : () -> ()
    return
  }
}

module attributes {stable_mosaic.version = 14 : i64} {
  func.func @body(%arg0: i32, %arg1: memref<4096x64xf32, #tpu.memory_space<vmem>>, %arg2: memref<64x64xf32, #tpu.memory_space<vmem>>, %arg3: memref<64x1xf32, #tpu.memory_space<vmem>>, %arg4: memref<64x4096xf32, #tpu.memory_space<vmem>>) attributes {dimension_semantics = [#tpu.dimension_semantics<arbitrary>], iteration_bounds = array<i64: 8>, scalar_prefetch = 0 : i64, scratch_operands = 0 : i64, tpu.core_type = #tpu.core_type<tc>, window_params = [{transform_indices = @transform_0, window_bounds = array<i64: 4096, 64>}, {pipeline_mode = #tpu.pipeline_mode<synchronous>, transform_indices = @transform_1, window_bounds = array<i64: 64, 64>}, {pipeline_mode = #tpu.pipeline_mode<synchronous>, transform_indices = @transform_2, window_bounds = array<i64: 64, 1>}, {transform_indices = @transform_3, window_bounds = array<i64: 64, 4096>}]} {
    %get3A = arith.constant 0 : index
    %get3A_0 = arith.constant 0 : index
    %get3A_1 = vector.load %arg2[%get3A, %get3A_0] : memref<64x64xf32, #tpu.memory_space<vmem>>, vector<64x64xf32>
    %get3A_2 = arith.constant 0 : index
    %get3A_3 = arith.constant 0 : index
    %get3A_4 = vector.load %arg1[%get3A_2, %get3A_3] : memref<4096x64xf32, #tpu.memory_space<vmem>>, vector<4096x64xf32>
    %dot_general3A = arith.constant dense<0.000000e+00> : vector<64x4096xf32>
    %dot_general3A_5 = tpu.matmul %get3A_1, %get3A_4, %dot_general3A {dimension_numbers = #tpu.dot_dimension_numbers<[0], [1], [1], [0], [0, 1, 1, 0], [], []>, transpose_lhs_hint = false} : vector<64x64xf32>, vector<4096x64xf32>, vector<64x4096xf32> -> vector<64x4096xf32>
    %get3A_6 = arith.constant 0 : index
    %get3A_7 = arith.constant 0 : index
    %get3A_8 = vector.load %arg3[%get3A_6, %get3A_7] : memref<64x1xf32, #tpu.memory_space<vmem>>, vector<64x1xf32>
    %add3A = vector.broadcast %get3A_8 : vector<64x1xf32> to vector<64x4096xf32>
    %add3A_9 = arith.addf %dot_general3A_5, %add3A : vector<64x4096xf32>
    %swap3A = arith.constant 0 : index
    %swap3A_10 = arith.constant 0 : index
    %swap3A_11 = vector.load %arg4[%swap3A, %swap3A_10] : memref<64x4096xf32, #tpu.memory_space<vmem>>, vector<64x4096xf32>
    tpu.vector_store %arg4[%swap3A, %swap3A_10], %add3A_9 {strides = array<i32>} : memref<64x4096xf32, #tpu.memory_space<vmem>>, vector<64x4096xf32>,
    return
  }
  func.func @transform_0(%arg0: i32) -> (i32, i32) {
    %c0_i32 = arith.constant 0 : i32
    %c0_i32_0 = arith.constant 0 : i32
    return %arg0, %c0_i32 : i32, i32
  }
  func.func @transform_1(%arg0: i32) -> (i32, i32) {
    %c0_i32 = arith.constant 0 : i32
    %c0_i32_0 = arith.constant 0 : i32
    %c0_i32_1 = arith.constant 0 : i32
    return %c0_i32, %c0_i32_0 : i32, i32
  }
  func.func @transform_2(%arg0: i32) -> (i32, i32) {
    %c0_i32 = arith.constant 0 : i32
    %c0_i32_0 = arith.constant 0 : i32
    %c0_i32_1 = arith.constant 0 : i32
    return %c0_i32, %c0_i32_0 : i32, i32
  }
  func.func @transform_3(%arg0: i32) -> (i32, i32) {
    %c0_i32 = arith.constant 0 : i32
    %c0_i32_0 = arith.constant 0 : i32
    return %c0_i32, %arg0 : i32, i32
  }
}

</mosaic_0001>

<sc_bundles>
// kernel: kernel.4.cloned.1.call-start
scs
__scs_entry_jumppad:
0x0: {  	(pc) =	sbr.rel $0x88, $3  }
0x1: {  	(tag) =	ssettag $0x0;
	lr =	simm.s32 $0x1  }
0x2: {  	[smem:$0x3F9B] =	sst lr;
	_ =	strace $0xD0000000  }
0x3: {  	_ = 	snop  }
0x4: {  	_ = 	snop  }
0x5: {  	_ = 	snop  }
0x6: {  	_ = 	snop  }
0x7: {  	_ = 	snop  }
__scs_overlays_trampoline_lowered:
0x8: {  	[smem:$0x3FAA] =	sst s0  }
0x9: {  	[smem:$0x3FAB] =	sst s1  }
0xa: {  	[smem:$0x3FAC] =	sst s2  }
0xb: {  	[smem:$0x3FAD] =	sst s3  }
0xc: {  	[smem:$0x3FAE] =	sst s4  }
0xd: {  	[smem:$0x3FAF] =	sst s5  }
0xe: {  	[smem:$0x3FB0] =	sst s6  }
0xf: {  	[smem:$0x3FB1] =	sst s7  }
0x10: {  	[smem:$0x3FB2] =	sst s8  }
0x11: {  	[smem:$0x3FB3] =	sst s9;
	s0 =	simm.s32 @!p0 $0x0  }
0x12: {  	s1 =	sld [smem:$0x3F99];
	s0 =	simm.s32 @p0 $0x1  }
0x13: {  	[smem:$0x3FB4] =	sst s0;
	s0 =	simm.s32 @!p1 $0x0  }
0x14: {  	s2 =	sld [smem:$0x3F98];
	s0 =	simm.s32 @p1 $0x1  }
0x15: {  	[smem:$0x3FB5] =	sst s0;
	s0 =	simm.s32 @!p2 $0x0  }
0x16: {  	s3 =	sld [smem:$0x3FDB];
	s0 =	simm.s32 @p2 $0x1  }
0x17: {  	s4 =	simm.s32 $0x1BF5;
	[smem:$0x3FB7] =	sst s0  }
0x18: {  	s0 =	sld [smem:$0x3F9A];
	_ =	swait.ge [sflag:s4], $0x0  }
0x19: {  	s7 =	sld [smem:$0x3F9B]  }
0x1a: {  	s8 =	sadd.s32 $0xFFFFE003, lr  }
0x1b: {  	s9 =	sadd.s32 $0xFFFFFEF7, lr;
	s5 =	simm.s32 $0xFFFFFFFF;
	p2 =	slt.u32 s8, $0xFFFFF086  }
0x1c: {  	p1 =	slt.u32 s9, $0xF7A;
	s5 =	simm.s32 @!p2 $0x0  }
0x1d: {  	s5 =	simm.s32 @p1 $0x1;
	p0 =	seq.s32 s7, s2  }
0x1e: {  	s7 =	smul.u32 @!p0 $0xF7A, s2;
	p2 =	seq.s32 @!p0 s5, $0x0  }
0x1f: {  	s9 =	smul.u32 $0xF7A, s1;
	s8 =	simm.s32 @!p0 $0x1BF5;
	p2 =	por !p2, p0  }
0x20: {  	[sflag:s8] =	ssyncset.s32 @!p0 $0xFFFFF086;
	s6 =	sadd.s32 @!p0 s3, s7;
	s7 =	simm.s32 @!p0 $0x108  }
0x21: {  	s3 =	sadd.s32 s3, s9;
	s6 =	sadd.s32 @!p0 $0x88, s6;
	s7 =	simm.s32 @p2 $0x1082  }
0x22: {  	[simem:s7], [sflag:s8] =	dma.local @!p0 [hbm:s6], $0xF7A  }
0x23: {  	s9 =	sor.u32 $0xD0000000, s2;
	s6 =	simm.s32 $0x108;
	_ =	swait.ge @!p0 [sflag:s8], $0x0  }
0x24: {  	s3 =	sadd.s32 $0x88, s3;
	s6 =	simm.s32 @!p1 $0x1082;
	[sflag:s4] =	ssyncset.s32 $0xFFFFF086  }
0x25: {  	[simem:s6], [sflag:s4] =	dma.local [hbm:s3], $0xF7A  }
0x26: {  	[smem:$0x3F9B] =	sst s1;
	(tag) =	ssettag s2;
	_ =	strace s9  }
0x27: {  	s1 =	sld [smem:$0x3FAB]  }
0x28: {  	s2 =	sld [smem:$0x3FAC]  }
0x29: {  	s4 =	sld [smem:$0x3FAE]  }
0x2a: {  	p0 =	seq.s32 s5, $0x0;
	s5 =	sld [smem:$0x3FAF]  }
0x2b: {  	s6 =	sld [smem:$0x3FB0]  }
0x2c: {  	s7 =	sld [smem:$0x3FB1]  }
0x2d: {  	s3 =	simm.s32 $0x108;
	s8 =	sld [smem:$0x3FB2]  }
0x2e: {  	s3 =	simm.s32 @!p0 $0x1082;
	s9 =	sld [smem:$0x3FB3]  }
0x2f: {  	lr =	sadd.s32 s0, s3;
	s0 =	sld [smem:$0x3FAA]  }
0x30: {  	s3 =	sld [smem:$0x3FAD]  }
0x31: {  	[smem:$0x3FB6] =	sst s10  }
0x32: {  	s10 =	sld [smem:$0x3FB4];
	_ =	sdelay $0x3  }
0x33: {  	p0 =	seq.s32 s10, $0x1;
	s10 =	sld [smem:$0x3FB6];
	_ =	sdelay $0x3  }
0x34: {  	[smem:$0x3FB6] =	sst s10  }
0x35: {  	s10 =	sld [smem:$0x3FB5];
	_ =	sdelay $0x3  }
0x36: {  	p1 =	seq.s32 s10, $0x1;
	s10 =	sld [smem:$0x3FB6];
	_ =	sdelay $0x3  }
0x37: {  	[smem:$0x3FB6] =	sst s10  }
0x38: {  	s10 =	sld [smem:$0x3FB7]  }
0x39: {  	_ = 	snop;
	(pc) =	sbr.ind lr, $3  }
0x3a: {  	_ = 	snop  }
0x3b: {  	_ = 	snop  }
0x3c: {  	p2 =	seq.s32 s10, $0x1;
	s10 =	sld [smem:$0x3FB6]  }
0x3d: {  	_ =	shalt  }
0x3e: {  	_ =	shalt  }
0x3f: {  	_ =	shalt  }
0x40: {  	_ =	shalt  }
0x41: {  	_ =	shalt  }
0x42: {  	_ =	shalt  }
0x43: {  	_ =	shalt  }
0x44: {  	_ =	shalt  }
0x45: {  	_ =	shalt  }
0x46: {  	_ =	shalt  }
0x47: {  	_ =	shalt  }
0x48: {  	_ =	shalt  }
0x49: {  	_ =	shalt  }
0x4a: {  	_ =	shalt  }
0x4b: {  	_ =	shalt  }
0x4c: {  	_ =	shalt  }
0x4d: {  	_ =	shalt  }
0x4e: {  	_ =	shalt  }
0x4f: {  	_ =	shalt  }
0x50: {  	_ =	shalt  }
0x51: {  	_ =	shalt  }
0x52: {  	_ =	shalt  }
0x53: {  	_ =	shalt  }
0x54: {  	_ =	shalt  }
0x55: {  	_ =	shalt  }
0x56: {  	_ =	shalt  }
0x57: {  	_ =	shalt  }
0x58: {  	_ =	shalt  }
0x59: {  	_ =	shalt  }
0x5a: {  	_ =	shalt  }
0x5b: {  	_ =	shalt  }
0x5c: {  	_ =	shalt  }
0x5d: {  	_ =	shalt  }
0x5e: {  	_ =	shalt  }
0x5f: {  	_ =	shalt  }
0x60: {  	_ =	shalt  }
0x61: {  	_ =	shalt  }
0x62: {  	_ =	shalt  }
0x63: {  	_ =	shalt  }
0x64: {  	_ =	shalt  }
0x65: {  	_ =	shalt  }
0x66: {  	_ =	shalt  }
0x67: {  	_ =	shalt  }
0x68: {  	_ =	shalt  }
0x69: {  	_ =	shalt  }
0x6a: {  	_ =	shalt  }
0x6b: {  	_ =	shalt  }
0x6c: {  	_ =	shalt  }
0x6d: {  	_ =	shalt  }
0x6e: {  	_ =	shalt  }
0x6f: {  	_ =	shalt  }
0x70: {  	_ =	shalt  }
0x71: {  	_ =	shalt  }
0x72: {  	_ =	shalt  }
0x73: {  	_ =	shalt  }
0x74: {  	_ =	shalt  }
0x75: {  	_ =	shalt  }
0x76: {  	_ =	shalt  }
0x77: {  	_ =	shalt  }
0x78: {  	_ =	shalt  }
0x79: {  	_ =	shalt  }
0x7a: {  	_ =	shalt  }
0x7b: {  	_ =	shalt  }
0x7c: {  	_ =	shalt  }
0x7d: {  	_ =	shalt  }
0x7e: {  	_ =	shalt  }
0x7f: {  	_ =	shalt  }
0x80: {  	_ =	shalt  }
0x81: {  	_ =	shalt  }
0x82: {  	_ =	shalt  }
0x83: {  	_ =	shalt  }
0x84: {  	_ =	shalt  }
0x85: {  	_ =	shalt  }
0x86: {  	_ =	shalt  }
0x87: {  	_ =	shalt  }
.Lfunc_end0:
.L_simem_size_0:
called_computation_lowered:
.L_overlay_start_0:
0x88: {  	s2 =	sld [smem:$0x3FD9]  }
0x89: {  	s3 =	sld [smem:$0x3FFE];
	_ =	sdelay $0x1  }
0x8a: {  	s1 =	srdreg.scid  }
0x8b: {  	s0 =	sand.u32 $0x1, s1  }
0x8c: {  	s17 =	sshll.u32 s0, $0xA;
	s2 =	sadd.s32 s3, s2  }
0x8d: {  	s2 =	sadd.s32 s2, s17  }
0x8e: {  	[smem:$0x3FC2] =	sst s2  }
0x8f: {  	_ = 	snop  }
0x90: {  	s2 =	sld [smem:$0x3FD0];
	(tm) =	ssettm $0x1  }
0x91: {  	s18 =	sld [smem:$0x3FFB];
	_ =	sdelay $0x3  }
0x92: {  	_ =	strace s18  }
0x93: {  	s3 =	sld [smem:$0x3FFC];
	_ =	sdelay $0x3  }
0x94: {  	_ =	strace s3  }
0x95: {  	s3 =	sld [smem:$0x3FFD];
	_ =	sdelay $0x3  }
0x96: {  	_ =	strace s3  }
0x97: {  	_ =	strace $0x8FFFFFFF  }
0x98: {  	s19 =	sld [smem:$0x3FDB];
	_ =	sdelay $0x1  }
0x99: {  	s4 =	simm.s32 $_scs_section_size  }
0x9a: {  	s5 =	simm.s32 $_size__tile_overlayer_lowered;
	s6 =	simm.s32 $_tile_overlayer_lowered  }
0x9b: {  	s22 =	simm.s32 $0x1BFF;
	s21 =	sshll.u32 s6, $0x1;
	s3 =	sadd.s32 s4, s19  }
0x9c: {  	s7 =	simm.s32 $0x0;
	s20 =	sshll.u32 s5, $0x1;
	s5 =	sadd.s32 s21, s3  }
0x9d: {  	[timem:s7], [sflag:s22] =	dma.local [hbm:s5], s20  }
0x9e: {  	_ =	swait.ge [sflag:s22], s20  }
0x9f: {  	s4 =	ssub.s32 $0x0, s20;
	[sflag:s22] =	ssyncset.done $0x0  }
0xa0: {  	[sflag:s22] =	ssyncadd.s32 s4;
	_ =	sdelay $0x1  }
0xa1: {  	s23 =	simm.s32 $0x1B8B  }
0xa2: {  	_ =	swait.ge [sflag:s23], $0x1  }
0xa3: {  	[sflag:s23] =	ssyncset.done $0x0  }
0xa4: {  	s25 =	simm.s32 $0x1B8E;
	s24 =	sld [smem:$0x3FFE];
	[sflag:s23] =	ssyncadd.s32 $0xFFFFFFFF  }
0xa5: {  	s26 =	simm.s32 $execute0_lowered;
	[smem:$0x3FD2] =	sst s25  }
0xa6: {  	s5 =	sshll.u32 s26, $0x1;
	_ =	strace $0x80000046;
	[dreg:$0x1] =	wrdreg $0xFFFFFFFF  }
0xa7: {  	s28 =	simm.s32 $_size_execute0_lowered;
	s3 =	sadd.s32 s3, s5;
	[dreg:$0x0] =	wrdreg $0x0  }
0xa8: {  	s5 =	sshll.u32 s28, $0x1;
	[dreg:$0x2] =	wrdreg s3  }
0xa9: {  	[dreg:$0x3] =	wrdreg s5  }
0xaa: {  	[dreg:$0x4] =	wrdreg $0xC0  }
0xab: {  	_ =	task [dreg:s7], $0x5FFFF  }
0xac: {  	[dreg:$0x1] =	wrdreg $0xFFFFFFFF  }
0xad: {  	[dreg:$0x0] =	wrdreg $0x60  }
0xae: {  	[dreg:$0x2] =	wrdreg s24  }
0xaf: {  	[dreg:$0x3] =	wrdreg s2  }
0xb0: {  	[dreg:$0x4] =	wrdreg $0x9  }
0xb1: {  	_ =	task.clear_ibuf [dreg:s7], $0x5FFFF;
	_ =	strace $0x90000046  }
0xb2: {  	s29 =	simm.s32 $0x9;
	_ =	strace $0x80000048  }
0xb3: {  	_ =	swait.ge [sflag:s29], $0x1  }
0xb4: {  	[sflag:s29] =	ssyncadd.s32 $0xFFFFFFFF  }
0xb5: {  	_ =	strace $0x90000048  }
0xb6: {  	_ =	sfence  }
0xb7: {  	s30 =	sld [smem:$0x0];
	_ =	sdelay $0x2  }
0xb8: {  	s31 =	sshll.u32 s1, $0xD;
	s1 =	sshrl.u32 s1, $0x2  }
0xb9: {  	s3 =	sand.u32 $0x4000, s31;
	s1 =	sadd.s32 s1, s30  }
0xba: {  	s0 =	sor.u32 s3, s0;
	s1 =	sshll.u32 s1, $0x11  }
0xbb: {  	s0 =	sor.u32 s1, s0  }
0xbc: {  	s0 =	sadd.s32 $0x8F2B, s0  }
0xbd: {  	[sflag:s0] =	ssyncadd.remote.s32 $0x1  }
0xbe: {  	_ =	sfence.sel $0xFFFF  }
0xbf: {  	[dreg:$0x0] =	wrdreg $0xFFFFFFFF;
	(pc) =	sbr.abs _section_cstart, $3  }
0xc0: {  	[dreg:$0x1] =	wrdreg $0xFFFFFFFF  }
0xc1: {  	_ =	task.clear_ibuf [dreg:s7], $0x2FFFF;
	_ =	strace $0x9FFFFFFF  }
0xc2: {  	(tm) =	ssettm $0x7FFFFFFF  }
0xc3: {  	_ =	shalt  }
tec
execute0_lowered:
.L_overlay_start_1:
0x0: {  	(tag) =	ssettag $0x1  }
0x1: {  	s0 =	rddreg [dreg:$0x0]  }
0x2: {  	s1 =	rddreg [dreg:$0x1];
	s2 =	simm.s32 $0x0;
	s6 =	stileid.u32  }
0x3: {  	s3 =	srdreg.scid;
	s16 =	simm.s32 $0x3;
	s17 =	simm.s32 $0x400  }
0x4: {  	s19 =	simm.s32 $0x80;
	s20 =	simm.s32 $0x840;
	s21 =	simm.s32 $0x8840  }
0x5: {  	s22 =	simm.s32 $0x1;
	s23 =	simm.s32 $0x2;
	s24 =	simm.s32 $0x4840  }
0x6: {  	s26 =	simm.s32 $0xC840;
	s28 =	simm.s32 $0x10840;
	s18 =	simm.s32 $0x0  }
0x7: {  	[smem:$0x7FF] =	sst s2;
	s4 =	sand.u32 $0x1, s3;
	s5 =	sshll.u32 s6, $0x1  }
0x8: {  	s3 =	sadd.s32 $0xF45800, s0;
	s6 =	sand.u32 $0x8, s6;
	_ =	strace $0x80000047  }
0x9: {  	s5 =	sor.u32 s4, s5;
	s4 =	ssub.s32 $0x2, s4;
	s6 =	sadd.s32 s6, s0  }
0xa: {  	s7 =	sshll.u32 s5, $0x7;
	s30 =	sshrl.u32 s4, $0x1;
	s31 =	sshll.u32 s5, $0xD  }
0xb: {  	s6 =	sadd.s32 $0xF43E00, s6;
	s0 =	sadd.s32 s7, s0;
	s15 =	ssub.s32 s4, s30  }
0xc: {  	s7 =	sadd.s32 s1, s31;
	s1 =	simm.s32 $0x780;
	s4 =	sadd.s32 $0xF44000, s0  }
0xd: {  	s5 =	sadd.s32 $0x1A00, s0;
	s8 =	sadd.s32 $0x400, s7;
	s9 =	sadd.s32 $0x800, s7  }
0xe: {  	s10 =	sadd.s32 $0xC00, s7;
	s11 =	sadd.s32 $0x1000, s7;
	s12 =	sadd.s32 $0x1400, s7  }
0xf: {  	s13 =	sadd.s32 $0x1800, s7;
	s14 =	sadd.s32 $0x1C00, s7;
	s15 =	smax.u32 s15, $0x1  }
.LBB2_1:
0x10: {  	[tilespmem:s2], [sflag:$0x3] =	stream.linear.gather [hbm4b:s4+s2], $0x400, $0x38;
	[tilespmem:$0x12840] =	vst v63  }
0x11: {  	_ =	swait.ge [sflag:s16], $0x400  }
0x12: {  	[sflag:s16] =	ssyncset.done $0x0  }
0x13: {  	[sflag:s16] =	ssyncadd.s32 $0xFFFFFC00  }
0x14: {  	[tilespmem:s17], [sflag:$0x3] =	stream.linear.gather [hbm4b:s5+s2], $0x400, $0x38;
	[tilespmem:$0x12840] =	vst v63  }
0x15: {  	_ =	swait.ge [sflag:s16], $0x400  }
0x16: {  	[sflag:s16] =	ssyncset.done $0x0  }
0x17: {  	s0 =	simm.s32 $0x800;
	[sflag:s16] =	ssyncadd.s32 $0xFFFFFC00  }
0x18: {  	[tilespmem:s0], [sflag:$0x3] =	stream.linear.gather [hbm4b:s6+s2], $0x40, $0x38;
	[tilespmem:$0x12840] =	vst v63  }
0x19: {  	_ =	swait.ge [sflag:s16], $0x40  }
0x1a: {  	[sflag:s16] =	ssyncset.done $0x0  }
0x1b: {  	[sflag:s16] =	ssyncadd.s32 $0xFFFFFFC0  }
0x1c: {  	v3 =	vld [tilespmem:$0x800]  }
0x1d: {  	v2 =	vld [tilespmem:$0x810]  }
0x1e: {  	v1 =	vld [tilespmem:$0x820]  }
0x1f: {  	v0 =	vld [tilespmem:$0x830];
	[tilespmem:s20], [sflag:$0x1] =	stream.indirect.gather [hbm4b:s3+s19], $0x80, s2, s19, $0xb8  }
0x20: {  	_ = 	snop  }
0x21: {  	[tilespmem:s21], [sflag:$0x2] =	stream.indirect.gather [hbm4b:s3+s19], $0x80, s17, s19, $0xb8;
	[tilespmem:$0x12840] =	vst v63  }
0x22: {  	_ =	swait.ge [sflag:s22], $0x4000  }
0x23: {  	[sflag:s22] =	ssyncset.done $0x0  }
0x24: {  	[sflag:s22] =	ssyncadd.s32 $0xFFFFC000  }
0x25: {  	_ =	swait.ge [sflag:s23], $0x4000  }
0x26: {  	[sflag:s23] =	ssyncset.done $0x0  }
0x27: {  	[sflag:s23] =	ssyncadd.s32 $0xFFFFC000  }
0x28: {  	[tilespmem:s24], [sflag:$0x1] =	stream.indirect.gather [hbm4b:s3+s19], $0x80, s19, s19, $0xb8;
	[tilespmem:$0x12840] =	vst v63  }
0x29: {  	s25 =	simm.s32 $0x480  }
0x2a: {  	[tilespmem:s26], [sflag:$0x2] =	stream.indirect.gather [hbm4b:s3+s19], $0x80, s25, s19, $0xb8;
	[tilespmem:$0x12840] =	vst v63  }
0x2b: {  	s25 =	simm.s32 $0x940  }
0x2c: {  	v4 =	vld [tilespmem:s25+$0xFFFFFF00]  }
0x2d: {  	s29 =	simm.s32 $0x8940  }
0x2e: {  	v5 =	vld [tilespmem:s29+$0xFFFFFF00];
	_ =	sdelay $0x2  }
0x2f: {  	v4 =	vmul.f32 v4, v3;
	_ =	sdelay $0x1  }
0x30: {  	v4 =	vmul.f32 v5, v4  }
0x31: {  	s30 =	simm.s32 $0x108C0  }
0x32: {  	[tilespmem:s30+$0xFFFFFF80] =	vst v4  }
0x33: {  	v4 =	vld [tilespmem:s25+$0xFFFFFF10];
	_ =	sdelay $0x1  }
0x34: {  	v5 =	vld [tilespmem:s29+$0xFFFFFF10];
	_ =	sdelay $0x2  }
0x35: {  	v4 =	vmul.f32 v4, v2;
	_ =	sdelay $0x1  }
0x36: {  	v4 =	vmul.f32 v5, v4;
	_ =	sdelay $0x1  }
0x37: {  	[tilespmem:s30+$0xFFFFFF90] =	vst v4  }
0x38: {  	v4 =	vld [tilespmem:s25+$0xFFFFFF20];
	_ =	sdelay $0x1  }
0x39: {  	v5 =	vld [tilespmem:s29+$0xFFFFFF20];
	_ =	sdelay $0x2  }
0x3a: {  	v4 =	vmul.f32 v4, v1;
	_ =	sdelay $0x1  }
0x3b: {  	v4 =	vmul.f32 v5, v4;
	_ =	sdelay $0x1  }
0x3c: {  	[tilespmem:s30+$0xFFFFFFA0] =	vst v4  }
0x3d: {  	v4 =	vld [tilespmem:s25+$0xFFFFFF30];
	_ =	sdelay $0x1  }
0x3e: {  	v5 =	vld [tilespmem:s29+$0xFFFFFF30];
	_ =	sdelay $0x2  }
0x3f: {  	v4 =	vmul.f32 v4, v0;
	_ =	sdelay $0x1  }
0x40: {  	v4 =	vmul.f32 v5, v4;
	_ =	sdelay $0x1  }
0x41: {  	[tilespmem:s30+$0xFFFFFFB0] =	vst v4  }
0x42: {  	v4 =	vld [tilespmem:s25+$0xFFFFFF80];
	_ =	sdelay $0x1  }
0x43: {  	v5 =	vld [tilespmem:s29+$0xFFFFFF80];
	_ =	sdelay $0x2  }
0x44: {  	v4 =	vmul.f32 v4, v3;
	_ =	sdelay $0x1  }
0x45: {  	v4 =	vmul.f32 v5, v4;
	_ =	sdelay $0x1  }
0x46: {  	[tilespmem:s30+$0xFFFFFFC0] =	vst v4  }
0x47: {  	v4 =	vld [tilespmem:s25+$0xFFFFFF90];
	_ =	sdelay $0x1  }
0x48: {  	v5 =	vld [tilespmem:s29+$0xFFFFFF90];
	_ =	sdelay $0x2  }
0x49: {  	v4 =	vmul.f32 v4, v2;
	_ =	sdelay $0x1  }
0x4a: {  	v4 =	vmul.f32 v5, v4;
	_ =	sdelay $0x1  }
0x4b: {  	[tilespmem:s30+$0xFFFFFFD0] =	vst v4  }
0x4c: {  	v4 =	vld [tilespmem:s25+$0xFFFFFFA0];
	_ =	sdelay $0x1  }
0x4d: {  	v5 =	vld [tilespmem:s29+$0xFFFFFFA0];
	_ =	sdelay $0x2  }
0x4e: {  	v4 =	vmul.f32 v4, v1;
	_ =	sdelay $0x1  }
0x4f: {  	v4 =	vmul.f32 v5, v4;
	_ =	sdelay $0x1  }
0x50: {  	[tilespmem:s30+$0xFFFFFFE0] =	vst v4  }
0x51: {  	v4 =	vld [tilespmem:s25+$0xFFFFFFB0];
	_ =	sdelay $0x1  }
0x52: {  	v5 =	vld [tilespmem:s29+$0xFFFFFFB0];
	_ =	sdelay $0x2  }
0x53: {  	v4 =	vmul.f32 v4, v0;
	_ =	sdelay $0x1  }
0x54: {  	v4 =	vmul.f32 v5, v4;
	_ =	sdelay $0x1  }
0x55: {  	[tilespmem:s30+$0xFFFFFFF0] =	vst v4  }
0x56: {  	v4 =	vld [tilespmem:s25+$0x0];
	_ =	sdelay $0x1  }
0x57: {  	v5 =	vld [tilespmem:s29+$0x0];
	_ =	sdelay $0x2  }
0x58: {  	v4 =	vmul.f32 v4, v3;
	_ =	sdelay $0x1  }
0x59: {  	v4 =	vmul.f32 v5, v4;
	_ =	sdelay $0x1  }
0x5a: {  	[tilespmem:s30+$0x0] =	vst v4  }
0x5b: {  	v4 =	vld [tilespmem:s25+$0x10];
	_ =	sdelay $0x1  }
0x5c: {  	v5 =	vld [tilespmem:s29+$0x10];
	_ =	sdelay $0x2  }
0x5d: {  	v4 =	vmul.f32 v4, v2;
	_ =	sdelay $0x1  }
0x5e: {  	v4 =	vmul.f32 v5, v4;
	_ =	sdelay $0x1  }
0x5f: {  	[tilespmem:s30+$0x10] =	vst v4  }
0x60: {  	v4 =	vld [tilespmem:s25+$0x20];
	_ =	sdelay $0x1  }
0x61: {  	v5 =	vld [tilespmem:s29+$0x20];
	_ =	sdelay $0x2  }
0x62: {  	v4 =	vmul.f32 v4, v1;
	_ =	sdelay $0x1  }
0x63: {  	v4 =	vmul.f32 v5, v4;
	_ =	sdelay $0x1  }
0x64: {  	[tilespmem:s30+$0x20] =	vst v4  }
0x65: {  	v4 =	vld [tilespmem:s25+$0x30];
	_ =	sdelay $0x1  }
0x66: {  	v5 =	vld [tilespmem:s29+$0x30];
	_ =	sdelay $0x2  }
0x67: {  	v4 =	vmul.f32 v4, v0;
	_ =	sdelay $0x1  }
0x68: {  	v4 =	vmul.f32 v5, v4;
	_ =	sdelay $0x1  }
0x69: {  	[tilespmem:s30+$0x30] =	vst v4  }
0x6a: {  	v4 =	vld [tilespmem:s25+$0x80];
	_ =	sdelay $0x1  }
0x6b: {  	v5 =	vld [tilespmem:s29+$0x80];
	_ =	sdelay $0x2  }
0x6c: {  	v4 =	vmul.f32 v4, v3;
	_ =	sdelay $0x1  }
0x6d: {  	v4 =	vmul.f32 v5, v4;
	_ =	sdelay $0x1  }
0x6e: {  	[tilespmem:s30+$0x40] =	vst v4  }
0x6f: {  	v4 =	vld [tilespmem:s25+$0x90];
	_ =	sdelay $0x1  }
0x70: {  	v5 =	vld [tilespmem:s29+$0x90];
	_ =	sdelay $0x2  }
0x71: {  	v4 =	vmul.f32 v4, v2;
	_ =	sdelay $0x1  }
0x72: {  	v4 =	vmul.f32 v5, v4;
	_ =	sdelay $0x1  }
0x73: {  	[tilespmem:s30+$0x50] =	vst v4  }
0x74: {  	v4 =	vld [tilespmem:s25+$0xA0];
	_ =	sdelay $0x1  }
0x75: {  	v5 =	vld [tilespmem:s29+$0xA0];
	_ =	sdelay $0x2  }
0x76: {  	v4 =	vmul.f32 v4, v1;
	_ =	sdelay $0x1  }
0x77: {  	v4 =	vmul.f32 v5, v4;
	_ =	sdelay $0x1  }
0x78: {  	[tilespmem:s30+$0x60] =	vst v4  }
0x79: {  	v4 =	vld [tilespmem:s25+$0xB0];
	_ =	sdelay $0x1  }
0x7a: {  	v5 =	vld [tilespmem:s29+$0xB0];
	_ =	sdelay $0x2  }
0x7b: {  	v4 =	vmul.f32 v4, v0;
	_ =	sdelay $0x1  }
0x7c: {  	v4 =	vmul.f32 v5, v4  }
0x7d: {  	s31 =	simm.s32 $0x0;
	s0 =	simm.s32 $0x109C0  }
.LBB2_2:
0x7e: {  	s31 =	sadd.s32 $0x4, s31;
	[tilespmem:s30+$0x70] =	vst v4;
	s29 =	sadd.s32 $0x200, s29;
	s25 =	sadd.s32 $0x200, s25  }
0x7f: {  	s30 =	smov.u32 s0;
	v4 =	vld [tilespmem:s25+$0xFFFFFF00];
	p0 =	slt.u32 s31, $0x7C;
	_ =	sdelay $0x1  }
0x80: {  	v5 =	vld [tilespmem:s29+$0xFFFFFF00];
	_ =	sdelay $0x2  }
0x81: {  	v4 =	vmul.f32 v4, v3;
	_ =	sdelay $0x1  }
0x82: {  	v4 =	vmul.f32 v5, v4;
	_ =	sdelay $0x1  }
0x83: {  	[tilespmem:s0+$0xFFFFFF80] =	vst v4  }
0x84: {  	v4 =	vld [tilespmem:s25+$0xFFFFFF10];
	_ =	sdelay $0x1  }
0x85: {  	v5 =	vld [tilespmem:s29+$0xFFFFFF10];
	_ =	sdelay $0x2  }
0x86: {  	v4 =	vmul.f32 v4, v2;
	_ =	sdelay $0x1  }
0x87: {  	v4 =	vmul.f32 v5, v4;
	_ =	sdelay $0x1  }
0x88: {  	[tilespmem:s0+$0xFFFFFF90] =	vst v4  }
0x89: {  	v4 =	vld [tilespmem:s25+$0xFFFFFF20];
	_ =	sdelay $0x1  }
0x8a: {  	v5 =	vld [tilespmem:s29+$0xFFFFFF20];
	_ =	sdelay $0x2  }
0x8b: {  	v4 =	vmul.f32 v4, v1;
	_ =	sdelay $0x1  }
0x8c: {  	v4 =	vmul.f32 v5, v4;
	_ =	sdelay $0x1  }
0x8d: {  	[tilespmem:s0+$0xFFFFFFA0] =	vst v4  }
0x8e: {  	v4 =	vld [tilespmem:s25+$0xFFFFFF30];
	_ =	sdelay $0x1  }
0x8f: {  	v5 =	vld [tilespmem:s29+$0xFFFFFF30];
	_ =	sdelay $0x2  }
0x90: {  	v4 =	vmul.f32 v4, v0;
	_ =	sdelay $0x1  }
0x91: {  	v4 =	vmul.f32 v5, v4;
	_ =	sdelay $0x1  }
0x92: {  	[tilespmem:s0+$0xFFFFFFB0] =	vst v4  }
0x93: {  	v4 =	vld [tilespmem:s25+$0xFFFFFF80];
	_ =	sdelay $0x1  }
0x94: {  	v5 =	vld [tilespmem:s29+$0xFFFFFF80];
	_ =	sdelay $0x2  }
0x95: {  	v4 =	vmul.f32 v4, v3;
	_ =	sdelay $0x1  }
0x96: {  	v4 =	vmul.f32 v5, v4;
	_ =	sdelay $0x1  }
0x97: {  	[tilespmem:s0+$0xFFFFFFC0] =	vst v4  }
0x98: {  	v4 =	vld [tilespmem:s25+$0xFFFFFF90];
	_ =	sdelay $0x1  }
0x99: {  	v5 =	vld [tilespmem:s29+$0xFFFFFF90];
	_ =	sdelay $0x2  }
0x9a: {  	v4 =	vmul.f32 v4, v2;
	_ =	sdelay $0x1  }
0x9b: {  	v4 =	vmul.f32 v5, v4;
	_ =	sdelay $0x1  }
0x9c: {  	[tilespmem:s0+$0xFFFFFFD0] =	vst v4  }
0x9d: {  	v4 =	vld [tilespmem:s25+$0xFFFFFFA0];
	_ =	sdelay $0x1  }
0x9e: {  	v5 =	vld [tilespmem:s29+$0xFFFFFFA0];
	_ =	sdelay $0x2  }
0x9f: {  	v4 =	vmul.f32 v4, v1;
	_ =	sdelay $0x1  }
0xa0: {  	v4 =	vmul.f32 v5, v4;
	_ =	sdelay $0x1  }
0xa1: {  	[tilespmem:s0+$0xFFFFFFE0] =	vst v4  }
0xa2: {  	v4 =	vld [tilespmem:s25+$0xFFFFFFB0];
	_ =	sdelay $0x1  }
0xa3: {  	v5 =	vld [tilespmem:s29+$0xFFFFFFB0];
	_ =	sdelay $0x2  }
0xa4: {  	v4 =	vmul.f32 v4, v0;
	_ =	sdelay $0x1  }
0xa5: {  	v4 =	vmul.f32 v5, v4;
	_ =	sdelay $0x1  }
0xa6: {  	[tilespmem:s0+$0xFFFFFFF0] =	vst v4  }
0xa7: {  	v4 =	vld [tilespmem:s25+$0x0];
	_ =	sdelay $0x1  }
0xa8: {  	v5 =	vld [tilespmem:s29+$0x0];
	_ =	sdelay $0x2  }
0xa9: {  	v4 =	vmul.f32 v4, v3;
	_ =	sdelay $0x1  }
0xaa: {  	v4 =	vmul.f32 v5, v4;
	_ =	sdelay $0x1  }
0xab: {  	[tilespmem:s0+$0x0] =	vst v4  }
0xac: {  	v4 =	vld [tilespmem:s25+$0x10]  }
0xad: {  	v5 =	vld [tilespmem:s29+$0x10];
	_ =	sdelay $0x3  }
0xae: {  	v4 =	vmul.f32 v4, v2;
	_ =	sdelay $0x1  }
0xaf: {  	v4 =	vmul.f32 v5, v4;
	_ =	sdelay $0x1  }
0xb0: {  	[tilespmem:s0+$0x10] =	vst v4  }
0xb1: {  	v4 =	vld [tilespmem:s25+$0x20]  }
0xb2: {  	v5 =	vld [tilespmem:s29+$0x20];
	_ =	sdelay $0x3  }
0xb3: {  	v4 =	vmul.f32 v4, v1;
	_ =	sdelay $0x1  }
0xb4: {  	v4 =	vmul.f32 v5, v4;
	_ =	sdelay $0x1  }
0xb5: {  	[tilespmem:s0+$0x20] =	vst v4  }
0xb6: {  	v4 =	vld [tilespmem:s25+$0x30]  }
0xb7: {  	v5 =	vld [tilespmem:s29+$0x30];
	_ =	sdelay $0x3  }
0xb8: {  	v4 =	vmul.f32 v4, v0;
	_ =	sdelay $0x1  }
0xb9: {  	v4 =	vmul.f32 v5, v4;
	_ =	sdelay $0x1  }
0xba: {  	[tilespmem:s0+$0x30] =	vst v4  }
0xbb: {  	v4 =	vld [tilespmem:s25+$0x80]  }
0xbc: {  	v5 =	vld [tilespmem:s29+$0x80];
	_ =	sdelay $0x3  }
0xbd: {  	v4 =	vmul.f32 v4, v3;
	_ =	sdelay $0x1  }
0xbe: {  	v4 =	vmul.f32 v5, v4;
	_ =	sdelay $0x1  }
0xbf: {  	[tilespmem:s0+$0x40] =	vst v4  }
0xc0: {  	v4 =	vld [tilespmem:s25+$0x90]  }
0xc1: {  	v5 =	vld [tilespmem:s29+$0x90];
	_ =	sdelay $0x3  }
0xc2: {  	v4 =	vmul.f32 v4, v2;
	_ =	sdelay $0x1  }
0xc3: {  	v4 =	vmul.f32 v5, v4;
	_ =	sdelay $0x1  }
0xc4: {  	[tilespmem:s0+$0x50] =	vst v4  }
0xc5: {  	v4 =	vld [tilespmem:s25+$0xA0]  }
0xc6: {  	v5 =	vld [tilespmem:s29+$0xA0];
	_ =	sdelay $0x3  }
0xc7: {  	v4 =	vmul.f32 v4, v1;
	_ =	sdelay $0x1  }
0xc8: {  	v4 =	vmul.f32 v5, v4;
	_ =	sdelay $0x1  }
0xc9: {  	[tilespmem:s0+$0x60] =	vst v4  }
0xca: {  	v4 =	vld [tilespmem:s25+$0xB0]  }
0xcb: {  	v5 =	vld [tilespmem:s29+$0xB0];
	_ =	sdelay $0x2  }
.Ltmp0:
0xcc: {  	(pc) =	sbr.rel @p0 .LBB2_2-.Ltmp0, $3  }
0xcd: {  	v4 =	vmul.f32 v4, v0;
	_ =	sdelay $0x1  }
0xce: {  	v4 =	vmul.f32 v5, v4  }
0xcf: {  	s0 =	sadd.s32 $0x100, s0  }
0xd0: {  	[tilespmem:s30+$0x70] =	vst v4;
	s0 =	simm.s32 $0x0  }
0xd1: {  	[hbm4b:s7+s0] =	stream.linear.scatter [tilespmem:s28], [sflag:$0x3], $0x2000, $0x38;
	[tilespmem:$0x12840] =	vst v63  }
0xd2: {  	_ =	swait.ge [sflag:s16], $0x2000  }
0xd3: {  	[sflag:s16] =	ssyncset.done $0x0  }
0xd4: {  	[sflag:s16] =	ssyncadd.s32 $0xFFFFE000  }
0xd5: {  	_ =	swait.ge [sflag:s22], $0x4000  }
0xd6: {  	[sflag:s22] =	ssyncset.done $0x0  }
0xd7: {  	[sflag:s22] =	ssyncadd.s32 $0xFFFFC000  }
0xd8: {  	_ =	swait.ge [sflag:s23], $0x4000  }
0xd9: {  	[sflag:s23] =	ssyncset.done $0x0  }
0xda: {  	s31 =	simm.s32 $0x100;
	[sflag:s23] =	ssyncadd.s32 $0xFFFFC000  }
0xdb: {  	[tilespmem:s20], [sflag:$0x1] =	stream.indirect.gather [hbm4b:s3+s19], $0x80, s31, s19, $0xb8;
	[tilespmem:$0x12840] =	vst v63  }
0xdc: {  	s25 =	simm.s32 $0x500;
	s31 =	simm.s32 $0x0  }
0xdd: {  	[tilespmem:s21], [sflag:$0x2] =	stream.indirect.gather [hbm4b:s3+s19], $0x80, s25, s19, $0xb8;
	[tilespmem:$0x12840] =	vst v63  }
0xde: {  	v4 =	vld [tilespmem:s31+$0x4840];
	_ =	sdelay $0x1  }
0xdf: {  	v5 =	vld [tilespmem:s31+$0xC840];
	_ =	sdelay $0x2  }
0xe0: {  	v4 =	vmul.f32 v4, v3;
	_ =	sdelay $0x1  }
0xe1: {  	v4 =	vmul.f32 v5, v4  }
0xe2: {  	s25 =	simm.s32 $0x108C0  }
0xe3: {  	[tilespmem:s25+$0xFFFFFF80] =	vst v4  }
0xe4: {  	v4 =	vld [tilespmem:s31+$0x4850];
	_ =	sdelay $0x1  }
0xe5: {  	v5 =	vld [tilespmem:s31+$0xC850];
	_ =	sdelay $0x2  }
0xe6: {  	v4 =	vmul.f32 v4, v2;
	_ =	sdelay $0x1  }
0xe7: {  	v4 =	vmul.f32 v5, v4;
	_ =	sdelay $0x1  }
0xe8: {  	[tilespmem:s25+$0xFFFFFF90] =	vst v4  }
0xe9: {  	v4 =	vld [tilespmem:s31+$0x4860];
	_ =	sdelay $0x1  }
0xea: {  	v5 =	vld [tilespmem:s31+$0xC860];
	_ =	sdelay $0x2  }
0xeb: {  	v4 =	vmul.f32 v4, v1;
	_ =	sdelay $0x1  }
0xec: {  	v4 =	vmul.f32 v5, v4;
	_ =	sdelay $0x1  }
0xed: {  	[tilespmem:s25+$0xFFFFFFA0] =	vst v4  }
0xee: {  	v4 =	vld [tilespmem:s31+$0x4870];
	_ =	sdelay $0x1  }
0xef: {  	v5 =	vld [tilespmem:s31+$0xC870];
	_ =	sdelay $0x2  }
0xf0: {  	v4 =	vmul.f32 v4, v0;
	_ =	sdelay $0x1  }
0xf1: {  	v4 =	vmul.f32 v5, v4;
	_ =	sdelay $0x1  }
0xf2: {  	[tilespmem:s25+$0xFFFFFFB0] =	vst v4  }
0xf3: {  	v4 =	vld [tilespmem:s31+$0x48C0];
	_ =	sdelay $0x1  }
0xf4: {  	v5 =	vld [tilespmem:s31+$0xC8C0];
	_ =	sdelay $0x2  }
0xf5: {  	v4 =	vmul.f32 v4, v3;
	_ =	sdelay $0x1  }
0xf6: {  	v4 =	vmul.f32 v5, v4;
	_ =	sdelay $0x1  }
0xf7: {  	[tilespmem:s25+$0xFFFFFFC0] =	vst v4  }
0xf8: {  	v4 =	vld [tilespmem:s31+$0x48D0];
	_ =	sdelay $0x1  }
0xf9: {  	v5 =	vld [tilespmem:s31+$0xC8D0];
	_ =	sdelay $0x2  }
0xfa: {  	v4 =	vmul.f32 v4, v2;
	_ =	sdelay $0x1  }
0xfb: {  	v4 =	vmul.f32 v5, v4;
	_ =	sdelay $0x1  }
0xfc: {  	[tilespmem:s25+$0xFFFFFFD0] =	vst v4  }
0xfd: {  	v4 =	vld [tilespmem:s31+$0x48E0];
	_ =	sdelay $0x1  }
0xfe: {  	v5 =	vld [tilespmem:s31+$0xC8E0];
	_ =	sdelay $0x2  }
0xff: {  	v4 =	vmul.f32 v4, v1;
	_ =	sdelay $0x1  }
0x100: {  	v4 =	vmul.f32 v5, v4;
	_ =	sdelay $0x1  }
0x101: {  	[tilespmem:s25+$0xFFFFFFE0] =	vst v4  }
0x102: {  	v4 =	vld [tilespmem:s31+$0x48F0];
	_ =	sdelay $0x1  }
0x103: {  	v5 =	vld [tilespmem:s31+$0xC8F0];
	_ =	sdelay $0x2  }
0x104: {  	v4 =	vmul.f32 v4, v0;
	_ =	sdelay $0x1  }
0x105: {  	v4 =	vmul.f32 v5, v4;
	_ =	sdelay $0x1  }
0x106: {  	[tilespmem:s25+$0xFFFFFFF0] =	vst v4  }
0x107: {  	v4 =	vld [tilespmem:s31+$0x4940];
	_ =	sdelay $0x1  }
0x108: {  	v5 =	vld [tilespmem:s31+$0xC940];
	_ =	sdelay $0x2  }
0x109: {  	v4 =	vmul.f32 v4, v3;
	_ =	sdelay $0x1  }
0x10a: {  	v4 =	vmul.f32 v5, v4;
	_ =	sdelay $0x1  }
0x10b: {  	[tilespmem:s25+$0x0] =	vst v4  }
0x10c: {  	v4 =	vld [tilespmem:s31+$0x4950];
	_ =	sdelay $0x1  }
0x10d: {  	v5 =	vld [tilespmem:s31+$0xC950];
	_ =	sdelay $0x2  }
0x10e: {  	v4 =	vmul.f32 v4, v2;
	_ =	sdelay $0x1  }
0x10f: {  	v4 =	vmul.f32 v5, v4;
	_ =	sdelay $0x1  }
0x110: {  	[tilespmem:s25+$0x10] =	vst v4  }
0x111: {  	v4 =	vld [tilespmem:s31+$0x4960];
	_ =	sdelay $0x1  }
0x112: {  	v5 =	vld [tilespmem:s31+$0xC960];
	_ =	sdelay $0x2  }
0x113: {  	v4 =	vmul.f32 v4, v1;
	_ =	sdelay $0x1  }
0x114: {  	v4 =	vmul.f32 v5, v4;
	_ =	sdelay $0x1  }
0x115: {  	[tilespmem:s25+$0x20] =	vst v4  }
0x116: {  	v4 =	vld [tilespmem:s31+$0x4970];
	_ =	sdelay $0x1  }
0x117: {  	v5 =	vld [tilespmem:s31+$0xC970];
	_ =	sdelay $0x2  }
0x118: {  	v4 =	vmul.f32 v4, v0;
	_ =	sdelay $0x1  }
0x119: {  	v4 =	vmul.f32 v5, v4;
	_ =	sdelay $0x1  }
0x11a: {  	[tilespmem:s25+$0x30] =	vst v4  }
0x11b: {  	v4 =	vld [tilespmem:s31+$0x49C0];
	_ =	sdelay $0x1  }
0x11c: {  	v5 =	vld [tilespmem:s31+$0xC9C0];
	_ =	sdelay $0x2  }
0x11d: {  	v4 =	vmul.f32 v4, v3;
	_ =	sdelay $0x1  }
0x11e: {  	v4 =	vmul.f32 v5, v4;
	_ =	sdelay $0x1  }
0x11f: {  	[tilespmem:s25+$0x40] =	vst v4  }
0x120: {  	v4 =	vld [tilespmem:s31+$0x49D0];
	_ =	sdelay $0x1  }
0x121: {  	v5 =	vld [tilespmem:s31+$0xC9D0];
	_ =	sdelay $0x2  }
0x122: {  	v4 =	vmul.f32 v4, v2;
	_ =	sdelay $0x1  }
0x123: {  	v4 =	vmul.f32 v5, v4;
	_ =	sdelay $0x1  }
0x124: {  	[tilespmem:s25+$0x50] =	vst v4  }
0x125: {  	v4 =	vld [tilespmem:s31+$0x49E0];
	_ =	sdelay $0x1  }
0x126: {  	v5 =	vld [tilespmem:s31+$0xC9E0];
	_ =	sdelay $0x2  }
0x127: {  	v4 =	vmul.f32 v4, v1;
	_ =	sdelay $0x1  }
0x128: {  	v4 =	vmul.f32 v5, v4;
	_ =	sdelay $0x1  }
0x129: {  	[tilespmem:s25+$0x60] =	vst v4  }
0x12a: {  	v4 =	vld [tilespmem:s31+$0x49F0];
	_ =	sdelay $0x1  }
0x12b: {  	v5 =	vld [tilespmem:s31+$0xC9F0];
	_ =	sdelay $0x2  }
0x12c: {  	v4 =	vmul.f32 v4, v0;
	_ =	sdelay $0x1  }
0x12d: {  	v4 =	vmul.f32 v5, v4  }
0x12e: {  	s29 =	simm.s32 $0x4;
	s30 =	simm.s32 $0x800  }
.LBB2_4:
0x12f: {  	s29 =	sadd.s32 $0x4, s29;
	s0 =	sshra.s32 s30, $0x2;
	[tilespmem:s25+$0x70] =	vst v4;
	s25 =	sadd.s32 $0x100, s25  }
0x130: {  	p0 =	slt.u32 s29, $0x7C;
	v4 =	vld [tilespmem:s0+$0x4840];
	_ =	sdelay $0x1  }
0x131: {  	v5 =	vld [tilespmem:s0+$0xC840];
	_ =	sdelay $0x2  }
0x132: {  	v4 =	vmul.f32 v4, v3;
	_ =	sdelay $0x1  }
0x133: {  	v4 =	vmul.f32 v5, v4;
	_ =	sdelay $0x1  }
0x134: {  	[tilespmem:s25+$0xFFFFFF80] =	vst v4  }
0x135: {  	v4 =	vld [tilespmem:s0+$0x4850];
	_ =	sdelay $0x1  }
0x136: {  	v5 =	vld [tilespmem:s0+$0xC850];
	_ =	sdelay $0x2  }
0x137: {  	v4 =	vmul.f32 v4, v2;
	_ =	sdelay $0x1  }
0x138: {  	v4 =	vmul.f32 v5, v4;
	_ =	sdelay $0x1  }
0x139: {  	[tilespmem:s25+$0xFFFFFF90] =	vst v4  }
0x13a: {  	v4 =	vld [tilespmem:s0+$0x4860];
	_ =	sdelay $0x1  }
0x13b: {  	v5 =	vld [tilespmem:s0+$0xC860];
	_ =	sdelay $0x2  }
0x13c: {  	v4 =	vmul.f32 v4, v1;
	_ =	sdelay $0x1  }
0x13d: {  	v4 =	vmul.f32 v5, v4;
	_ =	sdelay $0x1  }
0x13e: {  	[tilespmem:s25+$0xFFFFFFA0] =	vst v4  }
0x13f: {  	v4 =	vld [tilespmem:s0+$0x4870];
	_ =	sdelay $0x1  }
0x140: {  	v5 =	vld [tilespmem:s0+$0xC870];
	_ =	sdelay $0x2  }
0x141: {  	v4 =	vmul.f32 v4, v0;
	_ =	sdelay $0x1  }
0x142: {  	v4 =	vmul.f32 v5, v4;
	_ =	sdelay $0x1  }
0x143: {  	[tilespmem:s25+$0xFFFFFFB0] =	vst v4  }
0x144: {  	v4 =	vld [tilespmem:s0+$0x48C0];
	_ =	sdelay $0x1  }
0x145: {  	v5 =	vld [tilespmem:s0+$0xC8C0];
	_ =	sdelay $0x2  }
0x146: {  	v4 =	vmul.f32 v4, v3;
	_ =	sdelay $0x1  }
0x147: {  	v4 =	vmul.f32 v5, v4;
	_ =	sdelay $0x1  }
0x148: {  	[tilespmem:s25+$0xFFFFFFC0] =	vst v4  }
0x149: {  	v4 =	vld [tilespmem:s0+$0x48D0];
	_ =	sdelay $0x1  }
0x14a: {  	v5 =	vld [tilespmem:s0+$0xC8D0];
	_ =	sdelay $0x2  }
0x14b: {  	v4 =	vmul.f32 v4, v2;
	_ =	sdelay $0x1  }
0x14c: {  	v4 =	vmul.f32 v5, v4;
	_ =	sdelay $0x1  }
0x14d: {  	[tilespmem:s25+$0xFFFFFFD0] =	vst v4  }
0x14e: {  	v4 =	vld [tilespmem:s0+$0x48E0];
	_ =	sdelay $0x1  }
0x14f: {  	v5 =	vld [tilespmem:s0+$0xC8E0];
	_ =	sdelay $0x2  }
0x150: {  	v4 =	vmul.f32 v4, v1;
	_ =	sdelay $0x1  }
0x151: {  	v4 =	vmul.f32 v5, v4;
	_ =	sdelay $0x1  }
0x152: {  	[tilespmem:s25+$0xFFFFFFE0] =	vst v4  }
0x153: {  	v4 =	vld [tilespmem:s0+$0x48F0];
	_ =	sdelay $0x1  }
0x154: {  	v5 =	vld [tilespmem:s0+$0xC8F0];
	_ =	sdelay $0x2  }
0x155: {  	v4 =	vmul.f32 v4, v0;
	_ =	sdelay $0x1  }
0x156: {  	v4 =	vmul.f32 v5, v4;
	_ =	sdelay $0x1  }
0x157: {  	[tilespmem:s25+$0xFFFFFFF0] =	vst v4  }
0x158: {  	v4 =	vld [tilespmem:s0+$0x4940];
	_ =	sdelay $0x1  }
0x159: {  	v5 =	vld [tilespmem:s0+$0xC940];
	_ =	sdelay $0x2  }
0x15a: {  	v4 =	vmul.f32 v4, v3;
	_ =	sdelay $0x1  }
0x15b: {  	v4 =	vmul.f32 v5, v4;
	_ =	sdelay $0x1  }
0x15c: {  	[tilespmem:s25+$0x0] =	vst v4  }
0x15d: {  	v4 =	vld [tilespmem:s0+$0x4950]  }
0x15e: {  	v5 =	vld [tilespmem:s0+$0xC950];
	_ =	sdelay $0x3  }
0x15f: {  	v4 =	vmul.f32 v4, v2;
	_ =	sdelay $0x1  }
0x160: {  	v4 =	vmul.f32 v5, v4;
	_ =	sdelay $0x1  }
0x161: {  	[tilespmem:s25+$0x10] =	vst v4  }
0x162: {  	v4 =	vld [tilespmem:s0+$0x4960]  }
0x163: {  	v5 =	vld [tilespmem:s0+$0xC960];
	_ =	sdelay $0x3  }
0x164: {  	v4 =	vmul.f32 v4, v1;
	_ =	sdelay $0x1  }
0x165: {  	v4 =	vmul.f32 v5, v4;
	_ =	sdelay $0x1  }
0x166: {  	[tilespmem:s25+$0x20] =	vst v4  }
0x167: {  	v4 =	vld [tilespmem:s0+$0x4970]  }
0x168: {  	v5 =	vld [tilespmem:s0+$0xC970];
	_ =	sdelay $0x3  }
0x169: {  	v4 =	vmul.f32 v4, v0;
	_ =	sdelay $0x1  }
0x16a: {  	v4 =	vmul.f32 v5, v4;
	_ =	sdelay $0x1  }
0x16b: {  	[tilespmem:s25+$0x30] =	vst v4  }
0x16c: {  	v4 =	vld [tilespmem:s0+$0x49C0]  }
0x16d: {  	v5 =	vld [tilespmem:s0+$0xC9C0];
	_ =	sdelay $0x3  }
0x16e: {  	v4 =	vmul.f32 v4, v3;
	_ =	sdelay $0x1  }
0x16f: {  	v4 =	vmul.f32 v5, v4;
	_ =	sdelay $0x1  }
0x170: {  	[tilespmem:s25+$0x40] =	vst v4  }
0x171: {  	v4 =	vld [tilespmem:s0+$0x49D0]  }
0x172: {  	v5 =	vld [tilespmem:s0+$0xC9D0];
	_ =	sdelay $0x3  }
0x173: {  	v4 =	vmul.f32 v4, v2;
	_ =	sdelay $0x1  }
0x174: {  	v4 =	vmul.f32 v5, v4;
	_ =	sdelay $0x1  }
0x175: {  	[tilespmem:s25+$0x50] =	vst v4  }
0x176: {  	v4 =	vld [tilespmem:s0+$0x49E0]  }
0x177: {  	v5 =	vld [tilespmem:s0+$0xC9E0];
	_ =	sdelay $0x3  }
0x178: {  	v4 =	vmul.f32 v4, v1;
	_ =	sdelay $0x1  }
0x179: {  	v4 =	vmul.f32 v5, v4;
	_ =	sdelay $0x1  }
0x17a: {  	[tilespmem:s25+$0x60] =	vst v4  }
0x17b: {  	v4 =	vld [tilespmem:s0+$0x49F0]  }
0x17c: {  	v5 =	vld [tilespmem:s0+$0xC9F0];
	_ =	sdelay $0x2  }
.Ltmp1:
0x17d: {  	(pc) =	sbr.rel @p0 .LBB2_4-.Ltmp1, $3  }
0x17e: {  	v4 =	vmul.f32 v4, v0;
	_ =	sdelay $0x1  }
0x17f: {  	v4 =	vmul.f32 v5, v4  }
0x180: {  	s30 =	sadd.s32 $0x800, s30  }
0x181: {  	s0 =	sshra.s32 s30, $0x2;
	[tilespmem:s25+$0x70] =	vst v4  }
0x182: {  	v4 =	vld [tilespmem:s0+$0x4840];
	_ =	sdelay $0x1  }
0x183: {  	v5 =	vld [tilespmem:s0+$0xC840];
	_ =	sdelay $0x2  }
0x184: {  	v4 =	vmul.f32 v4, v3;
	_ =	sdelay $0x1  }
0x185: {  	v4 =	vmul.f32 v5, v4  }
0x186: {  	s25 =	sadd.s32 $0x100, s25  }
0x187: {  	[tilespmem:s25+$0xFFFFFF80] =	vst v4  }
0x188: {  	v4 =	vld [tilespmem:s0+$0x4850];
	_ =	sdelay $0x1  }
0x189: {  	v5 =	vld [tilespmem:s0+$0xC850];
	_ =	sdelay $0x2  }
0x18a: {  	v4 =	vmul.f32 v4, v2;
	_ =	sdelay $0x1  }
0x18b: {  	v4 =	vmul.f32 v5, v4;
	_ =	sdelay $0x1  }
0x18c: {  	[tilespmem:s25+$0xFFFFFF90] =	vst v4  }
0x18d: {  	v4 =	vld [tilespmem:s0+$0x4860];
	_ =	sdelay $0x1  }
0x18e: {  	v5 =	vld [tilespmem:s0+$0xC860];
	_ =	sdelay $0x2  }
0x18f: {  	v4 =	vmul.f32 v4, v1;
	_ =	sdelay $0x1  }
0x190: {  	v4 =	vmul.f32 v5, v4;
	_ =	sdelay $0x1  }
0x191: {  	[tilespmem:s25+$0xFFFFFFA0] =	vst v4  }
0x192: {  	v4 =	vld [tilespmem:s0+$0x4870];
	_ =	sdelay $0x1  }
0x193: {  	v5 =	vld [tilespmem:s0+$0xC870];
	_ =	sdelay $0x2  }
0x194: {  	v4 =	vmul.f32 v4, v0;
	_ =	sdelay $0x1  }
0x195: {  	v4 =	vmul.f32 v5, v4;
	_ =	sdelay $0x1  }
0x196: {  	[tilespmem:s25+$0xFFFFFFB0] =	vst v4  }
0x197: {  	v4 =	vld [tilespmem:s0+$0x48C0];
	_ =	sdelay $0x1  }
0x198: {  	v5 =	vld [tilespmem:s0+$0xC8C0];
	_ =	sdelay $0x2  }
0x199: {  	v4 =	vmul.f32 v4, v3;
	_ =	sdelay $0x1  }
0x19a: {  	v4 =	vmul.f32 v5, v4;
	_ =	sdelay $0x1  }
0x19b: {  	[tilespmem:s25+$0xFFFFFFC0] =	vst v4  }
0x19c: {  	v4 =	vld [tilespmem:s0+$0x48D0];
	_ =	sdelay $0x1  }
0x19d: {  	v5 =	vld [tilespmem:s0+$0xC8D0];
	_ =	sdelay $0x2  }
0x19e: {  	v4 =	vmul.f32 v4, v2;
	_ =	sdelay $0x1  }
0x19f: {  	v4 =	vmul.f32 v5, v4;
	_ =	sdelay $0x1  }
0x1a0: {  	[tilespmem:s25+$0xFFFFFFD0] =	vst v4  }
0x1a1: {  	v4 =	vld [tilespmem:s0+$0x48E0];
	_ =	sdelay $0x1  }
0x1a2: {  	v5 =	vld [tilespmem:s0+$0xC8E0];
	_ =	sdelay $0x2  }
0x1a3: {  	v4 =	vmul.f32 v4, v1;
	_ =	sdelay $0x1  }
0x1a4: {  	v4 =	vmul.f32 v5, v4;
	_ =	sdelay $0x1  }
0x1a5: {  	[tilespmem:s25+$0xFFFFFFE0] =	vst v4  }
0x1a6: {  	v4 =	vld [tilespmem:s0+$0x48F0];
	_ =	sdelay $0x1  }
0x1a7: {  	v5 =	vld [tilespmem:s0+$0xC8F0];
	_ =	sdelay $0x2  }
0x1a8: {  	v4 =	vmul.f32 v4, v0;
	_ =	sdelay $0x1  }
0x1a9: {  	v4 =	vmul.f32 v5, v4;
	_ =	sdelay $0x1  }
0x1aa: {  	[tilespmem:s25+$0xFFFFFFF0] =	vst v4  }
0x1ab: {  	v4 =	vld [tilespmem:s0+$0x4940];
	_ =	sdelay $0x1  }
0x1ac: {  	v5 =	vld [tilespmem:s0+$0xC940];
	_ =	sdelay $0x2  }
0x1ad: {  	v4 =	vmul.f32 v4, v3;
	_ =	sdelay $0x1  }
0x1ae: {  	v4 =	vmul.f32 v5, v4;
	_ =	sdelay $0x1  }
0x1af: {  	[tilespmem:s25+$0x0] =	vst v4  }
0x1b0: {  	v4 =	vld [tilespmem:s0+$0x4950];
	_ =	sdelay $0x1  }
0x1b1: {  	v5 =	vld [tilespmem:s0+$0xC950];
	_ =	sdelay $0x2  }
0x1b2: {  	v4 =	vmul.f32 v4, v2;
	_ =	sdelay $0x1  }
0x1b3: {  	v4 =	vmul.f32 v5, v4;
	_ =	sdelay $0x1  }
0x1b4: {  	[tilespmem:s25+$0x10] =	vst v4  }
0x1b5: {  	v4 =	vld [tilespmem:s0+$0x4960];
	_ =	sdelay $0x1  }
0x1b6: {  	v5 =	vld [tilespmem:s0+$0xC960];
	_ =	sdelay $0x2  }
0x1b7: {  	v4 =	vmul.f32 v4, v1;
	_ =	sdelay $0x1  }
0x1b8: {  	v4 =	vmul.f32 v5, v4;
	_ =	sdelay $0x1  }
0x1b9: {  	[tilespmem:s25+$0x20] =	vst v4  }
0x1ba: {  	v4 =	vld [tilespmem:s0+$0x4970];
	_ =	sdelay $0x1  }
0x1bb: {  	v5 =	vld [tilespmem:s0+$0xC970];
	_ =	sdelay $0x2  }
0x1bc: {  	v4 =	vmul.f32 v4, v0;
	_ =	sdelay $0x1  }
0x1bd: {  	v4 =	vmul.f32 v5, v4;
	_ =	sdelay $0x1  }
0x1be: {  	[tilespmem:s25+$0x30] =	vst v4  }
0x1bf: {  	v4 =	vld [tilespmem:s0+$0x49C0];
	_ =	sdelay $0x1  }
0x1c0: {  	v5 =	vld [tilespmem:s0+$0xC9C0];
	_ =	sdelay $0x2  }
0x1c1: {  	v4 =	vmul.f32 v4, v3;
	_ =	sdelay $0x1  }
0x1c2: {  	v4 =	vmul.f32 v5, v4;
	_ =	sdelay $0x1  }
0x1c3: {  	[tilespmem:s25+$0x40] =	vst v4  }
0x1c4: {  	v4 =	vld [tilespmem:s0+$0x49D0];
	_ =	sdelay $0x1  }
0x1c5: {  	v5 =	vld [tilespmem:s0+$0xC9D0];
	_ =	sdelay $0x2  }
0x1c6: {  	v4 =	vmul.f32 v4, v2;
	_ =	sdelay $0x1  }
0x1c7: {  	v4 =	vmul.f32 v5, v4;
	_ =	sdelay $0x1  }
0x1c8: {  	[tilespmem:s25+$0x50] =	vst v4  }
0x1c9: {  	v4 =	vld [tilespmem:s0+$0x49E0];
	_ =	sdelay $0x1  }
0x1ca: {  	v5 =	vld [tilespmem:s0+$0xC9E0];
	_ =	sdelay $0x2  }
0x1cb: {  	v4 =	vmul.f32 v4, v1;
	_ =	sdelay $0x1  }
0x1cc: {  	v4 =	vmul.f32 v5, v4;
	_ =	sdelay $0x1  }
0x1cd: {  	[tilespmem:s25+$0x60] =	vst v4  }
0x1ce: {  	v4 =	vld [tilespmem:s0+$0x49F0];
	_ =	sdelay $0x1  }
0x1cf: {  	v5 =	vld [tilespmem:s0+$0xC9F0];
	_ =	sdelay $0x2  }
0x1d0: {  	v4 =	vmul.f32 v4, v0;
	_ =	sdelay $0x1  }
0x1d1: {  	v4 =	vmul.f32 v5, v4;
	_ =	sdelay $0x1  }
0x1d2: {  	[tilespmem:s25+$0x70] =	vst v4  }
0x1d3: {  	[hbm4b:s8+s2] =	stream.linear.scatter [tilespmem:s28], [sflag:$0x3], $0x2000, $0x38;
	[tilespmem:$0x12840] =	vst v63  }
0x1d4: {  	_ =	swait.ge [sflag:s16], $0x2000  }
0x1d5: {  	[sflag:s16] =	ssyncset.done $0x0  }
0x1d6: {  	[sflag:s16] =	ssyncadd.s32 $0xFFFFE000  }
0x1d7: {  	_ =	swait.ge [sflag:s22], $0x4000  }
0x1d8: {  	[sflag:s22] =	ssyncset.done $0x0  }
0x1d9: {  	[sflag:s22] =	ssyncadd.s32 $0xFFFFC000  }
0x1da: {  	_ =	swait.ge [sflag:s23], $0x4000  }
0x1db: {  	[sflag:s23] =	ssyncset.done $0x0  }
0x1dc: {  	s25 =	simm.s32 $0x180;
	[sflag:s23] =	ssyncadd.s32 $0xFFFFC000  }
0x1dd: {  	[tilespmem:s24], [sflag:$0x1] =	stream.indirect.gather [hbm4b:s3+s19], $0x80, s25, s19, $0xb8;
	[tilespmem:$0x12840] =	vst v63  }
0x1de: {  	s25 =	simm.s32 $0x580  }
0x1df: {  	[tilespmem:s26], [sflag:$0x2] =	stream.indirect.gather [hbm4b:s3+s19], $0x80, s25, s19, $0xb8;
	[tilespmem:$0x12840] =	vst v63  }
0x1e0: {  	s25 =	simm.s32 $0x940  }
0x1e1: {  	v4 =	vld [tilespmem:s25+$0xFFFFFF00]  }
0x1e2: {  	s29 =	simm.s32 $0x8940  }
0x1e3: {  	v5 =	vld [tilespmem:s29+$0xFFFFFF00];
	_ =	sdelay $0x2  }
0x1e4: {  	v4 =	vmul.f32 v4, v3;
	_ =	sdelay $0x1  }
0x1e5: {  	v4 =	vmul.f32 v5, v4  }
0x1e6: {  	s30 =	simm.s32 $0x108C0  }
0x1e7: {  	[tilespmem:s30+$0xFFFFFF80] =	vst v4  }
0x1e8: {  	v4 =	vld [tilespmem:s25+$0xFFFFFF10];
	_ =	sdelay $0x1  }
0x1e9: {  	v5 =	vld [tilespmem:s29+$0xFFFFFF10];
	_ =	sdelay $0x2  }
0x1ea: {  	v4 =	vmul.f32 v4, v2;
	_ =	sdelay $0x1  }
0x1eb: {  	v4 =	vmul.f32 v5, v4;
	_ =	sdelay $0x1  }
0x1ec: {  	[tilespmem:s30+$0xFFFFFF90] =	vst v4  }
0x1ed: {  	v4 =	vld [tilespmem:s25+$0xFFFFFF20];
	_ =	sdelay $0x1  }
0x1ee: {  	v5 =	vld [tilespmem:s29+$0xFFFFFF20];
	_ =	sdelay $0x2  }
0x1ef: {  	v4 =	vmul.f32 v4, v1;
	_ =	sdelay $0x1  }
0x1f0: {  	v4 =	vmul.f32 v5, v4;
	_ =	sdelay $0x1  }
0x1f1: {  	[tilespmem:s30+$0xFFFFFFA0] =	vst v4  }
0x1f2: {  	v4 =	vld [tilespmem:s25+$0xFFFFFF30];
	_ =	sdelay $0x1  }
0x1f3: {  	v5 =	vld [tilespmem:s29+$0xFFFFFF30];
	_ =	sdelay $0x2  }
0x1f4: {  	v4 =	vmul.f32 v4, v0;
	_ =	sdelay $0x1  }
0x1f5: {  	v4 =	vmul.f32 v5, v4;
	_ =	sdelay $0x1  }
0x1f6: {  	[tilespmem:s30+$0xFFFFFFB0] =	vst v4  }
0x1f7: {  	v4 =	vld [tilespmem:s25+$0xFFFFFF80];
	_ =	sdelay $0x1  }
0x1f8: {  	v5 =	vld [tilespmem:s29+$0xFFFFFF80];
	_ =	sdelay $0x2  }
0x1f9: {  	v4 =	vmul.f32 v4, v3;
	_ =	sdelay $0x1  }
0x1fa: {  	v4 =	vmul.f32 v5, v4;
	_ =	sdelay $0x1  }
0x1fb: {  	[tilespmem:s30+$0xFFFFFFC0] =	vst v4  }
0x1fc: {  	v4 =	vld [tilespmem:s25+$0xFFFFFF90];
	_ =	sdelay $0x1  }
0x1fd: {  	v5 =	vld [tilespmem:s29+$0xFFFFFF90];
	_ =	sdelay $0x2  }
0x1fe: {  	v4 =	vmul.f32 v4, v2;
	_ =	sdelay $0x1  }
0x1ff: {  	v4 =	vmul.f32 v5, v4;
	_ =	sdelay $0x1  }
0x200: {  	[tilespmem:s30+$0xFFFFFFD0] =	vst v4  }
0x201: {  	v4 =	vld [tilespmem:s25+$0xFFFFFFA0];
	_ =	sdelay $0x1  }
0x202: {  	v5 =	vld [tilespmem:s29+$0xFFFFFFA0];
	_ =	sdelay $0x2  }
0x203: {  	v4 =	vmul.f32 v4, v1;
	_ =	sdelay $0x1  }
0x204: {  	v4 =	vmul.f32 v5, v4;
	_ =	sdelay $0x1  }
0x205: {  	[tilespmem:s30+$0xFFFFFFE0] =	vst v4  }
0x206: {  	v4 =	vld [tilespmem:s25+$0xFFFFFFB0];
	_ =	sdelay $0x1  }
0x207: {  	v5 =	vld [tilespmem:s29+$0xFFFFFFB0];
	_ =	sdelay $0x2  }
0x208: {  	v4 =	vmul.f32 v4, v0;
	_ =	sdelay $0x1  }
0x209: {  	v4 =	vmul.f32 v5, v4;
	_ =	sdelay $0x1  }
0x20a: {  	[tilespmem:s30+$0xFFFFFFF0] =	vst v4  }
0x20b: {  	v4 =	vld [tilespmem:s25+$0x0];
	_ =	sdelay $0x1  }
0x20c: {  	v5 =	vld [tilespmem:s29+$0x0];
	_ =	sdelay $0x2  }
0x20d: {  	v4 =	vmul.f32 v4, v3;
	_ =	sdelay $0x1  }
0x20e: {  	v4 =	vmul.f32 v5, v4;
	_ =	sdelay $0x1  }
0x20f: {  	[tilespmem:s30+$0x0] =	vst v4  }
0x210: {  	v4 =	vld [tilespmem:s25+$0x10];
	_ =	sdelay $0x1  }
0x211: {  	v5 =	vld [tilespmem:s29+$0x10];
	_ =	sdelay $0x2  }
0x212: {  	v4 =	vmul.f32 v4, v2;
	_ =	sdelay $0x1  }
0x213: {  	v4 =	vmul.f32 v5, v4;
	_ =	sdelay $0x1  }
0x214: {  	[tilespmem:s30+$0x10] =	vst v4  }
0x215: {  	v4 =	vld [tilespmem:s25+$0x20];
	_ =	sdelay $0x1  }
0x216: {  	v5 =	vld [tilespmem:s29+$0x20];
	_ =	sdelay $0x2  }
0x217: {  	v4 =	vmul.f32 v4, v1;
	_ =	sdelay $0x1  }
0x218: {  	v4 =	vmul.f32 v5, v4;
	_ =	sdelay $0x1  }
0x219: {  	[tilespmem:s30+$0x20] =	vst v4  }
0x21a: {  	v4 =	vld [tilespmem:s25+$0x30];
	_ =	sdelay $0x1  }
0x21b: {  	v5 =	vld [tilespmem:s29+$0x30];
	_ =	sdelay $0x2  }
0x21c: {  	v4 =	vmul.f32 v4, v0;
	_ =	sdelay $0x1  }
0x21d: {  	v4 =	vmul.f32 v5, v4;
	_ =	sdelay $0x1  }
0x21e: {  	[tilespmem:s30+$0x30] =	vst v4  }
0x21f: {  	v4 =	vld [tilespmem:s25+$0x80];
	_ =	sdelay $0x1  }
0x220: {  	v5 =	vld [tilespmem:s29+$0x80];
	_ =	sdelay $0x2  }
0x221: {  	v4 =	vmul.f32 v4, v3;
	_ =	sdelay $0x1  }
0x222: {  	v4 =	vmul.f32 v5, v4;
	_ =	sdelay $0x1  }
0x223: {  	[tilespmem:s30+$0x40] =	vst v4  }
0x224: {  	v4 =	vld [tilespmem:s25+$0x90];
	_ =	sdelay $0x1  }
0x225: {  	v5 =	vld [tilespmem:s29+$0x90];
	_ =	sdelay $0x2  }
0x226: {  	v4 =	vmul.f32 v4, v2;
	_ =	sdelay $0x1  }
0x227: {  	v4 =	vmul.f32 v5, v4;
	_ =	sdelay $0x1  }
0x228: {  	[tilespmem:s30+$0x50] =	vst v4  }
0x229: {  	v4 =	vld [tilespmem:s25+$0xA0];
	_ =	sdelay $0x1  }
0x22a: {  	v5 =	vld [tilespmem:s29+$0xA0];
	_ =	sdelay $0x2  }
0x22b: {  	v4 =	vmul.f32 v4, v1;
	_ =	sdelay $0x1  }
0x22c: {  	v4 =	vmul.f32 v5, v4;
	_ =	sdelay $0x1  }
0x22d: {  	[tilespmem:s30+$0x60] =	vst v4  }
0x22e: {  	v4 =	vld [tilespmem:s25+$0xB0];
	_ =	sdelay $0x1  }
0x22f: {  	v5 =	vld [tilespmem:s29+$0xB0];
	_ =	sdelay $0x2  }
0x230: {  	v4 =	vmul.f32 v4, v0;
	_ =	sdelay $0x1  }
0x231: {  	v4 =	vmul.f32 v5, v4  }
0x232: {  	s31 =	simm.s32 $0x0;
	s0 =	simm.s32 $0x109C0  }
.LBB2_6:
0x233: {  	s31 =	sadd.s32 $0x4, s31;
	[tilespmem:s30+$0x70] =	vst v4;
	s29 =	sadd.s32 $0x200, s29;
	s25 =	sadd.s32 $0x200, s25  }
0x234: {  	s30 =	smov.u32 s0;
	v4 =	vld [tilespmem:s25+$0xFFFFFF00];
	p0 =	slt.u32 s31, $0x7C;
	_ =	sdelay $0x1  }
0x235: {  	v5 =	vld [tilespmem:s29+$0xFFFFFF00];
	_ =	sdelay $0x2  }
0x236: {  	v4 =	vmul.f32 v4, v3;
	_ =	sdelay $0x1  }
0x237: {  	v4 =	vmul.f32 v5, v4;
	_ =	sdelay $0x1  }
0x238: {  	[tilespmem:s0+$0xFFFFFF80] =	vst v4  }
0x239: {  	v4 =	vld [tilespmem:s25+$0xFFFFFF10];
	_ =	sdelay $0x1  }
0x23a: {  	v5 =	vld [tilespmem:s29+$0xFFFFFF10];
	_ =	sdelay $0x2  }
0x23b: {  	v4 =	vmul.f32 v4, v2;
	_ =	sdelay $0x1  }
0x23c: {  	v4 =	vmul.f32 v5, v4;
	_ =	sdelay $0x1  }
0x23d: {  	[tilespmem:s0+$0xFFFFFF90] =	vst v4  }
0x23e: {  	v4 =	vld [tilespmem:s25+$0xFFFFFF20];
	_ =	sdelay $0x1  }
0x23f: {  	v5 =	vld [tilespmem:s29+$0xFFFFFF20];
	_ =	sdelay $0x2  }
0x240: {  	v4 =	vmul.f32 v4, v1;
	_ =	sdelay $0x1  }
0x241: {  	v4 =	vmul.f32 v5, v4;
	_ =	sdelay $0x1  }
0x242: {  	[tilespmem:s0+$0xFFFFFFA0] =	vst v4  }
0x243: {  	v4 =	vld [tilespmem:s25+$0xFFFFFF30];
	_ =	sdelay $0x1  }
0x244: {  	v5 =	vld [tilespmem:s29+$0xFFFFFF30];
	_ =	sdelay $0x2  }
0x245: {  	v4 =	vmul.f32 v4, v0;
	_ =	sdelay $0x1  }
0x246: {  	v4 =	vmul.f32 v5, v4;
	_ =	sdelay $0x1  }
0x247: {  	[tilespmem:s0+$0xFFFFFFB0] =	vst v4  }
0x248: {  	v4 =	vld [tilespmem:s25+$0xFFFFFF80];
	_ =	sdelay $0x1  }
0x249: {  	v5 =	vld [tilespmem:s29+$0xFFFFFF80];
	_ =	sdelay $0x2  }
0x24a: {  	v4 =	vmul.f32 v4, v3;
	_ =	sdelay $0x1  }
0x24b: {  	v4 =	vmul.f32 v5, v4;
	_ =	sdelay $0x1  }
0x24c: {  	[tilespmem:s0+$0xFFFFFFC0] =	vst v4  }
0x24d: {  	v4 =	vld [tilespmem:s25+$0xFFFFFF90];
	_ =	sdelay $0x1  }
0x24e: {  	v5 =	vld [tilespmem:s29+$0xFFFFFF90];
	_ =	sdelay $0x2  }
0x24f: {  	v4 =	vmul.f32 v4, v2;
	_ =	sdelay $0x1  }
0x250: {  	v4 =	vmul.f32 v5, v4;
	_ =	sdelay $0x1  }
0x251: {  	[tilespmem:s0+$0xFFFFFFD0] =	vst v4  }
0x252: {  	v4 =	vld [tilespmem:s25+$0xFFFFFFA0];
	_ =	sdelay $0x1  }
0x253: {  	v5 =	vld [tilespmem:s29+$0xFFFFFFA0];
	_ =	sdelay $0x2  }
0x254: {  	v4 =	vmul.f32 v4, v1;
	_ =	sdelay $0x1  }
0x255: {  	v4 =	vmul.f32 v5, v4;
	_ =	sdelay $0x1  }
0x256: {  	[tilespmem:s0+$0xFFFFFFE0] =	vst v4  }
0x257: {  	v4 =	vld [tilespmem:s25+$0xFFFFFFB0];
	_ =	sdelay $0x1  }
0x258: {  	v5 =	vld [tilespmem:s29+$0xFFFFFFB0];
	_ =	sdelay $0x2  }
0x259: {  	v4 =	vmul.f32 v4, v0;
	_ =	sdelay $0x1  }
0x25a: {  	v4 =	vmul.f32 v5, v4;
	_ =	sdelay $0x1  }
0x25b: {  	[tilespmem:s0+$0xFFFFFFF0] =	vst v4  }
0x25c: {  	v4 =	vld [tilespmem:s25+$0x0];
	_ =	sdelay $0x1  }
0x25d: {  	v5 =	vld [tilespmem:s29+$0x0];
	_ =	sdelay $0x2  }
0x25e: {  	v4 =	vmul.f32 v4, v3;
	_ =	sdelay $0x1  }
0x25f: {  	v4 =	vmul.f32 v5, v4;
	_ =	sdelay $0x1  }
0x260: {  	[tilespmem:s0+$0x0] =	vst v4  }
0x261: {  	v4 =	vld [tilespmem:s25+$0x10]  }
0x262: {  	v5 =	vld [tilespmem:s29+$0x10];
	_ =	sdelay $0x3  }
0x263: {  	v4 =	vmul.f32 v4, v2;
	_ =	sdelay $0x1  }
0x264: {  	v4 =	vmul.f32 v5, v4;
	_ =	sdelay $0x1  }
0x265: {  	[tilespmem:s0+$0x10] =	vst v4  }
0x266: {  	v4 =	vld [tilespmem:s25+$0x20]  }
0x267: {  	v5 =	vld [tilespmem:s29+$0x20];
	_ =	sdelay $0x3  }
0x268: {  	v4 =	vmul.f32 v4, v1;
	_ =	sdelay $0x1  }
0x269: {  	v4 =	vmul.f32 v5, v4;
	_ =	sdelay $0x1  }
0x26a: {  	[tilespmem:s0+$0x20] =	vst v4  }
0x26b: {  	v4 =	vld [tilespmem:s25+$0x30]  }
0x26c: {  	v5 =	vld [tilespmem:s29+$0x30];
	_ =	sdelay $0x3  }
0x26d: {  	v4 =	vmul.f32 v4, v0;
	_ =	sdelay $0x1  }
0x26e: {  	v4 =	vmul.f32 v5, v4;
	_ =	sdelay $0x1  }
0x26f: {  	[tilespmem:s0+$0x30] =	vst v4  }
0x270: {  	v4 =	vld [tilespmem:s25+$0x80]  }
0x271: {  	v5 =	vld [tilespmem:s29+$0x80];
	_ =	sdelay $0x3  }
0x272: {  	v4 =	vmul.f32 v4, v3;
	_ =	sdelay $0x1  }
0x273: {  	v4 =	vmul.f32 v5, v4;
	_ =	sdelay $0x1  }
0x274: {  	[tilespmem:s0+$0x40] =	vst v4  }
0x275: {  	v4 =	vld [tilespmem:s25+$0x90]  }
0x276: {  	v5 =	vld [tilespmem:s29+$0x90];
	_ =	sdelay $0x3  }
0x277: {  	v4 =	vmul.f32 v4, v2;
	_ =	sdelay $0x1  }
0x278: {  	v4 =	vmul.f32 v5, v4;
	_ =	sdelay $0x1  }
0x279: {  	[tilespmem:s0+$0x50] =	vst v4  }
0x27a: {  	v4 =	vld [tilespmem:s25+$0xA0]  }
0x27b: {  	v5 =	vld [tilespmem:s29+$0xA0];
	_ =	sdelay $0x3  }
0x27c: {  	v4 =	vmul.f32 v4, v1;
	_ =	sdelay $0x1  }
0x27d: {  	v4 =	vmul.f32 v5, v4;
	_ =	sdelay $0x1  }
0x27e: {  	[tilespmem:s0+$0x60] =	vst v4  }
0x27f: {  	v4 =	vld [tilespmem:s25+$0xB0]  }
0x280: {  	v5 =	vld [tilespmem:s29+$0xB0];
	_ =	sdelay $0x2  }
.Ltmp2:
0x281: {  	(pc) =	sbr.rel @p0 .LBB2_6-.Ltmp2, $3  }
0x282: {  	v4 =	vmul.f32 v4, v0;
	_ =	sdelay $0x1  }
0x283: {  	v4 =	vmul.f32 v5, v4  }
0x284: {  	s0 =	sadd.s32 $0x100, s0  }
0x285: {  	[tilespmem:s30+$0x70] =	vst v4;
	s0 =	simm.s32 $0x0  }
0x286: {  	[hbm4b:s9+s0] =	stream.linear.scatter [tilespmem:s28], [sflag:$0x3], $0x2000, $0x38;
	[tilespmem:$0x12840] =	vst v63  }
0x287: {  	_ =	swait.ge [sflag:s16], $0x2000  }
0x288: {  	[sflag:s16] =	ssyncset.done $0x0  }
0x289: {  	[sflag:s16] =	ssyncadd.s32 $0xFFFFE000  }
0x28a: {  	_ =	swait.ge [sflag:s22], $0x4000  }
0x28b: {  	[sflag:s22] =	ssyncset.done $0x0  }
0x28c: {  	[sflag:s22] =	ssyncadd.s32 $0xFFFFC000  }
0x28d: {  	_ =	swait.ge [sflag:s23], $0x4000  }
0x28e: {  	[sflag:s23] =	ssyncset.done $0x0  }
0x28f: {  	s31 =	simm.s32 $0x200;
	[sflag:s23] =	ssyncadd.s32 $0xFFFFC000  }
0x290: {  	[tilespmem:s20], [sflag:$0x1] =	stream.indirect.gather [hbm4b:s3+s19], $0x80, s31, s19, $0xb8;
	[tilespmem:$0x12840] =	vst v63  }
0x291: {  	s25 =	simm.s32 $0x600;
	s31 =	simm.s32 $0x0  }
0x292: {  	[tilespmem:s21], [sflag:$0x2] =	stream.indirect.gather [hbm4b:s3+s19], $0x80, s25, s19, $0xb8;
	[tilespmem:$0x12840] =	vst v63  }
0x293: {  	v4 =	vld [tilespmem:s31+$0x4840];
	_ =	sdelay $0x1  }
0x294: {  	v5 =	vld [tilespmem:s31+$0xC840];
	_ =	sdelay $0x2  }
0x295: {  	v4 =	vmul.f32 v4, v3;
	_ =	sdelay $0x1  }
0x296: {  	v4 =	vmul.f32 v5, v4  }
0x297: {  	s25 =	simm.s32 $0x108C0  }
0x298: {  	[tilespmem:s25+$0xFFFFFF80] =	vst v4  }
0x299: {  	v4 =	vld [tilespmem:s31+$0x4850];
	_ =	sdelay $0x1  }
0x29a: {  	v5 =	vld [tilespmem:s31+$0xC850];
	_ =	sdelay $0x2  }
0x29b: {  	v4 =	vmul.f32 v4, v2;
	_ =	sdelay $0x1  }
0x29c: {  	v4 =	vmul.f32 v5, v4;
	_ =	sdelay $0x1  }
0x29d: {  	[tilespmem:s25+$0xFFFFFF90] =	vst v4  }
0x29e: {  	v4 =	vld [tilespmem:s31+$0x4860];
	_ =	sdelay $0x1  }
0x29f: {  	v5 =	vld [tilespmem:s31+$0xC860];
	_ =	sdelay $0x2  }
0x2a0: {  	v4 =	vmul.f32 v4, v1;
	_ =	sdelay $0x1  }
0x2a1: {  	v4 =	vmul.f32 v5, v4;
	_ =	sdelay $0x1  }
0x2a2: {  	[tilespmem:s25+$0xFFFFFFA0] =	vst v4  }
0x2a3: {  	v4 =	vld [tilespmem:s31+$0x4870];
	_ =	sdelay $0x1  }
0x2a4: {  	v5 =	vld [tilespmem:s31+$0xC870];
	_ =	sdelay $0x2  }
0x2a5: {  	v4 =	vmul.f32 v4, v0;
	_ =	sdelay $0x1  }
0x2a6: {  	v4 =	vmul.f32 v5, v4;
	_ =	sdelay $0x1  }
0x2a7: {  	[tilespmem:s25+$0xFFFFFFB0] =	vst v4  }
0x2a8: {  	v4 =	vld [tilespmem:s31+$0x48C0];
	_ =	sdelay $0x1  }
0x2a9: {  	v5 =	vld [tilespmem:s31+$0xC8C0];
	_ =	sdelay $0x2  }
0x2aa: {  	v4 =	vmul.f32 v4, v3;
	_ =	sdelay $0x1  }
0x2ab: {  	v4 =	vmul.f32 v5, v4;
	_ =	sdelay $0x1  }
0x2ac: {  	[tilespmem:s25+$0xFFFFFFC0] =	vst v4  }
0x2ad: {  	v4 =	vld [tilespmem:s31+$0x48D0];
	_ =	sdelay $0x1  }
0x2ae: {  	v5 =	vld [tilespmem:s31+$0xC8D0];
	_ =	sdelay $0x2  }
0x2af: {  	v4 =	vmul.f32 v4, v2;
	_ =	sdelay $0x1  }
0x2b0: {  	v4 =	vmul.f32 v5, v4;
	_ =	sdelay $0x1  }
0x2b1: {  	[tilespmem:s25+$0xFFFFFFD0] =	vst v4  }
0x2b2: {  	v4 =	vld [tilespmem:s31+$0x48E0];
	_ =	sdelay $0x1  }
0x2b3: {  	v5 =	vld [tilespmem:s31+$0xC8E0];
	_ =	sdelay $0x2  }
0x2b4: {  	v4 =	vmul.f32 v4, v1;
	_ =	sdelay $0x1  }
0x2b5: {  	v4 =	vmul.f32 v5, v4;
	_ =	sdelay $0x1  }
0x2b6: {  	[tilespmem:s25+$0xFFFFFFE0] =	vst v4  }
0x2b7: {  	v4 =	vld [tilespmem:s31+$0x48F0];
	_ =	sdelay $0x1  }
0x2b8: {  	v5 =	vld [tilespmem:s31+$0xC8F0];
	_ =	sdelay $0x2  }
0x2b9: {  	v4 =	vmul.f32 v4, v0;
	_ =	sdelay $0x1  }
0x2ba: {  	v4 =	vmul.f32 v5, v4;
	_ =	sdelay $0x1  }
0x2bb: {  	[tilespmem:s25+$0xFFFFFFF0] =	vst v4  }
0x2bc: {  	v4 =	vld [tilespmem:s31+$0x4940];
	_ =	sdelay $0x1  }
0x2bd: {  	v5 =	vld [tilespmem:s31+$0xC940];
	_ =	sdelay $0x2  }
0x2be: {  	v4 =	vmul.f32 v4, v3;
	_ =	sdelay $0x1  }
0x2bf: {  	v4 =	vmul.f32 v5, v4;
	_ =	sdelay $0x1  }
0x2c0: {  	[tilespmem:s25+$0x0] =	vst v4  }
0x2c1: {  	v4 =	vld [tilespmem:s31+$0x4950];
	_ =	sdelay $0x1  }
0x2c2: {  	v5 =	vld [tilespmem:s31+$0xC950];
	_ =	sdelay $0x2  }
0x2c3: {  	v4 =	vmul.f32 v4, v2;
	_ =	sdelay $0x1  }
0x2c4: {  	v4 =	vmul.f32 v5, v4;
	_ =	sdelay $0x1  }
0x2c5: {  	[tilespmem:s25+$0x10] =	vst v4  }
0x2c6: {  	v4 =	vld [tilespmem:s31+$0x4960];
	_ =	sdelay $0x1  }
0x2c7: {  	v5 =	vld [tilespmem:s31+$0xC960];
	_ =	sdelay $0x2  }
0x2c8: {  	v4 =	vmul.f32 v4, v1;
	_ =	sdelay $0x1  }
0x2c9: {  	v4 =	vmul.f32 v5, v4;
	_ =	sdelay $0x1  }
0x2ca: {  	[tilespmem:s25+$0x20] =	vst v4  }
0x2cb: {  	v4 =	vld [tilespmem:s31+$0x4970];
	_ =	sdelay $0x1  }
0x2cc: {  	v5 =	vld [tilespmem:s31+$0xC970];
	_ =	sdelay $0x2  }
0x2cd: {  	v4 =	vmul.f32 v4, v0;
	_ =	sdelay $0x1  }
0x2ce: {  	v4 =	vmul.f32 v5, v4;
	_ =	sdelay $0x1  }
0x2cf: {  	[tilespmem:s25+$0x30] =	vst v4  }
0x2d0: {  	v4 =	vld [tilespmem:s31+$0x49C0];
	_ =	sdelay $0x1  }
0x2d1: {  	v5 =	vld [tilespmem:s31+$0xC9C0];
	_ =	sdelay $0x2  }
0x2d2: {  	v4 =	vmul.f32 v4, v3;
	_ =	sdelay $0x1  }
0x2d3: {  	v4 =	vmul.f32 v5, v4;
	_ =	sdelay $0x1  }
0x2d4: {  	[tilespmem:s25+$0x40] =	vst v4  }
0x2d5: {  	v4 =	vld [tilespmem:s31+$0x49D0];
	_ =	sdelay $0x1  }
0x2d6: {  	v5 =	vld [tilespmem:s31+$0xC9D0];
	_ =	sdelay $0x2  }
0x2d7: {  	v4 =	vmul.f32 v4, v2;
	_ =	sdelay $0x1  }
0x2d8: {  	v4 =	vmul.f32 v5, v4;
	_ =	sdelay $0x1  }
0x2d9: {  	[tilespmem:s25+$0x50] =	vst v4  }
0x2da: {  	v4 =	vld [tilespmem:s31+$0x49E0];
	_ =	sdelay $0x1  }
0x2db: {  	v5 =	vld [tilespmem:s31+$0xC9E0];
	_ =	sdelay $0x2  }
0x2dc: {  	v4 =	vmul.f32 v4, v1;
	_ =	sdelay $0x1  }
0x2dd: {  	v4 =	vmul.f32 v5, v4;
	_ =	sdelay $0x1  }
0x2de: {  	[tilespmem:s25+$0x60] =	vst v4  }
0x2df: {  	v4 =	vld [tilespmem:s31+$0x49F0];
	_ =	sdelay $0x1  }
0x2e0: {  	v5 =	vld [tilespmem:s31+$0xC9F0];
	_ =	sdelay $0x2  }
0x2e1: {  	v4 =	vmul.f32 v4, v0;
	_ =	sdelay $0x1  }
0x2e2: {  	v4 =	vmul.f32 v5, v4  }
0x2e3: {  	s29 =	simm.s32 $0x4;
	s30 =	simm.s32 $0x800  }
.LBB2_8:
0x2e4: {  	s29 =	sadd.s32 $0x4, s29;
	s0 =	sshra.s32 s30, $0x2;
	[tilespmem:s25+$0x70] =	vst v4;
	s25 =	sadd.s32 $0x100, s25  }
0x2e5: {  	p0 =	slt.u32 s29, $0x7C;
	v4 =	vld [tilespmem:s0+$0x4840];
	_ =	sdelay $0x1  }
0x2e6: {  	v5 =	vld [tilespmem:s0+$0xC840];
	_ =	sdelay $0x2  }
0x2e7: {  	v4 =	vmul.f32 v4, v3;
	_ =	sdelay $0x1  }
0x2e8: {  	v4 =	vmul.f32 v5, v4;
	_ =	sdelay $0x1  }
0x2e9: {  	[tilespmem:s25+$0xFFFFFF80] =	vst v4  }
0x2ea: {  	v4 =	vld [tilespmem:s0+$0x4850];
	_ =	sdelay $0x1  }
0x2eb: {  	v5 =	vld [tilespmem:s0+$0xC850];
	_ =	sdelay $0x2  }
0x2ec: {  	v4 =	vmul.f32 v4, v2;
	_ =	sdelay $0x1  }
0x2ed: {  	v4 =	vmul.f32 v5, v4;
	_ =	sdelay $0x1  }
0x2ee: {  	[tilespmem:s25+$0xFFFFFF90] =	vst v4  }
0x2ef: {  	v4 =	vld [tilespmem:s0+$0x4860];
	_ =	sdelay $0x1  }
0x2f0: {  	v5 =	vld [tilespmem:s0+$0xC860];
	_ =	sdelay $0x2  }
0x2f1: {  	v4 =	vmul.f32 v4, v1;
	_ =	sdelay $0x1  }
0x2f2: {  	v4 =	vmul.f32 v5, v4;
	_ =	sdelay $0x1  }
0x2f3: {  	[tilespmem:s25+$0xFFFFFFA0] =	vst v4  }
0x2f4: {  	v4 =	vld [tilespmem:s0+$0x4870];
	_ =	sdelay $0x1  }
0x2f5: {  	v5 =	vld [tilespmem:s0+$0xC870];
	_ =	sdelay $0x2  }
0x2f6: {  	v4 =	vmul.f32 v4, v0;
	_ =	sdelay $0x1  }
0x2f7: {  	v4 =	vmul.f32 v5, v4;
	_ =	sdelay $0x1  }
0x2f8: {  	[tilespmem:s25+$0xFFFFFFB0] =	vst v4  }
0x2f9: {  	v4 =	vld [tilespmem:s0+$0x48C0];
	_ =	sdelay $0x1  }
0x2fa: {  	v5 =	vld [tilespmem:s0+$0xC8C0];
	_ =	sdelay $0x2  }
0x2fb: {  	v4 =	vmul.f32 v4, v3;
	_ =	sdelay $0x1  }
0x2fc: {  	v4 =	vmul.f32 v5, v4;
	_ =	sdelay $0x1  }
0x2fd: {  	[tilespmem:s25+$0xFFFFFFC0] =	vst v4  }
0x2fe: {  	v4 =	vld [tilespmem:s0+$0x48D0];
	_ =	sdelay $0x1  }
0x2ff: {  	v5 =	vld [tilespmem:s0+$0xC8D0];
	_ =	sdelay $0x2  }
0x300: {  	v4 =	vmul.f32 v4, v2;
	_ =	sdelay $0x1  }
0x301: {  	v4 =	vmul.f32 v5, v4;
	_ =	sdelay $0x1  }
0x302: {  	[tilespmem:s25+$0xFFFFFFD0] =	vst v4  }
0x303: {  	v4 =	vld [tilespmem:s0+$0x48E0];
	_ =	sdelay $0x1  }
0x304: {  	v5 =	vld [tilespmem:s0+$0xC8E0];
	_ =	sdelay $0x2  }
0x305: {  	v4 =	vmul.f32 v4, v1;
	_ =	sdelay $0x1  }
0x306: {  	v4 =	vmul.f32 v5, v4;
	_ =	sdelay $0x1  }
0x307: {  	[tilespmem:s25+$0xFFFFFFE0] =	vst v4  }
0x308: {  	v4 =	vld [tilespmem:s0+$0x48F0];
	_ =	sdelay $0x1  }
0x309: {  	v5 =	vld [tilespmem:s0+$0xC8F0];
	_ =	sdelay $0x2  }
0x30a: {  	v4 =	vmul.f32 v4, v0;
	_ =	sdelay $0x1  }
0x30b: {  	v4 =	vmul.f32 v5, v4;
	_ =	sdelay $0x1  }
0x30c: {  	[tilespmem:s25+$0xFFFFFFF0] =	vst v4  }
0x30d: {  	v4 =	vld [tilespmem:s0+$0x4940];
	_ =	sdelay $0x1  }
0x30e: {  	v5 =	vld [tilespmem:s0+$0xC940];
	_ =	sdelay $0x2  }
0x30f: {  	v4 =	vmul.f32 v4, v3;
	_ =	sdelay $0x1  }
0x310: {  	v4 =	vmul.f32 v5, v4;
	_ =	sdelay $0x1  }
0x311: {  	[tilespmem:s25+$0x0] =	vst v4  }
0x312: {  	v4 =	vld [tilespmem:s0+$0x4950]  }
0x313: {  	v5 =	vld [tilespmem:s0+$0xC950];
	_ =	sdelay $0x3  }
0x314: {  	v4 =	vmul.f32 v4, v2;
	_ =	sdelay $0x1  }
0x315: {  	v4 =	vmul.f32 v5, v4;
	_ =	sdelay $0x1  }
0x316: {  	[tilespmem:s25+$0x10] =	vst v4  }
0x317: {  	v4 =	vld [tilespmem:s0+$0x4960]  }
0x318: {  	v5 =	vld [tilespmem:s0+$0xC960];
	_ =	sdelay $0x3  }
0x319: {  	v4 =	vmul.f32 v4, v1;
	_ =	sdelay $0x1  }
0x31a: {  	v4 =	vmul.f32 v5, v4;
	_ =	sdelay $0x1  }
0x31b: {  	[tilespmem:s25+$0x20] =	vst v4  }
0x31c: {  	v4 =	vld [tilespmem:s0+$0x4970]  }
0x31d: {  	v5 =	vld [tilespmem:s0+$0xC970];
	_ =	sdelay $0x3  }
0x31e: {  	v4 =	vmul.f32 v4, v0;
	_ =	sdelay $0x1  }
0x31f: {  	v4 =	vmul.f32 v5, v4;
	_ =	sdelay $0x1  }
0x320: {  	[tilespmem:s25+$0x30] =	vst v4  }
0x321: {  	v4 =	vld [tilespmem:s0+$0x49C0]  }
0x322: {  	v5 =	vld [tilespmem:s0+$0xC9C0];
	_ =	sdelay $0x3  }
0x323: {  	v4 =	vmul.f32 v4, v3;
	_ =	sdelay $0x1  }
0x324: {  	v4 =	vmul.f32 v5, v4;
	_ =	sdelay $0x1  }
0x325: {  	[tilespmem:s25+$0x40] =	vst v4  }
0x326: {  	v4 =	vld [tilespmem:s0+$0x49D0]  }
0x327: {  	v5 =	vld [tilespmem:s0+$0xC9D0];
	_ =	sdelay $0x3  }
0x328: {  	v4 =	vmul.f32 v4, v2;
	_ =	sdelay $0x1  }
0x329: {  	v4 =	vmul.f32 v5, v4;
	_ =	sdelay $0x1  }
0x32a: {  	[tilespmem:s25+$0x50] =	vst v4  }
0x32b: {  	v4 =	vld [tilespmem:s0+$0x49E0]  }
0x32c: {  	v5 =	vld [tilespmem:s0+$0xC9E0];
	_ =	sdelay $0x3  }
0x32d: {  	v4 =	vmul.f32 v4, v1;
	_ =	sdelay $0x1  }
0x32e: {  	v4 =	vmul.f32 v5, v4;
	_ =	sdelay $0x1  }
0x32f: {  	[tilespmem:s25+$0x60] =	vst v4  }
0x330: {  	v4 =	vld [tilespmem:s0+$0x49F0]  }
0x331: {  	v5 =	vld [tilespmem:s0+$0xC9F0];
	_ =	sdelay $0x2  }
.Ltmp3:
0x332: {  	(pc) =	sbr.rel @p0 .LBB2_8-.Ltmp3, $3  }
0x333: {  	v4 =	vmul.f32 v4, v0;
	_ =	sdelay $0x1  }
0x334: {  	v4 =	vmul.f32 v5, v4  }
0x335: {  	s30 =	sadd.s32 $0x800, s30  }
0x336: {  	s0 =	sshra.s32 s30, $0x2;
	[tilespmem:s25+$0x70] =	vst v4  }
0x337: {  	v4 =	vld [tilespmem:s0+$0x4840];
	_ =	sdelay $0x1  }
0x338: {  	v5 =	vld [tilespmem:s0+$0xC840];
	_ =	sdelay $0x2  }
0x339: {  	v4 =	vmul.f32 v4, v3;
	_ =	sdelay $0x1  }
0x33a: {  	v4 =	vmul.f32 v5, v4  }
0x33b: {  	s25 =	sadd.s32 $0x100, s25  }
0x33c: {  	[tilespmem:s25+$0xFFFFFF80] =	vst v4  }
0x33d: {  	v4 =	vld [tilespmem:s0+$0x4850];
	_ =	sdelay $0x1  }
0x33e: {  	v5 =	vld [tilespmem:s0+$0xC850];
	_ =	sdelay $0x2  }
0x33f: {  	v4 =	vmul.f32 v4, v2;
	_ =	sdelay $0x1  }
0x340: {  	v4 =	vmul.f32 v5, v4;
	_ =	sdelay $0x1  }
0x341: {  	[tilespmem:s25+$0xFFFFFF90] =	vst v4  }
0x342: {  	v4 =	vld [tilespmem:s0+$0x4860];
	_ =	sdelay $0x1  }
0x343: {  	v5 =	vld [tilespmem:s0+$0xC860];
	_ =	sdelay $0x2  }
0x344: {  	v4 =	vmul.f32 v4, v1;
	_ =	sdelay $0x1  }
0x345: {  	v4 =	vmul.f32 v5, v4;
	_ =	sdelay $0x1  }
0x346: {  	[tilespmem:s25+$0xFFFFFFA0] =	vst v4  }
0x347: {  	v4 =	vld [tilespmem:s0+$0x4870];
	_ =	sdelay $0x1  }
0x348: {  	v5 =	vld [tilespmem:s0+$0xC870];
	_ =	sdelay $0x2  }
0x349: {  	v4 =	vmul.f32 v4, v0;
	_ =	sdelay $0x1  }
0x34a: {  	v4 =	vmul.f32 v5, v4;
	_ =	sdelay $0x1  }
0x34b: {  	[tilespmem:s25+$0xFFFFFFB0] =	vst v4  }
0x34c: {  	v4 =	vld [tilespmem:s0+$0x48C0];
	_ =	sdelay $0x1  }
0x34d: {  	v5 =	vld [tilespmem:s0+$0xC8C0];
	_ =	sdelay $0x2  }
0x34e: {  	v4 =	vmul.f32 v4, v3;
	_ =	sdelay $0x1  }
0x34f: {  	v4 =	vmul.f32 v5, v4;
	_ =	sdelay $0x1  }
0x350: {  	[tilespmem:s25+$0xFFFFFFC0] =	vst v4  }
0x351: {  	v4 =	vld [tilespmem:s0+$0x48D0];
	_ =	sdelay $0x1  }
0x352: {  	v5 =	vld [tilespmem:s0+$0xC8D0];
	_ =	sdelay $0x2  }
0x353: {  	v4 =	vmul.f32 v4, v2;
	_ =	sdelay $0x1  }
0x354: {  	v4 =	vmul.f32 v5, v4;
	_ =	sdelay $0x1  }
0x355: {  	[tilespmem:s25+$0xFFFFFFD0] =	vst v4  }
0x356: {  	v4 =	vld [tilespmem:s0+$0x48E0];
	_ =	sdelay $0x1  }
0x357: {  	v5 =	vld [tilespmem:s0+$0xC8E0];
	_ =	sdelay $0x2  }
0x358: {  	v4 =	vmul.f32 v4, v1;
	_ =	sdelay $0x1  }
0x359: {  	v4 =	vmul.f32 v5, v4;
	_ =	sdelay $0x1  }
0x35a: {  	[tilespmem:s25+$0xFFFFFFE0] =	vst v4  }
0x35b: {  	v4 =	vld [tilespmem:s0+$0x48F0];
	_ =	sdelay $0x1  }
0x35c: {  	v5 =	vld [tilespmem:s0+$0xC8F0];
	_ =	sdelay $0x2  }
0x35d: {  	v4 =	vmul.f32 v4, v0;
	_ =	sdelay $0x1  }
0x35e: {  	v4 =	vmul.f32 v5, v4;
	_ =	sdelay $0x1  }
0x35f: {  	[tilespmem:s25+$0xFFFFFFF0] =	vst v4  }
0x360: {  	v4 =	vld [tilespmem:s0+$0x4940];
	_ =	sdelay $0x1  }
0x361: {  	v5 =	vld [tilespmem:s0+$0xC940];
	_ =	sdelay $0x2  }
0x362: {  	v4 =	vmul.f32 v4, v3;
	_ =	sdelay $0x1  }
0x363: {  	v4 =	vmul.f32 v5, v4;
	_ =	sdelay $0x1  }
0x364: {  	[tilespmem:s25+$0x0] =	vst v4  }
0x365: {  	v4 =	vld [tilespmem:s0+$0x4950];
	_ =	sdelay $0x1  }
0x366: {  	v5 =	vld [tilespmem:s0+$0xC950];
	_ =	sdelay $0x2  }
0x367: {  	v4 =	vmul.f32 v4, v2;
	_ =	sdelay $0x1  }
0x368: {  	v4 =	vmul.f32 v5, v4;
	_ =	sdelay $0x1  }
0x369: {  	[tilespmem:s25+$0x10] =	vst v4  }
0x36a: {  	v4 =	vld [tilespmem:s0+$0x4960];
	_ =	sdelay $0x1  }
0x36b: {  	v5 =	vld [tilespmem:s0+$0xC960];
	_ =	sdelay $0x2  }
0x36c: {  	v4 =	vmul.f32 v4, v1;
	_ =	sdelay $0x1  }
0x36d: {  	v4 =	vmul.f32 v5, v4;
	_ =	sdelay $0x1  }
0x36e: {  	[tilespmem:s25+$0x20] =	vst v4  }
0x36f: {  	v4 =	vld [tilespmem:s0+$0x4970];
	_ =	sdelay $0x1  }
0x370: {  	v5 =	vld [tilespmem:s0+$0xC970];
	_ =	sdelay $0x2  }
0x371: {  	v4 =	vmul.f32 v4, v0;
	_ =	sdelay $0x1  }
0x372: {  	v4 =	vmul.f32 v5, v4;
	_ =	sdelay $0x1  }
0x373: {  	[tilespmem:s25+$0x30] =	vst v4  }
0x374: {  	v4 =	vld [tilespmem:s0+$0x49C0];
	_ =	sdelay $0x1  }
0x375: {  	v5 =	vld [tilespmem:s0+$0xC9C0];
	_ =	sdelay $0x2  }
0x376: {  	v4 =	vmul.f32 v4, v3;
	_ =	sdelay $0x1  }
0x377: {  	v4 =	vmul.f32 v5, v4;
	_ =	sdelay $0x1  }
0x378: {  	[tilespmem:s25+$0x40] =	vst v4  }
0x379: {  	v4 =	vld [tilespmem:s0+$0x49D0];
	_ =	sdelay $0x1  }
0x37a: {  	v5 =	vld [tilespmem:s0+$0xC9D0];
	_ =	sdelay $0x2  }
0x37b: {  	v4 =	vmul.f32 v4, v2;
	_ =	sdelay $0x1  }
0x37c: {  	v4 =	vmul.f32 v5, v4;
	_ =	sdelay $0x1  }
0x37d: {  	[tilespmem:s25+$0x50] =	vst v4  }
0x37e: {  	v4 =	vld [tilespmem:s0+$0x49E0];
	_ =	sdelay $0x1  }
0x37f: {  	v5 =	vld [tilespmem:s0+$0xC9E0];
	_ =	sdelay $0x2  }
0x380: {  	v4 =	vmul.f32 v4, v1;
	_ =	sdelay $0x1  }
0x381: {  	v4 =	vmul.f32 v5, v4;
	_ =	sdelay $0x1  }
0x382: {  	[tilespmem:s25+$0x60] =	vst v4  }
0x383: {  	v4 =	vld [tilespmem:s0+$0x49F0];
	_ =	sdelay $0x1  }
0x384: {  	v5 =	vld [tilespmem:s0+$0xC9F0];
	_ =	sdelay $0x2  }
0x385: {  	v4 =	vmul.f32 v4, v0;
	_ =	sdelay $0x1  }
0x386: {  	v4 =	vmul.f32 v5, v4;
	_ =	sdelay $0x1  }
0x387: {  	[tilespmem:s25+$0x70] =	vst v4  }
0x388: {  	[hbm4b:s10+s2] =	stream.linear.scatter [tilespmem:s28], [sflag:$0x3], $0x2000, $0x38;
	[tilespmem:$0x12840] =	vst v63  }
0x389: {  	_ =	swait.ge [sflag:s16], $0x2000  }
0x38a: {  	[sflag:s16] =	ssyncset.done $0x0  }
0x38b: {  	[sflag:s16] =	ssyncadd.s32 $0xFFFFE000  }
0x38c: {  	_ =	swait.ge [sflag:s22], $0x4000  }
0x38d: {  	[sflag:s22] =	ssyncset.done $0x0  }
0x38e: {  	[sflag:s22] =	ssyncadd.s32 $0xFFFFC000  }
0x38f: {  	_ =	swait.ge [sflag:s23], $0x4000  }
0x390: {  	[sflag:s23] =	ssyncset.done $0x0  }
0x391: {  	s25 =	simm.s32 $0x280;
	[sflag:s23] =	ssyncadd.s32 $0xFFFFC000  }
0x392: {  	[tilespmem:s24], [sflag:$0x1] =	stream.indirect.gather [hbm4b:s3+s19], $0x80, s25, s19, $0xb8;
	[tilespmem:$0x12840] =	vst v63  }
0x393: {  	s25 =	simm.s32 $0x680  }
0x394: {  	[tilespmem:s26], [sflag:$0x2] =	stream.indirect.gather [hbm4b:s3+s19], $0x80, s25, s19, $0xb8;
	[tilespmem:$0x12840] =	vst v63  }
0x395: {  	s25 =	simm.s32 $0x940  }
0x396: {  	v4 =	vld [tilespmem:s25+$0xFFFFFF00]  }
0x397: {  	s29 =	simm.s32 $0x8940  }
0x398: {  	v5 =	vld [tilespmem:s29+$0xFFFFFF00];
	_ =	sdelay $0x2  }
0x399: {  	v4 =	vmul.f32 v4, v3;
	_ =	sdelay $0x1  }
0x39a: {  	v4 =	vmul.f32 v5, v4  }
0x39b: {  	s30 =	simm.s32 $0x108C0  }
0x39c: {  	[tilespmem:s30+$0xFFFFFF80] =	vst v4  }
0x39d: {  	v4 =	vld [tilespmem:s25+$0xFFFFFF10];
	_ =	sdelay $0x1  }
0x39e: {  	v5 =	vld [tilespmem:s29+$0xFFFFFF10];
	_ =	sdelay $0x2  }
0x39f: {  	v4 =	vmul.f32 v4, v2;
	_ =	sdelay $0x1  }
0x3a0: {  	v4 =	vmul.f32 v5, v4;
	_ =	sdelay $0x1  }
0x3a1: {  	[tilespmem:s30+$0xFFFFFF90] =	vst v4  }
0x3a2: {  	v4 =	vld [tilespmem:s25+$0xFFFFFF20];
	_ =	sdelay $0x1  }
0x3a3: {  	v5 =	vld [tilespmem:s29+$0xFFFFFF20];
	_ =	sdelay $0x2  }
0x3a4: {  	v4 =	vmul.f32 v4, v1;
	_ =	sdelay $0x1  }
0x3a5: {  	v4 =	vmul.f32 v5, v4;
	_ =	sdelay $0x1  }
0x3a6: {  	[tilespmem:s30+$0xFFFFFFA0] =	vst v4  }
0x3a7: {  	v4 =	vld [tilespmem:s25+$0xFFFFFF30];
	_ =	sdelay $0x1  }
0x3a8: {  	v5 =	vld [tilespmem:s29+$0xFFFFFF30];
	_ =	sdelay $0x2  }
0x3a9: {  	v4 =	vmul.f32 v4, v0;
	_ =	sdelay $0x1  }
0x3aa: {  	v4 =	vmul.f32 v5, v4;
	_ =	sdelay $0x1  }
0x3ab: {  	[tilespmem:s30+$0xFFFFFFB0] =	vst v4  }
0x3ac: {  	v4 =	vld [tilespmem:s25+$0xFFFFFF80];
	_ =	sdelay $0x1  }
0x3ad: {  	v5 =	vld [tilespmem:s29+$0xFFFFFF80];
	_ =	sdelay $0x2  }
0x3ae: {  	v4 =	vmul.f32 v4, v3;
	_ =	sdelay $0x1  }
0x3af: {  	v4 =	vmul.f32 v5, v4;
	_ =	sdelay $0x1  }
0x3b0: {  	[tilespmem:s30+$0xFFFFFFC0] =	vst v4  }
0x3b1: {  	v4 =	vld [tilespmem:s25+$0xFFFFFF90];
	_ =	sdelay $0x1  }
0x3b2: {  	v5 =	vld [tilespmem:s29+$0xFFFFFF90];
	_ =	sdelay $0x2  }
0x3b3: {  	v4 =	vmul.f32 v4, v2;
	_ =	sdelay $0x1  }
0x3b4: {  	v4 =	vmul.f32 v5, v4;
	_ =	sdelay $0x1  }
0x3b5: {  	[tilespmem:s30+$0xFFFFFFD0] =	vst v4  }
0x3b6: {  	v4 =	vld [tilespmem:s25+$0xFFFFFFA0];
	_ =	sdelay $0x1  }
0x3b7: {  	v5 =	vld [tilespmem:s29+$0xFFFFFFA0];
	_ =	sdelay $0x2  }
0x3b8: {  	v4 =	vmul.f32 v4, v1;
	_ =	sdelay $0x1  }
0x3b9: {  	v4 =	vmul.f32 v5, v4;
	_ =	sdelay $0x1  }
0x3ba: {  	[tilespmem:s30+$0xFFFFFFE0] =	vst v4  }
0x3bb: {  	v4 =	vld [tilespmem:s25+$0xFFFFFFB0];
	_ =	sdelay $0x1  }
0x3bc: {  	v5 =	vld [tilespmem:s29+$0xFFFFFFB0];
	_ =	sdelay $0x2  }
0x3bd: {  	v4 =	vmul.f32 v4, v0;
	_ =	sdelay $0x1  }
0x3be: {  	v4 =	vmul.f32 v5, v4;
	_ =	sdelay $0x1  }
0x3bf: {  	[tilespmem:s30+$0xFFFFFFF0] =	vst v4  }
0x3c0: {  	v4 =	vld [tilespmem:s25+$0x0];
	_ =	sdelay $0x1  }
0x3c1: {  	v5 =	vld [tilespmem:s29+$0x0];
	_ =	sdelay $0x2  }
0x3c2: {  	v4 =	vmul.f32 v4, v3;
	_ =	sdelay $0x1  }
0x3c3: {  	v4 =	vmul.f32 v5, v4;
	_ =	sdelay $0x1  }
0x3c4: {  	[tilespmem:s30+$0x0] =	vst v4  }
0x3c5: {  	v4 =	vld [tilespmem:s25+$0x10];
	_ =	sdelay $0x1  }
0x3c6: {  	v5 =	vld [tilespmem:s29+$0x10];
	_ =	sdelay $0x2  }
0x3c7: {  	v4 =	vmul.f32 v4, v2;
	_ =	sdelay $0x1  }
0x3c8: {  	v4 =	vmul.f32 v5, v4;
	_ =	sdelay $0x1  }
0x3c9: {  	[tilespmem:s30+$0x10] =	vst v4  }
0x3ca: {  	v4 =	vld [tilespmem:s25+$0x20];
	_ =	sdelay $0x1  }
0x3cb: {  	v5 =	vld [tilespmem:s29+$0x20];
	_ =	sdelay $0x2  }
0x3cc: {  	v4 =	vmul.f32 v4, v1;
	_ =	sdelay $0x1  }
0x3cd: {  	v4 =	vmul.f32 v5, v4;
	_ =	sdelay $0x1  }
0x3ce: {  	[tilespmem:s30+$0x20] =	vst v4  }
0x3cf: {  	v4 =	vld [tilespmem:s25+$0x30];
	_ =	sdelay $0x1  }
0x3d0: {  	v5 =	vld [tilespmem:s29+$0x30];
	_ =	sdelay $0x2  }
0x3d1: {  	v4 =	vmul.f32 v4, v0;
	_ =	sdelay $0x1  }
0x3d2: {  	v4 =	vmul.f32 v5, v4;
	_ =	sdelay $0x1  }
0x3d3: {  	[tilespmem:s30+$0x30] =	vst v4  }
0x3d4: {  	v4 =	vld [tilespmem:s25+$0x80];
	_ =	sdelay $0x1  }
0x3d5: {  	v5 =	vld [tilespmem:s29+$0x80];
	_ =	sdelay $0x2  }
0x3d6: {  	v4 =	vmul.f32 v4, v3;
	_ =	sdelay $0x1  }
0x3d7: {  	v4 =	vmul.f32 v5, v4;
	_ =	sdelay $0x1  }
0x3d8: {  	[tilespmem:s30+$0x40] =	vst v4  }
0x3d9: {  	v4 =	vld [tilespmem:s25+$0x90];
	_ =	sdelay $0x1  }
0x3da: {  	v5 =	vld [tilespmem:s29+$0x90];
	_ =	sdelay $0x2  }
0x3db: {  	v4 =	vmul.f32 v4, v2;
	_ =	sdelay $0x1  }
0x3dc: {  	v4 =	vmul.f32 v5, v4;
	_ =	sdelay $0x1  }
0x3dd: {  	[tilespmem:s30+$0x50] =	vst v4  }
0x3de: {  	v4 =	vld [tilespmem:s25+$0xA0];
	_ =	sdelay $0x1  }
0x3df: {  	v5 =	vld [tilespmem:s29+$0xA0];
	_ =	sdelay $0x2  }
0x3e0: {  	v4 =	vmul.f32 v4, v1;
	_ =	sdelay $0x1  }
0x3e1: {  	v4 =	vmul.f32 v5, v4;
	_ =	sdelay $0x1  }
0x3e2: {  	[tilespmem:s30+$0x60] =	vst v4  }
0x3e3: {  	v4 =	vld [tilespmem:s25+$0xB0];
	_ =	sdelay $0x1  }
0x3e4: {  	v5 =	vld [tilespmem:s29+$0xB0];
	_ =	sdelay $0x2  }
0x3e5: {  	v4 =	vmul.f32 v4, v0;
	_ =	sdelay $0x1  }
0x3e6: {  	v4 =	vmul.f32 v5, v4  }
0x3e7: {  	s31 =	simm.s32 $0x0;
	s0 =	simm.s32 $0x109C0  }
.LBB2_10:
0x3e8: {  	s31 =	sadd.s32 $0x4, s31;
	[tilespmem:s30+$0x70] =	vst v4;
	s29 =	sadd.s32 $0x200, s29;
	s25 =	sadd.s32 $0x200, s25  }
0x3e9: {  	s30 =	smov.u32 s0;
	v4 =	vld [tilespmem:s25+$0xFFFFFF00];
	p0 =	slt.u32 s31, $0x7C;
	_ =	sdelay $0x1  }
0x3ea: {  	v5 =	vld [tilespmem:s29+$0xFFFFFF00];
	_ =	sdelay $0x2  }
0x3eb: {  	v4 =	vmul.f32 v4, v3;
	_ =	sdelay $0x1  }
0x3ec: {  	v4 =	vmul.f32 v5, v4;
	_ =	sdelay $0x1  }
0x3ed: {  	[tilespmem:s0+$0xFFFFFF80] =	vst v4  }
0x3ee: {  	v4 =	vld [tilespmem:s25+$0xFFFFFF10];
	_ =	sdelay $0x1  }
0x3ef: {  	v5 =	vld [tilespmem:s29+$0xFFFFFF10];
	_ =	sdelay $0x2  }
0x3f0: {  	v4 =	vmul.f32 v4, v2;
	_ =	sdelay $0x1  }
0x3f1: {  	v4 =	vmul.f32 v5, v4;
	_ =	sdelay $0x1  }
0x3f2: {  	[tilespmem:s0+$0xFFFFFF90] =	vst v4  }
0x3f3: {  	v4 =	vld [tilespmem:s25+$0xFFFFFF20];
	_ =	sdelay $0x1  }
0x3f4: {  	v5 =	vld [tilespmem:s29+$0xFFFFFF20];
	_ =	sdelay $0x2  }
0x3f5: {  	v4 =	vmul.f32 v4, v1;
	_ =	sdelay $0x1  }
0x3f6: {  	v4 =	vmul.f32 v5, v4;
	_ =	sdelay $0x1  }
0x3f7: {  	[tilespmem:s0+$0xFFFFFFA0] =	vst v4  }
0x3f8: {  	v4 =	vld [tilespmem:s25+$0xFFFFFF30];
	_ =	sdelay $0x1  }
0x3f9: {  	v5 =	vld [tilespmem:s29+$0xFFFFFF30];
	_ =	sdelay $0x2  }
0x3fa: {  	v4 =	vmul.f32 v4, v0;
	_ =	sdelay $0x1  }
0x3fb: {  	v4 =	vmul.f32 v5, v4;
	_ =	sdelay $0x1  }
0x3fc: {  	[tilespmem:s0+$0xFFFFFFB0] =	vst v4  }
0x3fd: {  	v4 =	vld [tilespmem:s25+$0xFFFFFF80];
	_ =	sdelay $0x1  }
0x3fe: {  	v5 =	vld [tilespmem:s29+$0xFFFFFF80];
	_ =	sdelay $0x2  }
0x3ff: {  	v4 =	vmul.f32 v4, v3;
	_ =	sdelay $0x1  }
0x400: {  	v4 =	vmul.f32 v5, v4;
	_ =	sdelay $0x1  }
0x401: {  	[tilespmem:s0+$0xFFFFFFC0] =	vst v4  }
0x402: {  	v4 =	vld [tilespmem:s25+$0xFFFFFF90];
	_ =	sdelay $0x1  }
0x403: {  	v5 =	vld [tilespmem:s29+$0xFFFFFF90];
	_ =	sdelay $0x2  }
0x404: {  	v4 =	vmul.f32 v4, v2;
	_ =	sdelay $0x1  }
0x405: {  	v4 =	vmul.f32 v5, v4;
	_ =	sdelay $0x1  }
0x406: {  	[tilespmem:s0+$0xFFFFFFD0] =	vst v4  }
0x407: {  	v4 =	vld [tilespmem:s25+$0xFFFFFFA0];
	_ =	sdelay $0x1  }
0x408: {  	v5 =	vld [tilespmem:s29+$0xFFFFFFA0];
	_ =	sdelay $0x2  }
0x409: {  	v4 =	vmul.f32 v4, v1;
	_ =	sdelay $0x1  }
0x40a: {  	v4 =	vmul.f32 v5, v4;
	_ =	sdelay $0x1  }
0x40b: {  	[tilespmem:s0+$0xFFFFFFE0] =	vst v4  }
0x40c: {  	v4 =	vld [tilespmem:s25+$0xFFFFFFB0];
	_ =	sdelay $0x1  }
0x40d: {  	v5 =	vld [tilespmem:s29+$0xFFFFFFB0];
	_ =	sdelay $0x2  }
0x40e: {  	v4 =	vmul.f32 v4, v0;
	_ =	sdelay $0x1  }
0x40f: {  	v4 =	vmul.f32 v5, v4;
	_ =	sdelay $0x1  }
0x410: {  	[tilespmem:s0+$0xFFFFFFF0] =	vst v4  }
0x411: {  	v4 =	vld [tilespmem:s25+$0x0];
	_ =	sdelay $0x1  }
0x412: {  	v5 =	vld [tilespmem:s29+$0x0];
	_ =	sdelay $0x2  }
0x413: {  	v4 =	vmul.f32 v4, v3;
	_ =	sdelay $0x1  }
0x414: {  	v4 =	vmul.f32 v5, v4;
	_ =	sdelay $0x1  }
0x415: {  	[tilespmem:s0+$0x0] =	vst v4  }
0x416: {  	v4 =	vld [tilespmem:s25+$0x10]  }
0x417: {  	v5 =	vld [tilespmem:s29+$0x10];
	_ =	sdelay $0x3  }
0x418: {  	v4 =	vmul.f32 v4, v2;
	_ =	sdelay $0x1  }
0x419: {  	v4 =	vmul.f32 v5, v4;
	_ =	sdelay $0x1  }
0x41a: {  	[tilespmem:s0+$0x10] =	vst v4  }
0x41b: {  	v4 =	vld [tilespmem:s25+$0x20]  }
0x41c: {  	v5 =	vld [tilespmem:s29+$0x20];
	_ =	sdelay $0x3  }
0x41d: {  	v4 =	vmul.f32 v4, v1;
	_ =	sdelay $0x1  }
0x41e: {  	v4 =	vmul.f32 v5, v4;
	_ =	sdelay $0x1  }
0x41f: {  	[tilespmem:s0+$0x20] =	vst v4  }
0x420: {  	v4 =	vld [tilespmem:s25+$0x30]  }
0x421: {  	v5 =	vld [tilespmem:s29+$0x30];
	_ =	sdelay $0x3  }
0x422: {  	v4 =	vmul.f32 v4, v0;
	_ =	sdelay $0x1  }
0x423: {  	v4 =	vmul.f32 v5, v4;
	_ =	sdelay $0x1  }
0x424: {  	[tilespmem:s0+$0x30] =	vst v4  }
0x425: {  	v4 =	vld [tilespmem:s25+$0x80]  }
0x426: {  	v5 =	vld [tilespmem:s29+$0x80];
	_ =	sdelay $0x3  }
0x427: {  	v4 =	vmul.f32 v4, v3;
	_ =	sdelay $0x1  }
0x428: {  	v4 =	vmul.f32 v5, v4;
	_ =	sdelay $0x1  }
0x429: {  	[tilespmem:s0+$0x40] =	vst v4  }
0x42a: {  	v4 =	vld [tilespmem:s25+$0x90]  }
0x42b: {  	v5 =	vld [tilespmem:s29+$0x90];
	_ =	sdelay $0x3  }
0x42c: {  	v4 =	vmul.f32 v4, v2;
	_ =	sdelay $0x1  }
0x42d: {  	v4 =	vmul.f32 v5, v4;
	_ =	sdelay $0x1  }
0x42e: {  	[tilespmem:s0+$0x50] =	vst v4  }
0x42f: {  	v4 =	vld [tilespmem:s25+$0xA0]  }
0x430: {  	v5 =	vld [tilespmem:s29+$0xA0];
	_ =	sdelay $0x3  }
0x431: {  	v4 =	vmul.f32 v4, v1;
	_ =	sdelay $0x1  }
0x432: {  	v4 =	vmul.f32 v5, v4;
	_ =	sdelay $0x1  }
0x433: {  	[tilespmem:s0+$0x60] =	vst v4  }
0x434: {  	v4 =	vld [tilespmem:s25+$0xB0]  }
0x435: {  	v5 =	vld [tilespmem:s29+$0xB0];
	_ =	sdelay $0x2  }
.Ltmp4:
0x436: {  	(pc) =	sbr.rel @p0 .LBB2_10-.Ltmp4, $3  }
0x437: {  	v4 =	vmul.f32 v4, v0;
	_ =	sdelay $0x1  }
0x438: {  	v4 =	vmul.f32 v5, v4  }
0x439: {  	s0 =	sadd.s32 $0x100, s0  }
0x43a: {  	[tilespmem:s30+$0x70] =	vst v4;
	s0 =	simm.s32 $0x0  }
0x43b: {  	[hbm4b:s11+s0] =	stream.linear.scatter [tilespmem:s28], [sflag:$0x3], $0x2000, $0x38;
	[tilespmem:$0x12840] =	vst v63  }
0x43c: {  	_ =	swait.ge [sflag:s16], $0x2000  }
0x43d: {  	[sflag:s16] =	ssyncset.done $0x0  }
0x43e: {  	[sflag:s16] =	ssyncadd.s32 $0xFFFFE000  }
0x43f: {  	_ =	swait.ge [sflag:s22], $0x4000  }
0x440: {  	[sflag:s22] =	ssyncset.done $0x0  }
0x441: {  	[sflag:s22] =	ssyncadd.s32 $0xFFFFC000  }
0x442: {  	_ =	swait.ge [sflag:s23], $0x4000  }
0x443: {  	[sflag:s23] =	ssyncset.done $0x0  }
0x444: {  	s31 =	simm.s32 $0x300;
	[sflag:s23] =	ssyncadd.s32 $0xFFFFC000  }
0x445: {  	[tilespmem:s20], [sflag:$0x1] =	stream.indirect.gather [hbm4b:s3+s19], $0x80, s31, s19, $0xb8;
	[tilespmem:$0x12840] =	vst v63  }
0x446: {  	s25 =	simm.s32 $0x700;
	s31 =	simm.s32 $0x0  }
0x447: {  	[tilespmem:s21], [sflag:$0x2] =	stream.indirect.gather [hbm4b:s3+s19], $0x80, s25, s19, $0xb8;
	[tilespmem:$0x12840] =	vst v63  }
0x448: {  	v4 =	vld [tilespmem:s31+$0x4840];
	_ =	sdelay $0x1  }
0x449: {  	v5 =	vld [tilespmem:s31+$0xC840];
	_ =	sdelay $0x2  }
0x44a: {  	v4 =	vmul.f32 v4, v3;
	_ =	sdelay $0x1  }
0x44b: {  	v4 =	vmul.f32 v5, v4  }
0x44c: {  	s25 =	simm.s32 $0x108C0  }
0x44d: {  	[tilespmem:s25+$0xFFFFFF80] =	vst v4  }
0x44e: {  	v4 =	vld [tilespmem:s31+$0x4850];
	_ =	sdelay $0x1  }
0x44f: {  	v5 =	vld [tilespmem:s31+$0xC850];
	_ =	sdelay $0x2  }
0x450: {  	v4 =	vmul.f32 v4, v2;
	_ =	sdelay $0x1  }
0x451: {  	v4 =	vmul.f32 v5, v4;
	_ =	sdelay $0x1  }
0x452: {  	[tilespmem:s25+$0xFFFFFF90] =	vst v4  }
0x453: {  	v4 =	vld [tilespmem:s31+$0x4860];
	_ =	sdelay $0x1  }
0x454: {  	v5 =	vld [tilespmem:s31+$0xC860];
	_ =	sdelay $0x2  }
0x455: {  	v4 =	vmul.f32 v4, v1;
	_ =	sdelay $0x1  }
0x456: {  	v4 =	vmul.f32 v5, v4;
	_ =	sdelay $0x1  }
0x457: {  	[tilespmem:s25+$0xFFFFFFA0] =	vst v4  }
0x458: {  	v4 =	vld [tilespmem:s31+$0x4870];
	_ =	sdelay $0x1  }
0x459: {  	v5 =	vld [tilespmem:s31+$0xC870];
	_ =	sdelay $0x2  }
0x45a: {  	v4 =	vmul.f32 v4, v0;
	_ =	sdelay $0x1  }
0x45b: {  	v4 =	vmul.f32 v5, v4;
	_ =	sdelay $0x1  }
0x45c: {  	[tilespmem:s25+$0xFFFFFFB0] =	vst v4  }
0x45d: {  	v4 =	vld [tilespmem:s31+$0x48C0];
	_ =	sdelay $0x1  }
0x45e: {  	v5 =	vld [tilespmem:s31+$0xC8C0];
	_ =	sdelay $0x2  }
0x45f: {  	v4 =	vmul.f32 v4, v3;
	_ =	sdelay $0x1  }
0x460: {  	v4 =	vmul.f32 v5, v4;
	_ =	sdelay $0x1  }
0x461: {  	[tilespmem:s25+$0xFFFFFFC0] =	vst v4  }
0x462: {  	v4 =	vld [tilespmem:s31+$0x48D0];
	_ =	sdelay $0x1  }
0x463: {  	v5 =	vld [tilespmem:s31+$0xC8D0];
	_ =	sdelay $0x2  }
0x464: {  	v4 =	vmul.f32 v4, v2;
	_ =	sdelay $0x1  }
0x465: {  	v4 =	vmul.f32 v5, v4;
	_ =	sdelay $0x1  }
0x466: {  	[tilespmem:s25+$0xFFFFFFD0] =	vst v4  }
0x467: {  	v4 =	vld [tilespmem:s31+$0x48E0];
	_ =	sdelay $0x1  }
0x468: {  	v5 =	vld [tilespmem:s31+$0xC8E0];
	_ =	sdelay $0x2  }
0x469: {  	v4 =	vmul.f32 v4, v1;
	_ =	sdelay $0x1  }
0x46a: {  	v4 =	vmul.f32 v5, v4;
	_ =	sdelay $0x1  }
0x46b: {  	[tilespmem:s25+$0xFFFFFFE0] =	vst v4  }
0x46c: {  	v4 =	vld [tilespmem:s31+$0x48F0];
	_ =	sdelay $0x1  }
0x46d: {  	v5 =	vld [tilespmem:s31+$0xC8F0];
	_ =	sdelay $0x2  }
0x46e: {  	v4 =	vmul.f32 v4, v0;
	_ =	sdelay $0x1  }
0x46f: {  	v4 =	vmul.f32 v5, v4;
	_ =	sdelay $0x1  }
0x470: {  	[tilespmem:s25+$0xFFFFFFF0] =	vst v4  }
0x471: {  	v4 =	vld [tilespmem:s31+$0x4940];
	_ =	sdelay $0x1  }
0x472: {  	v5 =	vld [tilespmem:s31+$0xC940];
	_ =	sdelay $0x2  }
0x473: {  	v4 =	vmul.f32 v4, v3;
	_ =	sdelay $0x1  }
0x474: {  	v4 =	vmul.f32 v5, v4;
	_ =	sdelay $0x1  }
0x475: {  	[tilespmem:s25+$0x0] =	vst v4  }
0x476: {  	v4 =	vld [tilespmem:s31+$0x4950];
	_ =	sdelay $0x1  }
0x477: {  	v5 =	vld [tilespmem:s31+$0xC950];
	_ =	sdelay $0x2  }
0x478: {  	v4 =	vmul.f32 v4, v2;
	_ =	sdelay $0x1  }
0x479: {  	v4 =	vmul.f32 v5, v4;
	_ =	sdelay $0x1  }
0x47a: {  	[tilespmem:s25+$0x10] =	vst v4  }
0x47b: {  	v4 =	vld [tilespmem:s31+$0x4960];
	_ =	sdelay $0x1  }
0x47c: {  	v5 =	vld [tilespmem:s31+$0xC960];
	_ =	sdelay $0x2  }
0x47d: {  	v4 =	vmul.f32 v4, v1;
	_ =	sdelay $0x1  }
0x47e: {  	v4 =	vmul.f32 v5, v4;
	_ =	sdelay $0x1  }
0x47f: {  	[tilespmem:s25+$0x20] =	vst v4  }
0x480: {  	v4 =	vld [tilespmem:s31+$0x4970];
	_ =	sdelay $0x1  }
0x481: {  	v5 =	vld [tilespmem:s31+$0xC970];
	_ =	sdelay $0x2  }
0x482: {  	v4 =	vmul.f32 v4, v0;
	_ =	sdelay $0x1  }
0x483: {  	v4 =	vmul.f32 v5, v4;
	_ =	sdelay $0x1  }
0x484: {  	[tilespmem:s25+$0x30] =	vst v4  }
0x485: {  	v4 =	vld [tilespmem:s31+$0x49C0];
	_ =	sdelay $0x1  }
0x486: {  	v5 =	vld [tilespmem:s31+$0xC9C0];
	_ =	sdelay $0x2  }
0x487: {  	v4 =	vmul.f32 v4, v3;
	_ =	sdelay $0x1  }
0x488: {  	v4 =	vmul.f32 v5, v4;
	_ =	sdelay $0x1  }
0x489: {  	[tilespmem:s25+$0x40] =	vst v4  }
0x48a: {  	v4 =	vld [tilespmem:s31+$0x49D0];
	_ =	sdelay $0x1  }
0x48b: {  	v5 =	vld [tilespmem:s31+$0xC9D0];
	_ =	sdelay $0x2  }
0x48c: {  	v4 =	vmul.f32 v4, v2;
	_ =	sdelay $0x1  }
0x48d: {  	v4 =	vmul.f32 v5, v4;
	_ =	sdelay $0x1  }
0x48e: {  	[tilespmem:s25+$0x50] =	vst v4  }
0x48f: {  	v4 =	vld [tilespmem:s31+$0x49E0];
	_ =	sdelay $0x1  }
0x490: {  	v5 =	vld [tilespmem:s31+$0xC9E0];
	_ =	sdelay $0x2  }
0x491: {  	v4 =	vmul.f32 v4, v1;
	_ =	sdelay $0x1  }
0x492: {  	v4 =	vmul.f32 v5, v4;
	_ =	sdelay $0x1  }
0x493: {  	[tilespmem:s25+$0x60] =	vst v4  }
0x494: {  	v4 =	vld [tilespmem:s31+$0x49F0];
	_ =	sdelay $0x1  }
0x495: {  	v5 =	vld [tilespmem:s31+$0xC9F0];
	_ =	sdelay $0x2  }
0x496: {  	v4 =	vmul.f32 v4, v0;
	_ =	sdelay $0x1  }
0x497: {  	v4 =	vmul.f32 v5, v4  }
0x498: {  	s29 =	simm.s32 $0x4;
	s30 =	simm.s32 $0x800  }
.LBB2_12:
0x499: {  	s29 =	sadd.s32 $0x4, s29;
	s0 =	sshra.s32 s30, $0x2;
	[tilespmem:s25+$0x70] =	vst v4;
	s25 =	sadd.s32 $0x100, s25  }
0x49a: {  	p0 =	slt.u32 s29, $0x7C;
	v4 =	vld [tilespmem:s0+$0x4840];
	_ =	sdelay $0x1  }
0x49b: {  	v5 =	vld [tilespmem:s0+$0xC840];
	_ =	sdelay $0x2  }
0x49c: {  	v4 =	vmul.f32 v4, v3;
	_ =	sdelay $0x1  }
0x49d: {  	v4 =	vmul.f32 v5, v4;
	_ =	sdelay $0x1  }
0x49e: {  	[tilespmem:s25+$0xFFFFFF80] =	vst v4  }
0x49f: {  	v4 =	vld [tilespmem:s0+$0x4850];
	_ =	sdelay $0x1  }
0x4a0: {  	v5 =	vld [tilespmem:s0+$0xC850];
	_ =	sdelay $0x2  }
0x4a1: {  	v4 =	vmul.f32 v4, v2;
	_ =	sdelay $0x1  }
0x4a2: {  	v4 =	vmul.f32 v5, v4;
	_ =	sdelay $0x1  }
0x4a3: {  	[tilespmem:s25+$0xFFFFFF90] =	vst v4  }
0x4a4: {  	v4 =	vld [tilespmem:s0+$0x4860];
	_ =	sdelay $0x1  }
0x4a5: {  	v5 =	vld [tilespmem:s0+$0xC860];
	_ =	sdelay $0x2  }
0x4a6: {  	v4 =	vmul.f32 v4, v1;
	_ =	sdelay $0x1  }
0x4a7: {  	v4 =	vmul.f32 v5, v4;
	_ =	sdelay $0x1  }
0x4a8: {  	[tilespmem:s25+$0xFFFFFFA0] =	vst v4  }
0x4a9: {  	v4 =	vld [tilespmem:s0+$0x4870];
	_ =	sdelay $0x1  }
0x4aa: {  	v5 =	vld [tilespmem:s0+$0xC870];
	_ =	sdelay $0x2  }
0x4ab: {  	v4 =	vmul.f32 v4, v0;
	_ =	sdelay $0x1  }
0x4ac: {  	v4 =	vmul.f32 v5, v4;
	_ =	sdelay $0x1  }
0x4ad: {  	[tilespmem:s25+$0xFFFFFFB0] =	vst v4  }
0x4ae: {  	v4 =	vld [tilespmem:s0+$0x48C0];
	_ =	sdelay $0x1  }
0x4af: {  	v5 =	vld [tilespmem:s0+$0xC8C0];
	_ =	sdelay $0x2  }
0x4b0: {  	v4 =	vmul.f32 v4, v3;
	_ =	sdelay $0x1  }
0x4b1: {  	v4 =	vmul.f32 v5, v4;
	_ =	sdelay $0x1  }
0x4b2: {  	[tilespmem:s25+$0xFFFFFFC0] =	vst v4  }
0x4b3: {  	v4 =	vld [tilespmem:s0+$0x48D0];
	_ =	sdelay $0x1  }
0x4b4: {  	v5 =	vld [tilespmem:s0+$0xC8D0];
	_ =	sdelay $0x2  }
0x4b5: {  	v4 =	vmul.f32 v4, v2;
	_ =	sdelay $0x1  }
0x4b6: {  	v4 =	vmul.f32 v5, v4;
	_ =	sdelay $0x1  }
0x4b7: {  	[tilespmem:s25+$0xFFFFFFD0] =	vst v4  }
0x4b8: {  	v4 =	vld [tilespmem:s0+$0x48E0];
	_ =	sdelay $0x1  }
0x4b9: {  	v5 =	vld [tilespmem:s0+$0xC8E0];
	_ =	sdelay $0x2  }
0x4ba: {  	v4 =	vmul.f32 v4, v1;
	_ =	sdelay $0x1  }
0x4bb: {  	v4 =	vmul.f32 v5, v4;
	_ =	sdelay $0x1  }
0x4bc: {  	[tilespmem:s25+$0xFFFFFFE0] =	vst v4  }
0x4bd: {  	v4 =	vld [tilespmem:s0+$0x48F0];
	_ =	sdelay $0x1  }
0x4be: {  	v5 =	vld [tilespmem:s0+$0xC8F0];
	_ =	sdelay $0x2  }
0x4bf: {  	v4 =	vmul.f32 v4, v0;
	_ =	sdelay $0x1  }
0x4c0: {  	v4 =	vmul.f32 v5, v4;
	_ =	sdelay $0x1  }
0x4c1: {  	[tilespmem:s25+$0xFFFFFFF0] =	vst v4  }
0x4c2: {  	v4 =	vld [tilespmem:s0+$0x4940];
	_ =	sdelay $0x1  }
0x4c3: {  	v5 =	vld [tilespmem:s0+$0xC940];
	_ =	sdelay $0x2  }
0x4c4: {  	v4 =	vmul.f32 v4, v3;
	_ =	sdelay $0x1  }
0x4c5: {  	v4 =	vmul.f32 v5, v4;
	_ =	sdelay $0x1  }
0x4c6: {  	[tilespmem:s25+$0x0] =	vst v4  }
0x4c7: {  	v4 =	vld [tilespmem:s0+$0x4950]  }
0x4c8: {  	v5 =	vld [tilespmem:s0+$0xC950];
	_ =	sdelay $0x3  }
0x4c9: {  	v4 =	vmul.f32 v4, v2;
	_ =	sdelay $0x1  }
0x4ca: {  	v4 =	vmul.f32 v5, v4;
	_ =	sdelay $0x1  }
0x4cb: {  	[tilespmem:s25+$0x10] =	vst v4  }
0x4cc: {  	v4 =	vld [tilespmem:s0+$0x4960]  }
0x4cd: {  	v5 =	vld [tilespmem:s0+$0xC960];
	_ =	sdelay $0x3  }
0x4ce: {  	v4 =	vmul.f32 v4, v1;
	_ =	sdelay $0x1  }
0x4cf: {  	v4 =	vmul.f32 v5, v4;
	_ =	sdelay $0x1  }
0x4d0: {  	[tilespmem:s25+$0x20] =	vst v4  }
0x4d1: {  	v4 =	vld [tilespmem:s0+$0x4970]  }
0x4d2: {  	v5 =	vld [tilespmem:s0+$0xC970];
	_ =	sdelay $0x3  }
0x4d3: {  	v4 =	vmul.f32 v4, v0;
	_ =	sdelay $0x1  }
0x4d4: {  	v4 =	vmul.f32 v5, v4;
	_ =	sdelay $0x1  }
0x4d5: {  	[tilespmem:s25+$0x30] =	vst v4  }
0x4d6: {  	v4 =	vld [tilespmem:s0+$0x49C0]  }
0x4d7: {  	v5 =	vld [tilespmem:s0+$0xC9C0];
	_ =	sdelay $0x3  }
0x4d8: {  	v4 =	vmul.f32 v4, v3;
	_ =	sdelay $0x1  }
0x4d9: {  	v4 =	vmul.f32 v5, v4;
	_ =	sdelay $0x1  }
0x4da: {  	[tilespmem:s25+$0x40] =	vst v4  }
0x4db: {  	v4 =	vld [tilespmem:s0+$0x49D0]  }
0x4dc: {  	v5 =	vld [tilespmem:s0+$0xC9D0];
	_ =	sdelay $0x3  }
0x4dd: {  	v4 =	vmul.f32 v4, v2;
	_ =	sdelay $0x1  }
0x4de: {  	v4 =	vmul.f32 v5, v4;
	_ =	sdelay $0x1  }
0x4df: {  	[tilespmem:s25+$0x50] =	vst v4  }
0x4e0: {  	v4 =	vld [tilespmem:s0+$0x49E0]  }
0x4e1: {  	v5 =	vld [tilespmem:s0+$0xC9E0];
	_ =	sdelay $0x3  }
0x4e2: {  	v4 =	vmul.f32 v4, v1;
	_ =	sdelay $0x1  }
0x4e3: {  	v4 =	vmul.f32 v5, v4;
	_ =	sdelay $0x1  }
0x4e4: {  	[tilespmem:s25+$0x60] =	vst v4  }
0x4e5: {  	v4 =	vld [tilespmem:s0+$0x49F0]  }
0x4e6: {  	v5 =	vld [tilespmem:s0+$0xC9F0];
	_ =	sdelay $0x2  }
.Ltmp5:
0x4e7: {  	(pc) =	sbr.rel @p0 .LBB2_12-.Ltmp5, $3  }
0x4e8: {  	v4 =	vmul.f32 v4, v0;
	_ =	sdelay $0x1  }
0x4e9: {  	v4 =	vmul.f32 v5, v4  }
0x4ea: {  	s30 =	sadd.s32 $0x800, s30  }
0x4eb: {  	s0 =	sshra.s32 s30, $0x2;
	[tilespmem:s25+$0x70] =	vst v4  }
0x4ec: {  	v4 =	vld [tilespmem:s0+$0x4840];
	_ =	sdelay $0x1  }
0x4ed: {  	v5 =	vld [tilespmem:s0+$0xC840];
	_ =	sdelay $0x2  }
0x4ee: {  	v4 =	vmul.f32 v4, v3;
	_ =	sdelay $0x1  }
0x4ef: {  	v4 =	vmul.f32 v5, v4  }
0x4f0: {  	s25 =	sadd.s32 $0x100, s25  }
0x4f1: {  	[tilespmem:s25+$0xFFFFFF80] =	vst v4  }
0x4f2: {  	v4 =	vld [tilespmem:s0+$0x4850];
	_ =	sdelay $0x1  }
0x4f3: {  	v5 =	vld [tilespmem:s0+$0xC850];
	_ =	sdelay $0x2  }
0x4f4: {  	v4 =	vmul.f32 v4, v2;
	_ =	sdelay $0x1  }
0x4f5: {  	v4 =	vmul.f32 v5, v4;
	_ =	sdelay $0x1  }
0x4f6: {  	[tilespmem:s25+$0xFFFFFF90] =	vst v4  }
0x4f7: {  	v4 =	vld [tilespmem:s0+$0x4860];
	_ =	sdelay $0x1  }
0x4f8: {  	v5 =	vld [tilespmem:s0+$0xC860];
	_ =	sdelay $0x2  }
0x4f9: {  	v4 =	vmul.f32 v4, v1;
	_ =	sdelay $0x1  }
0x4fa: {  	v4 =	vmul.f32 v5, v4;
	_ =	sdelay $0x1  }
0x4fb: {  	[tilespmem:s25+$0xFFFFFFA0] =	vst v4  }
0x4fc: {  	v4 =	vld [tilespmem:s0+$0x4870];
	_ =	sdelay $0x1  }
0x4fd: {  	v5 =	vld [tilespmem:s0+$0xC870];
	_ =	sdelay $0x2  }
0x4fe: {  	v4 =	vmul.f32 v4, v0;
	_ =	sdelay $0x1  }
0x4ff: {  	v4 =	vmul.f32 v5, v4;
	_ =	sdelay $0x1  }
0x500: {  	[tilespmem:s25+$0xFFFFFFB0] =	vst v4  }
0x501: {  	v4 =	vld [tilespmem:s0+$0x48C0];
	_ =	sdelay $0x1  }
0x502: {  	v5 =	vld [tilespmem:s0+$0xC8C0];
	_ =	sdelay $0x2  }
0x503: {  	v4 =	vmul.f32 v4, v3;
	_ =	sdelay $0x1  }
0x504: {  	v4 =	vmul.f32 v5, v4;
	_ =	sdelay $0x1  }
0x505: {  	[tilespmem:s25+$0xFFFFFFC0] =	vst v4  }
0x506: {  	v4 =	vld [tilespmem:s0+$0x48D0];
	_ =	sdelay $0x1  }
0x507: {  	v5 =	vld [tilespmem:s0+$0xC8D0];
	_ =	sdelay $0x2  }
0x508: {  	v4 =	vmul.f32 v4, v2;
	_ =	sdelay $0x1  }
0x509: {  	v4 =	vmul.f32 v5, v4;
	_ =	sdelay $0x1  }
0x50a: {  	[tilespmem:s25+$0xFFFFFFD0] =	vst v4  }
0x50b: {  	v4 =	vld [tilespmem:s0+$0x48E0];
	_ =	sdelay $0x1  }
0x50c: {  	v5 =	vld [tilespmem:s0+$0xC8E0];
	_ =	sdelay $0x2  }
0x50d: {  	v4 =	vmul.f32 v4, v1;
	_ =	sdelay $0x1  }
0x50e: {  	v4 =	vmul.f32 v5, v4;
	_ =	sdelay $0x1  }
0x50f: {  	[tilespmem:s25+$0xFFFFFFE0] =	vst v4  }
0x510: {  	v4 =	vld [tilespmem:s0+$0x48F0];
	_ =	sdelay $0x1  }
0x511: {  	v5 =	vld [tilespmem:s0+$0xC8F0];
	_ =	sdelay $0x2  }
0x512: {  	v4 =	vmul.f32 v4, v0;
	_ =	sdelay $0x1  }
0x513: {  	v4 =	vmul.f32 v5, v4;
	_ =	sdelay $0x1  }
0x514: {  	[tilespmem:s25+$0xFFFFFFF0] =	vst v4  }
0x515: {  	v4 =	vld [tilespmem:s0+$0x4940];
	_ =	sdelay $0x1  }
0x516: {  	v5 =	vld [tilespmem:s0+$0xC940];
	_ =	sdelay $0x2  }
0x517: {  	v4 =	vmul.f32 v4, v3;
	_ =	sdelay $0x1  }
0x518: {  	v4 =	vmul.f32 v5, v4;
	_ =	sdelay $0x1  }
0x519: {  	[tilespmem:s25+$0x0] =	vst v4  }
0x51a: {  	v4 =	vld [tilespmem:s0+$0x4950];
	_ =	sdelay $0x1  }
0x51b: {  	v5 =	vld [tilespmem:s0+$0xC950];
	_ =	sdelay $0x2  }
0x51c: {  	v4 =	vmul.f32 v4, v2;
	_ =	sdelay $0x1  }
0x51d: {  	v4 =	vmul.f32 v5, v4;
	_ =	sdelay $0x1  }
0x51e: {  	[tilespmem:s25+$0x10] =	vst v4  }
0x51f: {  	v4 =	vld [tilespmem:s0+$0x4960];
	_ =	sdelay $0x1  }
0x520: {  	v5 =	vld [tilespmem:s0+$0xC960];
	_ =	sdelay $0x2  }
0x521: {  	v4 =	vmul.f32 v4, v1;
	_ =	sdelay $0x1  }
0x522: {  	v4 =	vmul.f32 v5, v4;
	_ =	sdelay $0x1  }
0x523: {  	[tilespmem:s25+$0x20] =	vst v4  }
0x524: {  	v4 =	vld [tilespmem:s0+$0x4970];
	_ =	sdelay $0x1  }
0x525: {  	v5 =	vld [tilespmem:s0+$0xC970];
	_ =	sdelay $0x2  }
0x526: {  	v4 =	vmul.f32 v4, v0;
	_ =	sdelay $0x1  }
0x527: {  	v4 =	vmul.f32 v5, v4;
	_ =	sdelay $0x1  }
0x528: {  	[tilespmem:s25+$0x30] =	vst v4  }
0x529: {  	v4 =	vld [tilespmem:s0+$0x49C0];
	_ =	sdelay $0x1  }
0x52a: {  	v5 =	vld [tilespmem:s0+$0xC9C0];
	_ =	sdelay $0x2  }
0x52b: {  	v4 =	vmul.f32 v4, v3;
	_ =	sdelay $0x1  }
0x52c: {  	v4 =	vmul.f32 v5, v4;
	_ =	sdelay $0x1  }
0x52d: {  	[tilespmem:s25+$0x40] =	vst v4  }
0x52e: {  	v4 =	vld [tilespmem:s0+$0x49D0];
	_ =	sdelay $0x1  }
0x52f: {  	v5 =	vld [tilespmem:s0+$0xC9D0];
	_ =	sdelay $0x2  }
0x530: {  	v4 =	vmul.f32 v4, v2;
	_ =	sdelay $0x1  }
0x531: {  	v4 =	vmul.f32 v5, v4;
	_ =	sdelay $0x1  }
0x532: {  	[tilespmem:s25+$0x50] =	vst v4  }
0x533: {  	v4 =	vld [tilespmem:s0+$0x49E0];
	_ =	sdelay $0x1  }
0x534: {  	v5 =	vld [tilespmem:s0+$0xC9E0];
	_ =	sdelay $0x2  }
0x535: {  	v4 =	vmul.f32 v4, v1;
	_ =	sdelay $0x1  }
0x536: {  	v4 =	vmul.f32 v5, v4;
	_ =	sdelay $0x1  }
0x537: {  	[tilespmem:s25+$0x60] =	vst v4  }
0x538: {  	v4 =	vld [tilespmem:s0+$0x49F0];
	_ =	sdelay $0x1  }
0x539: {  	v5 =	vld [tilespmem:s0+$0xC9F0];
	_ =	sdelay $0x2  }
0x53a: {  	v4 =	vmul.f32 v4, v0;
	_ =	sdelay $0x1  }
0x53b: {  	v4 =	vmul.f32 v5, v4;
	_ =	sdelay $0x1  }
0x53c: {  	[tilespmem:s25+$0x70] =	vst v4  }
0x53d: {  	[hbm4b:s12+s2] =	stream.linear.scatter [tilespmem:s28], [sflag:$0x3], $0x2000, $0x38;
	[tilespmem:$0x12840] =	vst v63  }
0x53e: {  	_ =	swait.ge [sflag:s16], $0x2000  }
0x53f: {  	[sflag:s16] =	ssyncset.done $0x0  }
0x540: {  	[sflag:s16] =	ssyncadd.s32 $0xFFFFE000  }
0x541: {  	_ =	swait.ge [sflag:s22], $0x4000  }
0x542: {  	[sflag:s22] =	ssyncset.done $0x0  }
0x543: {  	[sflag:s22] =	ssyncadd.s32 $0xFFFFC000  }
0x544: {  	_ =	swait.ge [sflag:s23], $0x4000  }
0x545: {  	[sflag:s23] =	ssyncset.done $0x0  }
0x546: {  	s25 =	simm.s32 $0x380;
	[sflag:s23] =	ssyncadd.s32 $0xFFFFC000  }
0x547: {  	[tilespmem:s24], [sflag:$0x1] =	stream.indirect.gather [hbm4b:s3+s19], $0x80, s25, s19, $0xb8;
	[tilespmem:$0x12840] =	vst v63  }
0x548: {  	s25 =	simm.s32 $0x940  }
0x549: {  	[tilespmem:s26], [sflag:$0x2] =	stream.indirect.gather [hbm4b:s3+s19], $0x80, s1, s19, $0xb8;
	[tilespmem:$0x12840] =	vst v63  }
0x54a: {  	v4 =	vld [tilespmem:s25+$0xFFFFFF00]  }
0x54b: {  	s29 =	simm.s32 $0x8940  }
0x54c: {  	v5 =	vld [tilespmem:s29+$0xFFFFFF00];
	_ =	sdelay $0x2  }
0x54d: {  	v4 =	vmul.f32 v4, v3;
	_ =	sdelay $0x1  }
0x54e: {  	v4 =	vmul.f32 v5, v4  }
0x54f: {  	s30 =	simm.s32 $0x108C0  }
0x550: {  	[tilespmem:s30+$0xFFFFFF80] =	vst v4  }
0x551: {  	v4 =	vld [tilespmem:s25+$0xFFFFFF10];
	_ =	sdelay $0x1  }
0x552: {  	v5 =	vld [tilespmem:s29+$0xFFFFFF10];
	_ =	sdelay $0x2  }
0x553: {  	v4 =	vmul.f32 v4, v2;
	_ =	sdelay $0x1  }
0x554: {  	v4 =	vmul.f32 v5, v4;
	_ =	sdelay $0x1  }
0x555: {  	[tilespmem:s30+$0xFFFFFF90] =	vst v4  }
0x556: {  	v4 =	vld [tilespmem:s25+$0xFFFFFF20];
	_ =	sdelay $0x1  }
0x557: {  	v5 =	vld [tilespmem:s29+$0xFFFFFF20];
	_ =	sdelay $0x2  }
0x558: {  	v4 =	vmul.f32 v4, v1;
	_ =	sdelay $0x1  }
0x559: {  	v4 =	vmul.f32 v5, v4;
	_ =	sdelay $0x1  }
0x55a: {  	[tilespmem:s30+$0xFFFFFFA0] =	vst v4  }
0x55b: {  	v4 =	vld [tilespmem:s25+$0xFFFFFF30];
	_ =	sdelay $0x1  }
0x55c: {  	v5 =	vld [tilespmem:s29+$0xFFFFFF30];
	_ =	sdelay $0x2  }
0x55d: {  	v4 =	vmul.f32 v4, v0;
	_ =	sdelay $0x1  }
0x55e: {  	v4 =	vmul.f32 v5, v4;
	_ =	sdelay $0x1  }
0x55f: {  	[tilespmem:s30+$0xFFFFFFB0] =	vst v4  }
0x560: {  	v4 =	vld [tilespmem:s25+$0xFFFFFF80];
	_ =	sdelay $0x1  }
0x561: {  	v5 =	vld [tilespmem:s29+$0xFFFFFF80];
	_ =	sdelay $0x2  }
0x562: {  	v4 =	vmul.f32 v4, v3;
	_ =	sdelay $0x1  }
0x563: {  	v4 =	vmul.f32 v5, v4;
	_ =	sdelay $0x1  }
0x564: {  	[tilespmem:s30+$0xFFFFFFC0] =	vst v4  }
0x565: {  	v4 =	vld [tilespmem:s25+$0xFFFFFF90];
	_ =	sdelay $0x1  }
0x566: {  	v5 =	vld [tilespmem:s29+$0xFFFFFF90];
	_ =	sdelay $0x2  }
0x567: {  	v4 =	vmul.f32 v4, v2;
	_ =	sdelay $0x1  }
0x568: {  	v4 =	vmul.f32 v5, v4;
	_ =	sdelay $0x1  }
0x569: {  	[tilespmem:s30+$0xFFFFFFD0] =	vst v4  }
0x56a: {  	v4 =	vld [tilespmem:s25+$0xFFFFFFA0];
	_ =	sdelay $0x1  }
0x56b: {  	v5 =	vld [tilespmem:s29+$0xFFFFFFA0];
	_ =	sdelay $0x2  }
0x56c: {  	v4 =	vmul.f32 v4, v1;
	_ =	sdelay $0x1  }
0x56d: {  	v4 =	vmul.f32 v5, v4;
	_ =	sdelay $0x1  }
0x56e: {  	[tilespmem:s30+$0xFFFFFFE0] =	vst v4  }
0x56f: {  	v4 =	vld [tilespmem:s25+$0xFFFFFFB0];
	_ =	sdelay $0x1  }
0x570: {  	v5 =	vld [tilespmem:s29+$0xFFFFFFB0];
	_ =	sdelay $0x2  }
0x571: {  	v4 =	vmul.f32 v4, v0;
	_ =	sdelay $0x1  }
0x572: {  	v4 =	vmul.f32 v5, v4;
	_ =	sdelay $0x1  }
0x573: {  	[tilespmem:s30+$0xFFFFFFF0] =	vst v4  }
0x574: {  	v4 =	vld [tilespmem:s25+$0x0];
	_ =	sdelay $0x1  }
0x575: {  	v5 =	vld [tilespmem:s29+$0x0];
	_ =	sdelay $0x2  }
0x576: {  	v4 =	vmul.f32 v4, v3;
	_ =	sdelay $0x1  }
0x577: {  	v4 =	vmul.f32 v5, v4;
	_ =	sdelay $0x1  }
0x578: {  	[tilespmem:s30+$0x0] =	vst v4  }
0x579: {  	v4 =	vld [tilespmem:s25+$0x10];
	_ =	sdelay $0x1  }
0x57a: {  	v5 =	vld [tilespmem:s29+$0x10];
	_ =	sdelay $0x2  }
0x57b: {  	v4 =	vmul.f32 v4, v2;
	_ =	sdelay $0x1  }
0x57c: {  	v4 =	vmul.f32 v5, v4;
	_ =	sdelay $0x1  }
0x57d: {  	[tilespmem:s30+$0x10] =	vst v4  }
0x57e: {  	v4 =	vld [tilespmem:s25+$0x20];
	_ =	sdelay $0x1  }
0x57f: {  	v5 =	vld [tilespmem:s29+$0x20];
	_ =	sdelay $0x2  }
0x580: {  	v4 =	vmul.f32 v4, v1;
	_ =	sdelay $0x1  }
0x581: {  	v4 =	vmul.f32 v5, v4;
	_ =	sdelay $0x1  }
0x582: {  	[tilespmem:s30+$0x20] =	vst v4  }
0x583: {  	v4 =	vld [tilespmem:s25+$0x30];
	_ =	sdelay $0x1  }
0x584: {  	v5 =	vld [tilespmem:s29+$0x30];
	_ =	sdelay $0x2  }
0x585: {  	v4 =	vmul.f32 v4, v0;
	_ =	sdelay $0x1  }
0x586: {  	v4 =	vmul.f32 v5, v4;
	_ =	sdelay $0x1  }
0x587: {  	[tilespmem:s30+$0x30] =	vst v4  }
0x588: {  	v4 =	vld [tilespmem:s25+$0x80];
	_ =	sdelay $0x1  }
0x589: {  	v5 =	vld [tilespmem:s29+$0x80];
	_ =	sdelay $0x2  }
0x58a: {  	v4 =	vmul.f32 v4, v3;
	_ =	sdelay $0x1  }
0x58b: {  	v4 =	vmul.f32 v5, v4;
	_ =	sdelay $0x1  }
0x58c: {  	[tilespmem:s30+$0x40] =	vst v4  }
0x58d: {  	v4 =	vld [tilespmem:s25+$0x90];
	_ =	sdelay $0x1  }
0x58e: {  	v5 =	vld [tilespmem:s29+$0x90];
	_ =	sdelay $0x2  }
0x58f: {  	v4 =	vmul.f32 v4, v2;
	_ =	sdelay $0x1  }
0x590: {  	v4 =	vmul.f32 v5, v4;
	_ =	sdelay $0x1  }
0x591: {  	[tilespmem:s30+$0x50] =	vst v4  }
0x592: {  	v4 =	vld [tilespmem:s25+$0xA0];
	_ =	sdelay $0x1  }
0x593: {  	v5 =	vld [tilespmem:s29+$0xA0];
	_ =	sdelay $0x2  }
0x594: {  	v4 =	vmul.f32 v4, v1;
	_ =	sdelay $0x1  }
0x595: {  	v4 =	vmul.f32 v5, v4;
	_ =	sdelay $0x1  }
0x596: {  	[tilespmem:s30+$0x60] =	vst v4  }
0x597: {  	v4 =	vld [tilespmem:s25+$0xB0];
	_ =	sdelay $0x1  }
0x598: {  	v5 =	vld [tilespmem:s29+$0xB0];
	_ =	sdelay $0x2  }
0x599: {  	v4 =	vmul.f32 v4, v0;
	_ =	sdelay $0x1  }
0x59a: {  	v4 =	vmul.f32 v5, v4  }
0x59b: {  	s31 =	simm.s32 $0x0;
	s0 =	simm.s32 $0x109C0  }
.LBB2_14:
0x59c: {  	s31 =	sadd.s32 $0x4, s31;
	[tilespmem:s30+$0x70] =	vst v4;
	s29 =	sadd.s32 $0x200, s29;
	s25 =	sadd.s32 $0x200, s25  }
0x59d: {  	s30 =	smov.u32 s0;
	v4 =	vld [tilespmem:s25+$0xFFFFFF00];
	p0 =	slt.u32 s31, $0x7C;
	_ =	sdelay $0x1  }
0x59e: {  	v5 =	vld [tilespmem:s29+$0xFFFFFF00];
	_ =	sdelay $0x2  }
0x59f: {  	v4 =	vmul.f32 v4, v3;
	_ =	sdelay $0x1  }
0x5a0: {  	v4 =	vmul.f32 v5, v4;
	_ =	sdelay $0x1  }
0x5a1: {  	[tilespmem:s0+$0xFFFFFF80] =	vst v4  }
0x5a2: {  	v4 =	vld [tilespmem:s25+$0xFFFFFF10];
	_ =	sdelay $0x1  }
0x5a3: {  	v5 =	vld [tilespmem:s29+$0xFFFFFF10];
	_ =	sdelay $0x2  }
0x5a4: {  	v4 =	vmul.f32 v4, v2;
	_ =	sdelay $0x1  }
0x5a5: {  	v4 =	vmul.f32 v5, v4;
	_ =	sdelay $0x1  }
0x5a6: {  	[tilespmem:s0+$0xFFFFFF90] =	vst v4  }
0x5a7: {  	v4 =	vld [tilespmem:s25+$0xFFFFFF20];
	_ =	sdelay $0x1  }
0x5a8: {  	v5 =	vld [tilespmem:s29+$0xFFFFFF20];
	_ =	sdelay $0x2  }
0x5a9: {  	v4 =	vmul.f32 v4, v1;
	_ =	sdelay $0x1  }
0x5aa: {  	v4 =	vmul.f32 v5, v4;
	_ =	sdelay $0x1  }
0x5ab: {  	[tilespmem:s0+$0xFFFFFFA0] =	vst v4  }
0x5ac: {  	v4 =	vld [tilespmem:s25+$0xFFFFFF30];
	_ =	sdelay $0x1  }
0x5ad: {  	v5 =	vld [tilespmem:s29+$0xFFFFFF30];
	_ =	sdelay $0x2  }
0x5ae: {  	v4 =	vmul.f32 v4, v0;
	_ =	sdelay $0x1  }
0x5af: {  	v4 =	vmul.f32 v5, v4;
	_ =	sdelay $0x1  }
0x5b0: {  	[tilespmem:s0+$0xFFFFFFB0] =	vst v4  }
0x5b1: {  	v4 =	vld [tilespmem:s25+$0xFFFFFF80];
	_ =	sdelay $0x1  }
0x5b2: {  	v5 =	vld [tilespmem:s29+$0xFFFFFF80];
	_ =	sdelay $0x2  }
0x5b3: {  	v4 =	vmul.f32 v4, v3;
	_ =	sdelay $0x1  }
0x5b4: {  	v4 =	vmul.f32 v5, v4;
	_ =	sdelay $0x1  }
0x5b5: {  	[tilespmem:s0+$0xFFFFFFC0] =	vst v4  }
0x5b6: {  	v4 =	vld [tilespmem:s25+$0xFFFFFF90];
	_ =	sdelay $0x1  }
0x5b7: {  	v5 =	vld [tilespmem:s29+$0xFFFFFF90];
	_ =	sdelay $0x2  }
0x5b8: {  	v4 =	vmul.f32 v4, v2;
	_ =	sdelay $0x1  }
0x5b9: {  	v4 =	vmul.f32 v5, v4;
	_ =	sdelay $0x1  }
0x5ba: {  	[tilespmem:s0+$0xFFFFFFD0] =	vst v4  }
0x5bb: {  	v4 =	vld [tilespmem:s25+$0xFFFFFFA0];
	_ =	sdelay $0x1  }
0x5bc: {  	v5 =	vld [tilespmem:s29+$0xFFFFFFA0];
	_ =	sdelay $0x2  }
0x5bd: {  	v4 =	vmul.f32 v4, v1;
	_ =	sdelay $0x1  }
0x5be: {  	v4 =	vmul.f32 v5, v4;
	_ =	sdelay $0x1  }
0x5bf: {  	[tilespmem:s0+$0xFFFFFFE0] =	vst v4  }
0x5c0: {  	v4 =	vld [tilespmem:s25+$0xFFFFFFB0];
	_ =	sdelay $0x1  }
0x5c1: {  	v5 =	vld [tilespmem:s29+$0xFFFFFFB0];
	_ =	sdelay $0x2  }
0x5c2: {  	v4 =	vmul.f32 v4, v0;
	_ =	sdelay $0x1  }
0x5c3: {  	v4 =	vmul.f32 v5, v4;
	_ =	sdelay $0x1  }
0x5c4: {  	[tilespmem:s0+$0xFFFFFFF0] =	vst v4  }
0x5c5: {  	v4 =	vld [tilespmem:s25+$0x0];
	_ =	sdelay $0x1  }
0x5c6: {  	v5 =	vld [tilespmem:s29+$0x0];
	_ =	sdelay $0x2  }
0x5c7: {  	v4 =	vmul.f32 v4, v3;
	_ =	sdelay $0x1  }
0x5c8: {  	v4 =	vmul.f32 v5, v4;
	_ =	sdelay $0x1  }
0x5c9: {  	[tilespmem:s0+$0x0] =	vst v4  }
0x5ca: {  	v4 =	vld [tilespmem:s25+$0x10]  }
0x5cb: {  	v5 =	vld [tilespmem:s29+$0x10];
	_ =	sdelay $0x3  }
0x5cc: {  	v4 =	vmul.f32 v4, v2;
	_ =	sdelay $0x1  }
0x5cd: {  	v4 =	vmul.f32 v5, v4;
	_ =	sdelay $0x1  }
0x5ce: {  	[tilespmem:s0+$0x10] =	vst v4  }
0x5cf: {  	v4 =	vld [tilespmem:s25+$0x20]  }
0x5d0: {  	v5 =	vld [tilespmem:s29+$0x20];
	_ =	sdelay $0x3  }
0x5d1: {  	v4 =	vmul.f32 v4, v1;
	_ =	sdelay $0x1  }
0x5d2: {  	v4 =	vmul.f32 v5, v4;
	_ =	sdelay $0x1  }
0x5d3: {  	[tilespmem:s0+$0x20] =	vst v4  }
0x5d4: {  	v4 =	vld [tilespmem:s25+$0x30]  }
0x5d5: {  	v5 =	vld [tilespmem:s29+$0x30];
	_ =	sdelay $0x3  }
0x5d6: {  	v4 =	vmul.f32 v4, v0;
	_ =	sdelay $0x1  }
0x5d7: {  	v4 =	vmul.f32 v5, v4;
	_ =	sdelay $0x1  }
0x5d8: {  	[tilespmem:s0+$0x30] =	vst v4  }
0x5d9: {  	v4 =	vld [tilespmem:s25+$0x80]  }
0x5da: {  	v5 =	vld [tilespmem:s29+$0x80];
	_ =	sdelay $0x3  }
0x5db: {  	v4 =	vmul.f32 v4, v3;
	_ =	sdelay $0x1  }
0x5dc: {  	v4 =	vmul.f32 v5, v4;
	_ =	sdelay $0x1  }
0x5dd: {  	[tilespmem:s0+$0x40] =	vst v4  }
0x5de: {  	v4 =	vld [tilespmem:s25+$0x90]  }
0x5df: {  	v5 =	vld [tilespmem:s29+$0x90];
	_ =	sdelay $0x3  }
0x5e0: {  	v4 =	vmul.f32 v4, v2;
	_ =	sdelay $0x1  }
0x5e1: {  	v4 =	vmul.f32 v5, v4;
	_ =	sdelay $0x1  }
0x5e2: {  	[tilespmem:s0+$0x50] =	vst v4  }
0x5e3: {  	v4 =	vld [tilespmem:s25+$0xA0]  }
0x5e4: {  	v5 =	vld [tilespmem:s29+$0xA0];
	_ =	sdelay $0x3  }
0x5e5: {  	v4 =	vmul.f32 v4, v1;
	_ =	sdelay $0x1  }
0x5e6: {  	v4 =	vmul.f32 v5, v4;
	_ =	sdelay $0x1  }
0x5e7: {  	[tilespmem:s0+$0x60] =	vst v4  }
0x5e8: {  	v4 =	vld [tilespmem:s25+$0xB0]  }
0x5e9: {  	v5 =	vld [tilespmem:s29+$0xB0];
	_ =	sdelay $0x2  }
.Ltmp6:
0x5ea: {  	(pc) =	sbr.rel @p0 .LBB2_14-.Ltmp6, $3  }
0x5eb: {  	v4 =	vmul.f32 v4, v0;
	_ =	sdelay $0x1  }
0x5ec: {  	v4 =	vmul.f32 v5, v4  }
0x5ed: {  	s0 =	sadd.s32 $0x100, s0  }
0x5ee: {  	[tilespmem:s30+$0x70] =	vst v4;
	s0 =	simm.s32 $0x0  }
0x5ef: {  	[hbm4b:s13+s0] =	stream.linear.scatter [tilespmem:s28], [sflag:$0x3], $0x2000, $0x38;
	[tilespmem:$0x12840] =	vst v63  }
0x5f0: {  	_ =	swait.ge [sflag:s16], $0x2000  }
0x5f1: {  	[sflag:s16] =	ssyncset.done $0x0  }
0x5f2: {  	[sflag:s16] =	ssyncadd.s32 $0xFFFFE000  }
0x5f3: {  	_ =	swait.ge [sflag:s22], $0x4000  }
0x5f4: {  	[sflag:s22] =	ssyncset.done $0x0  }
0x5f5: {  	[sflag:s22] =	ssyncadd.s32 $0xFFFFC000  }
0x5f6: {  	_ =	swait.ge [sflag:s23], $0x4000  }
0x5f7: {  	[sflag:s23] =	ssyncset.done $0x0  }
0x5f8: {  	s31 =	simm.s32 $0x0;
	[sflag:s23] =	ssyncadd.s32 $0xFFFFC000  }
0x5f9: {  	v4 =	vld [tilespmem:s31+$0x4840];
	_ =	sdelay $0x1  }
0x5fa: {  	v5 =	vld [tilespmem:s31+$0xC840];
	_ =	sdelay $0x2  }
0x5fb: {  	v4 =	vmul.f32 v4, v3;
	_ =	sdelay $0x1  }
0x5fc: {  	v4 =	vmul.f32 v5, v4  }
0x5fd: {  	s25 =	simm.s32 $0x108C0  }
0x5fe: {  	[tilespmem:s25+$0xFFFFFF80] =	vst v4  }
0x5ff: {  	v4 =	vld [tilespmem:s31+$0x4850];
	_ =	sdelay $0x1  }
0x600: {  	v5 =	vld [tilespmem:s31+$0xC850];
	_ =	sdelay $0x2  }
0x601: {  	v4 =	vmul.f32 v4, v2;
	_ =	sdelay $0x1  }
0x602: {  	v4 =	vmul.f32 v5, v4;
	_ =	sdelay $0x1  }
0x603: {  	[tilespmem:s25+$0xFFFFFF90] =	vst v4  }
0x604: {  	v4 =	vld [tilespmem:s31+$0x4860];
	_ =	sdelay $0x1  }
0x605: {  	v5 =	vld [tilespmem:s31+$0xC860];
	_ =	sdelay $0x2  }
0x606: {  	v4 =	vmul.f32 v4, v1;
	_ =	sdelay $0x1  }
0x607: {  	v4 =	vmul.f32 v5, v4;
	_ =	sdelay $0x1  }
0x608: {  	[tilespmem:s25+$0xFFFFFFA0] =	vst v4  }
0x609: {  	v4 =	vld [tilespmem:s31+$0x4870];
	_ =	sdelay $0x1  }
0x60a: {  	v5 =	vld [tilespmem:s31+$0xC870];
	_ =	sdelay $0x2  }
0x60b: {  	v4 =	vmul.f32 v4, v0;
	_ =	sdelay $0x1  }
0x60c: {  	v4 =	vmul.f32 v5, v4;
	_ =	sdelay $0x1  }
0x60d: {  	[tilespmem:s25+$0xFFFFFFB0] =	vst v4  }
0x60e: {  	v4 =	vld [tilespmem:s31+$0x48C0];
	_ =	sdelay $0x1  }
0x60f: {  	v5 =	vld [tilespmem:s31+$0xC8C0];
	_ =	sdelay $0x2  }
0x610: {  	v4 =	vmul.f32 v4, v3;
	_ =	sdelay $0x1  }
0x611: {  	v4 =	vmul.f32 v5, v4;
	_ =	sdelay $0x1  }
0x612: {  	[tilespmem:s25+$0xFFFFFFC0] =	vst v4  }
0x613: {  	v4 =	vld [tilespmem:s31+$0x48D0];
	_ =	sdelay $0x1  }
0x614: {  	v5 =	vld [tilespmem:s31+$0xC8D0];
	_ =	sdelay $0x2  }
0x615: {  	v4 =	vmul.f32 v4, v2;
	_ =	sdelay $0x1  }
0x616: {  	v4 =	vmul.f32 v5, v4;
	_ =	sdelay $0x1  }
0x617: {  	[tilespmem:s25+$0xFFFFFFD0] =	vst v4  }
0x618: {  	v4 =	vld [tilespmem:s31+$0x48E0];
	_ =	sdelay $0x1  }
0x619: {  	v5 =	vld [tilespmem:s31+$0xC8E0];
	_ =	sdelay $0x2  }
0x61a: {  	v4 =	vmul.f32 v4, v1;
	_ =	sdelay $0x1  }
0x61b: {  	v4 =	vmul.f32 v5, v4;
	_ =	sdelay $0x1  }
0x61c: {  	[tilespmem:s25+$0xFFFFFFE0] =	vst v4  }
0x61d: {  	v4 =	vld [tilespmem:s31+$0x48F0];
	_ =	sdelay $0x1  }
0x61e: {  	v5 =	vld [tilespmem:s31+$0xC8F0];
	_ =	sdelay $0x2  }
0x61f: {  	v4 =	vmul.f32 v4, v0;
	_ =	sdelay $0x1  }
0x620: {  	v4 =	vmul.f32 v5, v4;
	_ =	sdelay $0x1  }
0x621: {  	[tilespmem:s25+$0xFFFFFFF0] =	vst v4  }
0x622: {  	v4 =	vld [tilespmem:s31+$0x4940];
	_ =	sdelay $0x1  }
0x623: {  	v5 =	vld [tilespmem:s31+$0xC940];
	_ =	sdelay $0x2  }
0x624: {  	v4 =	vmul.f32 v4, v3;
	_ =	sdelay $0x1  }
0x625: {  	v4 =	vmul.f32 v5, v4;
	_ =	sdelay $0x1  }
0x626: {  	[tilespmem:s25+$0x0] =	vst v4  }
0x627: {  	v4 =	vld [tilespmem:s31+$0x4950];
	_ =	sdelay $0x1  }
0x628: {  	v5 =	vld [tilespmem:s31+$0xC950];
	_ =	sdelay $0x2  }
0x629: {  	v4 =	vmul.f32 v4, v2;
	_ =	sdelay $0x1  }
0x62a: {  	v4 =	vmul.f32 v5, v4;
	_ =	sdelay $0x1  }
0x62b: {  	[tilespmem:s25+$0x10] =	vst v4  }
0x62c: {  	v4 =	vld [tilespmem:s31+$0x4960];
	_ =	sdelay $0x1  }
0x62d: {  	v5 =	vld [tilespmem:s31+$0xC960];
	_ =	sdelay $0x2  }
0x62e: {  	v4 =	vmul.f32 v4, v1;
	_ =	sdelay $0x1  }
0x62f: {  	v4 =	vmul.f32 v5, v4;
	_ =	sdelay $0x1  }
0x630: {  	[tilespmem:s25+$0x20] =	vst v4  }
0x631: {  	v4 =	vld [tilespmem:s31+$0x4970];
	_ =	sdelay $0x1  }
0x632: {  	v5 =	vld [tilespmem:s31+$0xC970];
	_ =	sdelay $0x2  }
0x633: {  	v4 =	vmul.f32 v4, v0;
	_ =	sdelay $0x1  }
0x634: {  	v4 =	vmul.f32 v5, v4;
	_ =	sdelay $0x1  }
0x635: {  	[tilespmem:s25+$0x30] =	vst v4  }
0x636: {  	v4 =	vld [tilespmem:s31+$0x49C0];
	_ =	sdelay $0x1  }
0x637: {  	v5 =	vld [tilespmem:s31+$0xC9C0];
	_ =	sdelay $0x2  }
0x638: {  	v4 =	vmul.f32 v4, v3;
	_ =	sdelay $0x1  }
0x639: {  	v4 =	vmul.f32 v5, v4;
	_ =	sdelay $0x1  }
0x63a: {  	[tilespmem:s25+$0x40] =	vst v4  }
0x63b: {  	v4 =	vld [tilespmem:s31+$0x49D0];
	_ =	sdelay $0x1  }
0x63c: {  	v5 =	vld [tilespmem:s31+$0xC9D0];
	_ =	sdelay $0x2  }
0x63d: {  	v4 =	vmul.f32 v4, v2;
	_ =	sdelay $0x1  }
0x63e: {  	v4 =	vmul.f32 v5, v4;
	_ =	sdelay $0x1  }
0x63f: {  	[tilespmem:s25+$0x50] =	vst v4  }
0x640: {  	v4 =	vld [tilespmem:s31+$0x49E0];
	_ =	sdelay $0x1  }
0x641: {  	v5 =	vld [tilespmem:s31+$0xC9E0];
	_ =	sdelay $0x2  }
0x642: {  	v4 =	vmul.f32 v4, v1;
	_ =	sdelay $0x1  }
0x643: {  	v4 =	vmul.f32 v5, v4;
	_ =	sdelay $0x1  }
0x644: {  	[tilespmem:s25+$0x60] =	vst v4  }
0x645: {  	v4 =	vld [tilespmem:s31+$0x49F0];
	_ =	sdelay $0x1  }
0x646: {  	v5 =	vld [tilespmem:s31+$0xC9F0];
	_ =	sdelay $0x2  }
0x647: {  	v4 =	vmul.f32 v4, v0;
	_ =	sdelay $0x1  }
0x648: {  	v4 =	vmul.f32 v5, v4  }
0x649: {  	s29 =	simm.s32 $0x4;
	s30 =	simm.s32 $0x800  }
.LBB2_16:
0x64a: {  	s29 =	sadd.s32 $0x4, s29;
	s0 =	sshra.s32 s30, $0x2;
	[tilespmem:s25+$0x70] =	vst v4;
	s25 =	sadd.s32 $0x100, s25  }
0x64b: {  	p0 =	slt.u32 s29, $0x7C;
	v4 =	vld [tilespmem:s0+$0x4840];
	_ =	sdelay $0x1  }
0x64c: {  	v5 =	vld [tilespmem:s0+$0xC840];
	_ =	sdelay $0x2  }
0x64d: {  	v4 =	vmul.f32 v4, v3;
	_ =	sdelay $0x1  }
0x64e: {  	v4 =	vmul.f32 v5, v4;
	_ =	sdelay $0x1  }
0x64f: {  	[tilespmem:s25+$0xFFFFFF80] =	vst v4  }
0x650: {  	v4 =	vld [tilespmem:s0+$0x4850];
	_ =	sdelay $0x1  }
0x651: {  	v5 =	vld [tilespmem:s0+$0xC850];
	_ =	sdelay $0x2  }
0x652: {  	v4 =	vmul.f32 v4, v2;
	_ =	sdelay $0x1  }
0x653: {  	v4 =	vmul.f32 v5, v4;
	_ =	sdelay $0x1  }
0x654: {  	[tilespmem:s25+$0xFFFFFF90] =	vst v4  }
0x655: {  	v4 =	vld [tilespmem:s0+$0x4860];
	_ =	sdelay $0x1  }
0x656: {  	v5 =	vld [tilespmem:s0+$0xC860];
	_ =	sdelay $0x2  }
0x657: {  	v4 =	vmul.f32 v4, v1;
	_ =	sdelay $0x1  }
0x658: {  	v4 =	vmul.f32 v5, v4;
	_ =	sdelay $0x1  }
0x659: {  	[tilespmem:s25+$0xFFFFFFA0] =	vst v4  }
0x65a: {  	v4 =	vld [tilespmem:s0+$0x4870];
	_ =	sdelay $0x1  }
0x65b: {  	v5 =	vld [tilespmem:s0+$0xC870];
	_ =	sdelay $0x2  }
0x65c: {  	v4 =	vmul.f32 v4, v0;
	_ =	sdelay $0x1  }
0x65d: {  	v4 =	vmul.f32 v5, v4;
	_ =	sdelay $0x1  }
0x65e: {  	[tilespmem:s25+$0xFFFFFFB0] =	vst v4  }
0x65f: {  	v4 =	vld [tilespmem:s0+$0x48C0];
	_ =	sdelay $0x1  }
0x660: {  	v5 =	vld [tilespmem:s0+$0xC8C0];
	_ =	sdelay $0x2  }
0x661: {  	v4 =	vmul.f32 v4, v3;
	_ =	sdelay $0x1  }
0x662: {  	v4 =	vmul.f32 v5, v4;
	_ =	sdelay $0x1  }
0x663: {  	[tilespmem:s25+$0xFFFFFFC0] =	vst v4  }
0x664: {  	v4 =	vld [tilespmem:s0+$0x48D0];
	_ =	sdelay $0x1  }
0x665: {  	v5 =	vld [tilespmem:s0+$0xC8D0];
	_ =	sdelay $0x2  }
0x666: {  	v4 =	vmul.f32 v4, v2;
	_ =	sdelay $0x1  }
0x667: {  	v4 =	vmul.f32 v5, v4;
	_ =	sdelay $0x1  }
0x668: {  	[tilespmem:s25+$0xFFFFFFD0] =	vst v4  }
0x669: {  	v4 =	vld [tilespmem:s0+$0x48E0];
	_ =	sdelay $0x1  }
0x66a: {  	v5 =	vld [tilespmem:s0+$0xC8E0];
	_ =	sdelay $0x2  }
0x66b: {  	v4 =	vmul.f32 v4, v1;
	_ =	sdelay $0x1  }
0x66c: {  	v4 =	vmul.f32 v5, v4;
	_ =	sdelay $0x1  }
0x66d: {  	[tilespmem:s25+$0xFFFFFFE0] =	vst v4  }
0x66e: {  	v4 =	vld [tilespmem:s0+$0x48F0];
	_ =	sdelay $0x1  }
0x66f: {  	v5 =	vld [tilespmem:s0+$0xC8F0];
	_ =	sdelay $0x2  }
0x670: {  	v4 =	vmul.f32 v4, v0;
	_ =	sdelay $0x1  }
0x671: {  	v4 =	vmul.f32 v5, v4;
	_ =	sdelay $0x1  }
0x672: {  	[tilespmem:s25+$0xFFFFFFF0] =	vst v4  }
0x673: {  	v4 =	vld [tilespmem:s0+$0x4940];
	_ =	sdelay $0x1  }
0x674: {  	v5 =	vld [tilespmem:s0+$0xC940];
	_ =	sdelay $0x2  }
0x675: {  	v4 =	vmul.f32 v4, v3;
	_ =	sdelay $0x1  }
0x676: {  	v4 =	vmul.f32 v5, v4;
	_ =	sdelay $0x1  }
0x677: {  	[tilespmem:s25+$0x0] =	vst v4  }
0x678: {  	v4 =	vld [tilespmem:s0+$0x4950]  }
0x679: {  	v5 =	vld [tilespmem:s0+$0xC950];
	_ =	sdelay $0x3  }
0x67a: {  	v4 =	vmul.f32 v4, v2;
	_ =	sdelay $0x1  }
0x67b: {  	v4 =	vmul.f32 v5, v4;
	_ =	sdelay $0x1  }
0x67c: {  	[tilespmem:s25+$0x10] =	vst v4  }
0x67d: {  	v4 =	vld [tilespmem:s0+$0x4960]  }
0x67e: {  	v5 =	vld [tilespmem:s0+$0xC960];
	_ =	sdelay $0x3  }
0x67f: {  	v4 =	vmul.f32 v4, v1;
	_ =	sdelay $0x1  }
0x680: {  	v4 =	vmul.f32 v5, v4;
	_ =	sdelay $0x1  }
0x681: {  	[tilespmem:s25+$0x20] =	vst v4  }
0x682: {  	v4 =	vld [tilespmem:s0+$0x4970]  }
0x683: {  	v5 =	vld [tilespmem:s0+$0xC970];
	_ =	sdelay $0x3  }
0x684: {  	v4 =	vmul.f32 v4, v0;
	_ =	sdelay $0x1  }
0x685: {  	v4 =	vmul.f32 v5, v4;
	_ =	sdelay $0x1  }
0x686: {  	[tilespmem:s25+$0x30] =	vst v4  }
0x687: {  	v4 =	vld [tilespmem:s0+$0x49C0]  }
0x688: {  	v5 =	vld [tilespmem:s0+$0xC9C0];
	_ =	sdelay $0x3  }
0x689: {  	v4 =	vmul.f32 v4, v3;
	_ =	sdelay $0x1  }
0x68a: {  	v4 =	vmul.f32 v5, v4;
	_ =	sdelay $0x1  }
0x68b: {  	[tilespmem:s25+$0x40] =	vst v4  }
0x68c: {  	v4 =	vld [tilespmem:s0+$0x49D0]  }
0x68d: {  	v5 =	vld [tilespmem:s0+$0xC9D0];
	_ =	sdelay $0x3  }
0x68e: {  	v4 =	vmul.f32 v4, v2;
	_ =	sdelay $0x1  }
0x68f: {  	v4 =	vmul.f32 v5, v4;
	_ =	sdelay $0x1  }
0x690: {  	[tilespmem:s25+$0x50] =	vst v4  }
0x691: {  	v4 =	vld [tilespmem:s0+$0x49E0]  }
0x692: {  	v5 =	vld [tilespmem:s0+$0xC9E0];
	_ =	sdelay $0x3  }
0x693: {  	v4 =	vmul.f32 v4, v1;
	_ =	sdelay $0x1  }
0x694: {  	v4 =	vmul.f32 v5, v4;
	_ =	sdelay $0x1  }
0x695: {  	[tilespmem:s25+$0x60] =	vst v4  }
0x696: {  	v4 =	vld [tilespmem:s0+$0x49F0]  }
0x697: {  	v5 =	vld [tilespmem:s0+$0xC9F0];
	_ =	sdelay $0x2  }
.Ltmp7:
0x698: {  	(pc) =	sbr.rel @p0 .LBB2_16-.Ltmp7, $3  }
0x699: {  	v4 =	vmul.f32 v4, v0;
	_ =	sdelay $0x1  }
0x69a: {  	v4 =	vmul.f32 v5, v4  }
0x69b: {  	s30 =	sadd.s32 $0x800, s30  }
0x69c: {  	s0 =	sshra.s32 s30, $0x2;
	[tilespmem:s25+$0x70] =	vst v4  }
0x69d: {  	v4 =	vld [tilespmem:s0+$0x4840];
	_ =	sdelay $0x1  }
0x69e: {  	v5 =	vld [tilespmem:s0+$0xC840];
	_ =	sdelay $0x2  }
0x69f: {  	v4 =	vmul.f32 v4, v3;
	_ =	sdelay $0x1  }
0x6a0: {  	v4 =	vmul.f32 v5, v4  }
0x6a1: {  	s31 =	sadd.s32 $0x100, s25  }
0x6a2: {  	[tilespmem:s31+$0xFFFFFF80] =	vst v4  }
0x6a3: {  	v4 =	vld [tilespmem:s0+$0x4850];
	_ =	sdelay $0x1  }
0x6a4: {  	v45 =	vld [tilespmem:s0+$0xC850];
	_ =	sdelay $0x2  }
0x6a5: {  	v4 =	vmul.f32 v4, v2;
	_ =	sdelay $0x1  }
0x6a6: {  	v4 =	vmul.f32 v45, v4;
	_ =	sdelay $0x1  }
0x6a7: {  	[tilespmem:s31+$0xFFFFFF90] =	vst v4  }
0x6a8: {  	v4 =	vld [tilespmem:s0+$0x4860];
	_ =	sdelay $0x1  }
0x6a9: {  	v46 =	vld [tilespmem:s0+$0xC860];
	_ =	sdelay $0x2  }
0x6aa: {  	v4 =	vmul.f32 v4, v1;
	_ =	sdelay $0x1  }
0x6ab: {  	v4 =	vmul.f32 v46, v4;
	_ =	sdelay $0x1  }
0x6ac: {  	[tilespmem:s31+$0xFFFFFFA0] =	vst v4  }
0x6ad: {  	v4 =	vld [tilespmem:s0+$0x4870];
	_ =	sdelay $0x1  }
0x6ae: {  	v47 =	vld [tilespmem:s0+$0xC870];
	_ =	sdelay $0x2  }
0x6af: {  	v4 =	vmul.f32 v4, v0;
	_ =	sdelay $0x1  }
0x6b0: {  	v4 =	vmul.f32 v47, v4;
	_ =	sdelay $0x1  }
0x6b1: {  	[tilespmem:s31+$0xFFFFFFB0] =	vst v4  }
0x6b2: {  	v4 =	vld [tilespmem:s0+$0x48C0];
	_ =	sdelay $0x1  }
0x6b3: {  	v48 =	vld [tilespmem:s0+$0xC8C0];
	_ =	sdelay $0x2  }
0x6b4: {  	v4 =	vmul.f32 v4, v3;
	_ =	sdelay $0x1  }
0x6b5: {  	v4 =	vmul.f32 v48, v4;
	_ =	sdelay $0x1  }
0x6b6: {  	[tilespmem:s31+$0xFFFFFFC0] =	vst v4  }
0x6b7: {  	v4 =	vld [tilespmem:s0+$0x48D0];
	_ =	sdelay $0x1  }
0x6b8: {  	v49 =	vld [tilespmem:s0+$0xC8D0];
	_ =	sdelay $0x2  }
0x6b9: {  	v4 =	vmul.f32 v4, v2;
	_ =	sdelay $0x1  }
0x6ba: {  	v4 =	vmul.f32 v49, v4;
	_ =	sdelay $0x1  }
0x6bb: {  	[tilespmem:s31+$0xFFFFFFD0] =	vst v4  }
0x6bc: {  	v4 =	vld [tilespmem:s0+$0x48E0];
	_ =	sdelay $0x1  }
0x6bd: {  	v50 =	vld [tilespmem:s0+$0xC8E0];
	_ =	sdelay $0x2  }
0x6be: {  	v4 =	vmul.f32 v4, v1;
	_ =	sdelay $0x1  }
0x6bf: {  	v4 =	vmul.f32 v50, v4;
	_ =	sdelay $0x1  }
0x6c0: {  	[tilespmem:s31+$0xFFFFFFE0] =	vst v4  }
0x6c1: {  	v4 =	vld [tilespmem:s0+$0x48F0];
	_ =	sdelay $0x1  }
0x6c2: {  	v51 =	vld [tilespmem:s0+$0xC8F0];
	_ =	sdelay $0x2  }
0x6c3: {  	v4 =	vmul.f32 v4, v0;
	_ =	sdelay $0x1  }
0x6c4: {  	v4 =	vmul.f32 v51, v4;
	_ =	sdelay $0x1  }
0x6c5: {  	[tilespmem:s31+$0xFFFFFFF0] =	vst v4  }
0x6c6: {  	v4 =	vld [tilespmem:s0+$0x4940];
	_ =	sdelay $0x1  }
0x6c7: {  	v52 =	vld [tilespmem:s0+$0xC940];
	_ =	sdelay $0x2  }
0x6c8: {  	v4 =	vmul.f32 v4, v3;
	_ =	sdelay $0x1  }
0x6c9: {  	v4 =	vmul.f32 v52, v4;
	_ =	sdelay $0x1  }
0x6ca: {  	[tilespmem:s31+$0x0] =	vst v4  }
0x6cb: {  	v4 =	vld [tilespmem:s0+$0x4950];
	_ =	sdelay $0x1  }
0x6cc: {  	v53 =	vld [tilespmem:s0+$0xC950];
	_ =	sdelay $0x2  }
0x6cd: {  	v4 =	vmul.f32 v4, v2;
	_ =	sdelay $0x1  }
0x6ce: {  	v4 =	vmul.f32 v53, v4;
	_ =	sdelay $0x1  }
0x6cf: {  	[tilespmem:s31+$0x10] =	vst v4  }
0x6d0: {  	v4 =	vld [tilespmem:s0+$0x4960];
	_ =	sdelay $0x1  }
0x6d1: {  	v54 =	vld [tilespmem:s0+$0xC960];
	_ =	sdelay $0x2  }
0x6d2: {  	v4 =	vmul.f32 v4, v1;
	_ =	sdelay $0x1  }
0x6d3: {  	v4 =	vmul.f32 v54, v4;
	_ =	sdelay $0x1  }
0x6d4: {  	[tilespmem:s31+$0x20] =	vst v4  }
0x6d5: {  	v4 =	vld [tilespmem:s0+$0x4970];
	_ =	sdelay $0x1  }
0x6d6: {  	v55 =	vld [tilespmem:s0+$0xC970];
	_ =	sdelay $0x2  }
0x6d7: {  	v4 =	vmul.f32 v4, v0;
	_ =	sdelay $0x1  }
0x6d8: {  	v4 =	vmul.f32 v55, v4;
	_ =	sdelay $0x1  }
0x6d9: {  	[tilespmem:s31+$0x30] =	vst v4  }
0x6da: {  	v4 =	vld [tilespmem:s0+$0x49C0];
	_ =	sdelay $0x1  }
0x6db: {  	v56 =	vld [tilespmem:s0+$0xC9C0];
	_ =	sdelay $0x2  }
0x6dc: {  	v57 =	vmul.f32 v4, v3;
	_ =	sdelay $0x1  }
0x6dd: {  	v3 =	vmul.f32 v56, v57;
	_ =	sdelay $0x1  }
0x6de: {  	[tilespmem:s31+$0x40] =	vst v3  }
0x6df: {  	v3 =	vld [tilespmem:s0+$0x49D0];
	_ =	sdelay $0x1  }
0x6e0: {  	v58 =	vld [tilespmem:s0+$0xC9D0];
	_ =	sdelay $0x2  }
0x6e1: {  	v59 =	vmul.f32 v3, v2;
	_ =	sdelay $0x1  }
0x6e2: {  	v2 =	vmul.f32 v58, v59;
	_ =	sdelay $0x1  }
0x6e3: {  	[tilespmem:s31+$0x50] =	vst v2  }
0x6e4: {  	v2 =	vld [tilespmem:s0+$0x49E0];
	_ =	sdelay $0x1  }
0x6e5: {  	v60 =	vld [tilespmem:s0+$0xC9E0];
	_ =	sdelay $0x2  }
0x6e6: {  	v61 =	vmul.f32 v2, v1;
	_ =	sdelay $0x1  }
0x6e7: {  	v1 =	vmul.f32 v60, v61;
	_ =	sdelay $0x1  }
0x6e8: {  	[tilespmem:s31+$0x60] =	vst v1  }
0x6e9: {  	v1 =	vld [tilespmem:s0+$0x49F0];
	_ =	sdelay $0x1  }
0x6ea: {  	v62 =	vld [tilespmem:s0+$0xC9F0];
	_ =	sdelay $0x2  }
0x6eb: {  	v63 =	vmul.f32 v1, v0;
	_ =	sdelay $0x1  }
0x6ec: {  	s18 =	sadd.s32 $0x1, s18;
	v0 =	vmul.f32 v62, v63  }
0x6ed: {  	p0 =	sne.s32 s18, s15  }
.Ltmp8:
0x6ee: {  	[tilespmem:s31+$0x70] =	vst v0;
	(pc) =	sbr.rel @p0 .LBB2_1-.Ltmp8, $4  }
0x6ef: {  	[hbm4b:s14+s2] =	stream.linear.scatter [tilespmem:s28], [sflag:$0x3], $0x2000, $0x38;
	[tilespmem:$0x12840] =	vst v63  }
0x6f0: {  	_ =	swait.ge [sflag:s16], $0x2000  }
0x6f1: {  	[sflag:s16] =	ssyncset.done $0x0  }
0x6f2: {  	[sflag:s16] =	ssyncadd.s32 $0xFFFFE000  }
0x6f3: {  	_ =	sfence.sel $0x180000  }
0x6f4: {  	[bflag:$0x0] =	sbarrier.arrive $0xFFFF  }
0x6f5: {  	_ =	strace $0x90000047  }
0x6f6: {  	s0 =	stileid.u32;
	[bflag:$0x2] =	sbarrier.arrive $0xFFFF  }
0x6f7: {  	p0 =	sne.s32 s0, $0x0;
	s0 =	rddreg [dreg:$0x2]  }
0x6f8: {  	s0 =	sadd.s32 @!p0 $0x100000, s0  }
0x6f9: {  	[sflag:s0] =	ssyncadd.tile.s32 @!p0 $0x1;
	_ =	shalt  }
.Lfunc_end2:
_tile_overlayer_lowered:
.L_overlay_start_2:
0x6fa: {  	(tag) =	ssettag $0x2  }
0x6fb: {  	s0 =	rddreg [dreg:$0x0];
	s2 =	stileid.u32  }
0x6fc: {  	s1 =	rddreg [dreg:$0x1];
	p0 =	sne.s32 s2, $0x0  }
0x6fd: {  	s3 =	rddreg [dreg:$0x2];
	[bflag:$0x3] =	sbarrier.arrive $0xFFFF;
	s2 =	simm.s32 @!p0 $0x1C03  }
0x6fe: {  	[timem:s3], [sflag:s2] =	dma.local @!p0 [hbm:s0], s1  }
0x6ff: {  	s0 =	simm.s32 @!p0 $0x3  }
0x700: {  	_ =	swait.ge @!p0 [sflag:s0], s1  }
0x701: {  	s1 =	ssub.s32 @!p0 $0x0, s1;
	[sflag:s0] =	ssyncset.done @!p0 $0x0  }
0x702: {  	[sflag:s0] =	ssyncadd.s32 @!p0 s1  }
0x703: {  	[bflag:$0x3] =	sbarrier.arrive $0xFFFF  }
0x704: {  	_ =	shalt  }

</sc_bundles>
